<compile_context>
chip_gen: v7x
topology: tpu7x:2x2x1
jax: 0.10.2.dev20260603
libtpu: 0.0.44.dev20260713+nightly
codegen_flags: <defaults>
</compile_context>

<pallas_src>
import functools

import jax
import jax.numpy as jnp
from jax import lax
from jax.experimental import pallas as pl
from jax.experimental.pallas import tpu as pltpu
from jax.experimental.pallas import tpu_sc as plsc

SEQ_LEN = 200
BATCH = 4096
EMBED_DIM = 64
OUTPUT_SIZE = 128
VOCAB = 1000000

NUM_CORES = 2
NUM_SUBCORES = 16
NUM_WORKERS = NUM_CORES * NUM_SUBCORES
B_PER_W = BATCH // NUM_WORKERS

NVEC = EMBED_DIM // 16

RBLK = 32768
RHALF = RBLK // 2
RSHIFT = RHALF.bit_length() - 1
NBLK = (VOCAB + RBLK - 1) // RBLK
VPAD = NBLK * RBLK


def _tc_repack(table_t):

    def body(x_ref, o_ref):
        x = x_ref[...]
        xx = jnp.concatenate([x[:, 0:RHALF], x[:, RHALF:RBLK]], axis=0)
        o_ref[...] = jnp.transpose(xx)

    return pl.pallas_call(
        body,
        grid=(NBLK,),
        in_specs=[pl.BlockSpec((EMBED_DIM, RBLK), lambda g: (0, g))],
        out_specs=pl.BlockSpec((RHALF, 2 * EMBED_DIM), lambda g: (g, 0)),
        out_shape=jax.ShapeDtypeStruct((NBLK * RHALF, 2 * EMBED_DIM),
                                       jnp.float32),
    )(table_t)


def _sc_pooled_sums(text, table_view):
    mesh = plsc.VectorSubcoreMesh(
        core_axis_name="c", subcore_axis_name="s",
        num_cores=NUM_CORES, num_subcores=NUM_SUBCORES)

    @functools.partial(
        pl.kernel,
        out_type=jax.ShapeDtypeStruct((BATCH, EMBED_DIM), jnp.float32),
        mesh=mesh,
        scratch_types=[
            pltpu.VMEM((SEQ_LEN, B_PER_W), jnp.int32),
            pltpu.VMEM((B_PER_W, EMBED_DIM), jnp.float32),
            pltpu.VMEM((B_PER_W, EMBED_DIM), jnp.float32),
            pltpu.VMEM((B_PER_W, EMBED_DIM), jnp.float32),
            pltpu.VMEM((B_PER_W, EMBED_DIM), jnp.float32),
            pltpu.VMEM((B_PER_W, EMBED_DIM), jnp.float32),
            pltpu.VMEM((B_PER_W, EMBED_DIM), jnp.float32),
            pltpu.VMEM((B_PER_W, EMBED_DIM), jnp.float32),
            pltpu.VMEM((B_PER_W, EMBED_DIM), jnp.float32),
            pltpu.VMEM((B_PER_W, EMBED_DIM), jnp.float32),
        ] + [pltpu.SemaphoreType.DMA] * 8,
        compiler_params=pltpu.CompilerParams(use_tc_tiling_on_sc=False),
    )
    def sc_kernel(text_hbm, table_hbm, out_hbm, idx_v, buf0, buf1, buf2,
                  buf3, buf4, buf5, buf6, buf7, sums_v,
                  sem0, sem1, sem2, sem3, sem4, sem5, sem6, sem7):
        wid = lax.axis_index("s") * NUM_CORES + lax.axis_index("c")
        base = wid * B_PER_W

        pltpu.sync_copy(text_hbm.at[:, pl.ds(base, B_PER_W)], idx_v)

        def xform_body(l, _):
            for j in range(B_PER_W // 16):
                v = idx_v[l, pl.ds(16 * j, 16)]
                q = ((v & jnp.int32(-RBLK))
                     | ((v & jnp.int32(RHALF - 1)) << 1)
                     | ((v >> RSHIFT) & jnp.int32(1)))
                idx_v[l, pl.ds(16 * j, 16)] = q
            return 0
        lax.fori_loop(0, SEQ_LEN, xform_body, 0)

        def accumulate(buf):
            def body(rr, _):
                for u in range(8):
                    r = rr * 8 + u
                    for j in range(NVEC):
                        plsc.addupdate(
                            sums_v.at[r, pl.ds(16 * j, 16)],
                            buf[r, pl.ds(16 * j, 16)])
                return 0
            lax.fori_loop(0, B_PER_W // 8, body, 0)

        bufs = (buf0, buf1, buf2, buf3, buf4, buf5, buf6, buf7)
        sems = (sem0, sem1, sem2, sem3, sem4, sem5, sem6, sem7)
        NBUF = 8

        for b in range(NBUF):
            pltpu.async_copy(table_hbm.at[idx_v.at[b]], bufs[b], sems[b])

        def zero_body(r, _):
            for j in range(NVEC):
                sums_v[r, pl.ds(16 * j, 16)] = jnp.zeros((16,), jnp.float32)
            return 0
        lax.fori_loop(0, B_PER_W, zero_body, 0)

        def outer(i, _):
            l = i * NBUF
            for b in range(NBUF):
                tok = l + b
                pltpu.make_async_copy(
                    table_hbm.at[idx_v.at[tok]], bufs[b], sems[b]).wait()
                accumulate(bufs[b])

                @pl.when(tok + NBUF < SEQ_LEN)
                def _(b=b, tok=tok):
                    pltpu.async_copy(
                        table_hbm.at[idx_v.at[tok + NBUF]], bufs[b], sems[b])
            return 0

        lax.fori_loop(0, SEQ_LEN // NBUF, outer, 0)

        pltpu.sync_copy(sums_v, out_hbm.at[pl.ds(base, B_PER_W)])

    return sc_kernel(text, table_view)


def _tc_linear(pooled_sums, W, b):

    def tc_kernel(x_ref, w_ref, b_ref, o_ref):
        x = x_ref[...]
        w = w_ref[...]
        acc = lax.dot_general(
            x, w, (((1,), (1,)), ((), ())),
            preferred_element_type=jnp.float32)
        o_ref[...] = acc * (1.0 / SEQ_LEN) + b_ref[...]

    return pl.pallas_call(
        tc_kernel,
        out_shape=jax.ShapeDtypeStruct((BATCH, OUTPUT_SIZE), jnp.float32),
        in_specs=[
            pl.BlockSpec(memory_space=pltpu.VMEM),
            pl.BlockSpec(memory_space=pltpu.VMEM),
            pl.BlockSpec(memory_space=pltpu.VMEM),
        ],
        out_specs=pl.BlockSpec(memory_space=pltpu.VMEM),
    )(pooled_sums, W, b.reshape(1, OUTPUT_SIZE))


def kernel(text, table, W, b):
    table_t = jnp.transpose(table)
    packed = _tc_repack(table_t)
    packed = lax.optimization_barrier(packed)
    table_view = jnp.reshape(packed, (VPAD, EMBED_DIM))
    sums = _sc_pooled_sums(text.astype(jnp.int32), table_view)
    return _tc_linear(sums, W, b)

# --- scband reference (transcript-rebuilt; emitter-appended) ---
"""Pipeline reference for scband-word-averaging-model-36524401885889 (READ-ONLY COPY).

The authoritative reference and input builder live on the scoring server;
editing this copy changes nothing except your own understanding.
"""

import jax, jax.numpy as jnp
import numpy as np

VOCAB = 1000000
EMBED_DIM = 64
OUTPUT_SIZE = 128
PAD_IDX = 0
SEQ_LEN = 200
BATCH = 4096


def setup_inputs(seed: int = 0) -> dict:
    key = jax.random.key(seed)
    k1, k2, k3 = jax.random.split(key, 3)
    # text: [seq_len, batch], torchtext seq-major layout
    text = jax.random.randint(k1, (SEQ_LEN, BATCH), 0, VOCAB)
    # embedding table with padding row zeroed (padding_idx semantics)
    table = (jax.random.normal(k2, (VOCAB, EMBED_DIM), dtype=jnp.float32) * 0.02)
    table = table.at[PAD_IDX].set(0.0)
    # linear layer params
    W = jax.random.normal(k3, (OUTPUT_SIZE, EMBED_DIM), dtype=jnp.float32) * 0.02
    b = jnp.zeros((OUTPUT_SIZE,), dtype=jnp.float32)
    return {"text": text, "table": table, "W": W, "b": b}


def reference(text, table, W, b):
    # Embedding lookup: [L, B] -> [L, B, D]
    emb = jnp.take(table, text, axis=0)
    # padding_idx: embedding of pad token is zero (table row is zero; mask keeps it exact)
    mask = (text != PAD_IDX).astype(emb.dtype)[..., None]
    emb = emb * mask
    # permute (1, 0, 2): [L, B, D] -> [B, L, D]
    emb = jnp.transpose(emb, (1, 0, 2))
    # F.avg_pool2d with kernel (L, 1) over [B, L, D] then squeeze(1) == mean over L axis
    pooled = jnp.mean(emb, axis=1)
    # linear
    out = pooled @ W.T + b
    return out

if __name__ == "__main__":
    import jax
    _d = setup_inputs()
    print(jax.jit(kernel)(*tuple(_d.values())))

</pallas_src>

<mosaic_0001>
#map = affine_map<(d0, d1) -> (0, 0)>
module attributes {stable_mosaic.version = 14 : i64} {
  func.func @sc_kernel(%arg0: i32, %arg1: i32, %arg2: memref<200x4096xi32, #tpu.memory_space<hbm>>, %arg3: memref<1015808x64xf32, #tpu.memory_space<hbm>>, %arg4: memref<4096x64xf32, #tpu.memory_space<hbm>>, %arg5: memref<200x128xi32, #tpu.memory_space<vmem>>, %arg6: memref<128x64xf32, #tpu.memory_space<vmem>>, %arg7: memref<128x64xf32, #tpu.memory_space<vmem>>, %arg8: memref<128x64xf32, #tpu.memory_space<vmem>>, %arg9: memref<128x64xf32, #tpu.memory_space<vmem>>, %arg10: memref<128x64xf32, #tpu.memory_space<vmem>>, %arg11: memref<128x64xf32, #tpu.memory_space<vmem>>, %arg12: memref<128x64xf32, #tpu.memory_space<vmem>>, %arg13: memref<128x64xf32, #tpu.memory_space<vmem>>, %arg14: memref<128x64xf32, #tpu.memory_space<vmem>>, %arg15: memref<!tpu.dma_semaphore, #tpu.memory_space<semaphore_mem>>, %arg16: memref<!tpu.dma_semaphore, #tpu.memory_space<semaphore_mem>>, %arg17: memref<!tpu.dma_semaphore, #tpu.memory_space<semaphore_mem>>, %arg18: memref<!tpu.dma_semaphore, #tpu.memory_space<semaphore_mem>>, %arg19: memref<!tpu.dma_semaphore, #tpu.memory_space<semaphore_mem>>, %arg20: memref<!tpu.dma_semaphore, #tpu.memory_space<semaphore_mem>>, %arg21: memref<!tpu.dma_semaphore, #tpu.memory_space<semaphore_mem>>, %arg22: memref<!tpu.dma_semaphore, #tpu.memory_space<semaphore_mem>>) attributes {dimension_semantics = [#tpu.dimension_semantics<core_parallel>, #tpu.dimension_semantics<subcore_parallel>], iteration_bounds = array<i64: 2, 16>, scalar_prefetch = 0 : i64, scratch_operands = 18 : i64, tpu.core_type = #tpu.core_type<sc_vector_subcore>, window_params = [{transform_indices = #map}, {transform_indices = #map}, {transform_indices = #map}]} {
    %mul3A = arith.constant 2 : i32
    %mul3A_0 = arith.muli %arg1, %mul3A : i32
    %add3A = arith.addi %mul3A_0, %arg0 : i32
    %mul3A_1 = arith.constant 128 : i32
    %mul3A_2 = arith.muli %add3A, %mul3A_1 : i32
    "tpu.region"() ({
      %run_scoped3A = tpu.sem_alloc : memref<!tpu.dma_semaphore, #tpu.memory_space<semaphore_mem>>
      %dma_start3A_78 = arith.constant 0 : i32
      %dma_start3A_79 = tpu.memref_slice %arg2[%dma_start3A_78, %mul3A_2] : memref<200x4096xi32, #tpu.memory_space<hbm>> -> memref<200x128xi32, #tpu.memory_space<hbm>>
      %dma_start3A_80 = arith.constant 0 : i32
      %dma_start3A_81 = tpu.memref_slice %arg2[%dma_start3A_80, %mul3A_2] : memref<200x4096xi32, #tpu.memory_space<hbm>> -> memref<200x128xi32, #tpu.memory_space<hbm>>
      tpu.enqueue_dma source(%dma_start3A_81 : memref<200x128xi32, #tpu.memory_space<hbm>>) target(%arg5 : memref<200x128xi32, #tpu.memory_space<vmem>>) target_semaphore(%run_scoped3A : memref<!tpu.dma_semaphore, #tpu.memory_space<semaphore_mem>>)
      %dma_wait3A = arith.constant 0 : i32
      %dma_wait3A_82 = tpu.memref_slice %arg2[%dma_wait3A, %mul3A_2] : memref<200x4096xi32, #tpu.memory_space<hbm>> -> memref<200x128xi32, #tpu.memory_space<hbm>>
      %dma_wait3A_83 = arith.constant 0 : i32
      %dma_wait3A_84 = tpu.memref_slice %arg2[%dma_wait3A_83, %mul3A_2] : memref<200x4096xi32, #tpu.memory_space<hbm>> -> memref<200x128xi32, #tpu.memory_space<hbm>>
      tpu.wait_dma2 semaphore(%run_scoped3A : memref<!tpu.dma_semaphore, #tpu.memory_space<semaphore_mem>>) src(%dma_wait3A_84 : memref<200x128xi32, #tpu.memory_space<hbm>>) dst(%arg5 : memref<200x128xi32, #tpu.memory_space<vmem>>)
      tpu.yield
    }) : () -> ()
    %scan3A = arith.constant 0 : i32
    %scan3A_3 = arith.constant 0 : i32
    %scan3A_4 = arith.constant 200 : i32
    %scan3A_5 = arith.addi %scan3A_3, %scan3A_4 : i32
    %scan3A_6 = arith.constant 1 : i32
    %scan3A_7 = scf.for %scan3A_78 = %scan3A_3 to %scan3A_5 step %scan3A_6 iter_args(%scan3A_79 = %scan3A) -> (i32)  : i32 {
      %get3A = arith.index_cast %scan3A_78 : i32 to index
      %get3A_80 = arith.constant 0 : index
      %get3A_81 = tpu.vector_load %arg5[%get3A, %get3A_80] {strides = array<i32>} : memref<200x128xi32, #tpu.memory_space<vmem>>, vector<1x16xi32>,
      %get3A_82 = vector.shape_cast %get3A_81 : vector<1x16xi32> to vector<16xi32>
      %and3A = arith.constant -32768 : i32
      %and3A_83 = vector.broadcast %and3A : i32 to vector<16xi32>
      %and3A_84 = arith.andi %get3A_82, %and3A_83 : vector<16xi32>
      %and3A_85 = arith.constant 16383 : i32
      %and3A_86 = vector.broadcast %and3A_85 : i32 to vector<16xi32>
      %and3A_87 = arith.andi %get3A_82, %and3A_86 : vector<16xi32>
      %shift_left3A = arith.constant 1 : i32
      %shift_left3A_88 = vector.broadcast %shift_left3A : i32 to vector<16xi32>
      %shift_left3A_89 = arith.shli %and3A_87, %shift_left3A_88 : vector<16xi32>
      %or3A = arith.ori %and3A_84, %shift_left3A_89 : vector<16xi32>
      %shift_right_arithmetic3A = arith.constant 14 : i32
      %shift_right_arithmetic3A_90 = vector.broadcast %shift_right_arithmetic3A : i32 to vector<16xi32>
      %shift_right_arithmetic3A_91 = arith.shrsi %get3A_82, %shift_right_arithmetic3A_90 : vector<16xi32>
      %and3A_92 = arith.constant 1 : i32
      %and3A_93 = vector.broadcast %and3A_92 : i32 to vector<16xi32>
      %and3A_94 = arith.andi %shift_right_arithmetic3A_91, %and3A_93 : vector<16xi32>
      %or3A_95 = arith.ori %or3A, %and3A_94 : vector<16xi32>
      %swap3A = arith.index_cast %scan3A_78 : i32 to index
      %swap3A_96 = arith.constant 0 : index
      %swap3A_97 = tpu.vector_load %arg5[%swap3A, %swap3A_96] {strides = array<i32>} : memref<200x128xi32, #tpu.memory_space<vmem>>, vector<1x16xi32>,
      %swap3A_98 = vector.shape_cast %swap3A_97 : vector<1x16xi32> to vector<16xi32>
      %swap3A_99 = vector.shape_cast %or3A_95 : vector<16xi32> to vector<1x16xi32>
      tpu.vector_store %arg5[%swap3A, %swap3A_96], %swap3A_99 {strides = array<i32>} : memref<200x128xi32, #tpu.memory_space<vmem>>, vector<1x16xi32>,
      %get3A_100 = arith.index_cast %scan3A_78 : i32 to index
      %get3A_101 = arith.constant 16 : index
      %get3A_102 = tpu.vector_load %arg5[%get3A_100, %get3A_101] {strides = array<i32>} : memref<200x128xi32, #tpu.memory_space<vmem>>, vector<1x16xi32>,
      %get3A_103 = vector.shape_cast %get3A_102 : vector<1x16xi32> to vector<16xi32>
      %and3A_104 = arith.constant -32768 : i32
      %and3A_105 = vector.broadcast %and3A_104 : i32 to vector<16xi32>
      %and3A_106 = arith.andi %get3A_103, %and3A_105 : vector<16xi32>
      %and3A_107 = arith.constant 16383 : i32
      %and3A_108 = vector.broadcast %and3A_107 : i32 to vector<16xi32>
      %and3A_109 = arith.andi %get3A_103, %and3A_108 : vector<16xi32>
      %shift_left3A_110 = arith.constant 1 : i32
      %shift_left3A_111 = vector.broadcast %shift_left3A_110 : i32 to vector<16xi32>
      %shift_left3A_112 = arith.shli %and3A_109, %shift_left3A_111 : vector<16xi32>
      %or3A_113 = arith.ori %and3A_106, %shift_left3A_112 : vector<16xi32>
      %shift_right_arithmetic3A_114 = arith.constant 14 : i32
      %shift_right_arithmetic3A_115 = vector.broadcast %shift_right_arithmetic3A_114 : i32 to vector<16xi32>
      %shift_right_arithmetic3A_116 = arith.shrsi %get3A_103, %shift_right_arithmetic3A_115 : vector<16xi32>
      %and3A_117 = arith.constant 1 : i32
      %and3A_118 = vector.broadcast %and3A_117 : i32 to vector<16xi32>
      %and3A_119 = arith.andi %shift_right_arithmetic3A_116, %and3A_118 : vector<16xi32>
      %or3A_120 = arith.ori %or3A_113, %and3A_119 : vector<16xi32>
      %swap3A_121 = arith.index_cast %scan3A_78 : i32 to index
      %swap3A_122 = arith.constant 16 : index
      %swap3A_123 = tpu.vector_load %arg5[%swap3A_121, %swap3A_122] {strides = array<i32>} : memref<200x128xi32, #tpu.memory_space<vmem>>, vector<1x16xi32>,
      %swap3A_124 = vector.shape_cast %swap3A_123 : vector<1x16xi32> to vector<16xi32>
      %swap3A_125 = vector.shape_cast %or3A_120 : vector<16xi32> to vector<1x16xi32>
      tpu.vector_store %arg5[%swap3A_121, %swap3A_122], %swap3A_125 {strides = array<i32>} : memref<200x128xi32, #tpu.memory_space<vmem>>, vector<1x16xi32>,
      %get3A_126 = arith.index_cast %scan3A_78 : i32 to index
      %get3A_127 = arith.constant 32 : index
      %get3A_128 = tpu.vector_load %arg5[%get3A_126, %get3A_127] {strides = array<i32>} : memref<200x128xi32, #tpu.memory_space<vmem>>, vector<1x16xi32>,
      %get3A_129 = vector.shape_cast %get3A_128 : vector<1x16xi32> to vector<16xi32>
      %and3A_130 = arith.constant -32768 : i32
      %and3A_131 = vector.broadcast %and3A_130 : i32 to vector<16xi32>
      %and3A_132 = arith.andi %get3A_129, %and3A_131 : vector<16xi32>
      %and3A_133 = arith.constant 16383 : i32
      %and3A_134 = vector.broadcast %and3A_133 : i32 to vector<16xi32>
      %and3A_135 = arith.andi %get3A_129, %and3A_134 : vector<16xi32>
      %shift_left3A_136 = arith.constant 1 : i32
      %shift_left3A_137 = vector.broadcast %shift_left3A_136 : i32 to vector<16xi32>
      %shift_left3A_138 = arith.shli %and3A_135, %shift_left3A_137 : vector<16xi32>
      %or3A_139 = arith.ori %and3A_132, %shift_left3A_138 : vector<16xi32>
      %shift_right_arithmetic3A_140 = arith.constant 14 : i32
      %shift_right_arithmetic3A_141 = vector.broadcast %shift_right_arithmetic3A_140 : i32 to vector<16xi32>
      %shift_right_arithmetic3A_142 = arith.shrsi %get3A_129, %shift_right_arithmetic3A_141 : vector<16xi32>
      %and3A_143 = arith.constant 1 : i32
      %and3A_144 = vector.broadcast %and3A_143 : i32 to vector<16xi32>
      %and3A_145 = arith.andi %shift_right_arithmetic3A_142, %and3A_144 : vector<16xi32>
      %or3A_146 = arith.ori %or3A_139, %and3A_145 : vector<16xi32>
      %swap3A_147 = arith.index_cast %scan3A_78 : i32 to index
      %swap3A_148 = arith.constant 32 : index
      %swap3A_149 = tpu.vector_load %arg5[%swap3A_147, %swap3A_148] {strides = array<i32>} : memref<200x128xi32, #tpu.memory_space<vmem>>, vector<1x16xi32>,
      %swap3A_150 = vector.shape_cast %swap3A_149 : vector<1x16xi32> to vector<16xi32>
      %swap3A_151 = vector.shape_cast %or3A_146 : vector<16xi32> to vector<1x16xi32>
      tpu.vector_store %arg5[%swap3A_147, %swap3A_148], %swap3A_151 {strides = array<i32>} : memref<200x128xi32, #tpu.memory_space<vmem>>, vector<1x16xi32>,
      %get3A_152 = arith.index_cast %scan3A_78 : i32 to index
      %get3A_153 = arith.constant 48 : index
      %get3A_154 = tpu.vector_load %arg5[%get3A_152, %get3A_153] {strides = array<i32>} : memref<200x128xi32, #tpu.memory_space<vmem>>, vector<1x16xi32>,
      %get3A_155 = vector.shape_cast %get3A_154 : vector<1x16xi32> to vector<16xi32>
      %and3A_156 = arith.constant -32768 : i32
      %and3A_157 = vector.broadcast %and3A_156 : i32 to vector<16xi32>
      %and3A_158 = arith.andi %get3A_155, %and3A_157 : vector<16xi32>
      %and3A_159 = arith.constant 16383 : i32
      %and3A_160 = vector.broadcast %and3A_159 : i32 to vector<16xi32>
      %and3A_161 = arith.andi %get3A_155, %and3A_160 : vector<16xi32>
      %shift_left3A_162 = arith.constant 1 : i32
      %shift_left3A_163 = vector.broadcast %shift_left3A_162 : i32 to vector<16xi32>
      %shift_left3A_164 = arith.shli %and3A_161, %shift_left3A_163 : vector<16xi32>
      %or3A_165 = arith.ori %and3A_158, %shift_left3A_164 : vector<16xi32>
      %shift_right_arithmetic3A_166 = arith.constant 14 : i32
      %shift_right_arithmetic3A_167 = vector.broadcast %shift_right_arithmetic3A_166 : i32 to vector<16xi32>
      %shift_right_arithmetic3A_168 = arith.shrsi %get3A_155, %shift_right_arithmetic3A_167 : vector<16xi32>
      %and3A_169 = arith.constant 1 : i32
      %and3A_170 = vector.broadcast %and3A_169 : i32 to vector<16xi32>
      %and3A_171 = arith.andi %shift_right_arithmetic3A_168, %and3A_170 : vector<16xi32>
      %or3A_172 = arith.ori %or3A_165, %and3A_171 : vector<16xi32>
      %swap3A_173 = arith.index_cast %scan3A_78 : i32 to index
      %swap3A_174 = arith.constant 48 : index
      %swap3A_175 = tpu.vector_load %arg5[%swap3A_173, %swap3A_174] {strides = array<i32>} : memref<200x128xi32, #tpu.memory_space<vmem>>, vector<1x16xi32>,
      %swap3A_176 = vector.shape_cast %swap3A_175 : vector<1x16xi32> to vector<16xi32>
      %swap3A_177 = vector.shape_cast %or3A_172 : vector<16xi32> to vector<1x16xi32>
      tpu.vector_store %arg5[%swap3A_173, %swap3A_174], %swap3A_177 {strides = array<i32>} : memref<200x128xi32, #tpu.memory_space<vmem>>, vector<1x16xi32>,
      %get3A_178 = arith.index_cast %scan3A_78 : i32 to index
      %get3A_179 = arith.constant 64 : index
      %get3A_180 = tpu.vector_load %arg5[%get3A_178, %get3A_179] {strides = array<i32>} : memref<200x128xi32, #tpu.memory_space<vmem>>, vector<1x16xi32>,
      %get3A_181 = vector.shape_cast %get3A_180 : vector<1x16xi32> to vector<16xi32>
      %and3A_182 = arith.constant -32768 : i32
      %and3A_183 = vector.broadcast %and3A_182 : i32 to vector<16xi32>
      %and3A_184 = arith.andi %get3A_181, %and3A_183 : vector<16xi32>
      %and3A_185 = arith.constant 16383 : i32
      %and3A_186 = vector.broadcast %and3A_185 : i32 to vector<16xi32>
      %and3A_187 = arith.andi %get3A_181, %and3A_186 : vector<16xi32>
      %shift_left3A_188 = arith.constant 1 : i32
      %shift_left3A_189 = vector.broadcast %shift_left3A_188 : i32 to vector<16xi32>
      %shift_left3A_190 = arith.shli %and3A_187, %shift_left3A_189 : vector<16xi32>
      %or3A_191 = arith.ori %and3A_184, %shift_left3A_190 : vector<16xi32>
      %shift_right_arithmetic3A_192 = arith.constant 14 : i32
      %shift_right_arithmetic3A_193 = vector.broadcast %shift_right_arithmetic3A_192 : i32 to vector<16xi32>
      %shift_right_arithmetic3A_194 = arith.shrsi %get3A_181, %shift_right_arithmetic3A_193 : vector<16xi32>
      %and3A_195 = arith.constant 1 : i32
      %and3A_196 = vector.broadcast %and3A_195 : i32 to vector<16xi32>
      %and3A_197 = arith.andi %shift_right_arithmetic3A_194, %and3A_196 : vector<16xi32>
      %or3A_198 = arith.ori %or3A_191, %and3A_197 : vector<16xi32>
      %swap3A_199 = arith.index_cast %scan3A_78 : i32 to index
      %swap3A_200 = arith.constant 64 : index
      %swap3A_201 = tpu.vector_load %arg5[%swap3A_199, %swap3A_200] {strides = array<i32>} : memref<200x128xi32, #tpu.memory_space<vmem>>, vector<1x16xi32>,
      %swap3A_202 = vector.shape_cast %swap3A_201 : vector<1x16xi32> to vector<16xi32>
      %swap3A_203 = vector.shape_cast %or3A_198 : vector<16xi32> to vector<1x16xi32>
      tpu.vector_store %arg5[%swap3A_199, %swap3A_200], %swap3A_203 {strides = array<i32>} : memref<200x128xi32, #tpu.memory_space<vmem>>, vector<1x16xi32>,
      %get3A_204 = arith.index_cast %scan3A_78 : i32 to index
      %get3A_205 = arith.constant 80 : index
      %get3A_206 = tpu.vector_load %arg5[%get3A_204, %get3A_205] {strides = array<i32>} : memref<200x128xi32, #tpu.memory_space<vmem>>, vector<1x16xi32>,
      %get3A_207 = vector.shape_cast %get3A_206 : vector<1x16xi32> to vector<16xi32>
      %and3A_208 = arith.constant -32768 : i32
      %and3A_209 = vector.broadcast %and3A_208 : i32 to vector<16xi32>
      %and3A_210 = arith.andi %get3A_207, %and3A_209 : vector<16xi32>
      %and3A_211 = arith.constant 16383 : i32
      %and3A_212 = vector.broadcast %and3A_211 : i32 to vector<16xi32>
      %and3A_213 = arith.andi %get3A_207, %and3A_212 : vector<16xi32>
      %shift_left3A_214 = arith.constant 1 : i32
      %shift_left3A_215 = vector.broadcast %shift_left3A_214 : i32 to vector<16xi32>
      %shift_left3A_216 = arith.shli %and3A_213, %shift_left3A_215 : vector<16xi32>
      %or3A_217 = arith.ori %and3A_210, %shift_left3A_216 : vector<16xi32>
      %shift_right_arithmetic3A_218 = arith.constant 14 : i32
      %shift_right_arithmetic3A_219 = vector.broadcast %shift_right_arithmetic3A_218 : i32 to vector<16xi32>
      %shift_right_arithmetic3A_220 = arith.shrsi %get3A_207, %shift_right_arithmetic3A_219 : vector<16xi32>
      %and3A_221 = arith.constant 1 : i32
      %and3A_222 = vector.broadcast %and3A_221 : i32 to vector<16xi32>
      %and3A_223 = arith.andi %shift_right_arithmetic3A_220, %and3A_222 : vector<16xi32>
      %or3A_224 = arith.ori %or3A_217, %and3A_223 : vector<16xi32>
      %swap3A_225 = arith.index_cast %scan3A_78 : i32 to index
      %swap3A_226 = arith.constant 80 : index
      %swap3A_227 = tpu.vector_load %arg5[%swap3A_225, %swap3A_226] {strides = array<i32>} : memref<200x128xi32, #tpu.memory_space<vmem>>, vector<1x16xi32>,
      %swap3A_228 = vector.shape_cast %swap3A_227 : vector<1x16xi32> to vector<16xi32>
      %swap3A_229 = vector.shape_cast %or3A_224 : vector<16xi32> to vector<1x16xi32>
      tpu.vector_store %arg5[%swap3A_225, %swap3A_226], %swap3A_229 {strides = array<i32>} : memref<200x128xi32, #tpu.memory_space<vmem>>, vector<1x16xi32>,
      %get3A_230 = arith.index_cast %scan3A_78 : i32 to index
      %get3A_231 = arith.constant 96 : index
      %get3A_232 = tpu.vector_load %arg5[%get3A_230, %get3A_231] {strides = array<i32>} : memref<200x128xi32, #tpu.memory_space<vmem>>, vector<1x16xi32>,
      %get3A_233 = vector.shape_cast %get3A_232 : vector<1x16xi32> to vector<16xi32>
      %and3A_234 = arith.constant -32768 : i32
      %and3A_235 = vector.broadcast %and3A_234 : i32 to vector<16xi32>
      %and3A_236 = arith.andi %get3A_233, %and3A_235 : vector<16xi32>
      %and3A_237 = arith.constant 16383 : i32
      %and3A_238 = vector.broadcast %and3A_237 : i32 to vector<16xi32>
      %and3A_239 = arith.andi %get3A_233, %and3A_238 : vector<16xi32>
      %shift_left3A_240 = arith.constant 1 : i32
      %shift_left3A_241 = vector.broadcast %shift_left3A_240 : i32 to vector<16xi32>
      %shift_left3A_242 = arith.shli %and3A_239, %shift_left3A_241 : vector<16xi32>
      %or3A_243 = arith.ori %and3A_236, %shift_left3A_242 : vector<16xi32>
      %shift_right_arithmetic3A_244 = arith.constant 14 : i32
      %shift_right_arithmetic3A_245 = vector.broadcast %shift_right_arithmetic3A_244 : i32 to vector<16xi32>
      %shift_right_arithmetic3A_246 = arith.shrsi %get3A_233, %shift_right_arithmetic3A_245 : vector<16xi32>
      %and3A_247 = arith.constant 1 : i32
      %and3A_248 = vector.broadcast %and3A_247 : i32 to vector<16xi32>
      %and3A_249 = arith.andi %shift_right_arithmetic3A_246, %and3A_248 : vector<16xi32>
      %or3A_250 = arith.ori %or3A_243, %and3A_249 : vector<16xi32>
      %swap3A_251 = arith.index_cast %scan3A_78 : i32 to index
      %swap3A_252 = arith.constant 96 : index
      %swap3A_253 = tpu.vector_load %arg5[%swap3A_251, %swap3A_252] {strides = array<i32>} : memref<200x128xi32, #tpu.memory_space<vmem>>, vector<1x16xi32>,
      %swap3A_254 = vector.shape_cast %swap3A_253 : vector<1x16xi32> to vector<16xi32>
      %swap3A_255 = vector.shape_cast %or3A_250 : vector<16xi32> to vector<1x16xi32>
      tpu.vector_store %arg5[%swap3A_251, %swap3A_252], %swap3A_255 {strides = array<i32>} : memref<200x128xi32, #tpu.memory_space<vmem>>, vector<1x16xi32>,
      %get3A_256 = arith.index_cast %scan3A_78 : i32 to index
      %get3A_257 = arith.constant 112 : index
      %get3A_258 = tpu.vector_load %arg5[%get3A_256, %get3A_257] {strides = array<i32>} : memref<200x128xi32, #tpu.memory_space<vmem>>, vector<1x16xi32>,
      %get3A_259 = vector.shape_cast %get3A_258 : vector<1x16xi32> to vector<16xi32>
      %and3A_260 = arith.constant -32768 : i32
      %and3A_261 = vector.broadcast %and3A_260 : i32 to vector<16xi32>
      %and3A_262 = arith.andi %get3A_259, %and3A_261 : vector<16xi32>
      %and3A_263 = arith.constant 16383 : i32
      %and3A_264 = vector.broadcast %and3A_263 : i32 to vector<16xi32>
      %and3A_265 = arith.andi %get3A_259, %and3A_264 : vector<16xi32>
      %shift_left3A_266 = arith.constant 1 : i32
      %shift_left3A_267 = vector.broadcast %shift_left3A_266 : i32 to vector<16xi32>
      %shift_left3A_268 = arith.shli %and3A_265, %shift_left3A_267 : vector<16xi32>
      %or3A_269 = arith.ori %and3A_262, %shift_left3A_268 : vector<16xi32>
      %shift_right_arithmetic3A_270 = arith.constant 14 : i32
      %shift_right_arithmetic3A_271 = vector.broadcast %shift_right_arithmetic3A_270 : i32 to vector<16xi32>
      %shift_right_arithmetic3A_272 = arith.shrsi %get3A_259, %shift_right_arithmetic3A_271 : vector<16xi32>
      %and3A_273 = arith.constant 1 : i32
      %and3A_274 = vector.broadcast %and3A_273 : i32 to vector<16xi32>
      %and3A_275 = arith.andi %shift_right_arithmetic3A_272, %and3A_274 : vector<16xi32>
      %or3A_276 = arith.ori %or3A_269, %and3A_275 : vector<16xi32>
      %swap3A_277 = arith.index_cast %scan3A_78 : i32 to index
      %swap3A_278 = arith.constant 112 : index
      %swap3A_279 = tpu.vector_load %arg5[%swap3A_277, %swap3A_278] {strides = array<i32>} : memref<200x128xi32, #tpu.memory_space<vmem>>, vector<1x16xi32>,
      %swap3A_280 = vector.shape_cast %swap3A_279 : vector<1x16xi32> to vector<16xi32>
      %swap3A_281 = vector.shape_cast %or3A_276 : vector<16xi32> to vector<1x16xi32>
      tpu.vector_store %arg5[%swap3A_277, %swap3A_278], %swap3A_281 {strides = array<i32>} : memref<200x128xi32, #tpu.memory_space<vmem>>, vector<1x16xi32>,
      %scan3A_282 = arith.constant 0 : i32
      scf.yield %scan3A_282 : i32
    }
    %scan3A_8 = arith.constant 200 : i32
    %dma_start3A = arith.constant 0 : i32
    %dma_start3A_9 = arith.constant 0 : i32
    %dma_start3A_10 = tpu.memref_slice %arg5[%dma_start3A, %dma_start3A_9] : memref<200x128xi32, #tpu.memory_space<vmem>> -> memref<1x128xi32, #tpu.memory_space<vmem>>
    %dma_start3A_11 = tpu.memref_squeeze %dma_start3A_10 : memref<1x128xi32, #tpu.memory_space<vmem>> -> memref<128xi32, #tpu.memory_space<vmem>>
    %dma_start3A_12 = arith.constant 0 : i32
    %dma_start3A_13 = arith.constant 0 : i32
    %dma_start3A_14 = tpu.memref_slice %arg3[%dma_start3A_12, %dma_start3A_13] : memref<1015808x64xf32, #tpu.memory_space<hbm>> -> memref<1015808x64xf32, #tpu.memory_space<hbm>>
    tpu.enqueue_indirect_dma source(%dma_start3A_14 : memref<1015808x64xf32, #tpu.memory_space<hbm>>) target(%arg6 : memref<128x64xf32, #tpu.memory_space<vmem>>) offsets(%dma_start3A_11 : memref<128xi32, #tpu.memory_space<vmem>>) semaphore(%arg15 : memref<!tpu.dma_semaphore, #tpu.memory_space<semaphore_mem>>)
    %dma_start3A_15 = arith.constant 1 : i32
    %dma_start3A_16 = arith.constant 0 : i32
    %dma_start3A_17 = tpu.memref_slice %arg5[%dma_start3A_15, %dma_start3A_16] : memref<200x128xi32, #tpu.memory_space<vmem>> -> memref<1x128xi32, #tpu.memory_space<vmem>>
    %dma_start3A_18 = tpu.memref_squeeze %dma_start3A_17 : memref<1x128xi32, #tpu.memory_space<vmem>> -> memref<128xi32, #tpu.memory_space<vmem>>
    %dma_start3A_19 = arith.constant 0 : i32
    %dma_start3A_20 = arith.constant 0 : i32
    %dma_start3A_21 = tpu.memref_slice %arg3[%dma_start3A_19, %dma_start3A_20] : memref<1015808x64xf32, #tpu.memory_space<hbm>> -> memref<1015808x64xf32, #tpu.memory_space<hbm>>
    tpu.enqueue_indirect_dma source(%dma_start3A_21 : memref<1015808x64xf32, #tpu.memory_space<hbm>>) target(%arg7 : memref<128x64xf32, #tpu.memory_space<vmem>>) offsets(%dma_start3A_18 : memref<128xi32, #tpu.memory_space<vmem>>) semaphore(%arg16 : memref<!tpu.dma_semaphore, #tpu.memory_space<semaphore_mem>>)
    %dma_start3A_22 = arith.constant 2 : i32
    %dma_start3A_23 = arith.constant 0 : i32
    %dma_start3A_24 = tpu.memref_slice %arg5[%dma_start3A_22, %dma_start3A_23] : memref<200x128xi32, #tpu.memory_space<vmem>> -> memref<1x128xi32, #tpu.memory_space<vmem>>
    %dma_start3A_25 = tpu.memref_squeeze %dma_start3A_24 : memref<1x128xi32, #tpu.memory_space<vmem>> -> memref<128xi32, #tpu.memory_space<vmem>>
    %dma_start3A_26 = arith.constant 0 : i32
    %dma_start3A_27 = arith.constant 0 : i32
    %dma_start3A_28 = tpu.memref_slice %arg3[%dma_start3A_26, %dma_start3A_27] : memref<1015808x64xf32, #tpu.memory_space<hbm>> -> memref<1015808x64xf32, #tpu.memory_space<hbm>>
    tpu.enqueue_indirect_dma source(%dma_start3A_28 : memref<1015808x64xf32, #tpu.memory_space<hbm>>) target(%arg8 : memref<128x64xf32, #tpu.memory_space<vmem>>) offsets(%dma_start3A_25 : memref<128xi32, #tpu.memory_space<vmem>>) semaphore(%arg17 : memref<!tpu.dma_semaphore, #tpu.memory_space<semaphore_mem>>)
    %dma_start3A_29 = arith.constant 3 : i32
    %dma_start3A_30 = arith.constant 0 : i32
    %dma_start3A_31 = tpu.memref_slice %arg5[%dma_start3A_29, %dma_start3A_30] : memref<200x128xi32, #tpu.memory_space<vmem>> -> memref<1x128xi32, #tpu.memory_space<vmem>>
    %dma_start3A_32 = tpu.memref_squeeze %dma_start3A_31 : memref<1x128xi32, #tpu.memory_space<vmem>> -> memref<128xi32, #tpu.memory_space<vmem>>
    %dma_start3A_33 = arith.constant 0 : i32
    %dma_start3A_34 = arith.constant 0 : i32
    %dma_start3A_35 = tpu.memref_slice %arg3[%dma_start3A_33, %dma_start3A_34] : memref<1015808x64xf32, #tpu.memory_space<hbm>> -> memref<1015808x64xf32, #tpu.memory_space<hbm>>
    tpu.enqueue_indirect_dma source(%dma_start3A_35 : memref<1015808x64xf32, #tpu.memory_space<hbm>>) target(%arg9 : memref<128x64xf32, #tpu.memory_space<vmem>>) offsets(%dma_start3A_32 : memref<128xi32, #tpu.memory_space<vmem>>) semaphore(%arg18 : memref<!tpu.dma_semaphore, #tpu.memory_space<semaphore_mem>>)
    %dma_start3A_36 = arith.constant 4 : i32
    %dma_start3A_37 = arith.constant 0 : i32
    %dma_start3A_38 = tpu.memref_slice %arg5[%dma_start3A_36, %dma_start3A_37] : memref<200x128xi32, #tpu.memory_space<vmem>> -> memref<1x128xi32, #tpu.memory_space<vmem>>
    %dma_start3A_39 = tpu.memref_squeeze %dma_start3A_38 : memref<1x128xi32, #tpu.memory_space<vmem>> -> memref<128xi32, #tpu.memory_space<vmem>>
    %dma_start3A_40 = arith.constant 0 : i32
    %dma_start3A_41 = arith.constant 0 : i32
    %dma_start3A_42 = tpu.memref_slice %arg3[%dma_start3A_40, %dma_start3A_41] : memref<1015808x64xf32, #tpu.memory_space<hbm>> -> memref<1015808x64xf32, #tpu.memory_space<hbm>>
    tpu.enqueue_indirect_dma source(%dma_start3A_42 : memref<1015808x64xf32, #tpu.memory_space<hbm>>) target(%arg10 : memref<128x64xf32, #tpu.memory_space<vmem>>) offsets(%dma_start3A_39 : memref<128xi32, #tpu.memory_space<vmem>>) semaphore(%arg19 : memref<!tpu.dma_semaphore, #tpu.memory_space<semaphore_mem>>)
    %dma_start3A_43 = arith.constant 5 : i32
    %dma_start3A_44 = arith.constant 0 : i32
    %dma_start3A_45 = tpu.memref_slice %arg5[%dma_start3A_43, %dma_start3A_44] : memref<200x128xi32, #tpu.memory_space<vmem>> -> memref<1x128xi32, #tpu.memory_space<vmem>>
    %dma_start3A_46 = tpu.memref_squeeze %dma_start3A_45 : memref<1x128xi32, #tpu.memory_space<vmem>> -> memref<128xi32, #tpu.memory_space<vmem>>
    %dma_start3A_47 = arith.constant 0 : i32
    %dma_start3A_48 = arith.constant 0 : i32
    %dma_start3A_49 = tpu.memref_slice %arg3[%dma_start3A_47, %dma_start3A_48] : memref<1015808x64xf32, #tpu.memory_space<hbm>> -> memref<1015808x64xf32, #tpu.memory_space<hbm>>
    tpu.enqueue_indirect_dma source(%dma_start3A_49 : memref<1015808x64xf32, #tpu.memory_space<hbm>>) target(%arg11 : memref<128x64xf32, #tpu.memory_space<vmem>>) offsets(%dma_start3A_46 : memref<128xi32, #tpu.memory_space<vmem>>) semaphore(%arg20 : memref<!tpu.dma_semaphore, #tpu.memory_space<semaphore_mem>>)
    %dma_start3A_50 = arith.constant 6 : i32
    %dma_start3A_51 = arith.constant 0 : i32
    %dma_start3A_52 = tpu.memref_slice %arg5[%dma_start3A_50, %dma_start3A_51] : memref<200x128xi32, #tpu.memory_space<vmem>> -> memref<1x128xi32, #tpu.memory_space<vmem>>
    %dma_start3A_53 = tpu.memref_squeeze %dma_start3A_52 : memref<1x128xi32, #tpu.memory_space<vmem>> -> memref<128xi32, #tpu.memory_space<vmem>>
    %dma_start3A_54 = arith.constant 0 : i32
    %dma_start3A_55 = arith.constant 0 : i32
    %dma_start3A_56 = tpu.memref_slice %arg3[%dma_start3A_54, %dma_start3A_55] : memref<1015808x64xf32, #tpu.memory_space<hbm>> -> memref<1015808x64xf32, #tpu.memory_space<hbm>>
    tpu.enqueue_indirect_dma source(%dma_start3A_56 : memref<1015808x64xf32, #tpu.memory_space<hbm>>) target(%arg12 : memref<128x64xf32, #tpu.memory_space<vmem>>) offsets(%dma_start3A_53 : memref<128xi32, #tpu.memory_space<vmem>>) semaphore(%arg21 : memref<!tpu.dma_semaphore, #tpu.memory_space<semaphore_mem>>)
    %dma_start3A_57 = arith.constant 7 : i32
    %dma_start3A_58 = arith.constant 0 : i32
    %dma_start3A_59 = tpu.memref_slice %arg5[%dma_start3A_57, %dma_start3A_58] : memref<200x128xi32, #tpu.memory_space<vmem>> -> memref<1x128xi32, #tpu.memory_space<vmem>>
    %dma_start3A_60 = tpu.memref_squeeze %dma_start3A_59 : memref<1x128xi32, #tpu.memory_space<vmem>> -> memref<128xi32, #tpu.memory_space<vmem>>
    %dma_start3A_61 = arith.constant 0 : i32
    %dma_start3A_62 = arith.constant 0 : i32
    %dma_start3A_63 = tpu.memref_slice %arg3[%dma_start3A_61, %dma_start3A_62] : memref<1015808x64xf32, #tpu.memory_space<hbm>> -> memref<1015808x64xf32, #tpu.memory_space<hbm>>
    tpu.enqueue_indirect_dma source(%dma_start3A_63 : memref<1015808x64xf32, #tpu.memory_space<hbm>>) target(%arg13 : memref<128x64xf32, #tpu.memory_space<vmem>>) offsets(%dma_start3A_60 : memref<128xi32, #tpu.memory_space<vmem>>) semaphore(%arg22 : memref<!tpu.dma_semaphore, #tpu.memory_space<semaphore_mem>>)
    %scan3A_64 = arith.constant 0 : i32
    %scan3A_65 = arith.constant 0 : i32
    %scan3A_66 = arith.constant 128 : i32
    %scan3A_67 = arith.addi %scan3A_65, %scan3A_66 : i32
    %scan3A_68 = arith.constant 1 : i32
    %scan3A_69 = scf.for %scan3A_78 = %scan3A_65 to %scan3A_67 step %scan3A_68 iter_args(%scan3A_79 = %scan3A_64) -> (i32)  : i32 {
      %broadcast_in_dim3A = arith.constant 0.000000e+00 : f32
      %broadcast_in_dim3A_80 = vector.broadcast %broadcast_in_dim3A : f32 to vector<16xf32>
      %swap3A = arith.index_cast %scan3A_78 : i32 to index
      %swap3A_81 = arith.constant 0 : index
      %swap3A_82 = tpu.vector_load %arg14[%swap3A, %swap3A_81] {strides = array<i32>} : memref<128x64xf32, #tpu.memory_space<vmem>>, vector<1x16xf32>,
      %swap3A_83 = vector.shape_cast %swap3A_82 : vector<1x16xf32> to vector<16xf32>
      %swap3A_84 = vector.shape_cast %broadcast_in_dim3A_80 : vector<16xf32> to vector<1x16xf32>
      tpu.vector_store %arg14[%swap3A, %swap3A_81], %swap3A_84 {strides = array<i32>} : memref<128x64xf32, #tpu.memory_space<vmem>>, vector<1x16xf32>,
      %broadcast_in_dim3A_85 = arith.constant 0.000000e+00 : f32
      %broadcast_in_dim3A_86 = vector.broadcast %broadcast_in_dim3A_85 : f32 to vector<16xf32>
      %swap3A_87 = arith.index_cast %scan3A_78 : i32 to index
      %swap3A_88 = arith.constant 16 : index
      %swap3A_89 = tpu.vector_load %arg14[%swap3A_87, %swap3A_88] {strides = array<i32>} : memref<128x64xf32, #tpu.memory_space<vmem>>, vector<1x16xf32>,
      %swap3A_90 = vector.shape_cast %swap3A_89 : vector<1x16xf32> to vector<16xf32>
      %swap3A_91 = vector.shape_cast %broadcast_in_dim3A_86 : vector<16xf32> to vector<1x16xf32>
      tpu.vector_store %arg14[%swap3A_87, %swap3A_88], %swap3A_91 {strides = array<i32>} : memref<128x64xf32, #tpu.memory_space<vmem>>, vector<1x16xf32>,
      %broadcast_in_dim3A_92 = arith.constant 0.000000e+00 : f32
      %broadcast_in_dim3A_93 = vector.broadcast %broadcast_in_dim3A_92 : f32 to vector<16xf32>
      %swap3A_94 = arith.index_cast %scan3A_78 : i32 to index
      %swap3A_95 = arith.constant 32 : index
      %swap3A_96 = tpu.vector_load %arg14[%swap3A_94, %swap3A_95] {strides = array<i32>} : memref<128x64xf32, #tpu.memory_space<vmem>>, vector<1x16xf32>,
      %swap3A_97 = vector.shape_cast %swap3A_96 : vector<1x16xf32> to vector<16xf32>
      %swap3A_98 = vector.shape_cast %broadcast_in_dim3A_93 : vector<16xf32> to vector<1x16xf32>
      tpu.vector_store %arg14[%swap3A_94, %swap3A_95], %swap3A_98 {strides = array<i32>} : memref<128x64xf32, #tpu.memory_space<vmem>>, vector<1x16xf32>,
      %broadcast_in_dim3A_99 = arith.constant 0.000000e+00 : f32
      %broadcast_in_dim3A_100 = vector.broadcast %broadcast_in_dim3A_99 : f32 to vector<16xf32>
      %swap3A_101 = arith.index_cast %scan3A_78 : i32 to index
      %swap3A_102 = arith.constant 48 : index
      %swap3A_103 = tpu.vector_load %arg14[%swap3A_101, %swap3A_102] {strides = array<i32>} : memref<128x64xf32, #tpu.memory_space<vmem>>, vector<1x16xf32>,
      %swap3A_104 = vector.shape_cast %swap3A_103 : vector<1x16xf32> to vector<16xf32>
      %swap3A_105 = vector.shape_cast %broadcast_in_dim3A_100 : vector<16xf32> to vector<1x16xf32>
      tpu.vector_store %arg14[%swap3A_101, %swap3A_102], %swap3A_105 {strides = array<i32>} : memref<128x64xf32, #tpu.memory_space<vmem>>, vector<1x16xf32>,
      %scan3A_106 = arith.constant 0 : i32
      scf.yield %scan3A_106 : i32
    }
    %scan3A_70 = arith.constant 128 : i32
    %scan3A_71 = arith.constant 0 : i32
    %scan3A_72 = arith.constant 0 : i32
    %scan3A_73 = arith.constant 25 : i32
    %scan3A_74 = arith.addi %scan3A_72, %scan3A_73 : i32
    %scan3A_75 = arith.constant 1 : i32
    %scan3A_76 = scf.for %scan3A_78 = %scan3A_72 to %scan3A_74 step %scan3A_75 iter_args(%scan3A_79 = %scan3A_71) -> (i32)  : i32 {
      %mul3A_80 = arith.constant 8 : i32
      %mul3A_81 = arith.muli %scan3A_78, %mul3A_80 : i32
      %add3A_82 = arith.constant 0 : i32
      %add3A_83 = arith.addi %mul3A_81, %add3A_82 : i32
      %dma_wait3A = arith.constant 0 : i32
      %dma_wait3A_84 = tpu.memref_slice %arg5[%add3A_83, %dma_wait3A] : memref<200x128xi32, #tpu.memory_space<vmem>> -> memref<1x128xi32, #tpu.memory_space<vmem>>
      %dma_wait3A_85 = tpu.memref_squeeze %dma_wait3A_84 : memref<1x128xi32, #tpu.memory_space<vmem>> -> memref<128xi32, #tpu.memory_space<vmem>>
      %dma_wait3A_86 = arith.constant 0 : i32
      %dma_wait3A_87 = arith.constant 0 : i32
      %dma_wait3A_88 = tpu.memref_slice %arg3[%dma_wait3A_86, %dma_wait3A_87] : memref<1015808x64xf32, #tpu.memory_space<hbm>> -> memref<1015808x64xf32, #tpu.memory_space<hbm>>
      tpu.wait_indirect_dma semaphore(%arg15 : memref<!tpu.dma_semaphore, #tpu.memory_space<semaphore_mem>>) src(%dma_wait3A_88 : memref<1015808x64xf32, #tpu.memory_space<hbm>>) dst(%arg6 : memref<128x64xf32, #tpu.memory_space<vmem>>)
      %scan3A_89 = arith.constant 0 : i32
      %scan3A_90 = arith.constant 0 : i32
      %scan3A_91 = arith.constant 16 : i32
      %scan3A_92 = arith.addi %scan3A_90, %scan3A_91 : i32
      %scan3A_93 = arith.constant 1 : i32
      %scan3A_94 = scf.for %scan3A_255 = %scan3A_90 to %scan3A_92 step %scan3A_93 iter_args(%scan3A_256 = %scan3A_89) -> (i32)  : i32 {
        %mul3A_257 = arith.constant 8 : i32
        %mul3A_258 = arith.muli %scan3A_255, %mul3A_257 : i32
        %add3A_259 = arith.constant 0 : i32
        %add3A_260 = arith.addi %mul3A_258, %add3A_259 : i32
        %get3A = arith.index_cast %add3A_260 : i32 to index
        %get3A_261 = arith.constant 0 : index
        %get3A_262 = tpu.vector_load %arg6[%get3A, %get3A_261] {strides = array<i32>} : memref<128x64xf32, #tpu.memory_space<vmem>>, vector<1x16xf32>,
        %get3A_263 = vector.shape_cast %get3A_262 : vector<1x16xf32> to vector<16xf32>
        %swap3A = arith.index_cast %add3A_260 : i32 to index
        %swap3A_264 = arith.constant 0 : index
        %swap3A_265 = tpu.vector_load %arg14[%swap3A, %swap3A_264] {strides = array<i32>} : memref<128x64xf32, #tpu.memory_space<vmem>>, vector<1x16xf32>,
        %swap3A_266 = vector.shape_cast %swap3A_265 : vector<1x16xf32> to vector<16xf32>
        %swap3A_267 = vector.shape_cast %get3A_263 : vector<16xf32> to vector<1x16xf32>
        tpu.vector_store %arg14[%swap3A, %swap3A_264], %swap3A_267 {add = true, strides = array<i32>} : memref<128x64xf32, #tpu.memory_space<vmem>>, vector<1x16xf32>,
        %get3A_268 = arith.index_cast %add3A_260 : i32 to index
        %get3A_269 = arith.constant 16 : index
        %get3A_270 = tpu.vector_load %arg6[%get3A_268, %get3A_269] {strides = array<i32>} : memref<128x64xf32, #tpu.memory_space<vmem>>, vector<1x16xf32>,
        %get3A_271 = vector.shape_cast %get3A_270 : vector<1x16xf32> to vector<16xf32>
        %swap3A_272 = arith.index_cast %add3A_260 : i32 to index
        %swap3A_273 = arith.constant 16 : index
        %swap3A_274 = tpu.vector_load %arg14[%swap3A_272, %swap3A_273] {strides = array<i32>} : memref<128x64xf32, #tpu.memory_space<vmem>>, vector<1x16xf32>,
        %swap3A_275 = vector.shape_cast %swap3A_274 : vector<1x16xf32> to vector<16xf32>
        %swap3A_276 = vector.shape_cast %get3A_271 : vector<16xf32> to vector<1x16xf32>
        tpu.vector_store %arg14[%swap3A_272, %swap3A_273], %swap3A_276 {add = true, strides = array<i32>} : memref<128x64xf32, #tpu.memory_space<vmem>>, vector<1x16xf32>,
        %get3A_277 = arith.index_cast %add3A_260 : i32 to index
        %get3A_278 = arith.constant 32 : index
        %get3A_279 = tpu.vector_load %arg6[%get3A_277, %get3A_278] {strides = array<i32>} : memref<128x64xf32, #tpu.memory_space<vmem>>, vector<1x16xf32>,
        %get3A_280 = vector.shape_cast %get3A_279 : vector<1x16xf32> to vector<16xf32>
        %swap3A_281 = arith.index_cast %add3A_260 : i32 to index
        %swap3A_282 = arith.constant 32 : index
        %swap3A_283 = tpu.vector_load %arg14[%swap3A_281, %swap3A_282] {strides = array<i32>} : memref<128x64xf32, #tpu.memory_space<vmem>>, vector<1x16xf32>,
        %swap3A_284 = vector.shape_cast %swap3A_283 : vector<1x16xf32> to vector<16xf32>
        %swap3A_285 = vector.shape_cast %get3A_280 : vector<16xf32> to vector<1x16xf32>
        tpu.vector_store %arg14[%swap3A_281, %swap3A_282], %swap3A_285 {add = true, strides = array<i32>} : memref<128x64xf32, #tpu.memory_space<vmem>>, vector<1x16xf32>,
        %get3A_286 = arith.index_cast %add3A_260 : i32 to index
        %get3A_287 = arith.constant 48 : index
        %get3A_288 = tpu.vector_load %arg6[%get3A_286, %get3A_287] {strides = array<i32>} : memref<128x64xf32, #tpu.memory_space<vmem>>, vector<1x16xf32>,
        %get3A_289 = vector.shape_cast %get3A_288 : vector<1x16xf32> to vector<16xf32>
        %swap3A_290 = arith.index_cast %add3A_260 : i32 to index
        %swap3A_291 = arith.constant 48 : index
        %swap3A_292 = tpu.vector_load %arg14[%swap3A_290, %swap3A_291] {strides = array<i32>} : memref<128x64xf32, #tpu.memory_space<vmem>>, vector<1x16xf32>,
        %swap3A_293 = vector.shape_cast %swap3A_292 : vector<1x16xf32> to vector<16xf32>
        %swap3A_294 = vector.shape_cast %get3A_289 : vector<16xf32> to vector<1x16xf32>
        tpu.vector_store %arg14[%swap3A_290, %swap3A_291], %swap3A_294 {add = true, strides = array<i32>} : memref<128x64xf32, #tpu.memory_space<vmem>>, vector<1x16xf32>,
        %mul3A_295 = arith.constant 8 : i32
        %mul3A_296 = arith.muli %scan3A_255, %mul3A_295 : i32
        %add3A_297 = arith.constant 1 : i32
        %add3A_298 = arith.addi %mul3A_296, %add3A_297 : i32
        %get3A_299 = arith.index_cast %add3A_298 : i32 to index
        %get3A_300 = arith.constant 0 : index
        %get3A_301 = tpu.vector_load %arg6[%get3A_299, %get3A_300] {strides = array<i32>} : memref<128x64xf32, #tpu.memory_space<vmem>>, vector<1x16xf32>,
        %get3A_302 = vector.shape_cast %get3A_301 : vector<1x16xf32> to vector<16xf32>
        %swap3A_303 = arith.index_cast %add3A_298 : i32 to index
        %swap3A_304 = arith.constant 0 : index
        %swap3A_305 = tpu.vector_load %arg14[%swap3A_303, %swap3A_304] {strides = array<i32>} : memref<128x64xf32, #tpu.memory_space<vmem>>, vector<1x16xf32>,
        %swap3A_306 = vector.shape_cast %swap3A_305 : vector<1x16xf32> to vector<16xf32>
        %swap3A_307 = vector.shape_cast %get3A_302 : vector<16xf32> to vector<1x16xf32>
        tpu.vector_store %arg14[%swap3A_303, %swap3A_304], %swap3A_307 {add = true, strides = array<i32>} : memref<128x64xf32, #tpu.memory_space<vmem>>, vector<1x16xf32>,
        %get3A_308 = arith.index_cast %add3A_298 : i32 to index
        %get3A_309 = arith.constant 16 : index
        %get3A_310 = tpu.vector_load %arg6[%get3A_308, %get3A_309] {strides = array<i32>} : memref<128x64xf32, #tpu.memory_space<vmem>>, vector<1x16xf32>,
        %get3A_311 = vector.shape_cast %get3A_310 : vector<1x16xf32> to vector<16xf32>
        %swap3A_312 = arith.index_cast %add3A_298 : i32 to index
        %swap3A_313 = arith.constant 16 : index
        %swap3A_314 = tpu.vector_load %arg14[%swap3A_312, %swap3A_313] {strides = array<i32>} : memref<128x64xf32, #tpu.memory_space<vmem>>, vector<1x16xf32>,
        %swap3A_315 = vector.shape_cast %swap3A_314 : vector<1x16xf32> to vector<16xf32>
        %swap3A_316 = vector.shape_cast %get3A_311 : vector<16xf32> to vector<1x16xf32>
        tpu.vector_store %arg14[%swap3A_312, %swap3A_313], %swap3A_316 {add = true, strides = array<i32>} : memref<128x64xf32, #tpu.memory_space<vmem>>, vector<1x16xf32>,
        %get3A_317 = arith.index_cast %add3A_298 : i32 to index
        %get3A_318 = arith.constant 32 : index
        %get3A_319 = tpu.vector_load %arg6[%get3A_317, %get3A_318] {strides = array<i32>} : memref<128x64xf32, #tpu.memory_space<vmem>>, vector<1x16xf32>,
        %get3A_320 = vector.shape_cast %get3A_319 : vector<1x16xf32> to vector<16xf32>
        %swap3A_321 = arith.index_cast %add3A_298 : i32 to index
        %swap3A_322 = arith.constant 32 : index
        %swap3A_323 = tpu.vector_load %arg14[%swap3A_321, %swap3A_322] {strides = array<i32>} : memref<128x64xf32, #tpu.memory_space<vmem>>, vector<1x16xf32>,
        %swap3A_324 = vector.shape_cast %swap3A_323 : vector<1x16xf32> to vector<16xf32>
        %swap3A_325 = vector.shape_cast %get3A_320 : vector<16xf32> to vector<1x16xf32>
        tpu.vector_store %arg14[%swap3A_321, %swap3A_322], %swap3A_325 {add = true, strides = array<i32>} : memref<128x64xf32, #tpu.memory_space<vmem>>, vector<1x16xf32>,
        %get3A_326 = arith.index_cast %add3A_298 : i32 to index
        %get3A_327 = arith.constant 48 : index
        %get3A_328 = tpu.vector_load %arg6[%get3A_326, %get3A_327] {strides = array<i32>} : memref<128x64xf32, #tpu.memory_space<vmem>>, vector<1x16xf32>,
        %get3A_329 = vector.shape_cast %get3A_328 : vector<1x16xf32> to vector<16xf32>
        %swap3A_330 = arith.index_cast %add3A_298 : i32 to index
        %swap3A_331 = arith.constant 48 : index
        %swap3A_332 = tpu.vector_load %arg14[%swap3A_330, %swap3A_331] {strides = array<i32>} : memref<128x64xf32, #tpu.memory_space<vmem>>, vector<1x16xf32>,
        %swap3A_333 = vector.shape_cast %swap3A_332 : vector<1x16xf32> to vector<16xf32>
        %swap3A_334 = vector.shape_cast %get3A_329 : vector<16xf32> to vector<1x16xf32>
        tpu.vector_store %arg14[%swap3A_330, %swap3A_331], %swap3A_334 {add = true, strides = array<i32>} : memref<128x64xf32, #tpu.memory_space<vmem>>, vector<1x16xf32>,
        %mul3A_335 = arith.constant 8 : i32
        %mul3A_336 = arith.muli %scan3A_255, %mul3A_335 : i32
        %add3A_337 = arith.constant 2 : i32
        %add3A_338 = arith.addi %mul3A_336, %add3A_337 : i32
        %get3A_339 = arith.index_cast %add3A_338 : i32 to index
        %get3A_340 = arith.constant 0 : index
        %get3A_341 = tpu.vector_load %arg6[%get3A_339, %get3A_340] {strides = array<i32>} : memref<128x64xf32, #tpu.memory_space<vmem>>, vector<1x16xf32>,
        %get3A_342 = vector.shape_cast %get3A_341 : vector<1x16xf32> to vector<16xf32>
        %swap3A_343 = arith.index_cast %add3A_338 : i32 to index
        %swap3A_344 = arith.constant 0 : index
        %swap3A_345 = tpu.vector_load %arg14[%swap3A_343, %swap3A_344] {strides = array<i32>} : memref<128x64xf32, #tpu.memory_space<vmem>>, vector<1x16xf32>,
        %swap3A_346 = vector.shape_cast %swap3A_345 : vector<1x16xf32> to vector<16xf32>
        %swap3A_347 = vector.shape_cast %get3A_342 : vector<16xf32> to vector<1x16xf32>
        tpu.vector_store %arg14[%swap3A_343, %swap3A_344], %swap3A_347 {add = true, strides = array<i32>} : memref<128x64xf32, #tpu.memory_space<vmem>>, vector<1x16xf32>,
        %get3A_348 = arith.index_cast %add3A_338 : i32 to index
        %get3A_349 = arith.constant 16 : index
        %get3A_350 = tpu.vector_load %arg6[%get3A_348, %get3A_349] {strides = array<i32>} : memref<128x64xf32, #tpu.memory_space<vmem>>, vector<1x16xf32>,
        %get3A_351 = vector.shape_cast %get3A_350 : vector<1x16xf32> to vector<16xf32>
        %swap3A_352 = arith.index_cast %add3A_338 : i32 to index
        %swap3A_353 = arith.constant 16 : index
        %swap3A_354 = tpu.vector_load %arg14[%swap3A_352, %swap3A_353] {strides = array<i32>} : memref<128x64xf32, #tpu.memory_space<vmem>>, vector<1x16xf32>,
        %swap3A_355 = vector.shape_cast %swap3A_354 : vector<1x16xf32> to vector<16xf32>
        %swap3A_356 = vector.shape_cast %get3A_351 : vector<16xf32> to vector<1x16xf32>
        tpu.vector_store %arg14[%swap3A_352, %swap3A_353], %swap3A_356 {add = true, strides = array<i32>} : memref<128x64xf32, #tpu.memory_space<vmem>>, vector<1x16xf32>,
        %get3A_357 = arith.index_cast %add3A_338 : i32 to index
        %get3A_358 = arith.constant 32 : index
        %get3A_359 = tpu.vector_load %arg6[%get3A_357, %get3A_358] {strides = array<i32>} : memref<128x64xf32, #tpu.memory_space<vmem>>, vector<1x16xf32>,
        %get3A_360 = vector.shape_cast %get3A_359 : vector<1x16xf32> to vector<16xf32>
        %swap3A_361 = arith.index_cast %add3A_338 : i32 to index
        %swap3A_362 = arith.constant 32 : index
        %swap3A_363 = tpu.vector_load %arg14[%swap3A_361, %swap3A_362] {strides = array<i32>} : memref<128x64xf32, #tpu.memory_space<vmem>>, vector<1x16xf32>,
        %swap3A_364 = vector.shape_cast %swap3A_363 : vector<1x16xf32> to vector<16xf32>
        %swap3A_365 = vector.shape_cast %get3A_360 : vector<16xf32> to vector<1x16xf32>
        tpu.vector_store %arg14[%swap3A_361, %swap3A_362], %swap3A_365 {add = true, strides = array<i32>} : memref<128x64xf32, #tpu.memory_space<vmem>>, vector<1x16xf32>,
        %get3A_366 = arith.index_cast %add3A_338 : i32 to index
        %get3A_367 = arith.constant 48 : index
        %get3A_368 = tpu.vector_load %arg6[%get3A_366, %get3A_367] {strides = array<i32>} : memref<128x64xf32, #tpu.memory_space<vmem>>, vector<1x16xf32>,
        %get3A_369 = vector.shape_cast %get3A_368 : vector<1x16xf32> to vector<16xf32>
        %swap3A_370 = arith.index_cast %add3A_338 : i32 to index
        %swap3A_371 = arith.constant 48 : index
        %swap3A_372 = tpu.vector_load %arg14[%swap3A_370, %swap3A_371] {strides = array<i32>} : memref<128x64xf32, #tpu.memory_space<vmem>>, vector<1x16xf32>,
        %swap3A_373 = vector.shape_cast %swap3A_372 : vector<1x16xf32> to vector<16xf32>
        %swap3A_374 = vector.shape_cast %get3A_369 : vector<16xf32> to vector<1x16xf32>
        tpu.vector_store %arg14[%swap3A_370, %swap3A_371], %swap3A_374 {add = true, strides = array<i32>} : memref<128x64xf32, #tpu.memory_space<vmem>>, vector<1x16xf32>,
        %mul3A_375 = arith.constant 8 : i32
        %mul3A_376 = arith.muli %scan3A_255, %mul3A_375 : i32
        %add3A_377 = arith.constant 3 : i32
        %add3A_378 = arith.addi %mul3A_376, %add3A_377 : i32
        %get3A_379 = arith.index_cast %add3A_378 : i32 to index
        %get3A_380 = arith.constant 0 : index
        %get3A_381 = tpu.vector_load %arg6[%get3A_379, %get3A_380] {strides = array<i32>} : memref<128x64xf32, #tpu.memory_space<vmem>>, vector<1x16xf32>,
        %get3A_382 = vector.shape_cast %get3A_381 : vector<1x16xf32> to vector<16xf32>
        %swap3A_383 = arith.index_cast %add3A_378 : i32 to index
        %swap3A_384 = arith.constant 0 : index
        %swap3A_385 = tpu.vector_load %arg14[%swap3A_383, %swap3A_384] {strides = array<i32>} : memref<128x64xf32, #tpu.memory_space<vmem>>, vector<1x16xf32>,
        %swap3A_386 = vector.shape_cast %swap3A_385 : vector<1x16xf32> to vector<16xf32>
        %swap3A_387 = vector.shape_cast %get3A_382 : vector<16xf32> to vector<1x16xf32>
        tpu.vector_store %arg14[%swap3A_383, %swap3A_384], %swap3A_387 {add = true, strides = array<i32>} : memref<128x64xf32, #tpu.memory_space<vmem>>, vector<1x16xf32>,
        %get3A_388 = arith.index_cast %add3A_378 : i32 to index
        %get3A_389 = arith.constant 16 : index
        %get3A_390 = tpu.vector_load %arg6[%get3A_388, %get3A_389] {strides = array<i32>} : memref<128x64xf32, #tpu.memory_space<vmem>>, vector<1x16xf32>,
        %get3A_391 = vector.shape_cast %get3A_390 : vector<1x16xf32> to vector<16xf32>
        %swap3A_392 = arith.index_cast %add3A_378 : i32 to index
        %swap3A_393 = arith.constant 16 : index
        %swap3A_394 = tpu.vector_load %arg14[%swap3A_392, %swap3A_393] {strides = array<i32>} : memref<128x64xf32, #tpu.memory_space<vmem>>, vector<1x16xf32>,
        %swap3A_395 = vector.shape_cast %swap3A_394 : vector<1x16xf32> to vector<16xf32>
        %swap3A_396 = vector.shape_cast %get3A_391 : vector<16xf32> to vector<1x16xf32>
        tpu.vector_store %arg14[%swap3A_392, %swap3A_393], %swap3A_396 {add = true, strides = array<i32>} : memref<128x64xf32, #tpu.memory_space<vmem>>, vector<1x16xf32>,
        %get3A_397 = arith.index_cast %add3A_378 : i32 to index
        %get3A_398 = arith.constant 32 : index
        %get3A_399 = tpu.vector_load %arg6[%get3A_397, %get3A_398] {strides = array<i32>} : memref<128x64xf32, #tpu.memory_space<vmem>>, vector<1x16xf32>,
        %get3A_400 = vector.shape_cast %get3A_399 : vector<1x16xf32> to vector<16xf32>
        %swap3A_401 = arith.index_cast %add3A_378 : i32 to index
        %swap3A_402 = arith.constant 32 : index
        %swap3A_403 = tpu.vector_load %arg14[%swap3A_401, %swap3A_402] {strides = array<i32>} : memref<128x64xf32, #tpu.memory_space<vmem>>, vector<1x16xf32>,
        %swap3A_404 = vector.shape_cast %swap3A_403 : vector<1x16xf32> to vector<16xf32>
        %swap3A_405 = vector.shape_cast %get3A_400 : vector<16xf32> to vector<1x16xf32>
        tpu.vector_store %arg14[%swap3A_401, %swap3A_402], %swap3A_405 {add = true, strides = array<i32>} : memref<128x64xf32, #tpu.memory_space<vmem>>, vector<1x16xf32>,
        %get3A_406 = arith.index_cast %add3A_378 : i32 to index
        %get3A_407 = arith.constant 48 : index
        %get3A_408 = tpu.vector_load %arg6[%get3A_406, %get3A_407] {strides = array<i32>} : memref<128x64xf32, #tpu.memory_space<vmem>>, vector<1x16xf32>,
        %get3A_409 = vector.shape_cast %get3A_408 : vector<1x16xf32> to vector<16xf32>
        %swap3A_410 = arith.index_cast %add3A_378 : i32 to index
        %swap3A_411 = arith.constant 48 : index
        %swap3A_412 = tpu.vector_load %arg14[%swap3A_410, %swap3A_411] {strides = array<i32>} : memref<128x64xf32, #tpu.memory_space<vmem>>, vector<1x16xf32>,
        %swap3A_413 = vector.shape_cast %swap3A_412 : vector<1x16xf32> to vector<16xf32>
        %swap3A_414 = vector.shape_cast %get3A_409 : vector<16xf32> to vector<1x16xf32>
        tpu.vector_store %arg14[%swap3A_410, %swap3A_411], %swap3A_414 {add = true, strides = array<i32>} : memref<128x64xf32, #tpu.memory_space<vmem>>, vector<1x16xf32>,
        %mul3A_415 = arith.constant 8 : i32
        %mul3A_416 = arith.muli %scan3A_255, %mul3A_415 : i32
        %add3A_417 = arith.constant 4 : i32
        %add3A_418 = arith.addi %mul3A_416, %add3A_417 : i32
        %get3A_419 = arith.index_cast %add3A_418 : i32 to index
        %get3A_420 = arith.constant 0 : index
        %get3A_421 = tpu.vector_load %arg6[%get3A_419, %get3A_420] {strides = array<i32>} : memref<128x64xf32, #tpu.memory_space<vmem>>, vector<1x16xf32>,
        %get3A_422 = vector.shape_cast %get3A_421 : vector<1x16xf32> to vector<16xf32>
        %swap3A_423 = arith.index_cast %add3A_418 : i32 to index
        %swap3A_424 = arith.constant 0 : index
        %swap3A_425 = tpu.vector_load %arg14[%swap3A_423, %swap3A_424] {strides = array<i32>} : memref<128x64xf32, #tpu.memory_space<vmem>>, vector<1x16xf32>,
        %swap3A_426 = vector.shape_cast %swap3A_425 : vector<1x16xf32> to vector<16xf32>
        %swap3A_427 = vector.shape_cast %get3A_422 : vector<16xf32> to vector<1x16xf32>
        tpu.vector_store %arg14[%swap3A_423, %swap3A_424], %swap3A_427 {add = true, strides = array<i32>} : memref<128x64xf32, #tpu.memory_space<vmem>>, vector<1x16xf32>,
        %get3A_428 = arith.index_cast %add3A_418 : i32 to index
        %get3A_429 = arith.constant 16 : index
        %get3A_430 = tpu.vector_load %arg6[%get3A_428, %get3A_429] {strides = array<i32>} : memref<128x64xf32, #tpu.memory_space<vmem>>, vector<1x16xf32>,
        %get3A_431 = vector.shape_cast %get3A_430 : vector<1x16xf32> to vector<16xf32>
        %swap3A_432 = arith.index_cast %add3A_418 : i32 to index
        %swap3A_433 = arith.constant 16 : index
        %swap3A_434 = tpu.vector_load %arg14[%swap3A_432, %swap3A_433] {strides = array<i32>} : memref<128x64xf32, #tpu.memory_space<vmem>>, vector<1x16xf32>,
        %swap3A_435 = vector.shape_cast %swap3A_434 : vector<1x16xf32> to vector<16xf32>
        %swap3A_436 = vector.shape_cast %get3A_431 : vector<16xf32> to vector<1x16xf32>
        tpu.vector_store %arg14[%swap3A_432, %swap3A_433], %swap3A_436 {add = true, strides = array<i32>} : memref<128x64xf32, #tpu.memory_space<vmem>>, vector<1x16xf32>,
        %get3A_437 = arith.index_cast %add3A_418 : i32 to index
        %get3A_438 = arith.constant 32 : index
        %get3A_439 = tpu.vector_load %arg6[%get3A_437, %get3A_438] {strides = array<i32>} : memref<128x64xf32, #tpu.memory_space<vmem>>, vector<1x16xf32>,
        %get3A_440 = vector.shape_cast %get3A_439 : vector<1x16xf32> to vector<16xf32>
        %swap3A_441 = arith.index_cast %add3A_418 : i32 to index
        %swap3A_442 = arith.constant 32 : index
        %swap3A_443 = tpu.vector_load %arg14[%swap3A_441, %swap3A_442] {strides = array<i32>} : memref<128x64xf32, #tpu.memory_space<vmem>>, vector<1x16xf32>,
        %swap3A_444 = vector.shape_cast %swap3A_443 : vector<1x16xf32> to vector<16xf32>
        %swap3A_445 = vector.shape_cast %get3A_440 : vector<16xf32> to vector<1x16xf32>
        tpu.vector_store %arg14[%swap3A_441, %swap3A_442], %swap3A_445 {add = true, strides = array<i32>} : memref<128x64xf32, #tpu.memory_space<vmem>>, vector<1x16xf32>,
        %get3A_446 = arith.index_cast %add3A_418 : i32 to index
        %get3A_447 = arith.constant 48 : index
        %get3A_448 = tpu.vector_load %arg6[%get3A_446, %get3A_447] {strides = array<i32>} : memref<128x64xf32, #tpu.memory_space<vmem>>, vector<1x16xf32>,
        %get3A_449 = vector.shape_cast %get3A_448 : vector<1x16xf32> to vector<16xf32>
        %swap3A_450 = arith.index_cast %add3A_418 : i32 to index
        %swap3A_451 = arith.constant 48 : index
        %swap3A_452 = tpu.vector_load %arg14[%swap3A_450, %swap3A_451] {strides = array<i32>} : memref<128x64xf32, #tpu.memory_space<vmem>>, vector<1x16xf32>,
        %swap3A_453 = vector.shape_cast %swap3A_452 : vector<1x16xf32> to vector<16xf32>
        %swap3A_454 = vector.shape_cast %get3A_449 : vector<16xf32> to vector<1x16xf32>
        tpu.vector_store %arg14[%swap3A_450, %swap3A_451], %swap3A_454 {add = true, strides = array<i32>} : memref<128x64xf32, #tpu.memory_space<vmem>>, vector<1x16xf32>,
        %mul3A_455 = arith.constant 8 : i32
        %mul3A_456 = arith.muli %scan3A_255, %mul3A_455 : i32
        %add3A_457 = arith.constant 5 : i32
        %add3A_458 = arith.addi %mul3A_456, %add3A_457 : i32
        %get3A_459 = arith.index_cast %add3A_458 : i32 to index
        %get3A_460 = arith.constant 0 : index
        %get3A_461 = tpu.vector_load %arg6[%get3A_459, %get3A_460] {strides = array<i32>} : memref<128x64xf32, #tpu.memory_space<vmem>>, vector<1x16xf32>,
        %get3A_462 = vector.shape_cast %get3A_461 : vector<1x16xf32> to vector<16xf32>
        %swap3A_463 = arith.index_cast %add3A_458 : i32 to index
        %swap3A_464 = arith.constant 0 : index
        %swap3A_465 = tpu.vector_load %arg14[%swap3A_463, %swap3A_464] {strides = array<i32>} : memref<128x64xf32, #tpu.memory_space<vmem>>, vector<1x16xf32>,
        %swap3A_466 = vector.shape_cast %swap3A_465 : vector<1x16xf32> to vector<16xf32>
        %swap3A_467 = vector.shape_cast %get3A_462 : vector<16xf32> to vector<1x16xf32>
        tpu.vector_store %arg14[%swap3A_463, %swap3A_464], %swap3A_467 {add = true, strides = array<i32>} : memref<128x64xf32, #tpu.memory_space<vmem>>, vector<1x16xf32>,
        %get3A_468 = arith.index_cast %add3A_458 : i32 to index
        %get3A_469 = arith.constant 16 : index
        %get3A_470 = tpu.vector_load %arg6[%get3A_468, %get3A_469] {strides = array<i32>} : memref<128x64xf32, #tpu.memory_space<vmem>>, vector<1x16xf32>,
        %get3A_471 = vector.shape_cast %get3A_470 : vector<1x16xf32> to vector<16xf32>
        %swap3A_472 = arith.index_cast %add3A_458 : i32 to index
        %swap3A_473 = arith.constant 16 : index
        %swap3A_474 = tpu.vector_load %arg14[%swap3A_472, %swap3A_473] {strides = array<i32>} : memref<128x64xf32, #tpu.memory_space<vmem>>, vector<1x16xf32>,
        %swap3A_475 = vector.shape_cast %swap3A_474 : vector<1x16xf32> to vector<16xf32>
        %swap3A_476 = vector.shape_cast %get3A_471 : vector<16xf32> to vector<1x16xf32>
        tpu.vector_store %arg14[%swap3A_472, %swap3A_473], %swap3A_476 {add = true, strides = array<i32>} : memref<128x64xf32, #tpu.memory_space<vmem>>, vector<1x16xf32>,
        %get3A_477 = arith.index_cast %add3A_458 : i32 to index
        %get3A_478 = arith.constant 32 : index
        %get3A_479 = tpu.vector_load %arg6[%get3A_477, %get3A_478] {strides = array<i32>} : memref<128x64xf32, #tpu.memory_space<vmem>>, vector<1x16xf32>,
        %get3A_480 = vector.shape_cast %get3A_479 : vector<1x16xf32> to vector<16xf32>
        %swap3A_481 = arith.index_cast %add3A_458 : i32 to index
        %swap3A_482 = arith.constant 32 : index
        %swap3A_483 = tpu.vector_load %arg14[%swap3A_481, %swap3A_482] {strides = array<i32>} : memref<128x64xf32, #tpu.memory_space<vmem>>, vector<1x16xf32>,
        %swap3A_484 = vector.shape_cast %swap3A_483 : vector<1x16xf32> to vector<16xf32>
        %swap3A_485 = vector.shape_cast %get3A_480 : vector<16xf32> to vector<1x16xf32>
        tpu.vector_store %arg14[%swap3A_481, %swap3A_482], %swap3A_485 {add = true, strides = array<i32>} : memref<128x64xf32, #tpu.memory_space<vmem>>, vector<1x16xf32>,
        %get3A_486 = arith.index_cast %add3A_458 : i32 to index
        %get3A_487 = arith.constant 48 : index
        %get3A_488 = tpu.vector_load %arg6[%get3A_486, %get3A_487] {strides = array<i32>} : memref<128x64xf32, #tpu.memory_space<vmem>>, vector<1x16xf32>,
        %get3A_489 = vector.shape_cast %get3A_488 : vector<1x16xf32> to vector<16xf32>
        %swap3A_490 = arith.index_cast %add3A_458 : i32 to index
        %swap3A_491 = arith.constant 48 : index
        %swap3A_492 = tpu.vector_load %arg14[%swap3A_490, %swap3A_491] {strides = array<i32>} : memref<128x64xf32, #tpu.memory_space<vmem>>, vector<1x16xf32>,
        %swap3A_493 = vector.shape_cast %swap3A_492 : vector<1x16xf32> to vector<16xf32>
        %swap3A_494 = vector.shape_cast %get3A_489 : vector<16xf32> to vector<1x16xf32>
        tpu.vector_store %arg14[%swap3A_490, %swap3A_491], %swap3A_494 {add = true, strides = array<i32>} : memref<128x64xf32, #tpu.memory_space<vmem>>, vector<1x16xf32>,
        %mul3A_495 = arith.constant 8 : i32
        %mul3A_496 = arith.muli %scan3A_255, %mul3A_495 : i32
        %add3A_497 = arith.constant 6 : i32
        %add3A_498 = arith.addi %mul3A_496, %add3A_497 : i32
        %get3A_499 = arith.index_cast %add3A_498 : i32 to index
        %get3A_500 = arith.constant 0 : index
        %get3A_501 = tpu.vector_load %arg6[%get3A_499, %get3A_500] {strides = array<i32>} : memref<128x64xf32, #tpu.memory_space<vmem>>, vector<1x16xf32>,
        %get3A_502 = vector.shape_cast %get3A_501 : vector<1x16xf32> to vector<16xf32>
        %swap3A_503 = arith.index_cast %add3A_498 : i32 to index
        %swap3A_504 = arith.constant 0 : index
        %swap3A_505 = tpu.vector_load %arg14[%swap3A_503, %swap3A_504] {strides = array<i32>} : memref<128x64xf32, #tpu.memory_space<vmem>>, vector<1x16xf32>,
        %swap3A_506 = vector.shape_cast %swap3A_505 : vector<1x16xf32> to vector<16xf32>
        %swap3A_507 = vector.shape_cast %get3A_502 : vector<16xf32> to vector<1x16xf32>
        tpu.vector_store %arg14[%swap3A_503, %swap3A_504], %swap3A_507 {add = true, strides = array<i32>} : memref<128x64xf32, #tpu.memory_space<vmem>>, vector<1x16xf32>,
        %get3A_508 = arith.index_cast %add3A_498 : i32 to index
        %get3A_509 = arith.constant 16 : index
        %get3A_510 = tpu.vector_load %arg6[%get3A_508, %get3A_509] {strides = array<i32>} : memref<128x64xf32, #tpu.memory_space<vmem>>, vector<1x16xf32>,
        %get3A_511 = vector.shape_cast %get3A_510 : vector<1x16xf32> to vector<16xf32>
        %swap3A_512 = arith.index_cast %add3A_498 : i32 to index
        %swap3A_513 = arith.constant 16 : index
        %swap3A_514 = tpu.vector_load %arg14[%swap3A_512, %swap3A_513] {strides = array<i32>} : memref<128x64xf32, #tpu.memory_space<vmem>>, vector<1x16xf32>,
        %swap3A_515 = vector.shape_cast %swap3A_514 : vector<1x16xf32> to vector<16xf32>
        %swap3A_516 = vector.shape_cast %get3A_511 : vector<16xf32> to vector<1x16xf32>
        tpu.vector_store %arg14[%swap3A_512, %swap3A_513], %swap3A_516 {add = true, strides = array<i32>} : memref<128x64xf32, #tpu.memory_space<vmem>>, vector<1x16xf32>,
        %get3A_517 = arith.index_cast %add3A_498 : i32 to index
        %get3A_518 = arith.constant 32 : index
        %get3A_519 = tpu.vector_load %arg6[%get3A_517, %get3A_518] {strides = array<i32>} : memref<128x64xf32, #tpu.memory_space<vmem>>, vector<1x16xf32>,
        %get3A_520 = vector.shape_cast %get3A_519 : vector<1x16xf32> to vector<16xf32>
        %swap3A_521 = arith.index_cast %add3A_498 : i32 to index
        %swap3A_522 = arith.constant 32 : index
        %swap3A_523 = tpu.vector_load %arg14[%swap3A_521, %swap3A_522] {strides = array<i32>} : memref<128x64xf32, #tpu.memory_space<vmem>>, vector<1x16xf32>,
        %swap3A_524 = vector.shape_cast %swap3A_523 : vector<1x16xf32> to vector<16xf32>
        %swap3A_525 = vector.shape_cast %get3A_520 : vector<16xf32> to vector<1x16xf32>
        tpu.vector_store %arg14[%swap3A_521, %swap3A_522], %swap3A_525 {add = true, strides = array<i32>} : memref<128x64xf32, #tpu.memory_space<vmem>>, vector<1x16xf32>,
        %get3A_526 = arith.index_cast %add3A_498 : i32 to index
        %get3A_527 = arith.constant 48 : index
        %get3A_528 = tpu.vector_load %arg6[%get3A_526, %get3A_527] {strides = array<i32>} : memref<128x64xf32, #tpu.memory_space<vmem>>, vector<1x16xf32>,
        %get3A_529 = vector.shape_cast %get3A_528 : vector<1x16xf32> to vector<16xf32>
        %swap3A_530 = arith.index_cast %add3A_498 : i32 to index
        %swap3A_531 = arith.constant 48 : index
        %swap3A_532 = tpu.vector_load %arg14[%swap3A_530, %swap3A_531] {strides = array<i32>} : memref<128x64xf32, #tpu.memory_space<vmem>>, vector<1x16xf32>,
        %swap3A_533 = vector.shape_cast %swap3A_532 : vector<1x16xf32> to vector<16xf32>
        %swap3A_534 = vector.shape_cast %get3A_529 : vector<16xf32> to vector<1x16xf32>
        tpu.vector_store %arg14[%swap3A_530, %swap3A_531], %swap3A_534 {add = true, strides = array<i32>} : memref<128x64xf32, #tpu.memory_space<vmem>>, vector<1x16xf32>,
        %mul3A_535 = arith.constant 8 : i32
        %mul3A_536 = arith.muli %scan3A_255, %mul3A_535 : i32
        %add3A_537 = arith.constant 7 : i32
        %add3A_538 = arith.addi %mul3A_536, %add3A_537 : i32
        %get3A_539 = arith.index_cast %add3A_538 : i32 to index
        %get3A_540 = arith.constant 0 : index
        %get3A_541 = tpu.vector_load %arg6[%get3A_539, %get3A_540] {strides = array<i32>} : memref<128x64xf32, #tpu.memory_space<vmem>>, vector<1x16xf32>,
        %get3A_542 = vector.shape_cast %get3A_541 : vector<1x16xf32> to vector<16xf32>
        %swap3A_543 = arith.index_cast %add3A_538 : i32 to index
        %swap3A_544 = arith.constant 0 : index
        %swap3A_545 = tpu.vector_load %arg14[%swap3A_543, %swap3A_544] {strides = array<i32>} : memref<128x64xf32, #tpu.memory_space<vmem>>, vector<1x16xf32>,
        %swap3A_546 = vector.shape_cast %swap3A_545 : vector<1x16xf32> to vector<16xf32>
        %swap3A_547 = vector.shape_cast %get3A_542 : vector<16xf32> to vector<1x16xf32>
        tpu.vector_store %arg14[%swap3A_543, %swap3A_544], %swap3A_547 {add = true, strides = array<i32>} : memref<128x64xf32, #tpu.memory_space<vmem>>, vector<1x16xf32>,
        %get3A_548 = arith.index_cast %add3A_538 : i32 to index
        %get3A_549 = arith.constant 16 : index
        %get3A_550 = tpu.vector_load %arg6[%get3A_548, %get3A_549] {strides = array<i32>} : memref<128x64xf32, #tpu.memory_space<vmem>>, vector<1x16xf32>,
        %get3A_551 = vector.shape_cast %get3A_550 : vector<1x16xf32> to vector<16xf32>
        %swap3A_552 = arith.index_cast %add3A_538 : i32 to index
        %swap3A_553 = arith.constant 16 : index
        %swap3A_554 = tpu.vector_load %arg14[%swap3A_552, %swap3A_553] {strides = array<i32>} : memref<128x64xf32, #tpu.memory_space<vmem>>, vector<1x16xf32>,
        %swap3A_555 = vector.shape_cast %swap3A_554 : vector<1x16xf32> to vector<16xf32>
        %swap3A_556 = vector.shape_cast %get3A_551 : vector<16xf32> to vector<1x16xf32>
        tpu.vector_store %arg14[%swap3A_552, %swap3A_553], %swap3A_556 {add = true, strides = array<i32>} : memref<128x64xf32, #tpu.memory_space<vmem>>, vector<1x16xf32>,
        %get3A_557 = arith.index_cast %add3A_538 : i32 to index
        %get3A_558 = arith.constant 32 : index
        %get3A_559 = tpu.vector_load %arg6[%get3A_557, %get3A_558] {strides = array<i32>} : memref<128x64xf32, #tpu.memory_space<vmem>>, vector<1x16xf32>,
        %get3A_560 = vector.shape_cast %get3A_559 : vector<1x16xf32> to vector<16xf32>
        %swap3A_561 = arith.index_cast %add3A_538 : i32 to index
        %swap3A_562 = arith.constant 32 : index
        %swap3A_563 = tpu.vector_load %arg14[%swap3A_561, %swap3A_562] {strides = array<i32>} : memref<128x64xf32, #tpu.memory_space<vmem>>, vector<1x16xf32>,
        %swap3A_564 = vector.shape_cast %swap3A_563 : vector<1x16xf32> to vector<16xf32>
        %swap3A_565 = vector.shape_cast %get3A_560 : vector<16xf32> to vector<1x16xf32>
        tpu.vector_store %arg14[%swap3A_561, %swap3A_562], %swap3A_565 {add = true, strides = array<i32>} : memref<128x64xf32, #tpu.memory_space<vmem>>, vector<1x16xf32>,
        %get3A_566 = arith.index_cast %add3A_538 : i32 to index
        %get3A_567 = arith.constant 48 : index
        %get3A_568 = tpu.vector_load %arg6[%get3A_566, %get3A_567] {strides = array<i32>} : memref<128x64xf32, #tpu.memory_space<vmem>>, vector<1x16xf32>,
        %get3A_569 = vector.shape_cast %get3A_568 : vector<1x16xf32> to vector<16xf32>
        %swap3A_570 = arith.index_cast %add3A_538 : i32 to index
        %swap3A_571 = arith.constant 48 : index
        %swap3A_572 = tpu.vector_load %arg14[%swap3A_570, %swap3A_571] {strides = array<i32>} : memref<128x64xf32, #tpu.memory_space<vmem>>, vector<1x16xf32>,
        %swap3A_573 = vector.shape_cast %swap3A_572 : vector<1x16xf32> to vector<16xf32>
        %swap3A_574 = vector.shape_cast %get3A_569 : vector<16xf32> to vector<1x16xf32>
        tpu.vector_store %arg14[%swap3A_570, %swap3A_571], %swap3A_574 {add = true, strides = array<i32>} : memref<128x64xf32, #tpu.memory_space<vmem>>, vector<1x16xf32>,
        %scan3A_575 = arith.constant 0 : i32
        scf.yield %scan3A_575 : i32
      }
      %scan3A_95 = arith.constant 16 : i32
      %add3A_96 = arith.constant 8 : i32
      %add3A_97 = arith.addi %add3A_83, %add3A_96 : i32
      %lt3A = arith.constant 200 : i32
      %lt3A_98 = arith.cmpi slt, %add3A_97, %lt3A : i32
      %convert_element_type3A = arith.extui %lt3A_98 : i1 to i32
      %cond3A = arith.constant 0 : i32
      %cond3A_99 = arith.cmpi ne, %convert_element_type3A, %cond3A : i32
      scf.if %cond3A_99 {
        %add3A_255 = arith.constant 8 : i32
        %add3A_256 = arith.addi %add3A_83, %add3A_255 : i32
        %dma_start3A_257 = arith.constant 0 : i32
        %dma_start3A_258 = tpu.memref_slice %arg5[%add3A_256, %dma_start3A_257] : memref<200x128xi32, #tpu.memory_space<vmem>> -> memref<1x128xi32, #tpu.memory_space<vmem>>
        %dma_start3A_259 = tpu.memref_squeeze %dma_start3A_258 : memref<1x128xi32, #tpu.memory_space<vmem>> -> memref<128xi32, #tpu.memory_space<vmem>>
        %dma_start3A_260 = arith.constant 0 : i32
        %dma_start3A_261 = arith.constant 0 : i32
        %dma_start3A_262 = tpu.memref_slice %arg3[%dma_start3A_260, %dma_start3A_261] : memref<1015808x64xf32, #tpu.memory_space<hbm>> -> memref<1015808x64xf32, #tpu.memory_space<hbm>>
        tpu.enqueue_indirect_dma source(%dma_start3A_262 : memref<1015808x64xf32, #tpu.memory_space<hbm>>) target(%arg6 : memref<128x64xf32, #tpu.memory_space<vmem>>) offsets(%dma_start3A_259 : memref<128xi32, #tpu.memory_space<vmem>>) semaphore(%arg15 : memref<!tpu.dma_semaphore, #tpu.memory_space<semaphore_mem>>)
      } else {
      }
      %add3A_100 = arith.constant 1 : i32
      %add3A_101 = arith.addi %mul3A_81, %add3A_100 : i32
      %dma_wait3A_102 = arith.constant 0 : i32
      %dma_wait3A_103 = tpu.memref_slice %arg5[%add3A_101, %dma_wait3A_102] : memref<200x128xi32, #tpu.memory_space<vmem>> -> memref<1x128xi32, #tpu.memory_space<vmem>>
      %dma_wait3A_104 = tpu.memref_squeeze %dma_wait3A_103 : memref<1x128xi32, #tpu.memory_space<vmem>> -> memref<128xi32, #tpu.memory_space<vmem>>
      %dma_wait3A_105 = arith.constant 0 : i32
      %dma_wait3A_106 = arith.constant 0 : i32
      %dma_wait3A_107 = tpu.memref_slice %arg3[%dma_wait3A_105, %dma_wait3A_106] : memref<1015808x64xf32, #tpu.memory_space<hbm>> -> memref<1015808x64xf32, #tpu.memory_space<hbm>>
      tpu.wait_indirect_dma semaphore(%arg16 : memref<!tpu.dma_semaphore, #tpu.memory_space<semaphore_mem>>) src(%dma_wait3A_107 : memref<1015808x64xf32, #tpu.memory_space<hbm>>) dst(%arg7 : memref<128x64xf32, #tpu.memory_space<vmem>>)
      %scan3A_108 = arith.constant 0 : i32
      %scan3A_109 = arith.constant 0 : i32
      %scan3A_110 = arith.constant 16 : i32
      %scan3A_111 = arith.addi %scan3A_109, %scan3A_110 : i32
      %scan3A_112 = arith.constant 1 : i32
      %scan3A_113 = scf.for %scan3A_255 = %scan3A_109 to %scan3A_111 step %scan3A_112 iter_args(%scan3A_256 = %scan3A_108) -> (i32)  : i32 {
        %mul3A_257 = arith.constant 8 : i32
        %mul3A_258 = arith.muli %scan3A_255, %mul3A_257 : i32
        %add3A_259 = arith.constant 0 : i32
        %add3A_260 = arith.addi %mul3A_258, %add3A_259 : i32
        %get3A = arith.index_cast %add3A_260 : i32 to index
        %get3A_261 = arith.constant 0 : index
        %get3A_262 = tpu.vector_load %arg7[%get3A, %get3A_261] {strides = array<i32>} : memref<128x64xf32, #tpu.memory_space<vmem>>, vector<1x16xf32>,
        %get3A_263 = vector.shape_cast %get3A_262 : vector<1x16xf32> to vector<16xf32>
        %swap3A = arith.index_cast %add3A_260 : i32 to index
        %swap3A_264 = arith.constant 0 : index
        %swap3A_265 = tpu.vector_load %arg14[%swap3A, %swap3A_264] {strides = array<i32>} : memref<128x64xf32, #tpu.memory_space<vmem>>, vector<1x16xf32>,
        %swap3A_266 = vector.shape_cast %swap3A_265 : vector<1x16xf32> to vector<16xf32>
        %swap3A_267 = vector.shape_cast %get3A_263 : vector<16xf32> to vector<1x16xf32>
        tpu.vector_store %arg14[%swap3A, %swap3A_264], %swap3A_267 {add = true, strides = array<i32>} : memref<128x64xf32, #tpu.memory_space<vmem>>, vector<1x16xf32>,
        %get3A_268 = arith.index_cast %add3A_260 : i32 to index
        %get3A_269 = arith.constant 16 : index
        %get3A_270 = tpu.vector_load %arg7[%get3A_268, %get3A_269] {strides = array<i32>} : memref<128x64xf32, #tpu.memory_space<vmem>>, vector<1x16xf32>,
        %get3A_271 = vector.shape_cast %get3A_270 : vector<1x16xf32> to vector<16xf32>
        %swap3A_272 = arith.index_cast %add3A_260 : i32 to index
        %swap3A_273 = arith.constant 16 : index
        %swap3A_274 = tpu.vector_load %arg14[%swap3A_272, %swap3A_273] {strides = array<i32>} : memref<128x64xf32, #tpu.memory_space<vmem>>, vector<1x16xf32>,
        %swap3A_275 = vector.shape_cast %swap3A_274 : vector<1x16xf32> to vector<16xf32>
        %swap3A_276 = vector.shape_cast %get3A_271 : vector<16xf32> to vector<1x16xf32>
        tpu.vector_store %arg14[%swap3A_272, %swap3A_273], %swap3A_276 {add = true, strides = array<i32>} : memref<128x64xf32, #tpu.memory_space<vmem>>, vector<1x16xf32>,
        %get3A_277 = arith.index_cast %add3A_260 : i32 to index
        %get3A_278 = arith.constant 32 : index
        %get3A_279 = tpu.vector_load %arg7[%get3A_277, %get3A_278] {strides = array<i32>} : memref<128x64xf32, #tpu.memory_space<vmem>>, vector<1x16xf32>,
        %get3A_280 = vector.shape_cast %get3A_279 : vector<1x16xf32> to vector<16xf32>
        %swap3A_281 = arith.index_cast %add3A_260 : i32 to index
        %swap3A_282 = arith.constant 32 : index
        %swap3A_283 = tpu.vector_load %arg14[%swap3A_281, %swap3A_282] {strides = array<i32>} : memref<128x64xf32, #tpu.memory_space<vmem>>, vector<1x16xf32>,
        %swap3A_284 = vector.shape_cast %swap3A_283 : vector<1x16xf32> to vector<16xf32>
        %swap3A_285 = vector.shape_cast %get3A_280 : vector<16xf32> to vector<1x16xf32>
        tpu.vector_store %arg14[%swap3A_281, %swap3A_282], %swap3A_285 {add = true, strides = array<i32>} : memref<128x64xf32, #tpu.memory_space<vmem>>, vector<1x16xf32>,
        %get3A_286 = arith.index_cast %add3A_260 : i32 to index
        %get3A_287 = arith.constant 48 : index
        %get3A_288 = tpu.vector_load %arg7[%get3A_286, %get3A_287] {strides = array<i32>} : memref<128x64xf32, #tpu.memory_space<vmem>>, vector<1x16xf32>,
        %get3A_289 = vector.shape_cast %get3A_288 : vector<1x16xf32> to vector<16xf32>
        %swap3A_290 = arith.index_cast %add3A_260 : i32 to index
        %swap3A_291 = arith.constant 48 : index
        %swap3A_292 = tpu.vector_load %arg14[%swap3A_290, %swap3A_291] {strides = array<i32>} : memref<128x64xf32, #tpu.memory_space<vmem>>, vector<1x16xf32>,
        %swap3A_293 = vector.shape_cast %swap3A_292 : vector<1x16xf32> to vector<16xf32>
        %swap3A_294 = vector.shape_cast %get3A_289 : vector<16xf32> to vector<1x16xf32>
        tpu.vector_store %arg14[%swap3A_290, %swap3A_291], %swap3A_294 {add = true, strides = array<i32>} : memref<128x64xf32, #tpu.memory_space<vmem>>, vector<1x16xf32>,
        %mul3A_295 = arith.constant 8 : i32
        %mul3A_296 = arith.muli %scan3A_255, %mul3A_295 : i32
        %add3A_297 = arith.constant 1 : i32
        %add3A_298 = arith.addi %mul3A_296, %add3A_297 : i32
        %get3A_299 = arith.index_cast %add3A_298 : i32 to index
        %get3A_300 = arith.constant 0 : index
        %get3A_301 = tpu.vector_load %arg7[%get3A_299, %get3A_300] {strides = array<i32>} : memref<128x64xf32, #tpu.memory_space<vmem>>, vector<1x16xf32>,
        %get3A_302 = vector.shape_cast %get3A_301 : vector<1x16xf32> to vector<16xf32>
        %swap3A_303 = arith.index_cast %add3A_298 : i32 to index
        %swap3A_304 = arith.constant 0 : index
        %swap3A_305 = tpu.vector_load %arg14[%swap3A_303, %swap3A_304] {strides = array<i32>} : memref<128x64xf32, #tpu.memory_space<vmem>>, vector<1x16xf32>,
        %swap3A_306 = vector.shape_cast %swap3A_305 : vector<1x16xf32> to vector<16xf32>
        %swap3A_307 = vector.shape_cast %get3A_302 : vector<16xf32> to vector<1x16xf32>
        tpu.vector_store %arg14[%swap3A_303, %swap3A_304], %swap3A_307 {add = true, strides = array<i32>} : memref<128x64xf32, #tpu.memory_space<vmem>>, vector<1x16xf32>,
        %get3A_308 = arith.index_cast %add3A_298 : i32 to index
        %get3A_309 = arith.constant 16 : index
        %get3A_310 = tpu.vector_load %arg7[%get3A_308, %get3A_309] {strides = array<i32>} : memref<128x64xf32, #tpu.memory_space<vmem>>, vector<1x16xf32>,
        %get3A_311 = vector.shape_cast %get3A_310 : vector<1x16xf32> to vector<16xf32>
        %swap3A_312 = arith.index_cast %add3A_298 : i32 to index
        %swap3A_313 = arith.constant 16 : index
        %swap3A_314 = tpu.vector_load %arg14[%swap3A_312, %swap3A_313] {strides = array<i32>} : memref<128x64xf32, #tpu.memory_space<vmem>>, vector<1x16xf32>,
        %swap3A_315 = vector.shape_cast %swap3A_314 : vector<1x16xf32> to vector<16xf32>
        %swap3A_316 = vector.shape_cast %get3A_311 : vector<16xf32> to vector<1x16xf32>
        tpu.vector_store %arg14[%swap3A_312, %swap3A_313], %swap3A_316 {add = true, strides = array<i32>} : memref<128x64xf32, #tpu.memory_space<vmem>>, vector<1x16xf32>,
        %get3A_317 = arith.index_cast %add3A_298 : i32 to index
        %get3A_318 = arith.constant 32 : index
        %get3A_319 = tpu.vector_load %arg7[%get3A_317, %get3A_318] {strides = array<i32>} : memref<128x64xf32, #tpu.memory_space<vmem>>, vector<1x16xf32>,
        %get3A_320 = vector.shape_cast %get3A_319 : vector<1x16xf32> to vector<16xf32>
        %swap3A_321 = arith.index_cast %add3A_298 : i32 to index
        %swap3A_322 = arith.constant 32 : index
        %swap3A_323 = tpu.vector_load %arg14[%swap3A_321, %swap3A_322] {strides = array<i32>} : memref<128x64xf32, #tpu.memory_space<vmem>>, vector<1x16xf32>,
        %swap3A_324 = vector.shape_cast %swap3A_323 : vector<1x16xf32> to vector<16xf32>
        %swap3A_325 = vector.shape_cast %get3A_320 : vector<16xf32> to vector<1x16xf32>
        tpu.vector_store %arg14[%swap3A_321, %swap3A_322], %swap3A_325 {add = true, strides = array<i32>} : memref<128x64xf32, #tpu.memory_space<vmem>>, vector<1x16xf32>,
        %get3A_326 = arith.index_cast %add3A_298 : i32 to index
        %get3A_327 = arith.constant 48 : index
        %get3A_328 = tpu.vector_load %arg7[%get3A_326, %get3A_327] {strides = array<i32>} : memref<128x64xf32, #tpu.memory_space<vmem>>, vector<1x16xf32>,
        %get3A_329 = vector.shape_cast %get3A_328 : vector<1x16xf32> to vector<16xf32>
        %swap3A_330 = arith.index_cast %add3A_298 : i32 to index
        %swap3A_331 = arith.constant 48 : index
        %swap3A_332 = tpu.vector_load %arg14[%swap3A_330, %swap3A_331] {strides = array<i32>} : memref<128x64xf32, #tpu.memory_space<vmem>>, vector<1x16xf32>,
        %swap3A_333 = vector.shape_cast %swap3A_332 : vector<1x16xf32> to vector<16xf32>
        %swap3A_334 = vector.shape_cast %get3A_329 : vector<16xf32> to vector<1x16xf32>
        tpu.vector_store %arg14[%swap3A_330, %swap3A_331], %swap3A_334 {add = true, strides = array<i32>} : memref<128x64xf32, #tpu.memory_space<vmem>>, vector<1x16xf32>,
        %mul3A_335 = arith.constant 8 : i32
        %mul3A_336 = arith.muli %scan3A_255, %mul3A_335 : i32
        %add3A_337 = arith.constant 2 : i32
        %add3A_338 = arith.addi %mul3A_336, %add3A_337 : i32
        %get3A_339 = arith.index_cast %add3A_338 : i32 to index
        %get3A_340 = arith.constant 0 : index
        %get3A_341 = tpu.vector_load %arg7[%get3A_339, %get3A_340] {strides = array<i32>} : memref<128x64xf32, #tpu.memory_space<vmem>>, vector<1x16xf32>,
        %get3A_342 = vector.shape_cast %get3A_341 : vector<1x16xf32> to vector<16xf32>
        %swap3A_343 = arith.index_cast %add3A_338 : i32 to index
        %swap3A_344 = arith.constant 0 : index
        %swap3A_345 = tpu.vector_load %arg14[%swap3A_343, %swap3A_344] {strides = array<i32>} : memref<128x64xf32, #tpu.memory_space<vmem>>, vector<1x16xf32>,
        %swap3A_346 = vector.shape_cast %swap3A_345 : vector<1x16xf32> to vector<16xf32>
        %swap3A_347 = vector.shape_cast %get3A_342 : vector<16xf32> to vector<1x16xf32>
        tpu.vector_store %arg14[%swap3A_343, %swap3A_344], %swap3A_347 {add = true, strides = array<i32>} : memref<128x64xf32, #tpu.memory_space<vmem>>, vector<1x16xf32>,
        %get3A_348 = arith.index_cast %add3A_338 : i32 to index
        %get3A_349 = arith.constant 16 : index
        %get3A_350 = tpu.vector_load %arg7[%get3A_348, %get3A_349] {strides = array<i32>} : memref<128x64xf32, #tpu.memory_space<vmem>>, vector<1x16xf32>,
        %get3A_351 = vector.shape_cast %get3A_350 : vector<1x16xf32> to vector<16xf32>
        %swap3A_352 = arith.index_cast %add3A_338 : i32 to index
        %swap3A_353 = arith.constant 16 : index
        %swap3A_354 = tpu.vector_load %arg14[%swap3A_352, %swap3A_353] {strides = array<i32>} : memref<128x64xf32, #tpu.memory_space<vmem>>, vector<1x16xf32>,
        %swap3A_355 = vector.shape_cast %swap3A_354 : vector<1x16xf32> to vector<16xf32>
        %swap3A_356 = vector.shape_cast %get3A_351 : vector<16xf32> to vector<1x16xf32>
        tpu.vector_store %arg14[%swap3A_352, %swap3A_353], %swap3A_356 {add = true, strides = array<i32>} : memref<128x64xf32, #tpu.memory_space<vmem>>, vector<1x16xf32>,
        %get3A_357 = arith.index_cast %add3A_338 : i32 to index
        %get3A_358 = arith.constant 32 : index
        %get3A_359 = tpu.vector_load %arg7[%get3A_357, %get3A_358] {strides = array<i32>} : memref<128x64xf32, #tpu.memory_space<vmem>>, vector<1x16xf32>,
        %get3A_360 = vector.shape_cast %get3A_359 : vector<1x16xf32> to vector<16xf32>
        %swap3A_361 = arith.index_cast %add3A_338 : i32 to index
        %swap3A_362 = arith.constant 32 : index
        %swap3A_363 = tpu.vector_load %arg14[%swap3A_361, %swap3A_362] {strides = array<i32>} : memref<128x64xf32, #tpu.memory_space<vmem>>, vector<1x16xf32>,
        %swap3A_364 = vector.shape_cast %swap3A_363 : vector<1x16xf32> to vector<16xf32>
        %swap3A_365 = vector.shape_cast %get3A_360 : vector<16xf32> to vector<1x16xf32>
        tpu.vector_store %arg14[%swap3A_361, %swap3A_362], %swap3A_365 {add = true, strides = array<i32>} : memref<128x64xf32, #tpu.memory_space<vmem>>, vector<1x16xf32>,
        %get3A_366 = arith.index_cast %add3A_338 : i32 to index
        %get3A_367 = arith.constant 48 : index
        %get3A_368 = tpu.vector_load %arg7[%get3A_366, %get3A_367] {strides = array<i32>} : memref<128x64xf32, #tpu.memory_space<vmem>>, vector<1x16xf32>,
        %get3A_369 = vector.shape_cast %get3A_368 : vector<1x16xf32> to vector<16xf32>
        %swap3A_370 = arith.index_cast %add3A_338 : i32 to index
        %swap3A_371 = arith.constant 48 : index
        %swap3A_372 = tpu.vector_load %arg14[%swap3A_370, %swap3A_371] {strides = array<i32>} : memref<128x64xf32, #tpu.memory_space<vmem>>, vector<1x16xf32>,
        %swap3A_373 = vector.shape_cast %swap3A_372 : vector<1x16xf32> to vector<16xf32>
        %swap3A_374 = vector.shape_cast %get3A_369 : vector<16xf32> to vector<1x16xf32>
        tpu.vector_store %arg14[%swap3A_370, %swap3A_371], %swap3A_374 {add = true, strides = array<i32>} : memref<128x64xf32, #tpu.memory_space<vmem>>, vector<1x16xf32>,
        %mul3A_375 = arith.constant 8 : i32
        %mul3A_376 = arith.muli %scan3A_255, %mul3A_375 : i32
        %add3A_377 = arith.constant 3 : i32
        %add3A_378 = arith.addi %mul3A_376, %add3A_377 : i32
        %get3A_379 = arith.index_cast %add3A_378 : i32 to index
        %get3A_380 = arith.constant 0 : index
        %get3A_381 = tpu.vector_load %arg7[%get3A_379, %get3A_380] {strides = array<i32>} : memref<128x64xf32, #tpu.memory_space<vmem>>, vector<1x16xf32>,
        %get3A_382 = vector.shape_cast %get3A_381 : vector<1x16xf32> to vector<16xf32>
        %swap3A_383 = arith.index_cast %add3A_378 : i32 to index
        %swap3A_384 = arith.constant 0 : index
        %swap3A_385 = tpu.vector_load %arg14[%swap3A_383, %swap3A_384] {strides = array<i32>} : memref<128x64xf32, #tpu.memory_space<vmem>>, vector<1x16xf32>,
        %swap3A_386 = vector.shape_cast %swap3A_385 : vector<1x16xf32> to vector<16xf32>
        %swap3A_387 = vector.shape_cast %get3A_382 : vector<16xf32> to vector<1x16xf32>
        tpu.vector_store %arg14[%swap3A_383, %swap3A_384], %swap3A_387 {add = true, strides = array<i32>} : memref<128x64xf32, #tpu.memory_space<vmem>>, vector<1x16xf32>,
        %get3A_388 = arith.index_cast %add3A_378 : i32 to index
        %get3A_389 = arith.constant 16 : index
        %get3A_390 = tpu.vector_load %arg7[%get3A_388, %get3A_389] {strides = array<i32>} : memref<128x64xf32, #tpu.memory_space<vmem>>, vector<1x16xf32>,
        %get3A_391 = vector.shape_cast %get3A_390 : vector<1x16xf32> to vector<16xf32>
        %swap3A_392 = arith.index_cast %add3A_378 : i32 to index
        %swap3A_393 = arith.constant 16 : index
        %swap3A_394 = tpu.vector_load %arg14[%swap3A_392, %swap3A_393] {strides = array<i32>} : memref<128x64xf32, #tpu.memory_space<vmem>>, vector<1x16xf32>,
        %swap3A_395 = vector.shape_cast %swap3A_394 : vector<1x16xf32> to vector<16xf32>
        %swap3A_396 = vector.shape_cast %get3A_391 : vector<16xf32> to vector<1x16xf32>
        tpu.vector_store %arg14[%swap3A_392, %swap3A_393], %swap3A_396 {add = true, strides = array<i32>} : memref<128x64xf32, #tpu.memory_space<vmem>>, vector<1x16xf32>,
        %get3A_397 = arith.index_cast %add3A_378 : i32 to index
        %get3A_398 = arith.constant 32 : index
        %get3A_399 = tpu.vector_load %arg7[%get3A_397, %get3A_398] {strides = array<i32>} : memref<128x64xf32, #tpu.memory_space<vmem>>, vector<1x16xf32>,
        %get3A_400 = vector.shape_cast %get3A_399 : vector<1x16xf32> to vector<16xf32>
        %swap3A_401 = arith.index_cast %add3A_378 : i32 to index
        %swap3A_402 = arith.constant 32 : index
        %swap3A_403 = tpu.vector_load %arg14[%swap3A_401, %swap3A_402] {strides = array<i32>} : memref<128x64xf32, #tpu.memory_space<vmem>>, vector<1x16xf32>,
        %swap3A_404 = vector.shape_cast %swap3A_403 : vector<1x16xf32> to vector<16xf32>
        %swap3A_405 = vector.shape_cast %get3A_400 : vector<16xf32> to vector<1x16xf32>
        tpu.vector_store %arg14[%swap3A_401, %swap3A_402], %swap3A_405 {add = true, strides = array<i32>} : memref<128x64xf32, #tpu.memory_space<vmem>>, vector<1x16xf32>,
        %get3A_406 = arith.index_cast %add3A_378 : i32 to index
        %get3A_407 = arith.constant 48 : index
        %get3A_408 = tpu.vector_load %arg7[%get3A_406, %get3A_407] {strides = array<i32>} : memref<128x64xf32, #tpu.memory_space<vmem>>, vector<1x16xf32>,
        %get3A_409 = vector.shape_cast %get3A_408 : vector<1x16xf32> to vector<16xf32>
        %swap3A_410 = arith.index_cast %add3A_378 : i32 to index
        %swap3A_411 = arith.constant 48 : index
        %swap3A_412 = tpu.vector_load %arg14[%swap3A_410, %swap3A_411] {strides = array<i32>} : memref<128x64xf32, #tpu.memory_space<vmem>>, vector<1x16xf32>,
        %swap3A_413 = vector.shape_cast %swap3A_412 : vector<1x16xf32> to vector<16xf32>
        %swap3A_414 = vector.shape_cast %get3A_409 : vector<16xf32> to vector<1x16xf32>
        tpu.vector_store %arg14[%swap3A_410, %swap3A_411], %swap3A_414 {add = true, strides = array<i32>} : memref<128x64xf32, #tpu.memory_space<vmem>>, vector<1x16xf32>,
        %mul3A_415 = arith.constant 8 : i32
        %mul3A_416 = arith.muli %scan3A_255, %mul3A_415 : i32
        %add3A_417 = arith.constant 4 : i32
        %add3A_418 = arith.addi %mul3A_416, %add3A_417 : i32
        %get3A_419 = arith.index_cast %add3A_418 : i32 to index
        %get3A_420 = arith.constant 0 : index
        %get3A_421 = tpu.vector_load %arg7[%get3A_419, %get3A_420] {strides = array<i32>} : memref<128x64xf32, #tpu.memory_space<vmem>>, vector<1x16xf32>,
        %get3A_422 = vector.shape_cast %get3A_421 : vector<1x16xf32> to vector<16xf32>
        %swap3A_423 = arith.index_cast %add3A_418 : i32 to index
        %swap3A_424 = arith.constant 0 : index
        %swap3A_425 = tpu.vector_load %arg14[%swap3A_423, %swap3A_424] {strides = array<i32>} : memref<128x64xf32, #tpu.memory_space<vmem>>, vector<1x16xf32>,
        %swap3A_426 = vector.shape_cast %swap3A_425 : vector<1x16xf32> to vector<16xf32>
        %swap3A_427 = vector.shape_cast %get3A_422 : vector<16xf32> to vector<1x16xf32>
        tpu.vector_store %arg14[%swap3A_423, %swap3A_424], %swap3A_427 {add = true, strides = array<i32>} : memref<128x64xf32, #tpu.memory_space<vmem>>, vector<1x16xf32>,
        %get3A_428 = arith.index_cast %add3A_418 : i32 to index
        %get3A_429 = arith.constant 16 : index
        %get3A_430 = tpu.vector_load %arg7[%get3A_428, %get3A_429] {strides = array<i32>} : memref<128x64xf32, #tpu.memory_space<vmem>>, vector<1x16xf32>,
        %get3A_431 = vector.shape_cast %get3A_430 : vector<1x16xf32> to vector<16xf32>
        %swap3A_432 = arith.index_cast %add3A_418 : i32 to index
        %swap3A_433 = arith.constant 16 : index
        %swap3A_434 = tpu.vector_load %arg14[%swap3A_432, %swap3A_433] {strides = array<i32>} : memref<128x64xf32, #tpu.memory_space<vmem>>, vector<1x16xf32>,
        %swap3A_435 = vector.shape_cast %swap3A_434 : vector<1x16xf32> to vector<16xf32>
        %swap3A_436 = vector.shape_cast %get3A_431 : vector<16xf32> to vector<1x16xf32>
        tpu.vector_store %arg14[%swap3A_432, %swap3A_433], %swap3A_436 {add = true, strides = array<i32>} : memref<128x64xf32, #tpu.memory_space<vmem>>, vector<1x16xf32>,
        %get3A_437 = arith.index_cast %add3A_418 : i32 to index
        %get3A_438 = arith.constant 32 : index
        %get3A_439 = tpu.vector_load %arg7[%get3A_437, %get3A_438] {strides = array<i32>} : memref<128x64xf32, #tpu.memory_space<vmem>>, vector<1x16xf32>,
        %get3A_440 = vector.shape_cast %get3A_439 : vector<1x16xf32> to vector<16xf32>
        %swap3A_441 = arith.index_cast %add3A_418 : i32 to index
        %swap3A_442 = arith.constant 32 : index
        %swap3A_443 = tpu.vector_load %arg14[%swap3A_441, %swap3A_442] {strides = array<i32>} : memref<128x64xf32, #tpu.memory_space<vmem>>, vector<1x16xf32>,
        %swap3A_444 = vector.shape_cast %swap3A_443 : vector<1x16xf32> to vector<16xf32>
        %swap3A_445 = vector.shape_cast %get3A_440 : vector<16xf32> to vector<1x16xf32>
        tpu.vector_store %arg14[%swap3A_441, %swap3A_442], %swap3A_445 {add = true, strides = array<i32>} : memref<128x64xf32, #tpu.memory_space<vmem>>, vector<1x16xf32>,
        %get3A_446 = arith.index_cast %add3A_418 : i32 to index
        %get3A_447 = arith.constant 48 : index
        %get3A_448 = tpu.vector_load %arg7[%get3A_446, %get3A_447] {strides = array<i32>} : memref<128x64xf32, #tpu.memory_space<vmem>>, vector<1x16xf32>,
        %get3A_449 = vector.shape_cast %get3A_448 : vector<1x16xf32> to vector<16xf32>
        %swap3A_450 = arith.index_cast %add3A_418 : i32 to index
        %swap3A_451 = arith.constant 48 : index
        %swap3A_452 = tpu.vector_load %arg14[%swap3A_450, %swap3A_451] {strides = array<i32>} : memref<128x64xf32, #tpu.memory_space<vmem>>, vector<1x16xf32>,
        %swap3A_453 = vector.shape_cast %swap3A_452 : vector<1x16xf32> to vector<16xf32>
        %swap3A_454 = vector.shape_cast %get3A_449 : vector<16xf32> to vector<1x16xf32>
        tpu.vector_store %arg14[%swap3A_450, %swap3A_451], %swap3A_454 {add = true, strides = array<i32>} : memref<128x64xf32, #tpu.memory_space<vmem>>, vector<1x16xf32>,
        %mul3A_455 = arith.constant 8 : i32
        %mul3A_456 = arith.muli %scan3A_255, %mul3A_455 : i32
        %add3A_457 = arith.constant 5 : i32
        %add3A_458 = arith.addi %mul3A_456, %add3A_457 : i32
        %get3A_459 = arith.index_cast %add3A_458 : i32 to index
        %get3A_460 = arith.constant 0 : index
        %get3A_461 = tpu.vector_load %arg7[%get3A_459, %get3A_460] {strides = array<i32>} : memref<128x64xf32, #tpu.memory_space<vmem>>, vector<1x16xf32>,
        %get3A_462 = vector.shape_cast %get3A_461 : vector<1x16xf32> to vector<16xf32>
        %swap3A_463 = arith.index_cast %add3A_458 : i32 to index
        %swap3A_464 = arith.constant 0 : index
        %swap3A_465 = tpu.vector_load %arg14[%swap3A_463, %swap3A_464] {strides = array<i32>} : memref<128x64xf32, #tpu.memory_space<vmem>>, vector<1x16xf32>,
        %swap3A_466 = vector.shape_cast %swap3A_465 : vector<1x16xf32> to vector<16xf32>
        %swap3A_467 = vector.shape_cast %get3A_462 : vector<16xf32> to vector<1x16xf32>
        tpu.vector_store %arg14[%swap3A_463, %swap3A_464], %swap3A_467 {add = true, strides = array<i32>} : memref<128x64xf32, #tpu.memory_space<vmem>>, vector<1x16xf32>,
        %get3A_468 = arith.index_cast %add3A_458 : i32 to index
        %get3A_469 = arith.constant 16 : index
        %get3A_470 = tpu.vector_load %arg7[%get3A_468, %get3A_469] {strides = array<i32>} : memref<128x64xf32, #tpu.memory_space<vmem>>, vector<1x16xf32>,
        %get3A_471 = vector.shape_cast %get3A_470 : vector<1x16xf32> to vector<16xf32>
        %swap3A_472 = arith.index_cast %add3A_458 : i32 to index
        %swap3A_473 = arith.constant 16 : index
        %swap3A_474 = tpu.vector_load %arg14[%swap3A_472, %swap3A_473] {strides = array<i32>} : memref<128x64xf32, #tpu.memory_space<vmem>>, vector<1x16xf32>,
        %swap3A_475 = vector.shape_cast %swap3A_474 : vector<1x16xf32> to vector<16xf32>
        %swap3A_476 = vector.shape_cast %get3A_471 : vector<16xf32> to vector<1x16xf32>
        tpu.vector_store %arg14[%swap3A_472, %swap3A_473], %swap3A_476 {add = true, strides = array<i32>} : memref<128x64xf32, #tpu.memory_space<vmem>>, vector<1x16xf32>,
        %get3A_477 = arith.index_cast %add3A_458 : i32 to index
        %get3A_478 = arith.constant 32 : index
        %get3A_479 = tpu.vector_load %arg7[%get3A_477, %get3A_478] {strides = array<i32>} : memref<128x64xf32, #tpu.memory_space<vmem>>, vector<1x16xf32>,
        %get3A_480 = vector.shape_cast %get3A_479 : vector<1x16xf32> to vector<16xf32>
        %swap3A_481 = arith.index_cast %add3A_458 : i32 to index
        %swap3A_482 = arith.constant 32 : index
        %swap3A_483 = tpu.vector_load %arg14[%swap3A_481, %swap3A_482] {strides = array<i32>} : memref<128x64xf32, #tpu.memory_space<vmem>>, vector<1x16xf32>,
        %swap3A_484 = vector.shape_cast %swap3A_483 : vector<1x16xf32> to vector<16xf32>
        %swap3A_485 = vector.shape_cast %get3A_480 : vector<16xf32> to vector<1x16xf32>
        tpu.vector_store %arg14[%swap3A_481, %swap3A_482], %swap3A_485 {add = true, strides = array<i32>} : memref<128x64xf32, #tpu.memory_space<vmem>>, vector<1x16xf32>,
        %get3A_486 = arith.index_cast %add3A_458 : i32 to index
        %get3A_487 = arith.constant 48 : index
        %get3A_488 = tpu.vector_load %arg7[%get3A_486, %get3A_487] {strides = array<i32>} : memref<128x64xf32, #tpu.memory_space<vmem>>, vector<1x16xf32>,
        %get3A_489 = vector.shape_cast %get3A_488 : vector<1x16xf32> to vector<16xf32>
        %swap3A_490 = arith.index_cast %add3A_458 : i32 to index
        %swap3A_491 = arith.constant 48 : index
        %swap3A_492 = tpu.vector_load %arg14[%swap3A_490, %swap3A_491] {strides = array<i32>} : memref<128x64xf32, #tpu.memory_space<vmem>>, vector<1x16xf32>,
        %swap3A_493 = vector.shape_cast %swap3A_492 : vector<1x16xf32> to vector<16xf32>
        %swap3A_494 = vector.shape_cast %get3A_489 : vector<16xf32> to vector<1x16xf32>
        tpu.vector_store %arg14[%swap3A_490, %swap3A_491], %swap3A_494 {add = true, strides = array<i32>} : memref<128x64xf32, #tpu.memory_space<vmem>>, vector<1x16xf32>,
        %mul3A_495 = arith.constant 8 : i32
        %mul3A_496 = arith.muli %scan3A_255, %mul3A_495 : i32
        %add3A_497 = arith.constant 6 : i32
        %add3A_498 = arith.addi %mul3A_496, %add3A_497 : i32
        %get3A_499 = arith.index_cast %add3A_498 : i32 to index
        %get3A_500 = arith.constant 0 : index
        %get3A_501 = tpu.vector_load %arg7[%get3A_499, %get3A_500] {strides = array<i32>} : memref<128x64xf32, #tpu.memory_space<vmem>>, vector<1x16xf32>,
        %get3A_502 = vector.shape_cast %get3A_501 : vector<1x16xf32> to vector<16xf32>
        %swap3A_503 = arith.index_cast %add3A_498 : i32 to index
        %swap3A_504 = arith.constant 0 : index
        %swap3A_505 = tpu.vector_load %arg14[%swap3A_503, %swap3A_504] {strides = array<i32>} : memref<128x64xf32, #tpu.memory_space<vmem>>, vector<1x16xf32>,
        %swap3A_506 = vector.shape_cast %swap3A_505 : vector<1x16xf32> to vector<16xf32>
        %swap3A_507 = vector.shape_cast %get3A_502 : vector<16xf32> to vector<1x16xf32>
        tpu.vector_store %arg14[%swap3A_503, %swap3A_504], %swap3A_507 {add = true, strides = array<i32>} : memref<128x64xf32, #tpu.memory_space<vmem>>, vector<1x16xf32>,
        %get3A_508 = arith.index_cast %add3A_498 : i32 to index
        %get3A_509 = arith.constant 16 : index
        %get3A_510 = tpu.vector_load %arg7[%get3A_508, %get3A_509] {strides = array<i32>} : memref<128x64xf32, #tpu.memory_space<vmem>>, vector<1x16xf32>,
        %get3A_511 = vector.shape_cast %get3A_510 : vector<1x16xf32> to vector<16xf32>
        %swap3A_512 = arith.index_cast %add3A_498 : i32 to index
        %swap3A_513 = arith.constant 16 : index
        %swap3A_514 = tpu.vector_load %arg14[%swap3A_512, %swap3A_513] {strides = array<i32>} : memref<128x64xf32, #tpu.memory_space<vmem>>, vector<1x16xf32>,
        %swap3A_515 = vector.shape_cast %swap3A_514 : vector<1x16xf32> to vector<16xf32>
        %swap3A_516 = vector.shape_cast %get3A_511 : vector<16xf32> to vector<1x16xf32>
        tpu.vector_store %arg14[%swap3A_512, %swap3A_513], %swap3A_516 {add = true, strides = array<i32>} : memref<128x64xf32, #tpu.memory_space<vmem>>, vector<1x16xf32>,
        %get3A_517 = arith.index_cast %add3A_498 : i32 to index
        %get3A_518 = arith.constant 32 : index
        %get3A_519 = tpu.vector_load %arg7[%get3A_517, %get3A_518] {strides = array<i32>} : memref<128x64xf32, #tpu.memory_space<vmem>>, vector<1x16xf32>,
        %get3A_520 = vector.shape_cast %get3A_519 : vector<1x16xf32> to vector<16xf32>
        %swap3A_521 = arith.index_cast %add3A_498 : i32 to index
        %swap3A_522 = arith.constant 32 : index
        %swap3A_523 = tpu.vector_load %arg14[%swap3A_521, %swap3A_522] {strides = array<i32>} : memref<128x64xf32, #tpu.memory_space<vmem>>, vector<1x16xf32>,
        %swap3A_524 = vector.shape_cast %swap3A_523 : vector<1x16xf32> to vector<16xf32>
        %swap3A_525 = vector.shape_cast %get3A_520 : vector<16xf32> to vector<1x16xf32>
        tpu.vector_store %arg14[%swap3A_521, %swap3A_522], %swap3A_525 {add = true, strides = array<i32>} : memref<128x64xf32, #tpu.memory_space<vmem>>, vector<1x16xf32>,
        %get3A_526 = arith.index_cast %add3A_498 : i32 to index
        %get3A_527 = arith.constant 48 : index
        %get3A_528 = tpu.vector_load %arg7[%get3A_526, %get3A_527] {strides = array<i32>} : memref<128x64xf32, #tpu.memory_space<vmem>>, vector<1x16xf32>,
        %get3A_529 = vector.shape_cast %get3A_528 : vector<1x16xf32> to vector<16xf32>
        %swap3A_530 = arith.index_cast %add3A_498 : i32 to index
        %swap3A_531 = arith.constant 48 : index
        %swap3A_532 = tpu.vector_load %arg14[%swap3A_530, %swap3A_531] {strides = array<i32>} : memref<128x64xf32, #tpu.memory_space<vmem>>, vector<1x16xf32>,
        %swap3A_533 = vector.shape_cast %swap3A_532 : vector<1x16xf32> to vector<16xf32>
        %swap3A_534 = vector.shape_cast %get3A_529 : vector<16xf32> to vector<1x16xf32>
        tpu.vector_store %arg14[%swap3A_530, %swap3A_531], %swap3A_534 {add = true, strides = array<i32>} : memref<128x64xf32, #tpu.memory_space<vmem>>, vector<1x16xf32>,
        %mul3A_535 = arith.constant 8 : i32
        %mul3A_536 = arith.muli %scan3A_255, %mul3A_535 : i32
        %add3A_537 = arith.constant 7 : i32
        %add3A_538 = arith.addi %mul3A_536, %add3A_537 : i32
        %get3A_539 = arith.index_cast %add3A_538 : i32 to index
        %get3A_540 = arith.constant 0 : index
        %get3A_541 = tpu.vector_load %arg7[%get3A_539, %get3A_540] {strides = array<i32>} : memref<128x64xf32, #tpu.memory_space<vmem>>, vector<1x16xf32>,
        %get3A_542 = vector.shape_cast %get3A_541 : vector<1x16xf32> to vector<16xf32>
        %swap3A_543 = arith.index_cast %add3A_538 : i32 to index
        %swap3A_544 = arith.constant 0 : index
        %swap3A_545 = tpu.vector_load %arg14[%swap3A_543, %swap3A_544] {strides = array<i32>} : memref<128x64xf32, #tpu.memory_space<vmem>>, vector<1x16xf32>,
        %swap3A_546 = vector.shape_cast %swap3A_545 : vector<1x16xf32> to vector<16xf32>
        %swap3A_547 = vector.shape_cast %get3A_542 : vector<16xf32> to vector<1x16xf32>
        tpu.vector_store %arg14[%swap3A_543, %swap3A_544], %swap3A_547 {add = true, strides = array<i32>} : memref<128x64xf32, #tpu.memory_space<vmem>>, vector<1x16xf32>,
        %get3A_548 = arith.index_cast %add3A_538 : i32 to index
        %get3A_549 = arith.constant 16 : index
        %get3A_550 = tpu.vector_load %arg7[%get3A_548, %get3A_549] {strides = array<i32>} : memref<128x64xf32, #tpu.memory_space<vmem>>, vector<1x16xf32>,
        %get3A_551 = vector.shape_cast %get3A_550 : vector<1x16xf32> to vector<16xf32>
        %swap3A_552 = arith.index_cast %add3A_538 : i32 to index
        %swap3A_553 = arith.constant 16 : index
        %swap3A_554 = tpu.vector_load %arg14[%swap3A_552, %swap3A_553] {strides = array<i32>} : memref<128x64xf32, #tpu.memory_space<vmem>>, vector<1x16xf32>,
        %swap3A_555 = vector.shape_cast %swap3A_554 : vector<1x16xf32> to vector<16xf32>
        %swap3A_556 = vector.shape_cast %get3A_551 : vector<16xf32> to vector<1x16xf32>
        tpu.vector_store %arg14[%swap3A_552, %swap3A_553], %swap3A_556 {add = true, strides = array<i32>} : memref<128x64xf32, #tpu.memory_space<vmem>>, vector<1x16xf32>,
        %get3A_557 = arith.index_cast %add3A_538 : i32 to index
        %get3A_558 = arith.constant 32 : index
        %get3A_559 = tpu.vector_load %arg7[%get3A_557, %get3A_558] {strides = array<i32>} : memref<128x64xf32, #tpu.memory_space<vmem>>, vector<1x16xf32>,
        %get3A_560 = vector.shape_cast %get3A_559 : vector<1x16xf32> to vector<16xf32>
        %swap3A_561 = arith.index_cast %add3A_538 : i32 to index
        %swap3A_562 = arith.constant 32 : index
        %swap3A_563 = tpu.vector_load %arg14[%swap3A_561, %swap3A_562] {strides = array<i32>} : memref<128x64xf32, #tpu.memory_space<vmem>>, vector<1x16xf32>,
        %swap3A_564 = vector.shape_cast %swap3A_563 : vector<1x16xf32> to vector<16xf32>
        %swap3A_565 = vector.shape_cast %get3A_560 : vector<16xf32> to vector<1x16xf32>
        tpu.vector_store %arg14[%swap3A_561, %swap3A_562], %swap3A_565 {add = true, strides = array<i32>} : memref<128x64xf32, #tpu.memory_space<vmem>>, vector<1x16xf32>,
        %get3A_566 = arith.index_cast %add3A_538 : i32 to index
        %get3A_567 = arith.constant 48 : index
        %get3A_568 = tpu.vector_load %arg7[%get3A_566, %get3A_567] {strides = array<i32>} : memref<128x64xf32, #tpu.memory_space<vmem>>, vector<1x16xf32>,
        %get3A_569 = vector.shape_cast %get3A_568 : vector<1x16xf32> to vector<16xf32>
        %swap3A_570 = arith.index_cast %add3A_538 : i32 to index
        %swap3A_571 = arith.constant 48 : index
        %swap3A_572 = tpu.vector_load %arg14[%swap3A_570, %swap3A_571] {strides = array<i32>} : memref<128x64xf32, #tpu.memory_space<vmem>>, vector<1x16xf32>,
        %swap3A_573 = vector.shape_cast %swap3A_572 : vector<1x16xf32> to vector<16xf32>
        %swap3A_574 = vector.shape_cast %get3A_569 : vector<16xf32> to vector<1x16xf32>
        tpu.vector_store %arg14[%swap3A_570, %swap3A_571], %swap3A_574 {add = true, strides = array<i32>} : memref<128x64xf32, #tpu.memory_space<vmem>>, vector<1x16xf32>,
        %scan3A_575 = arith.constant 0 : i32
        scf.yield %scan3A_575 : i32
      }
      %scan3A_114 = arith.constant 16 : i32
      %add3A_115 = arith.constant 8 : i32
      %add3A_116 = arith.addi %add3A_101, %add3A_115 : i32
      %lt3A_117 = arith.constant 200 : i32
      %lt3A_118 = arith.cmpi slt, %add3A_116, %lt3A_117 : i32
      %convert_element_type3A_119 = arith.extui %lt3A_118 : i1 to i32
      %cond3A_120 = arith.constant 0 : i32
      %cond3A_121 = arith.cmpi ne, %convert_element_type3A_119, %cond3A_120 : i32
      scf.if %cond3A_121 {
        %add3A_255 = arith.constant 8 : i32
        %add3A_256 = arith.addi %add3A_101, %add3A_255 : i32
        %dma_start3A_257 = arith.constant 0 : i32
        %dma_start3A_258 = tpu.memref_slice %arg5[%add3A_256, %dma_start3A_257] : memref<200x128xi32, #tpu.memory_space<vmem>> -> memref<1x128xi32, #tpu.memory_space<vmem>>
        %dma_start3A_259 = tpu.memref_squeeze %dma_start3A_258 : memref<1x128xi32, #tpu.memory_space<vmem>> -> memref<128xi32, #tpu.memory_space<vmem>>
        %dma_start3A_260 = arith.constant 0 : i32
        %dma_start3A_261 = arith.constant 0 : i32
        %dma_start3A_262 = tpu.memref_slice %arg3[%dma_start3A_260, %dma_start3A_261] : memref<1015808x64xf32, #tpu.memory_space<hbm>> -> memref<1015808x64xf32, #tpu.memory_space<hbm>>
        tpu.enqueue_indirect_dma source(%dma_start3A_262 : memref<1015808x64xf32, #tpu.memory_space<hbm>>) target(%arg7 : memref<128x64xf32, #tpu.memory_space<vmem>>) offsets(%dma_start3A_259 : memref<128xi32, #tpu.memory_space<vmem>>) semaphore(%arg16 : memref<!tpu.dma_semaphore, #tpu.memory_space<semaphore_mem>>)
      } else {
      }
      %add3A_122 = arith.constant 2 : i32
      %add3A_123 = arith.addi %mul3A_81, %add3A_122 : i32
      %dma_wait3A_124 = arith.constant 0 : i32
      %dma_wait3A_125 = tpu.memref_slice %arg5[%add3A_123, %dma_wait3A_124] : memref<200x128xi32, #tpu.memory_space<vmem>> -> memref<1x128xi32, #tpu.memory_space<vmem>>
      %dma_wait3A_126 = tpu.memref_squeeze %dma_wait3A_125 : memref<1x128xi32, #tpu.memory_space<vmem>> -> memref<128xi32, #tpu.memory_space<vmem>>
      %dma_wait3A_127 = arith.constant 0 : i32
      %dma_wait3A_128 = arith.constant 0 : i32
      %dma_wait3A_129 = tpu.memref_slice %arg3[%dma_wait3A_127, %dma_wait3A_128] : memref<1015808x64xf32, #tpu.memory_space<hbm>> -> memref<1015808x64xf32, #tpu.memory_space<hbm>>
      tpu.wait_indirect_dma semaphore(%arg17 : memref<!tpu.dma_semaphore, #tpu.memory_space<semaphore_mem>>) src(%dma_wait3A_129 : memref<1015808x64xf32, #tpu.memory_space<hbm>>) dst(%arg8 : memref<128x64xf32, #tpu.memory_space<vmem>>)
      %scan3A_130 = arith.constant 0 : i32
      %scan3A_131 = arith.constant 0 : i32
      %scan3A_132 = arith.constant 16 : i32
      %scan3A_133 = arith.addi %scan3A_131, %scan3A_132 : i32
      %scan3A_134 = arith.constant 1 : i32
      %scan3A_135 = scf.for %scan3A_255 = %scan3A_131 to %scan3A_133 step %scan3A_134 iter_args(%scan3A_256 = %scan3A_130) -> (i32)  : i32 {
        %mul3A_257 = arith.constant 8 : i32
        %mul3A_258 = arith.muli %scan3A_255, %mul3A_257 : i32
        %add3A_259 = arith.constant 0 : i32
        %add3A_260 = arith.addi %mul3A_258, %add3A_259 : i32
        %get3A = arith.index_cast %add3A_260 : i32 to index
        %get3A_261 = arith.constant 0 : index
        %get3A_262 = tpu.vector_load %arg8[%get3A, %get3A_261] {strides = array<i32>} : memref<128x64xf32, #tpu.memory_space<vmem>>, vector<1x16xf32>,
        %get3A_263 = vector.shape_cast %get3A_262 : vector<1x16xf32> to vector<16xf32>
        %swap3A = arith.index_cast %add3A_260 : i32 to index
        %swap3A_264 = arith.constant 0 : index
        %swap3A_265 = tpu.vector_load %arg14[%swap3A, %swap3A_264] {strides = array<i32>} : memref<128x64xf32, #tpu.memory_space<vmem>>, vector<1x16xf32>,
        %swap3A_266 = vector.shape_cast %swap3A_265 : vector<1x16xf32> to vector<16xf32>
        %swap3A_267 = vector.shape_cast %get3A_263 : vector<16xf32> to vector<1x16xf32>
        tpu.vector_store %arg14[%swap3A, %swap3A_264], %swap3A_267 {add = true, strides = array<i32>} : memref<128x64xf32, #tpu.memory_space<vmem>>, vector<1x16xf32>,
        %get3A_268 = arith.index_cast %add3A_260 : i32 to index
        %get3A_269 = arith.constant 16 : index
        %get3A_270 = tpu.vector_load %arg8[%get3A_268, %get3A_269] {strides = array<i32>} : memref<128x64xf32, #tpu.memory_space<vmem>>, vector<1x16xf32>,
        %get3A_271 = vector.shape_cast %get3A_270 : vector<1x16xf32> to vector<16xf32>
        %swap3A_272 = arith.index_cast %add3A_260 : i32 to index
        %swap3A_273 = arith.constant 16 : index
        %swap3A_274 = tpu.vector_load %arg14[%swap3A_272, %swap3A_273] {strides = array<i32>} : memref<128x64xf32, #tpu.memory_space<vmem>>, vector<1x16xf32>,
        %swap3A_275 = vector.shape_cast %swap3A_274 : vector<1x16xf32> to vector<16xf32>
        %swap3A_276 = vector.shape_cast %get3A_271 : vector<16xf32> to vector<1x16xf32>
        tpu.vector_store %arg14[%swap3A_272, %swap3A_273], %swap3A_276 {add = true, strides = array<i32>} : memref<128x64xf32, #tpu.memory_space<vmem>>, vector<1x16xf32>,
        %get3A_277 = arith.index_cast %add3A_260 : i32 to index
        %get3A_278 = arith.constant 32 : index
        %get3A_279 = tpu.vector_load %arg8[%get3A_277, %get3A_278] {strides = array<i32>} : memref<128x64xf32, #tpu.memory_space<vmem>>, vector<1x16xf32>,
        %get3A_280 = vector.shape_cast %get3A_279 : vector<1x16xf32> to vector<16xf32>
        %swap3A_281 = arith.index_cast %add3A_260 : i32 to index
        %swap3A_282 = arith.constant 32 : index
        %swap3A_283 = tpu.vector_load %arg14[%swap3A_281, %swap3A_282] {strides = array<i32>} : memref<128x64xf32, #tpu.memory_space<vmem>>, vector<1x16xf32>,
        %swap3A_284 = vector.shape_cast %swap3A_283 : vector<1x16xf32> to vector<16xf32>
        %swap3A_285 = vector.shape_cast %get3A_280 : vector<16xf32> to vector<1x16xf32>
        tpu.vector_store %arg14[%swap3A_281, %swap3A_282], %swap3A_285 {add = true, strides = array<i32>} : memref<128x64xf32, #tpu.memory_space<vmem>>, vector<1x16xf32>,
        %get3A_286 = arith.index_cast %add3A_260 : i32 to index
        %get3A_287 = arith.constant 48 : index
        %get3A_288 = tpu.vector_load %arg8[%get3A_286, %get3A_287] {strides = array<i32>} : memref<128x64xf32, #tpu.memory_space<vmem>>, vector<1x16xf32>,
        %get3A_289 = vector.shape_cast %get3A_288 : vector<1x16xf32> to vector<16xf32>
        %swap3A_290 = arith.index_cast %add3A_260 : i32 to index
        %swap3A_291 = arith.constant 48 : index
        %swap3A_292 = tpu.vector_load %arg14[%swap3A_290, %swap3A_291] {strides = array<i32>} : memref<128x64xf32, #tpu.memory_space<vmem>>, vector<1x16xf32>,
        %swap3A_293 = vector.shape_cast %swap3A_292 : vector<1x16xf32> to vector<16xf32>
        %swap3A_294 = vector.shape_cast %get3A_289 : vector<16xf32> to vector<1x16xf32>
        tpu.vector_store %arg14[%swap3A_290, %swap3A_291], %swap3A_294 {add = true, strides = array<i32>} : memref<128x64xf32, #tpu.memory_space<vmem>>, vector<1x16xf32>,
        %mul3A_295 = arith.constant 8 : i32
        %mul3A_296 = arith.muli %scan3A_255, %mul3A_295 : i32
        %add3A_297 = arith.constant 1 : i32
        %add3A_298 = arith.addi %mul3A_296, %add3A_297 : i32
        %get3A_299 = arith.index_cast %add3A_298 : i32 to index
        %get3A_300 = arith.constant 0 : index
        %get3A_301 = tpu.vector_load %arg8[%get3A_299, %get3A_300] {strides = array<i32>} : memref<128x64xf32, #tpu.memory_space<vmem>>, vector<1x16xf32>,
        %get3A_302 = vector.shape_cast %get3A_301 : vector<1x16xf32> to vector<16xf32>
        %swap3A_303 = arith.index_cast %add3A_298 : i32 to index
        %swap3A_304 = arith.constant 0 : index
        %swap3A_305 = tpu.vector_load %arg14[%swap3A_303, %swap3A_304] {strides = array<i32>} : memref<128x64xf32, #tpu.memory_space<vmem>>, vector<1x16xf32>,
        %swap3A_306 = vector.shape_cast %swap3A_305 : vector<1x16xf32> to vector<16xf32>
        %swap3A_307 = vector.shape_cast %get3A_302 : vector<16xf32> to vector<1x16xf32>
        tpu.vector_store %arg14[%swap3A_303, %swap3A_304], %swap3A_307 {add = true, strides = array<i32>} : memref<128x64xf32, #tpu.memory_space<vmem>>, vector<1x16xf32>,
        %get3A_308 = arith.index_cast %add3A_298 : i32 to index
        %get3A_309 = arith.constant 16 : index
        %get3A_310 = tpu.vector_load %arg8[%get3A_308, %get3A_309] {strides = array<i32>} : memref<128x64xf32, #tpu.memory_space<vmem>>, vector<1x16xf32>,
        %get3A_311 = vector.shape_cast %get3A_310 : vector<1x16xf32> to vector<16xf32>
        %swap3A_312 = arith.index_cast %add3A_298 : i32 to index
        %swap3A_313 = arith.constant 16 : index
        %swap3A_314 = tpu.vector_load %arg14[%swap3A_312, %swap3A_313] {strides = array<i32>} : memref<128x64xf32, #tpu.memory_space<vmem>>, vector<1x16xf32>,
        %swap3A_315 = vector.shape_cast %swap3A_314 : vector<1x16xf32> to vector<16xf32>
        %swap3A_316 = vector.shape_cast %get3A_311 : vector<16xf32> to vector<1x16xf32>
        tpu.vector_store %arg14[%swap3A_312, %swap3A_313], %swap3A_316 {add = true, strides = array<i32>} : memref<128x64xf32, #tpu.memory_space<vmem>>, vector<1x16xf32>,
        %get3A_317 = arith.index_cast %add3A_298 : i32 to index
        %get3A_318 = arith.constant 32 : index
        %get3A_319 = tpu.vector_load %arg8[%get3A_317, %get3A_318] {strides = array<i32>} : memref<128x64xf32, #tpu.memory_space<vmem>>, vector<1x16xf32>,
        %get3A_320 = vector.shape_cast %get3A_319 : vector<1x16xf32> to vector<16xf32>
        %swap3A_321 = arith.index_cast %add3A_298 : i32 to index
        %swap3A_322 = arith.constant 32 : index
        %swap3A_323 = tpu.vector_load %arg14[%swap3A_321, %swap3A_322] {strides = array<i32>} : memref<128x64xf32, #tpu.memory_space<vmem>>, vector<1x16xf32>,
        %swap3A_324 = vector.shape_cast %swap3A_323 : vector<1x16xf32> to vector<16xf32>
        %swap3A_325 = vector.shape_cast %get3A_320 : vector<16xf32> to vector<1x16xf32>
        tpu.vector_store %arg14[%swap3A_321, %swap3A_322], %swap3A_325 {add = true, strides = array<i32>} : memref<128x64xf32, #tpu.memory_space<vmem>>, vector<1x16xf32>,
        %get3A_326 = arith.index_cast %add3A_298 : i32 to index
        %get3A_327 = arith.constant 48 : index
        %get3A_328 = tpu.vector_load %arg8[%get3A_326, %get3A_327] {strides = array<i32>} : memref<128x64xf32, #tpu.memory_space<vmem>>, vector<1x16xf32>,
        %get3A_329 = vector.shape_cast %get3A_328 : vector<1x16xf32> to vector<16xf32>
        %swap3A_330 = arith.index_cast %add3A_298 : i32 to index
        %swap3A_331 = arith.constant 48 : index
        %swap3A_332 = tpu.vector_load %arg14[%swap3A_330, %swap3A_331] {strides = array<i32>} : memref<128x64xf32, #tpu.memory_space<vmem>>, vector<1x16xf32>,
        %swap3A_333 = vector.shape_cast %swap3A_332 : vector<1x16xf32> to vector<16xf32>
        %swap3A_334 = vector.shape_cast %get3A_329 : vector<16xf32> to vector<1x16xf32>
        tpu.vector_store %arg14[%swap3A_330, %swap3A_331], %swap3A_334 {add = true, strides = array<i32>} : memref<128x64xf32, #tpu.memory_space<vmem>>, vector<1x16xf32>,
        %mul3A_335 = arith.constant 8 : i32
        %mul3A_336 = arith.muli %scan3A_255, %mul3A_335 : i32
        %add3A_337 = arith.constant 2 : i32
        %add3A_338 = arith.addi %mul3A_336, %add3A_337 : i32
        %get3A_339 = arith.index_cast %add3A_338 : i32 to index
        %get3A_340 = arith.constant 0 : index
        %get3A_341 = tpu.vector_load %arg8[%get3A_339, %get3A_340] {strides = array<i32>} : memref<128x64xf32, #tpu.memory_space<vmem>>, vector<1x16xf32>,
        %get3A_342 = vector.shape_cast %get3A_341 : vector<1x16xf32> to vector<16xf32>
        %swap3A_343 = arith.index_cast %add3A_338 : i32 to index
        %swap3A_344 = arith.constant 0 : index
        %swap3A_345 = tpu.vector_load %arg14[%swap3A_343, %swap3A_344] {strides = array<i32>} : memref<128x64xf32, #tpu.memory_space<vmem>>, vector<1x16xf32>,
        %swap3A_346 = vector.shape_cast %swap3A_345 : vector<1x16xf32> to vector<16xf32>
        %swap3A_347 = vector.shape_cast %get3A_342 : vector<16xf32> to vector<1x16xf32>
        tpu.vector_store %arg14[%swap3A_343, %swap3A_344], %swap3A_347 {add = true, strides = array<i32>} : memref<128x64xf32, #tpu.memory_space<vmem>>, vector<1x16xf32>,
        %get3A_348 = arith.index_cast %add3A_338 : i32 to index
        %get3A_349 = arith.constant 16 : index
        %get3A_350 = tpu.vector_load %arg8[%get3A_348, %get3A_349] {strides = array<i32>} : memref<128x64xf32, #tpu.memory_space<vmem>>, vector<1x16xf32>,
        %get3A_351 = vector.shape_cast %get3A_350 : vector<1x16xf32> to vector<16xf32>
        %swap3A_352 = arith.index_cast %add3A_338 : i32 to index
        %swap3A_353 = arith.constant 16 : index
        %swap3A_354 = tpu.vector_load %arg14[%swap3A_352, %swap3A_353] {strides = array<i32>} : memref<128x64xf32, #tpu.memory_space<vmem>>, vector<1x16xf32>,
        %swap3A_355 = vector.shape_cast %swap3A_354 : vector<1x16xf32> to vector<16xf32>
        %swap3A_356 = vector.shape_cast %get3A_351 : vector<16xf32> to vector<1x16xf32>
        tpu.vector_store %arg14[%swap3A_352, %swap3A_353], %swap3A_356 {add = true, strides = array<i32>} : memref<128x64xf32, #tpu.memory_space<vmem>>, vector<1x16xf32>,
        %get3A_357 = arith.index_cast %add3A_338 : i32 to index
        %get3A_358 = arith.constant 32 : index
        %get3A_359 = tpu.vector_load %arg8[%get3A_357, %get3A_358] {strides = array<i32>} : memref<128x64xf32, #tpu.memory_space<vmem>>, vector<1x16xf32>,
        %get3A_360 = vector.shape_cast %get3A_359 : vector<1x16xf32> to vector<16xf32>
        %swap3A_361 = arith.index_cast %add3A_338 : i32 to index
        %swap3A_362 = arith.constant 32 : index
        %swap3A_363 = tpu.vector_load %arg14[%swap3A_361, %swap3A_362] {strides = array<i32>} : memref<128x64xf32, #tpu.memory_space<vmem>>, vector<1x16xf32>,
        %swap3A_364 = vector.shape_cast %swap3A_363 : vector<1x16xf32> to vector<16xf32>
        %swap3A_365 = vector.shape_cast %get3A_360 : vector<16xf32> to vector<1x16xf32>
        tpu.vector_store %arg14[%swap3A_361, %swap3A_362], %swap3A_365 {add = true, strides = array<i32>} : memref<128x64xf32, #tpu.memory_space<vmem>>, vector<1x16xf32>,
        %get3A_366 = arith.index_cast %add3A_338 : i32 to index
        %get3A_367 = arith.constant 48 : index
        %get3A_368 = tpu.vector_load %arg8[%get3A_366, %get3A_367] {strides = array<i32>} : memref<128x64xf32, #tpu.memory_space<vmem>>, vector<1x16xf32>,
        %get3A_369 = vector.shape_cast %get3A_368 : vector<1x16xf32> to vector<16xf32>
        %swap3A_370 = arith.index_cast %add3A_338 : i32 to index
        %swap3A_371 = arith.constant 48 : index
        %swap3A_372 = tpu.vector_load %arg14[%swap3A_370, %swap3A_371] {strides = array<i32>} : memref<128x64xf32, #tpu.memory_space<vmem>>, vector<1x16xf32>,
        %swap3A_373 = vector.shape_cast %swap3A_372 : vector<1x16xf32> to vector<16xf32>
        %swap3A_374 = vector.shape_cast %get3A_369 : vector<16xf32> to vector<1x16xf32>
        tpu.vector_store %arg14[%swap3A_370, %swap3A_371], %swap3A_374 {add = true, strides = array<i32>} : memref<128x64xf32, #tpu.memory_space<vmem>>, vector<1x16xf32>,
        %mul3A_375 = arith.constant 8 : i32
        %mul3A_376 = arith.muli %scan3A_255, %mul3A_375 : i32
        %add3A_377 = arith.constant 3 : i32
        %add3A_378 = arith.addi %mul3A_376, %add3A_377 : i32
        %get3A_379 = arith.index_cast %add3A_378 : i32 to index
        %get3A_380 = arith.constant 0 : index
        %get3A_381 = tpu.vector_load %arg8[%get3A_379, %get3A_380] {strides = array<i32>} : memref<128x64xf32, #tpu.memory_space<vmem>>, vector<1x16xf32>,
        %get3A_382 = vector.shape_cast %get3A_381 : vector<1x16xf32> to vector<16xf32>
        %swap3A_383 = arith.index_cast %add3A_378 : i32 to index
        %swap3A_384 = arith.constant 0 : index
        %swap3A_385 = tpu.vector_load %arg14[%swap3A_383, %swap3A_384] {strides = array<i32>} : memref<128x64xf32, #tpu.memory_space<vmem>>, vector<1x16xf32>,
        %swap3A_386 = vector.shape_cast %swap3A_385 : vector<1x16xf32> to vector<16xf32>
        %swap3A_387 = vector.shape_cast %get3A_382 : vector<16xf32> to vector<1x16xf32>
        tpu.vector_store %arg14[%swap3A_383, %swap3A_384], %swap3A_387 {add = true, strides = array<i32>} : memref<128x64xf32, #tpu.memory_space<vmem>>, vector<1x16xf32>,
        %get3A_388 = arith.index_cast %add3A_378 : i32 to index
        %get3A_389 = arith.constant 16 : index
        %get3A_390 = tpu.vector_load %arg8[%get3A_388, %get3A_389] {strides = array<i32>} : memref<128x64xf32, #tpu.memory_space<vmem>>, vector<1x16xf32>,
        %get3A_391 = vector.shape_cast %get3A_390 : vector<1x16xf32> to vector<16xf32>
        %swap3A_392 = arith.index_cast %add3A_378 : i32 to index
        %swap3A_393 = arith.constant 16 : index
        %swap3A_394 = tpu.vector_load %arg14[%swap3A_392, %swap3A_393] {strides = array<i32>} : memref<128x64xf32, #tpu.memory_space<vmem>>, vector<1x16xf32>,
        %swap3A_395 = vector.shape_cast %swap3A_394 : vector<1x16xf32> to vector<16xf32>
        %swap3A_396 = vector.shape_cast %get3A_391 : vector<16xf32> to vector<1x16xf32>
        tpu.vector_store %arg14[%swap3A_392, %swap3A_393], %swap3A_396 {add = true, strides = array<i32>} : memref<128x64xf32, #tpu.memory_space<vmem>>, vector<1x16xf32>,
        %get3A_397 = arith.index_cast %add3A_378 : i32 to index
        %get3A_398 = arith.constant 32 : index
        %get3A_399 = tpu.vector_load %arg8[%get3A_397, %get3A_398] {strides = array<i32>} : memref<128x64xf32, #tpu.memory_space<vmem>>, vector<1x16xf32>,
        %get3A_400 = vector.shape_cast %get3A_399 : vector<1x16xf32> to vector<16xf32>
        %swap3A_401 = arith.index_cast %add3A_378 : i32 to index
        %swap3A_402 = arith.constant 32 : index
        %swap3A_403 = tpu.vector_load %arg14[%swap3A_401, %swap3A_402] {strides = array<i32>} : memref<128x64xf32, #tpu.memory_space<vmem>>, vector<1x16xf32>,
        %swap3A_404 = vector.shape_cast %swap3A_403 : vector<1x16xf32> to vector<16xf32>
        %swap3A_405 = vector.shape_cast %get3A_400 : vector<16xf32> to vector<1x16xf32>
        tpu.vector_store %arg14[%swap3A_401, %swap3A_402], %swap3A_405 {add = true, strides = array<i32>} : memref<128x64xf32, #tpu.memory_space<vmem>>, vector<1x16xf32>,
        %get3A_406 = arith.index_cast %add3A_378 : i32 to index
        %get3A_407 = arith.constant 48 : index
        %get3A_408 = tpu.vector_load %arg8[%get3A_406, %get3A_407] {strides = array<i32>} : memref<128x64xf32, #tpu.memory_space<vmem>>, vector<1x16xf32>,
        %get3A_409 = vector.shape_cast %get3A_408 : vector<1x16xf32> to vector<16xf32>
        %swap3A_410 = arith.index_cast %add3A_378 : i32 to index
        %swap3A_411 = arith.constant 48 : index
        %swap3A_412 = tpu.vector_load %arg14[%swap3A_410, %swap3A_411] {strides = array<i32>} : memref<128x64xf32, #tpu.memory_space<vmem>>, vector<1x16xf32>,
        %swap3A_413 = vector.shape_cast %swap3A_412 : vector<1x16xf32> to vector<16xf32>
        %swap3A_414 = vector.shape_cast %get3A_409 : vector<16xf32> to vector<1x16xf32>
        tpu.vector_store %arg14[%swap3A_410, %swap3A_411], %swap3A_414 {add = true, strides = array<i32>} : memref<128x64xf32, #tpu.memory_space<vmem>>, vector<1x16xf32>,
        %mul3A_415 = arith.constant 8 : i32
        %mul3A_416 = arith.muli %scan3A_255, %mul3A_415 : i32
        %add3A_417 = arith.constant 4 : i32
        %add3A_418 = arith.addi %mul3A_416, %add3A_417 : i32
        %get3A_419 = arith.index_cast %add3A_418 : i32 to index
        %get3A_420 = arith.constant 0 : index
        %get3A_421 = tpu.vector_load %arg8[%get3A_419, %get3A_420] {strides = array<i32>} : memref<128x64xf32, #tpu.memory_space<vmem>>, vector<1x16xf32>,
        %get3A_422 = vector.shape_cast %get3A_421 : vector<1x16xf32> to vector<16xf32>
        %swap3A_423 = arith.index_cast %add3A_418 : i32 to index
        %swap3A_424 = arith.constant 0 : index
        %swap3A_425 = tpu.vector_load %arg14[%swap3A_423, %swap3A_424] {strides = array<i32>} : memref<128x64xf32, #tpu.memory_space<vmem>>, vector<1x16xf32>,
        %swap3A_426 = vector.shape_cast %swap3A_425 : vector<1x16xf32> to vector<16xf32>
        %swap3A_427 = vector.shape_cast %get3A_422 : vector<16xf32> to vector<1x16xf32>
        tpu.vector_store %arg14[%swap3A_423, %swap3A_424], %swap3A_427 {add = true, strides = array<i32>} : memref<128x64xf32, #tpu.memory_space<vmem>>, vector<1x16xf32>,
        %get3A_428 = arith.index_cast %add3A_418 : i32 to index
        %get3A_429 = arith.constant 16 : index
        %get3A_430 = tpu.vector_load %arg8[%get3A_428, %get3A_429] {strides = array<i32>} : memref<128x64xf32, #tpu.memory_space<vmem>>, vector<1x16xf32>,
        %get3A_431 = vector.shape_cast %get3A_430 : vector<1x16xf32> to vector<16xf32>
        %swap3A_432 = arith.index_cast %add3A_418 : i32 to index
        %swap3A_433 = arith.constant 16 : index
        %swap3A_434 = tpu.vector_load %arg14[%swap3A_432, %swap3A_433] {strides = array<i32>} : memref<128x64xf32, #tpu.memory_space<vmem>>, vector<1x16xf32>,
        %swap3A_435 = vector.shape_cast %swap3A_434 : vector<1x16xf32> to vector<16xf32>
        %swap3A_436 = vector.shape_cast %get3A_431 : vector<16xf32> to vector<1x16xf32>
        tpu.vector_store %arg14[%swap3A_432, %swap3A_433], %swap3A_436 {add = true, strides = array<i32>} : memref<128x64xf32, #tpu.memory_space<vmem>>, vector<1x16xf32>,
        %get3A_437 = arith.index_cast %add3A_418 : i32 to index
        %get3A_438 = arith.constant 32 : index
        %get3A_439 = tpu.vector_load %arg8[%get3A_437, %get3A_438] {strides = array<i32>} : memref<128x64xf32, #tpu.memory_space<vmem>>, vector<1x16xf32>,
        %get3A_440 = vector.shape_cast %get3A_439 : vector<1x16xf32> to vector<16xf32>
        %swap3A_441 = arith.index_cast %add3A_418 : i32 to index
        %swap3A_442 = arith.constant 32 : index
        %swap3A_443 = tpu.vector_load %arg14[%swap3A_441, %swap3A_442] {strides = array<i32>} : memref<128x64xf32, #tpu.memory_space<vmem>>, vector<1x16xf32>,
        %swap3A_444 = vector.shape_cast %swap3A_443 : vector<1x16xf32> to vector<16xf32>
        %swap3A_445 = vector.shape_cast %get3A_440 : vector<16xf32> to vector<1x16xf32>
        tpu.vector_store %arg14[%swap3A_441, %swap3A_442], %swap3A_445 {add = true, strides = array<i32>} : memref<128x64xf32, #tpu.memory_space<vmem>>, vector<1x16xf32>,
        %get3A_446 = arith.index_cast %add3A_418 : i32 to index
        %get3A_447 = arith.constant 48 : index
        %get3A_448 = tpu.vector_load %arg8[%get3A_446, %get3A_447] {strides = array<i32>} : memref<128x64xf32, #tpu.memory_space<vmem>>, vector<1x16xf32>,
        %get3A_449 = vector.shape_cast %get3A_448 : vector<1x16xf32> to vector<16xf32>
        %swap3A_450 = arith.index_cast %add3A_418 : i32 to index
        %swap3A_451 = arith.constant 48 : index
        %swap3A_452 = tpu.vector_load %arg14[%swap3A_450, %swap3A_451] {strides = array<i32>} : memref<128x64xf32, #tpu.memory_space<vmem>>, vector<1x16xf32>,
        %swap3A_453 = vector.shape_cast %swap3A_452 : vector<1x16xf32> to vector<16xf32>
        %swap3A_454 = vector.shape_cast %get3A_449 : vector<16xf32> to vector<1x16xf32>
        tpu.vector_store %arg14[%swap3A_450, %swap3A_451], %swap3A_454 {add = true, strides = array<i32>} : memref<128x64xf32, #tpu.memory_space<vmem>>, vector<1x16xf32>,
        %mul3A_455 = arith.constant 8 : i32
        %mul3A_456 = arith.muli %scan3A_255, %mul3A_455 : i32
        %add3A_457 = arith.constant 5 : i32
        %add3A_458 = arith.addi %mul3A_456, %add3A_457 : i32
        %get3A_459 = arith.index_cast %add3A_458 : i32 to index
        %get3A_460 = arith.constant 0 : index
        %get3A_461 = tpu.vector_load %arg8[%get3A_459, %get3A_460] {strides = array<i32>} : memref<128x64xf32, #tpu.memory_space<vmem>>, vector<1x16xf32>,
        %get3A_462 = vector.shape_cast %get3A_461 : vector<1x16xf32> to vector<16xf32>
        %swap3A_463 = arith.index_cast %add3A_458 : i32 to index
        %swap3A_464 = arith.constant 0 : index
        %swap3A_465 = tpu.vector_load %arg14[%swap3A_463, %swap3A_464] {strides = array<i32>} : memref<128x64xf32, #tpu.memory_space<vmem>>, vector<1x16xf32>,
        %swap3A_466 = vector.shape_cast %swap3A_465 : vector<1x16xf32> to vector<16xf32>
        %swap3A_467 = vector.shape_cast %get3A_462 : vector<16xf32> to vector<1x16xf32>
        tpu.vector_store %arg14[%swap3A_463, %swap3A_464], %swap3A_467 {add = true, strides = array<i32>} : memref<128x64xf32, #tpu.memory_space<vmem>>, vector<1x16xf32>,
        %get3A_468 = arith.index_cast %add3A_458 : i32 to index
        %get3A_469 = arith.constant 16 : index
        %get3A_470 = tpu.vector_load %arg8[%get3A_468, %get3A_469] {strides = array<i32>} : memref<128x64xf32, #tpu.memory_space<vmem>>, vector<1x16xf32>,
        %get3A_471 = vector.shape_cast %get3A_470 : vector<1x16xf32> to vector<16xf32>
        %swap3A_472 = arith.index_cast %add3A_458 : i32 to index
        %swap3A_473 = arith.constant 16 : index
        %swap3A_474 = tpu.vector_load %arg14[%swap3A_472, %swap3A_473] {strides = array<i32>} : memref<128x64xf32, #tpu.memory_space<vmem>>, vector<1x16xf32>,
        %swap3A_475 = vector.shape_cast %swap3A_474 : vector<1x16xf32> to vector<16xf32>
        %swap3A_476 = vector.shape_cast %get3A_471 : vector<16xf32> to vector<1x16xf32>
        tpu.vector_store %arg14[%swap3A_472, %swap3A_473], %swap3A_476 {add = true, strides = array<i32>} : memref<128x64xf32, #tpu.memory_space<vmem>>, vector<1x16xf32>,
        %get3A_477 = arith.index_cast %add3A_458 : i32 to index
        %get3A_478 = arith.constant 32 : index
        %get3A_479 = tpu.vector_load %arg8[%get3A_477, %get3A_478] {strides = array<i32>} : memref<128x64xf32, #tpu.memory_space<vmem>>, vector<1x16xf32>,
        %get3A_480 = vector.shape_cast %get3A_479 : vector<1x16xf32> to vector<16xf32>
        %swap3A_481 = arith.index_cast %add3A_458 : i32 to index
        %swap3A_482 = arith.constant 32 : index
        %swap3A_483 = tpu.vector_load %arg14[%swap3A_481, %swap3A_482] {strides = array<i32>} : memref<128x64xf32, #tpu.memory_space<vmem>>, vector<1x16xf32>,
        %swap3A_484 = vector.shape_cast %swap3A_483 : vector<1x16xf32> to vector<16xf32>
        %swap3A_485 = vector.shape_cast %get3A_480 : vector<16xf32> to vector<1x16xf32>
        tpu.vector_store %arg14[%swap3A_481, %swap3A_482], %swap3A_485 {add = true, strides = array<i32>} : memref<128x64xf32, #tpu.memory_space<vmem>>, vector<1x16xf32>,
        %get3A_486 = arith.index_cast %add3A_458 : i32 to index
        %get3A_487 = arith.constant 48 : index
        %get3A_488 = tpu.vector_load %arg8[%get3A_486, %get3A_487] {strides = array<i32>} : memref<128x64xf32, #tpu.memory_space<vmem>>, vector<1x16xf32>,
        %get3A_489 = vector.shape_cast %get3A_488 : vector<1x16xf32> to vector<16xf32>
        %swap3A_490 = arith.index_cast %add3A_458 : i32 to index
        %swap3A_491 = arith.constant 48 : index
        %swap3A_492 = tpu.vector_load %arg14[%swap3A_490, %swap3A_491] {strides = array<i32>} : memref<128x64xf32, #tpu.memory_space<vmem>>, vector<1x16xf32>,
        %swap3A_493 = vector.shape_cast %swap3A_492 : vector<1x16xf32> to vector<16xf32>
        %swap3A_494 = vector.shape_cast %get3A_489 : vector<16xf32> to vector<1x16xf32>
        tpu.vector_store %arg14[%swap3A_490, %swap3A_491], %swap3A_494 {add = true, strides = array<i32>} : memref<128x64xf32, #tpu.memory_space<vmem>>, vector<1x16xf32>,
        %mul3A_495 = arith.constant 8 : i32
        %mul3A_496 = arith.muli %scan3A_255, %mul3A_495 : i32
        %add3A_497 = arith.constant 6 : i32
        %add3A_498 = arith.addi %mul3A_496, %add3A_497 : i32
        %get3A_499 = arith.index_cast %add3A_498 : i32 to index
        %get3A_500 = arith.constant 0 : index
        %get3A_501 = tpu.vector_load %arg8[%get3A_499, %get3A_500] {strides = array<i32>} : memref<128x64xf32, #tpu.memory_space<vmem>>, vector<1x16xf32>,
        %get3A_502 = vector.shape_cast %get3A_501 : vector<1x16xf32> to vector<16xf32>
        %swap3A_503 = arith.index_cast %add3A_498 : i32 to index
        %swap3A_504 = arith.constant 0 : index
        %swap3A_505 = tpu.vector_load %arg14[%swap3A_503, %swap3A_504] {strides = array<i32>} : memref<128x64xf32, #tpu.memory_space<vmem>>, vector<1x16xf32>,
        %swap3A_506 = vector.shape_cast %swap3A_505 : vector<1x16xf32> to vector<16xf32>
        %swap3A_507 = vector.shape_cast %get3A_502 : vector<16xf32> to vector<1x16xf32>
        tpu.vector_store %arg14[%swap3A_503, %swap3A_504], %swap3A_507 {add = true, strides = array<i32>} : memref<128x64xf32, #tpu.memory_space<vmem>>, vector<1x16xf32>,
        %get3A_508 = arith.index_cast %add3A_498 : i32 to index
        %get3A_509 = arith.constant 16 : index
        %get3A_510 = tpu.vector_load %arg8[%get3A_508, %get3A_509] {strides = array<i32>} : memref<128x64xf32, #tpu.memory_space<vmem>>, vector<1x16xf32>,
        %get3A_511 = vector.shape_cast %get3A_510 : vector<1x16xf32> to vector<16xf32>
        %swap3A_512 = arith.index_cast %add3A_498 : i32 to index
        %swap3A_513 = arith.constant 16 : index
        %swap3A_514 = tpu.vector_load %arg14[%swap3A_512, %swap3A_513] {strides = array<i32>} : memref<128x64xf32, #tpu.memory_space<vmem>>, vector<1x16xf32>,
        %swap3A_515 = vector.shape_cast %swap3A_514 : vector<1x16xf32> to vector<16xf32>
        %swap3A_516 = vector.shape_cast %get3A_511 : vector<16xf32> to vector<1x16xf32>
        tpu.vector_store %arg14[%swap3A_512, %swap3A_513], %swap3A_516 {add = true, strides = array<i32>} : memref<128x64xf32, #tpu.memory_space<vmem>>, vector<1x16xf32>,
        %get3A_517 = arith.index_cast %add3A_498 : i32 to index
        %get3A_518 = arith.constant 32 : index
        %get3A_519 = tpu.vector_load %arg8[%get3A_517, %get3A_518] {strides = array<i32>} : memref<128x64xf32, #tpu.memory_space<vmem>>, vector<1x16xf32>,
        %get3A_520 = vector.shape_cast %get3A_519 : vector<1x16xf32> to vector<16xf32>
        %swap3A_521 = arith.index_cast %add3A_498 : i32 to index
        %swap3A_522 = arith.constant 32 : index
        %swap3A_523 = tpu.vector_load %arg14[%swap3A_521, %swap3A_522] {strides = array<i32>} : memref<128x64xf32, #tpu.memory_space<vmem>>, vector<1x16xf32>,
        %swap3A_524 = vector.shape_cast %swap3A_523 : vector<1x16xf32> to vector<16xf32>
        %swap3A_525 = vector.shape_cast %get3A_520 : vector<16xf32> to vector<1x16xf32>
        tpu.vector_store %arg14[%swap3A_521, %swap3A_522], %swap3A_525 {add = true, strides = array<i32>} : memref<128x64xf32, #tpu.memory_space<vmem>>, vector<1x16xf32>,
        %get3A_526 = arith.index_cast %add3A_498 : i32 to index
        %get3A_527 = arith.constant 48 : index
        %get3A_528 = tpu.vector_load %arg8[%get3A_526, %get3A_527] {strides = array<i32>} : memref<128x64xf32, #tpu.memory_space<vmem>>, vector<1x16xf32>,
        %get3A_529 = vector.shape_cast %get3A_528 : vector<1x16xf32> to vector<16xf32>
        %swap3A_530 = arith.index_cast %add3A_498 : i32 to index
        %swap3A_531 = arith.constant 48 : index
        %swap3A_532 = tpu.vector_load %arg14[%swap3A_530, %swap3A_531] {strides = array<i32>} : memref<128x64xf32, #tpu.memory_space<vmem>>, vector<1x16xf32>,
        %swap3A_533 = vector.shape_cast %swap3A_532 : vector<1x16xf32> to vector<16xf32>
        %swap3A_534 = vector.shape_cast %get3A_529 : vector<16xf32> to vector<1x16xf32>
        tpu.vector_store %arg14[%swap3A_530, %swap3A_531], %swap3A_534 {add = true, strides = array<i32>} : memref<128x64xf32, #tpu.memory_space<vmem>>, vector<1x16xf32>,
        %mul3A_535 = arith.constant 8 : i32
        %mul3A_536 = arith.muli %scan3A_255, %mul3A_535 : i32
        %add3A_537 = arith.constant 7 : i32
        %add3A_538 = arith.addi %mul3A_536, %add3A_537 : i32
        %get3A_539 = arith.index_cast %add3A_538 : i32 to index
        %get3A_540 = arith.constant 0 : index
        %get3A_541 = tpu.vector_load %arg8[%get3A_539, %get3A_540] {strides = array<i32>} : memref<128x64xf32, #tpu.memory_space<vmem>>, vector<1x16xf32>,
        %get3A_542 = vector.shape_cast %get3A_541 : vector<1x16xf32> to vector<16xf32>
        %swap3A_543 = arith.index_cast %add3A_538 : i32 to index
        %swap3A_544 = arith.constant 0 : index
        %swap3A_545 = tpu.vector_load %arg14[%swap3A_543, %swap3A_544] {strides = array<i32>} : memref<128x64xf32, #tpu.memory_space<vmem>>, vector<1x16xf32>,
        %swap3A_546 = vector.shape_cast %swap3A_545 : vector<1x16xf32> to vector<16xf32>
        %swap3A_547 = vector.shape_cast %get3A_542 : vector<16xf32> to vector<1x16xf32>
        tpu.vector_store %arg14[%swap3A_543, %swap3A_544], %swap3A_547 {add = true, strides = array<i32>} : memref<128x64xf32, #tpu.memory_space<vmem>>, vector<1x16xf32>,
        %get3A_548 = arith.index_cast %add3A_538 : i32 to index
        %get3A_549 = arith.constant 16 : index
        %get3A_550 = tpu.vector_load %arg8[%get3A_548, %get3A_549] {strides = array<i32>} : memref<128x64xf32, #tpu.memory_space<vmem>>, vector<1x16xf32>,
        %get3A_551 = vector.shape_cast %get3A_550 : vector<1x16xf32> to vector<16xf32>
        %swap3A_552 = arith.index_cast %add3A_538 : i32 to index
        %swap3A_553 = arith.constant 16 : index
        %swap3A_554 = tpu.vector_load %arg14[%swap3A_552, %swap3A_553] {strides = array<i32>} : memref<128x64xf32, #tpu.memory_space<vmem>>, vector<1x16xf32>,
        %swap3A_555 = vector.shape_cast %swap3A_554 : vector<1x16xf32> to vector<16xf32>
        %swap3A_556 = vector.shape_cast %get3A_551 : vector<16xf32> to vector<1x16xf32>
        tpu.vector_store %arg14[%swap3A_552, %swap3A_553], %swap3A_556 {add = true, strides = array<i32>} : memref<128x64xf32, #tpu.memory_space<vmem>>, vector<1x16xf32>,
        %get3A_557 = arith.index_cast %add3A_538 : i32 to index
        %get3A_558 = arith.constant 32 : index
        %get3A_559 = tpu.vector_load %arg8[%get3A_557, %get3A_558] {strides = array<i32>} : memref<128x64xf32, #tpu.memory_space<vmem>>, vector<1x16xf32>,
        %get3A_560 = vector.shape_cast %get3A_559 : vector<1x16xf32> to vector<16xf32>
        %swap3A_561 = arith.index_cast %add3A_538 : i32 to index
        %swap3A_562 = arith.constant 32 : index
        %swap3A_563 = tpu.vector_load %arg14[%swap3A_561, %swap3A_562] {strides = array<i32>} : memref<128x64xf32, #tpu.memory_space<vmem>>, vector<1x16xf32>,
        %swap3A_564 = vector.shape_cast %swap3A_563 : vector<1x16xf32> to vector<16xf32>
        %swap3A_565 = vector.shape_cast %get3A_560 : vector<16xf32> to vector<1x16xf32>
        tpu.vector_store %arg14[%swap3A_561, %swap3A_562], %swap3A_565 {add = true, strides = array<i32>} : memref<128x64xf32, #tpu.memory_space<vmem>>, vector<1x16xf32>,
        %get3A_566 = arith.index_cast %add3A_538 : i32 to index
        %get3A_567 = arith.constant 48 : index
        %get3A_568 = tpu.vector_load %arg8[%get3A_566, %get3A_567] {strides = array<i32>} : memref<128x64xf32, #tpu.memory_space<vmem>>, vector<1x16xf32>,
        %get3A_569 = vector.shape_cast %get3A_568 : vector<1x16xf32> to vector<16xf32>
        %swap3A_570 = arith.index_cast %add3A_538 : i32 to index
        %swap3A_571 = arith.constant 48 : index
        %swap3A_572 = tpu.vector_load %arg14[%swap3A_570, %swap3A_571] {strides = array<i32>} : memref<128x64xf32, #tpu.memory_space<vmem>>, vector<1x16xf32>,
        %swap3A_573 = vector.shape_cast %swap3A_572 : vector<1x16xf32> to vector<16xf32>
        %swap3A_574 = vector.shape_cast %get3A_569 : vector<16xf32> to vector<1x16xf32>
        tpu.vector_store %arg14[%swap3A_570, %swap3A_571], %swap3A_574 {add = true, strides = array<i32>} : memref<128x64xf32, #tpu.memory_space<vmem>>, vector<1x16xf32>,
        %scan3A_575 = arith.constant 0 : i32
        scf.yield %scan3A_575 : i32
      }
      %scan3A_136 = arith.constant 16 : i32
      %add3A_137 = arith.constant 8 : i32
      %add3A_138 = arith.addi %add3A_123, %add3A_137 : i32
      %lt3A_139 = arith.constant 200 : i32
      %lt3A_140 = arith.cmpi slt, %add3A_138, %lt3A_139 : i32
      %convert_element_type3A_141 = arith.extui %lt3A_140 : i1 to i32
      %cond3A_142 = arith.constant 0 : i32
      %cond3A_143 = arith.cmpi ne, %convert_element_type3A_141, %cond3A_142 : i32
      scf.if %cond3A_143 {
        %add3A_255 = arith.constant 8 : i32
        %add3A_256 = arith.addi %add3A_123, %add3A_255 : i32
        %dma_start3A_257 = arith.constant 0 : i32
        %dma_start3A_258 = tpu.memref_slice %arg5[%add3A_256, %dma_start3A_257] : memref<200x128xi32, #tpu.memory_space<vmem>> -> memref<1x128xi32, #tpu.memory_space<vmem>>
        %dma_start3A_259 = tpu.memref_squeeze %dma_start3A_258 : memref<1x128xi32, #tpu.memory_space<vmem>> -> memref<128xi32, #tpu.memory_space<vmem>>
        %dma_start3A_260 = arith.constant 0 : i32
        %dma_start3A_261 = arith.constant 0 : i32
        %dma_start3A_262 = tpu.memref_slice %arg3[%dma_start3A_260, %dma_start3A_261] : memref<1015808x64xf32, #tpu.memory_space<hbm>> -> memref<1015808x64xf32, #tpu.memory_space<hbm>>
        tpu.enqueue_indirect_dma source(%dma_start3A_262 : memref<1015808x64xf32, #tpu.memory_space<hbm>>) target(%arg8 : memref<128x64xf32, #tpu.memory_space<vmem>>) offsets(%dma_start3A_259 : memref<128xi32, #tpu.memory_space<vmem>>) semaphore(%arg17 : memref<!tpu.dma_semaphore, #tpu.memory_space<semaphore_mem>>)
      } else {
      }
      %add3A_144 = arith.constant 3 : i32
      %add3A_145 = arith.addi %mul3A_81, %add3A_144 : i32
      %dma_wait3A_146 = arith.constant 0 : i32
      %dma_wait3A_147 = tpu.memref_slice %arg5[%add3A_145, %dma_wait3A_146] : memref<200x128xi32, #tpu.memory_space<vmem>> -> memref<1x128xi32, #tpu.memory_space<vmem>>
      %dma_wait3A_148 = tpu.memref_squeeze %dma_wait3A_147 : memref<1x128xi32, #tpu.memory_space<vmem>> -> memref<128xi32, #tpu.memory_space<vmem>>
      %dma_wait3A_149 = arith.constant 0 : i32
      %dma_wait3A_150 = arith.constant 0 : i32
      %dma_wait3A_151 = tpu.memref_slice %arg3[%dma_wait3A_149, %dma_wait3A_150] : memref<1015808x64xf32, #tpu.memory_space<hbm>> -> memref<1015808x64xf32, #tpu.memory_space<hbm>>
      tpu.wait_indirect_dma semaphore(%arg18 : memref<!tpu.dma_semaphore, #tpu.memory_space<semaphore_mem>>) src(%dma_wait3A_151 : memref<1015808x64xf32, #tpu.memory_space<hbm>>) dst(%arg9 : memref<128x64xf32, #tpu.memory_space<vmem>>)
      %scan3A_152 = arith.constant 0 : i32
      %scan3A_153 = arith.constant 0 : i32
      %scan3A_154 = arith.constant 16 : i32
      %scan3A_155 = arith.addi %scan3A_153, %scan3A_154 : i32
      %scan3A_156 = arith.constant 1 : i32
      %scan3A_157 = scf.for %scan3A_255 = %scan3A_153 to %scan3A_155 step %scan3A_156 iter_args(%scan3A_256 = %scan3A_152) -> (i32)  : i32 {
        %mul3A_257 = arith.constant 8 : i32
        %mul3A_258 = arith.muli %scan3A_255, %mul3A_257 : i32
        %add3A_259 = arith.constant 0 : i32
        %add3A_260 = arith.addi %mul3A_258, %add3A_259 : i32
        %get3A = arith.index_cast %add3A_260 : i32 to index
        %get3A_261 = arith.constant 0 : index
        %get3A_262 = tpu.vector_load %arg9[%get3A, %get3A_261] {strides = array<i32>} : memref<128x64xf32, #tpu.memory_space<vmem>>, vector<1x16xf32>,
        %get3A_263 = vector.shape_cast %get3A_262 : vector<1x16xf32> to vector<16xf32>
        %swap3A = arith.index_cast %add3A_260 : i32 to index
        %swap3A_264 = arith.constant 0 : index
        %swap3A_265 = tpu.vector_load %arg14[%swap3A, %swap3A_264] {strides = array<i32>} : memref<128x64xf32, #tpu.memory_space<vmem>>, vector<1x16xf32>,
        %swap3A_266 = vector.shape_cast %swap3A_265 : vector<1x16xf32> to vector<16xf32>
        %swap3A_267 = vector.shape_cast %get3A_263 : vector<16xf32> to vector<1x16xf32>
        tpu.vector_store %arg14[%swap3A, %swap3A_264], %swap3A_267 {add = true, strides = array<i32>} : memref<128x64xf32, #tpu.memory_space<vmem>>, vector<1x16xf32>,
        %get3A_268 = arith.index_cast %add3A_260 : i32 to index
        %get3A_269 = arith.constant 16 : index
        %get3A_270 = tpu.vector_load %arg9[%get3A_268, %get3A_269] {strides = array<i32>} : memref<128x64xf32, #tpu.memory_space<vmem>>, vector<1x16xf32>,
        %get3A_271 = vector.shape_cast %get3A_270 : vector<1x16xf32> to vector<16xf32>
        %swap3A_272 = arith.index_cast %add3A_260 : i32 to index
        %swap3A_273 = arith.constant 16 : index
        %swap3A_274 = tpu.vector_load %arg14[%swap3A_272, %swap3A_273] {strides = array<i32>} : memref<128x64xf32, #tpu.memory_space<vmem>>, vector<1x16xf32>,
        %swap3A_275 = vector.shape_cast %swap3A_274 : vector<1x16xf32> to vector<16xf32>
        %swap3A_276 = vector.shape_cast %get3A_271 : vector<16xf32> to vector<1x16xf32>
        tpu.vector_store %arg14[%swap3A_272, %swap3A_273], %swap3A_276 {add = true, strides = array<i32>} : memref<128x64xf32, #tpu.memory_space<vmem>>, vector<1x16xf32>,
        %get3A_277 = arith.index_cast %add3A_260 : i32 to index
        %get3A_278 = arith.constant 32 : index
        %get3A_279 = tpu.vector_load %arg9[%get3A_277, %get3A_278] {strides = array<i32>} : memref<128x64xf32, #tpu.memory_space<vmem>>, vector<1x16xf32>,
        %get3A_280 = vector.shape_cast %get3A_279 : vector<1x16xf32> to vector<16xf32>
        %swap3A_281 = arith.index_cast %add3A_260 : i32 to index
        %swap3A_282 = arith.constant 32 : index
        %swap3A_283 = tpu.vector_load %arg14[%swap3A_281, %swap3A_282] {strides = array<i32>} : memref<128x64xf32, #tpu.memory_space<vmem>>, vector<1x16xf32>,
        %swap3A_284 = vector.shape_cast %swap3A_283 : vector<1x16xf32> to vector<16xf32>
        %swap3A_285 = vector.shape_cast %get3A_280 : vector<16xf32> to vector<1x16xf32>
        tpu.vector_store %arg14[%swap3A_281, %swap3A_282], %swap3A_285 {add = true, strides = array<i32>} : memref<128x64xf32, #tpu.memory_space<vmem>>, vector<1x16xf32>,
        %get3A_286 = arith.index_cast %add3A_260 : i32 to index
        %get3A_287 = arith.constant 48 : index
        %get3A_288 = tpu.vector_load %arg9[%get3A_286, %get3A_287] {strides = array<i32>} : memref<128x64xf32, #tpu.memory_space<vmem>>, vector<1x16xf32>,
        %get3A_289 = vector.shape_cast %get3A_288 : vector<1x16xf32> to vector<16xf32>
        %swap3A_290 = arith.index_cast %add3A_260 : i32 to index
        %swap3A_291 = arith.constant 48 : index
        %swap3A_292 = tpu.vector_load %arg14[%swap3A_290, %swap3A_291] {strides = array<i32>} : memref<128x64xf32, #tpu.memory_space<vmem>>, vector<1x16xf32>,
        %swap3A_293 = vector.shape_cast %swap3A_292 : vector<1x16xf32> to vector<16xf32>
        %swap3A_294 = vector.shape_cast %get3A_289 : vector<16xf32> to vector<1x16xf32>
        tpu.vector_store %arg14[%swap3A_290, %swap3A_291], %swap3A_294 {add = true, strides = array<i32>} : memref<128x64xf32, #tpu.memory_space<vmem>>, vector<1x16xf32>,
        %mul3A_295 = arith.constant 8 : i32
        %mul3A_296 = arith.muli %scan3A_255, %mul3A_295 : i32
        %add3A_297 = arith.constant 1 : i32
        %add3A_298 = arith.addi %mul3A_296, %add3A_297 : i32
        %get3A_299 = arith.index_cast %add3A_298 : i32 to index
        %get3A_300 = arith.constant 0 : index
        %get3A_301 = tpu.vector_load %arg9[%get3A_299, %get3A_300] {strides = array<i32>} : memref<128x64xf32, #tpu.memory_space<vmem>>, vector<1x16xf32>,
        %get3A_302 = vector.shape_cast %get3A_301 : vector<1x16xf32> to vector<16xf32>
        %swap3A_303 = arith.index_cast %add3A_298 : i32 to index
        %swap3A_304 = arith.constant 0 : index
        %swap3A_305 = tpu.vector_load %arg14[%swap3A_303, %swap3A_304] {strides = array<i32>} : memref<128x64xf32, #tpu.memory_space<vmem>>, vector<1x16xf32>,
        %swap3A_306 = vector.shape_cast %swap3A_305 : vector<1x16xf32> to vector<16xf32>
        %swap3A_307 = vector.shape_cast %get3A_302 : vector<16xf32> to vector<1x16xf32>
        tpu.vector_store %arg14[%swap3A_303, %swap3A_304], %swap3A_307 {add = true, strides = array<i32>} : memref<128x64xf32, #tpu.memory_space<vmem>>, vector<1x16xf32>,
        %get3A_308 = arith.index_cast %add3A_298 : i32 to index
        %get3A_309 = arith.constant 16 : index
        %get3A_310 = tpu.vector_load %arg9[%get3A_308, %get3A_309] {strides = array<i32>} : memref<128x64xf32, #tpu.memory_space<vmem>>, vector<1x16xf32>,
        %get3A_311 = vector.shape_cast %get3A_310 : vector<1x16xf32> to vector<16xf32>
        %swap3A_312 = arith.index_cast %add3A_298 : i32 to index
        %swap3A_313 = arith.constant 16 : index
        %swap3A_314 = tpu.vector_load %arg14[%swap3A_312, %swap3A_313] {strides = array<i32>} : memref<128x64xf32, #tpu.memory_space<vmem>>, vector<1x16xf32>,
        %swap3A_315 = vector.shape_cast %swap3A_314 : vector<1x16xf32> to vector<16xf32>
        %swap3A_316 = vector.shape_cast %get3A_311 : vector<16xf32> to vector<1x16xf32>
        tpu.vector_store %arg14[%swap3A_312, %swap3A_313], %swap3A_316 {add = true, strides = array<i32>} : memref<128x64xf32, #tpu.memory_space<vmem>>, vector<1x16xf32>,
        %get3A_317 = arith.index_cast %add3A_298 : i32 to index
        %get3A_318 = arith.constant 32 : index
        %get3A_319 = tpu.vector_load %arg9[%get3A_317, %get3A_318] {strides = array<i32>} : memref<128x64xf32, #tpu.memory_space<vmem>>, vector<1x16xf32>,
        %get3A_320 = vector.shape_cast %get3A_319 : vector<1x16xf32> to vector<16xf32>
        %swap3A_321 = arith.index_cast %add3A_298 : i32 to index
        %swap3A_322 = arith.constant 32 : index
        %swap3A_323 = tpu.vector_load %arg14[%swap3A_321, %swap3A_322] {strides = array<i32>} : memref<128x64xf32, #tpu.memory_space<vmem>>, vector<1x16xf32>,
        %swap3A_324 = vector.shape_cast %swap3A_323 : vector<1x16xf32> to vector<16xf32>
        %swap3A_325 = vector.shape_cast %get3A_320 : vector<16xf32> to vector<1x16xf32>
        tpu.vector_store %arg14[%swap3A_321, %swap3A_322], %swap3A_325 {add = true, strides = array<i32>} : memref<128x64xf32, #tpu.memory_space<vmem>>, vector<1x16xf32>,
        %get3A_326 = arith.index_cast %add3A_298 : i32 to index
        %get3A_327 = arith.constant 48 : index
        %get3A_328 = tpu.vector_load %arg9[%get3A_326, %get3A_327] {strides = array<i32>} : memref<128x64xf32, #tpu.memory_space<vmem>>, vector<1x16xf32>,
        %get3A_329 = vector.shape_cast %get3A_328 : vector<1x16xf32> to vector<16xf32>
        %swap3A_330 = arith.index_cast %add3A_298 : i32 to index
        %swap3A_331 = arith.constant 48 : index
        %swap3A_332 = tpu.vector_load %arg14[%swap3A_330, %swap3A_331] {strides = array<i32>} : memref<128x64xf32, #tpu.memory_space<vmem>>, vector<1x16xf32>,
        %swap3A_333 = vector.shape_cast %swap3A_332 : vector<1x16xf32> to vector<16xf32>
        %swap3A_334 = vector.shape_cast %get3A_329 : vector<16xf32> to vector<1x16xf32>
        tpu.vector_store %arg14[%swap3A_330, %swap3A_331], %swap3A_334 {add = true, strides = array<i32>} : memref<128x64xf32, #tpu.memory_space<vmem>>, vector<1x16xf32>,
        %mul3A_335 = arith.constant 8 : i32
        %mul3A_336 = arith.muli %scan3A_255, %mul3A_335 : i32
        %add3A_337 = arith.constant 2 : i32
        %add3A_338 = arith.addi %mul3A_336, %add3A_337 : i32
        %get3A_339 = arith.index_cast %add3A_338 : i32 to index
        %get3A_340 = arith.constant 0 : index
        %get3A_341 = tpu.vector_load %arg9[%get3A_339, %get3A_340] {strides = array<i32>} : memref<128x64xf32, #tpu.memory_space<vmem>>, vector<1x16xf32>,
        %get3A_342 = vector.shape_cast %get3A_341 : vector<1x16xf32> to vector<16xf32>
        %swap3A_343 = arith.index_cast %add3A_338 : i32 to index
        %swap3A_344 = arith.constant 0 : index
        %swap3A_345 = tpu.vector_load %arg14[%swap3A_343, %swap3A_344] {strides = array<i32>} : memref<128x64xf32, #tpu.memory_space<vmem>>, vector<1x16xf32>,
        %swap3A_346 = vector.shape_cast %swap3A_345 : vector<1x16xf32> to vector<16xf32>
        %swap3A_347 = vector.shape_cast %get3A_342 : vector<16xf32> to vector<1x16xf32>
        tpu.vector_store %arg14[%swap3A_343, %swap3A_344], %swap3A_347 {add = true, strides = array<i32>} : memref<128x64xf32, #tpu.memory_space<vmem>>, vector<1x16xf32>,
        %get3A_348 = arith.index_cast %add3A_338 : i32 to index
        %get3A_349 = arith.constant 16 : index
        %get3A_350 = tpu.vector_load %arg9[%get3A_348, %get3A_349] {strides = array<i32>} : memref<128x64xf32, #tpu.memory_space<vmem>>, vector<1x16xf32>,
        %get3A_351 = vector.shape_cast %get3A_350 : vector<1x16xf32> to vector<16xf32>
        %swap3A_352 = arith.index_cast %add3A_338 : i32 to index
        %swap3A_353 = arith.constant 16 : index
        %swap3A_354 = tpu.vector_load %arg14[%swap3A_352, %swap3A_353] {strides = array<i32>} : memref<128x64xf32, #tpu.memory_space<vmem>>, vector<1x16xf32>,
        %swap3A_355 = vector.shape_cast %swap3A_354 : vector<1x16xf32> to vector<16xf32>
        %swap3A_356 = vector.shape_cast %get3A_351 : vector<16xf32> to vector<1x16xf32>
        tpu.vector_store %arg14[%swap3A_352, %swap3A_353], %swap3A_356 {add = true, strides = array<i32>} : memref<128x64xf32, #tpu.memory_space<vmem>>, vector<1x16xf32>,
        %get3A_357 = arith.index_cast %add3A_338 : i32 to index
        %get3A_358 = arith.constant 32 : index
        %get3A_359 = tpu.vector_load %arg9[%get3A_357, %get3A_358] {strides = array<i32>} : memref<128x64xf32, #tpu.memory_space<vmem>>, vector<1x16xf32>,
        %get3A_360 = vector.shape_cast %get3A_359 : vector<1x16xf32> to vector<16xf32>
        %swap3A_361 = arith.index_cast %add3A_338 : i32 to index
        %swap3A_362 = arith.constant 32 : index
        %swap3A_363 = tpu.vector_load %arg14[%swap3A_361, %swap3A_362] {strides = array<i32>} : memref<128x64xf32, #tpu.memory_space<vmem>>, vector<1x16xf32>,
        %swap3A_364 = vector.shape_cast %swap3A_363 : vector<1x16xf32> to vector<16xf32>
        %swap3A_365 = vector.shape_cast %get3A_360 : vector<16xf32> to vector<1x16xf32>
        tpu.vector_store %arg14[%swap3A_361, %swap3A_362], %swap3A_365 {add = true, strides = array<i32>} : memref<128x64xf32, #tpu.memory_space<vmem>>, vector<1x16xf32>,
        %get3A_366 = arith.index_cast %add3A_338 : i32 to index
        %get3A_367 = arith.constant 48 : index
        %get3A_368 = tpu.vector_load %arg9[%get3A_366, %get3A_367] {strides = array<i32>} : memref<128x64xf32, #tpu.memory_space<vmem>>, vector<1x16xf32>,
        %get3A_369 = vector.shape_cast %get3A_368 : vector<1x16xf32> to vector<16xf32>
        %swap3A_370 = arith.index_cast %add3A_338 : i32 to index
        %swap3A_371 = arith.constant 48 : index
        %swap3A_372 = tpu.vector_load %arg14[%swap3A_370, %swap3A_371] {strides = array<i32>} : memref<128x64xf32, #tpu.memory_space<vmem>>, vector<1x16xf32>,
        %swap3A_373 = vector.shape_cast %swap3A_372 : vector<1x16xf32> to vector<16xf32>
        %swap3A_374 = vector.shape_cast %get3A_369 : vector<16xf32> to vector<1x16xf32>
        tpu.vector_store %arg14[%swap3A_370, %swap3A_371], %swap3A_374 {add = true, strides = array<i32>} : memref<128x64xf32, #tpu.memory_space<vmem>>, vector<1x16xf32>,
        %mul3A_375 = arith.constant 8 : i32
        %mul3A_376 = arith.muli %scan3A_255, %mul3A_375 : i32
        %add3A_377 = arith.constant 3 : i32
        %add3A_378 = arith.addi %mul3A_376, %add3A_377 : i32
        %get3A_379 = arith.index_cast %add3A_378 : i32 to index
        %get3A_380 = arith.constant 0 : index
        %get3A_381 = tpu.vector_load %arg9[%get3A_379, %get3A_380] {strides = array<i32>} : memref<128x64xf32, #tpu.memory_space<vmem>>, vector<1x16xf32>,
        %get3A_382 = vector.shape_cast %get3A_381 : vector<1x16xf32> to vector<16xf32>
        %swap3A_383 = arith.index_cast %add3A_378 : i32 to index
        %swap3A_384 = arith.constant 0 : index
        %swap3A_385 = tpu.vector_load %arg14[%swap3A_383, %swap3A_384] {strides = array<i32>} : memref<128x64xf32, #tpu.memory_space<vmem>>, vector<1x16xf32>,
        %swap3A_386 = vector.shape_cast %swap3A_385 : vector<1x16xf32> to vector<16xf32>
        %swap3A_387 = vector.shape_cast %get3A_382 : vector<16xf32> to vector<1x16xf32>
        tpu.vector_store %arg14[%swap3A_383, %swap3A_384], %swap3A_387 {add = true, strides = array<i32>} : memref<128x64xf32, #tpu.memory_space<vmem>>, vector<1x16xf32>,
        %get3A_388 = arith.index_cast %add3A_378 : i32 to index
        %get3A_389 = arith.constant 16 : index
        %get3A_390 = tpu.vector_load %arg9[%get3A_388, %get3A_389] {strides = array<i32>} : memref<128x64xf32, #tpu.memory_space<vmem>>, vector<1x16xf32>,
        %get3A_391 = vector.shape_cast %get3A_390 : vector<1x16xf32> to vector<16xf32>
        %swap3A_392 = arith.index_cast %add3A_378 : i32 to index
        %swap3A_393 = arith.constant 16 : index
        %swap3A_394 = tpu.vector_load %arg14[%swap3A_392, %swap3A_393] {strides = array<i32>} : memref<128x64xf32, #tpu.memory_space<vmem>>, vector<1x16xf32>,
        %swap3A_395 = vector.shape_cast %swap3A_394 : vector<1x16xf32> to vector<16xf32>
        %swap3A_396 = vector.shape_cast %get3A_391 : vector<16xf32> to vector<1x16xf32>
        tpu.vector_store %arg14[%swap3A_392, %swap3A_393], %swap3A_396 {add = true, strides = array<i32>} : memref<128x64xf32, #tpu.memory_space<vmem>>, vector<1x16xf32>,
        %get3A_397 = arith.index_cast %add3A_378 : i32 to index
        %get3A_398 = arith.constant 32 : index
        %get3A_399 = tpu.vector_load %arg9[%get3A_397, %get3A_398] {strides = array<i32>} : memref<128x64xf32, #tpu.memory_space<vmem>>, vector<1x16xf32>,
        %get3A_400 = vector.shape_cast %get3A_399 : vector<1x16xf32> to vector<16xf32>
        %swap3A_401 = arith.index_cast %add3A_378 : i32 to index
        %swap3A_402 = arith.constant 32 : index
        %swap3A_403 = tpu.vector_load %arg14[%swap3A_401, %swap3A_402] {strides = array<i32>} : memref<128x64xf32, #tpu.memory_space<vmem>>, vector<1x16xf32>,
        %swap3A_404 = vector.shape_cast %swap3A_403 : vector<1x16xf32> to vector<16xf32>
        %swap3A_405 = vector.shape_cast %get3A_400 : vector<16xf32> to vector<1x16xf32>
        tpu.vector_store %arg14[%swap3A_401, %swap3A_402], %swap3A_405 {add = true, strides = array<i32>} : memref<128x64xf32, #tpu.memory_space<vmem>>, vector<1x16xf32>,
        %get3A_406 = arith.index_cast %add3A_378 : i32 to index
        %get3A_407 = arith.constant 48 : index
        %get3A_408 = tpu.vector_load %arg9[%get3A_406, %get3A_407] {strides = array<i32>} : memref<128x64xf32, #tpu.memory_space<vmem>>, vector<1x16xf32>,
        %get3A_409 = vector.shape_cast %get3A_408 : vector<1x16xf32> to vector<16xf32>
        %swap3A_410 = arith.index_cast %add3A_378 : i32 to index
        %swap3A_411 = arith.constant 48 : index
        %swap3A_412 = tpu.vector_load %arg14[%swap3A_410, %swap3A_411] {strides = array<i32>} : memref<128x64xf32, #tpu.memory_space<vmem>>, vector<1x16xf32>,
        %swap3A_413 = vector.shape_cast %swap3A_412 : vector<1x16xf32> to vector<16xf32>
        %swap3A_414 = vector.shape_cast %get3A_409 : vector<16xf32> to vector<1x16xf32>
        tpu.vector_store %arg14[%swap3A_410, %swap3A_411], %swap3A_414 {add = true, strides = array<i32>} : memref<128x64xf32, #tpu.memory_space<vmem>>, vector<1x16xf32>,
        %mul3A_415 = arith.constant 8 : i32
        %mul3A_416 = arith.muli %scan3A_255, %mul3A_415 : i32
        %add3A_417 = arith.constant 4 : i32
        %add3A_418 = arith.addi %mul3A_416, %add3A_417 : i32
        %get3A_419 = arith.index_cast %add3A_418 : i32 to index
        %get3A_420 = arith.constant 0 : index
        %get3A_421 = tpu.vector_load %arg9[%get3A_419, %get3A_420] {strides = array<i32>} : memref<128x64xf32, #tpu.memory_space<vmem>>, vector<1x16xf32>,
        %get3A_422 = vector.shape_cast %get3A_421 : vector<1x16xf32> to vector<16xf32>
        %swap3A_423 = arith.index_cast %add3A_418 : i32 to index
        %swap3A_424 = arith.constant 0 : index
        %swap3A_425 = tpu.vector_load %arg14[%swap3A_423, %swap3A_424] {strides = array<i32>} : memref<128x64xf32, #tpu.memory_space<vmem>>, vector<1x16xf32>,
        %swap3A_426 = vector.shape_cast %swap3A_425 : vector<1x16xf32> to vector<16xf32>
        %swap3A_427 = vector.shape_cast %get3A_422 : vector<16xf32> to vector<1x16xf32>
        tpu.vector_store %arg14[%swap3A_423, %swap3A_424], %swap3A_427 {add = true, strides = array<i32>} : memref<128x64xf32, #tpu.memory_space<vmem>>, vector<1x16xf32>,
        %get3A_428 = arith.index_cast %add3A_418 : i32 to index
        %get3A_429 = arith.constant 16 : index
        %get3A_430 = tpu.vector_load %arg9[%get3A_428, %get3A_429] {strides = array<i32>} : memref<128x64xf32, #tpu.memory_space<vmem>>, vector<1x16xf32>,
        %get3A_431 = vector.shape_cast %get3A_430 : vector<1x16xf32> to vector<16xf32>
        %swap3A_432 = arith.index_cast %add3A_418 : i32 to index
        %swap3A_433 = arith.constant 16 : index
        %swap3A_434 = tpu.vector_load %arg14[%swap3A_432, %swap3A_433] {strides = array<i32>} : memref<128x64xf32, #tpu.memory_space<vmem>>, vector<1x16xf32>,
        %swap3A_435 = vector.shape_cast %swap3A_434 : vector<1x16xf32> to vector<16xf32>
        %swap3A_436 = vector.shape_cast %get3A_431 : vector<16xf32> to vector<1x16xf32>
        tpu.vector_store %arg14[%swap3A_432, %swap3A_433], %swap3A_436 {add = true, strides = array<i32>} : memref<128x64xf32, #tpu.memory_space<vmem>>, vector<1x16xf32>,
        %get3A_437 = arith.index_cast %add3A_418 : i32 to index
        %get3A_438 = arith.constant 32 : index
        %get3A_439 = tpu.vector_load %arg9[%get3A_437, %get3A_438] {strides = array<i32>} : memref<128x64xf32, #tpu.memory_space<vmem>>, vector<1x16xf32>,
        %get3A_440 = vector.shape_cast %get3A_439 : vector<1x16xf32> to vector<16xf32>
        %swap3A_441 = arith.index_cast %add3A_418 : i32 to index
        %swap3A_442 = arith.constant 32 : index
        %swap3A_443 = tpu.vector_load %arg14[%swap3A_441, %swap3A_442] {strides = array<i32>} : memref<128x64xf32, #tpu.memory_space<vmem>>, vector<1x16xf32>,
        %swap3A_444 = vector.shape_cast %swap3A_443 : vector<1x16xf32> to vector<16xf32>
        %swap3A_445 = vector.shape_cast %get3A_440 : vector<16xf32> to vector<1x16xf32>
        tpu.vector_store %arg14[%swap3A_441, %swap3A_442], %swap3A_445 {add = true, strides = array<i32>} : memref<128x64xf32, #tpu.memory_space<vmem>>, vector<1x16xf32>,
        %get3A_446 = arith.index_cast %add3A_418 : i32 to index
        %get3A_447 = arith.constant 48 : index
        %get3A_448 = tpu.vector_load %arg9[%get3A_446, %get3A_447] {strides = array<i32>} : memref<128x64xf32, #tpu.memory_space<vmem>>, vector<1x16xf32>,
        %get3A_449 = vector.shape_cast %get3A_448 : vector<1x16xf32> to vector<16xf32>
        %swap3A_450 = arith.index_cast %add3A_418 : i32 to index
        %swap3A_451 = arith.constant 48 : index
        %swap3A_452 = tpu.vector_load %arg14[%swap3A_450, %swap3A_451] {strides = array<i32>} : memref<128x64xf32, #tpu.memory_space<vmem>>, vector<1x16xf32>,
        %swap3A_453 = vector.shape_cast %swap3A_452 : vector<1x16xf32> to vector<16xf32>
        %swap3A_454 = vector.shape_cast %get3A_449 : vector<16xf32> to vector<1x16xf32>
        tpu.vector_store %arg14[%swap3A_450, %swap3A_451], %swap3A_454 {add = true, strides = array<i32>} : memref<128x64xf32, #tpu.memory_space<vmem>>, vector<1x16xf32>,
        %mul3A_455 = arith.constant 8 : i32
        %mul3A_456 = arith.muli %scan3A_255, %mul3A_455 : i32
        %add3A_457 = arith.constant 5 : i32
        %add3A_458 = arith.addi %mul3A_456, %add3A_457 : i32
        %get3A_459 = arith.index_cast %add3A_458 : i32 to index
        %get3A_460 = arith.constant 0 : index
        %get3A_461 = tpu.vector_load %arg9[%get3A_459, %get3A_460] {strides = array<i32>} : memref<128x64xf32, #tpu.memory_space<vmem>>, vector<1x16xf32>,
        %get3A_462 = vector.shape_cast %get3A_461 : vector<1x16xf32> to vector<16xf32>
        %swap3A_463 = arith.index_cast %add3A_458 : i32 to index
        %swap3A_464 = arith.constant 0 : index
        %swap3A_465 = tpu.vector_load %arg14[%swap3A_463, %swap3A_464] {strides = array<i32>} : memref<128x64xf32, #tpu.memory_space<vmem>>, vector<1x16xf32>,
        %swap3A_466 = vector.shape_cast %swap3A_465 : vector<1x16xf32> to vector<16xf32>
        %swap3A_467 = vector.shape_cast %get3A_462 : vector<16xf32> to vector<1x16xf32>
        tpu.vector_store %arg14[%swap3A_463, %swap3A_464], %swap3A_467 {add = true, strides = array<i32>} : memref<128x64xf32, #tpu.memory_space<vmem>>, vector<1x16xf32>,
        %get3A_468 = arith.index_cast %add3A_458 : i32 to index
        %get3A_469 = arith.constant 16 : index
        %get3A_470 = tpu.vector_load %arg9[%get3A_468, %get3A_469] {strides = array<i32>} : memref<128x64xf32, #tpu.memory_space<vmem>>, vector<1x16xf32>,
        %get3A_471 = vector.shape_cast %get3A_470 : vector<1x16xf32> to vector<16xf32>
        %swap3A_472 = arith.index_cast %add3A_458 : i32 to index
        %swap3A_473 = arith.constant 16 : index
        %swap3A_474 = tpu.vector_load %arg14[%swap3A_472, %swap3A_473] {strides = array<i32>} : memref<128x64xf32, #tpu.memory_space<vmem>>, vector<1x16xf32>,
        %swap3A_475 = vector.shape_cast %swap3A_474 : vector<1x16xf32> to vector<16xf32>
        %swap3A_476 = vector.shape_cast %get3A_471 : vector<16xf32> to vector<1x16xf32>
        tpu.vector_store %arg14[%swap3A_472, %swap3A_473], %swap3A_476 {add = true, strides = array<i32>} : memref<128x64xf32, #tpu.memory_space<vmem>>, vector<1x16xf32>,
        %get3A_477 = arith.index_cast %add3A_458 : i32 to index
        %get3A_478 = arith.constant 32 : index
        %get3A_479 = tpu.vector_load %arg9[%get3A_477, %get3A_478] {strides = array<i32>} : memref<128x64xf32, #tpu.memory_space<vmem>>, vector<1x16xf32>,
        %get3A_480 = vector.shape_cast %get3A_479 : vector<1x16xf32> to vector<16xf32>
        %swap3A_481 = arith.index_cast %add3A_458 : i32 to index
        %swap3A_482 = arith.constant 32 : index
        %swap3A_483 = tpu.vector_load %arg14[%swap3A_481, %swap3A_482] {strides = array<i32>} : memref<128x64xf32, #tpu.memory_space<vmem>>, vector<1x16xf32>,
        %swap3A_484 = vector.shape_cast %swap3A_483 : vector<1x16xf32> to vector<16xf32>
        %swap3A_485 = vector.shape_cast %get3A_480 : vector<16xf32> to vector<1x16xf32>
        tpu.vector_store %arg14[%swap3A_481, %swap3A_482], %swap3A_485 {add = true, strides = array<i32>} : memref<128x64xf32, #tpu.memory_space<vmem>>, vector<1x16xf32>,
        %get3A_486 = arith.index_cast %add3A_458 : i32 to index
        %get3A_487 = arith.constant 48 : index
        %get3A_488 = tpu.vector_load %arg9[%get3A_486, %get3A_487] {strides = array<i32>} : memref<128x64xf32, #tpu.memory_space<vmem>>, vector<1x16xf32>,
        %get3A_489 = vector.shape_cast %get3A_488 : vector<1x16xf32> to vector<16xf32>
        %swap3A_490 = arith.index_cast %add3A_458 : i32 to index
        %swap3A_491 = arith.constant 48 : index
        %swap3A_492 = tpu.vector_load %arg14[%swap3A_490, %swap3A_491] {strides = array<i32>} : memref<128x64xf32, #tpu.memory_space<vmem>>, vector<1x16xf32>,
        %swap3A_493 = vector.shape_cast %swap3A_492 : vector<1x16xf32> to vector<16xf32>
        %swap3A_494 = vector.shape_cast %get3A_489 : vector<16xf32> to vector<1x16xf32>
        tpu.vector_store %arg14[%swap3A_490, %swap3A_491], %swap3A_494 {add = true, strides = array<i32>} : memref<128x64xf32, #tpu.memory_space<vmem>>, vector<1x16xf32>,
        %mul3A_495 = arith.constant 8 : i32
        %mul3A_496 = arith.muli %scan3A_255, %mul3A_495 : i32
        %add3A_497 = arith.constant 6 : i32
        %add3A_498 = arith.addi %mul3A_496, %add3A_497 : i32
        %get3A_499 = arith.index_cast %add3A_498 : i32 to index
        %get3A_500 = arith.constant 0 : index
        %get3A_501 = tpu.vector_load %arg9[%get3A_499, %get3A_500] {strides = array<i32>} : memref<128x64xf32, #tpu.memory_space<vmem>>, vector<1x16xf32>,
        %get3A_502 = vector.shape_cast %get3A_501 : vector<1x16xf32> to vector<16xf32>
        %swap3A_503 = arith.index_cast %add3A_498 : i32 to index
        %swap3A_504 = arith.constant 0 : index
        %swap3A_505 = tpu.vector_load %arg14[%swap3A_503, %swap3A_504] {strides = array<i32>} : memref<128x64xf32, #tpu.memory_space<vmem>>, vector<1x16xf32>,
        %swap3A_506 = vector.shape_cast %swap3A_505 : vector<1x16xf32> to vector<16xf32>
        %swap3A_507 = vector.shape_cast %get3A_502 : vector<16xf32> to vector<1x16xf32>
        tpu.vector_store %arg14[%swap3A_503, %swap3A_504], %swap3A_507 {add = true, strides = array<i32>} : memref<128x64xf32, #tpu.memory_space<vmem>>, vector<1x16xf32>,
        %get3A_508 = arith.index_cast %add3A_498 : i32 to index
        %get3A_509 = arith.constant 16 : index
        %get3A_510 = tpu.vector_load %arg9[%get3A_508, %get3A_509] {strides = array<i32>} : memref<128x64xf32, #tpu.memory_space<vmem>>, vector<1x16xf32>,
        %get3A_511 = vector.shape_cast %get3A_510 : vector<1x16xf32> to vector<16xf32>
        %swap3A_512 = arith.index_cast %add3A_498 : i32 to index
        %swap3A_513 = arith.constant 16 : index
        %swap3A_514 = tpu.vector_load %arg14[%swap3A_512, %swap3A_513] {strides = array<i32>} : memref<128x64xf32, #tpu.memory_space<vmem>>, vector<1x16xf32>,
        %swap3A_515 = vector.shape_cast %swap3A_514 : vector<1x16xf32> to vector<16xf32>
        %swap3A_516 = vector.shape_cast %get3A_511 : vector<16xf32> to vector<1x16xf32>
        tpu.vector_store %arg14[%swap3A_512, %swap3A_513], %swap3A_516 {add = true, strides = array<i32>} : memref<128x64xf32, #tpu.memory_space<vmem>>, vector<1x16xf32>,
        %get3A_517 = arith.index_cast %add3A_498 : i32 to index
        %get3A_518 = arith.constant 32 : index
        %get3A_519 = tpu.vector_load %arg9[%get3A_517, %get3A_518] {strides = array<i32>} : memref<128x64xf32, #tpu.memory_space<vmem>>, vector<1x16xf32>,
        %get3A_520 = vector.shape_cast %get3A_519 : vector<1x16xf32> to vector<16xf32>
        %swap3A_521 = arith.index_cast %add3A_498 : i32 to index
        %swap3A_522 = arith.constant 32 : index
        %swap3A_523 = tpu.vector_load %arg14[%swap3A_521, %swap3A_522] {strides = array<i32>} : memref<128x64xf32, #tpu.memory_space<vmem>>, vector<1x16xf32>,
        %swap3A_524 = vector.shape_cast %swap3A_523 : vector<1x16xf32> to vector<16xf32>
        %swap3A_525 = vector.shape_cast %get3A_520 : vector<16xf32> to vector<1x16xf32>
        tpu.vector_store %arg14[%swap3A_521, %swap3A_522], %swap3A_525 {add = true, strides = array<i32>} : memref<128x64xf32, #tpu.memory_space<vmem>>, vector<1x16xf32>,
        %get3A_526 = arith.index_cast %add3A_498 : i32 to index
        %get3A_527 = arith.constant 48 : index
        %get3A_528 = tpu.vector_load %arg9[%get3A_526, %get3A_527] {strides = array<i32>} : memref<128x64xf32, #tpu.memory_space<vmem>>, vector<1x16xf32>,
        %get3A_529 = vector.shape_cast %get3A_528 : vector<1x16xf32> to vector<16xf32>
        %swap3A_530 = arith.index_cast %add3A_498 : i32 to index
        %swap3A_531 = arith.constant 48 : index
        %swap3A_532 = tpu.vector_load %arg14[%swap3A_530, %swap3A_531] {strides = array<i32>} : memref<128x64xf32, #tpu.memory_space<vmem>>, vector<1x16xf32>,
        %swap3A_533 = vector.shape_cast %swap3A_532 : vector<1x16xf32> to vector<16xf32>
        %swap3A_534 = vector.shape_cast %get3A_529 : vector<16xf32> to vector<1x16xf32>
        tpu.vector_store %arg14[%swap3A_530, %swap3A_531], %swap3A_534 {add = true, strides = array<i32>} : memref<128x64xf32, #tpu.memory_space<vmem>>, vector<1x16xf32>,
        %mul3A_535 = arith.constant 8 : i32
        %mul3A_536 = arith.muli %scan3A_255, %mul3A_535 : i32
        %add3A_537 = arith.constant 7 : i32
        %add3A_538 = arith.addi %mul3A_536, %add3A_537 : i32
        %get3A_539 = arith.index_cast %add3A_538 : i32 to index
        %get3A_540 = arith.constant 0 : index
        %get3A_541 = tpu.vector_load %arg9[%get3A_539, %get3A_540] {strides = array<i32>} : memref<128x64xf32, #tpu.memory_space<vmem>>, vector<1x16xf32>,
        %get3A_542 = vector.shape_cast %get3A_541 : vector<1x16xf32> to vector<16xf32>
        %swap3A_543 = arith.index_cast %add3A_538 : i32 to index
        %swap3A_544 = arith.constant 0 : index
        %swap3A_545 = tpu.vector_load %arg14[%swap3A_543, %swap3A_544] {strides = array<i32>} : memref<128x64xf32, #tpu.memory_space<vmem>>, vector<1x16xf32>,
        %swap3A_546 = vector.shape_cast %swap3A_545 : vector<1x16xf32> to vector<16xf32>
        %swap3A_547 = vector.shape_cast %get3A_542 : vector<16xf32> to vector<1x16xf32>
        tpu.vector_store %arg14[%swap3A_543, %swap3A_544], %swap3A_547 {add = true, strides = array<i32>} : memref<128x64xf32, #tpu.memory_space<vmem>>, vector<1x16xf32>,
        %get3A_548 = arith.index_cast %add3A_538 : i32 to index
        %get3A_549 = arith.constant 16 : index
        %get3A_550 = tpu.vector_load %arg9[%get3A_548, %get3A_549] {strides = array<i32>} : memref<128x64xf32, #tpu.memory_space<vmem>>, vector<1x16xf32>,
        %get3A_551 = vector.shape_cast %get3A_550 : vector<1x16xf32> to vector<16xf32>
        %swap3A_552 = arith.index_cast %add3A_538 : i32 to index
        %swap3A_553 = arith.constant 16 : index
        %swap3A_554 = tpu.vector_load %arg14[%swap3A_552, %swap3A_553] {strides = array<i32>} : memref<128x64xf32, #tpu.memory_space<vmem>>, vector<1x16xf32>,
        %swap3A_555 = vector.shape_cast %swap3A_554 : vector<1x16xf32> to vector<16xf32>
        %swap3A_556 = vector.shape_cast %get3A_551 : vector<16xf32> to vector<1x16xf32>
        tpu.vector_store %arg14[%swap3A_552, %swap3A_553], %swap3A_556 {add = true, strides = array<i32>} : memref<128x64xf32, #tpu.memory_space<vmem>>, vector<1x16xf32>,
        %get3A_557 = arith.index_cast %add3A_538 : i32 to index
        %get3A_558 = arith.constant 32 : index
        %get3A_559 = tpu.vector_load %arg9[%get3A_557, %get3A_558] {strides = array<i32>} : memref<128x64xf32, #tpu.memory_space<vmem>>, vector<1x16xf32>,
        %get3A_560 = vector.shape_cast %get3A_559 : vector<1x16xf32> to vector<16xf32>
        %swap3A_561 = arith.index_cast %add3A_538 : i32 to index
        %swap3A_562 = arith.constant 32 : index
        %swap3A_563 = tpu.vector_load %arg14[%swap3A_561, %swap3A_562] {strides = array<i32>} : memref<128x64xf32, #tpu.memory_space<vmem>>, vector<1x16xf32>,
        %swap3A_564 = vector.shape_cast %swap3A_563 : vector<1x16xf32> to vector<16xf32>
        %swap3A_565 = vector.shape_cast %get3A_560 : vector<16xf32> to vector<1x16xf32>
        tpu.vector_store %arg14[%swap3A_561, %swap3A_562], %swap3A_565 {add = true, strides = array<i32>} : memref<128x64xf32, #tpu.memory_space<vmem>>, vector<1x16xf32>,
        %get3A_566 = arith.index_cast %add3A_538 : i32 to index
        %get3A_567 = arith.constant 48 : index
        %get3A_568 = tpu.vector_load %arg9[%get3A_566, %get3A_567] {strides = array<i32>} : memref<128x64xf32, #tpu.memory_space<vmem>>, vector<1x16xf32>,
        %get3A_569 = vector.shape_cast %get3A_568 : vector<1x16xf32> to vector<16xf32>
        %swap3A_570 = arith.index_cast %add3A_538 : i32 to index
        %swap3A_571 = arith.constant 48 : index
        %swap3A_572 = tpu.vector_load %arg14[%swap3A_570, %swap3A_571] {strides = array<i32>} : memref<128x64xf32, #tpu.memory_space<vmem>>, vector<1x16xf32>,
        %swap3A_573 = vector.shape_cast %swap3A_572 : vector<1x16xf32> to vector<16xf32>
        %swap3A_574 = vector.shape_cast %get3A_569 : vector<16xf32> to vector<1x16xf32>
        tpu.vector_store %arg14[%swap3A_570, %swap3A_571], %swap3A_574 {add = true, strides = array<i32>} : memref<128x64xf32, #tpu.memory_space<vmem>>, vector<1x16xf32>,
        %scan3A_575 = arith.constant 0 : i32
        scf.yield %scan3A_575 : i32
      }
      %scan3A_158 = arith.constant 16 : i32
      %add3A_159 = arith.constant 8 : i32
      %add3A_160 = arith.addi %add3A_145, %add3A_159 : i32
      %lt3A_161 = arith.constant 200 : i32
      %lt3A_162 = arith.cmpi slt, %add3A_160, %lt3A_161 : i32
      %convert_element_type3A_163 = arith.extui %lt3A_162 : i1 to i32
      %cond3A_164 = arith.constant 0 : i32
      %cond3A_165 = arith.cmpi ne, %convert_element_type3A_163, %cond3A_164 : i32
      scf.if %cond3A_165 {
        %add3A_255 = arith.constant 8 : i32
        %add3A_256 = arith.addi %add3A_145, %add3A_255 : i32
        %dma_start3A_257 = arith.constant 0 : i32
        %dma_start3A_258 = tpu.memref_slice %arg5[%add3A_256, %dma_start3A_257] : memref<200x128xi32, #tpu.memory_space<vmem>> -> memref<1x128xi32, #tpu.memory_space<vmem>>
        %dma_start3A_259 = tpu.memref_squeeze %dma_start3A_258 : memref<1x128xi32, #tpu.memory_space<vmem>> -> memref<128xi32, #tpu.memory_space<vmem>>
        %dma_start3A_260 = arith.constant 0 : i32
        %dma_start3A_261 = arith.constant 0 : i32
        %dma_start3A_262 = tpu.memref_slice %arg3[%dma_start3A_260, %dma_start3A_261] : memref<1015808x64xf32, #tpu.memory_space<hbm>> -> memref<1015808x64xf32, #tpu.memory_space<hbm>>
        tpu.enqueue_indirect_dma source(%dma_start3A_262 : memref<1015808x64xf32, #tpu.memory_space<hbm>>) target(%arg9 : memref<128x64xf32, #tpu.memory_space<vmem>>) offsets(%dma_start3A_259 : memref<128xi32, #tpu.memory_space<vmem>>) semaphore(%arg18 : memref<!tpu.dma_semaphore, #tpu.memory_space<semaphore_mem>>)
      } else {
      }
      %add3A_166 = arith.constant 4 : i32
      %add3A_167 = arith.addi %mul3A_81, %add3A_166 : i32
      %dma_wait3A_168 = arith.constant 0 : i32
      %dma_wait3A_169 = tpu.memref_slice %arg5[%add3A_167, %dma_wait3A_168] : memref<200x128xi32, #tpu.memory_space<vmem>> -> memref<1x128xi32, #tpu.memory_space<vmem>>
      %dma_wait3A_170 = tpu.memref_squeeze %dma_wait3A_169 : memref<1x128xi32, #tpu.memory_space<vmem>> -> memref<128xi32, #tpu.memory_space<vmem>>
      %dma_wait3A_171 = arith.constant 0 : i32
      %dma_wait3A_172 = arith.constant 0 : i32
      %dma_wait3A_173 = tpu.memref_slice %arg3[%dma_wait3A_171, %dma_wait3A_172] : memref<1015808x64xf32, #tpu.memory_space<hbm>> -> memref<1015808x64xf32, #tpu.memory_space<hbm>>
      tpu.wait_indirect_dma semaphore(%arg19 : memref<!tpu.dma_semaphore, #tpu.memory_space<semaphore_mem>>) src(%dma_wait3A_173 : memref<1015808x64xf32, #tpu.memory_space<hbm>>) dst(%arg10 : memref<128x64xf32, #tpu.memory_space<vmem>>)
      %scan3A_174 = arith.constant 0 : i32
      %scan3A_175 = arith.constant 0 : i32
      %scan3A_176 = arith.constant 16 : i32
      %scan3A_177 = arith.addi %scan3A_175, %scan3A_176 : i32
      %scan3A_178 = arith.constant 1 : i32
      %scan3A_179 = scf.for %scan3A_255 = %scan3A_175 to %scan3A_177 step %scan3A_178 iter_args(%scan3A_256 = %scan3A_174) -> (i32)  : i32 {
        %mul3A_257 = arith.constant 8 : i32
        %mul3A_258 = arith.muli %scan3A_255, %mul3A_257 : i32
        %add3A_259 = arith.constant 0 : i32
        %add3A_260 = arith.addi %mul3A_258, %add3A_259 : i32
        %get3A = arith.index_cast %add3A_260 : i32 to index
        %get3A_261 = arith.constant 0 : index
        %get3A_262 = tpu.vector_load %arg10[%get3A, %get3A_261] {strides = array<i32>} : memref<128x64xf32, #tpu.memory_space<vmem>>, vector<1x16xf32>,
        %get3A_263 = vector.shape_cast %get3A_262 : vector<1x16xf32> to vector<16xf32>
        %swap3A = arith.index_cast %add3A_260 : i32 to index
        %swap3A_264 = arith.constant 0 : index
        %swap3A_265 = tpu.vector_load %arg14[%swap3A, %swap3A_264] {strides = array<i32>} : memref<128x64xf32, #tpu.memory_space<vmem>>, vector<1x16xf32>,
        %swap3A_266 = vector.shape_cast %swap3A_265 : vector<1x16xf32> to vector<16xf32>
        %swap3A_267 = vector.shape_cast %get3A_263 : vector<16xf32> to vector<1x16xf32>
        tpu.vector_store %arg14[%swap3A, %swap3A_264], %swap3A_267 {add = true, strides = array<i32>} : memref<128x64xf32, #tpu.memory_space<vmem>>, vector<1x16xf32>,
        %get3A_268 = arith.index_cast %add3A_260 : i32 to index
        %get3A_269 = arith.constant 16 : index
        %get3A_270 = tpu.vector_load %arg10[%get3A_268, %get3A_269] {strides = array<i32>} : memref<128x64xf32, #tpu.memory_space<vmem>>, vector<1x16xf32>,
        %get3A_271 = vector.shape_cast %get3A_270 : vector<1x16xf32> to vector<16xf32>
        %swap3A_272 = arith.index_cast %add3A_260 : i32 to index
        %swap3A_273 = arith.constant 16 : index
        %swap3A_274 = tpu.vector_load %arg14[%swap3A_272, %swap3A_273] {strides = array<i32>} : memref<128x64xf32, #tpu.memory_space<vmem>>, vector<1x16xf32>,
        %swap3A_275 = vector.shape_cast %swap3A_274 : vector<1x16xf32> to vector<16xf32>
        %swap3A_276 = vector.shape_cast %get3A_271 : vector<16xf32> to vector<1x16xf32>
        tpu.vector_store %arg14[%swap3A_272, %swap3A_273], %swap3A_276 {add = true, strides = array<i32>} : memref<128x64xf32, #tpu.memory_space<vmem>>, vector<1x16xf32>,
        %get3A_277 = arith.index_cast %add3A_260 : i32 to index
        %get3A_278 = arith.constant 32 : index
        %get3A_279 = tpu.vector_load %arg10[%get3A_277, %get3A_278] {strides = array<i32>} : memref<128x64xf32, #tpu.memory_space<vmem>>, vector<1x16xf32>,
        %get3A_280 = vector.shape_cast %get3A_279 : vector<1x16xf32> to vector<16xf32>
        %swap3A_281 = arith.index_cast %add3A_260 : i32 to index
        %swap3A_282 = arith.constant 32 : index
        %swap3A_283 = tpu.vector_load %arg14[%swap3A_281, %swap3A_282] {strides = array<i32>} : memref<128x64xf32, #tpu.memory_space<vmem>>, vector<1x16xf32>,
        %swap3A_284 = vector.shape_cast %swap3A_283 : vector<1x16xf32> to vector<16xf32>
        %swap3A_285 = vector.shape_cast %get3A_280 : vector<16xf32> to vector<1x16xf32>
        tpu.vector_store %arg14[%swap3A_281, %swap3A_282], %swap3A_285 {add = true, strides = array<i32>} : memref<128x64xf32, #tpu.memory_space<vmem>>, vector<1x16xf32>,
        %get3A_286 = arith.index_cast %add3A_260 : i32 to index
        %get3A_287 = arith.constant 48 : index
        %get3A_288 = tpu.vector_load %arg10[%get3A_286, %get3A_287] {strides = array<i32>} : memref<128x64xf32, #tpu.memory_space<vmem>>, vector<1x16xf32>,
        %get3A_289 = vector.shape_cast %get3A_288 : vector<1x16xf32> to vector<16xf32>
        %swap3A_290 = arith.index_cast %add3A_260 : i32 to index
        %swap3A_291 = arith.constant 48 : index
        %swap3A_292 = tpu.vector_load %arg14[%swap3A_290, %swap3A_291] {strides = array<i32>} : memref<128x64xf32, #tpu.memory_space<vmem>>, vector<1x16xf32>,
        %swap3A_293 = vector.shape_cast %swap3A_292 : vector<1x16xf32> to vector<16xf32>
        %swap3A_294 = vector.shape_cast %get3A_289 : vector<16xf32> to vector<1x16xf32>
        tpu.vector_store %arg14[%swap3A_290, %swap3A_291], %swap3A_294 {add = true, strides = array<i32>} : memref<128x64xf32, #tpu.memory_space<vmem>>, vector<1x16xf32>,
        %mul3A_295 = arith.constant 8 : i32
        %mul3A_296 = arith.muli %scan3A_255, %mul3A_295 : i32
        %add3A_297 = arith.constant 1 : i32
        %add3A_298 = arith.addi %mul3A_296, %add3A_297 : i32
        %get3A_299 = arith.index_cast %add3A_298 : i32 to index
        %get3A_300 = arith.constant 0 : index
        %get3A_301 = tpu.vector_load %arg10[%get3A_299, %get3A_300] {strides = array<i32>} : memref<128x64xf32, #tpu.memory_space<vmem>>, vector<1x16xf32>,
        %get3A_302 = vector.shape_cast %get3A_301 : vector<1x16xf32> to vector<16xf32>
        %swap3A_303 = arith.index_cast %add3A_298 : i32 to index
        %swap3A_304 = arith.constant 0 : index
        %swap3A_305 = tpu.vector_load %arg14[%swap3A_303, %swap3A_304] {strides = array<i32>} : memref<128x64xf32, #tpu.memory_space<vmem>>, vector<1x16xf32>,
        %swap3A_306 = vector.shape_cast %swap3A_305 : vector<1x16xf32> to vector<16xf32>
        %swap3A_307 = vector.shape_cast %get3A_302 : vector<16xf32> to vector<1x16xf32>
        tpu.vector_store %arg14[%swap3A_303, %swap3A_304], %swap3A_307 {add = true, strides = array<i32>} : memref<128x64xf32, #tpu.memory_space<vmem>>, vector<1x16xf32>,
        %get3A_308 = arith.index_cast %add3A_298 : i32 to index
        %get3A_309 = arith.constant 16 : index
        %get3A_310 = tpu.vector_load %arg10[%get3A_308, %get3A_309] {strides = array<i32>} : memref<128x64xf32, #tpu.memory_space<vmem>>, vector<1x16xf32>,
        %get3A_311 = vector.shape_cast %get3A_310 : vector<1x16xf32> to vector<16xf32>
        %swap3A_312 = arith.index_cast %add3A_298 : i32 to index
        %swap3A_313 = arith.constant 16 : index
        %swap3A_314 = tpu.vector_load %arg14[%swap3A_312, %swap3A_313] {strides = array<i32>} : memref<128x64xf32, #tpu.memory_space<vmem>>, vector<1x16xf32>,
        %swap3A_315 = vector.shape_cast %swap3A_314 : vector<1x16xf32> to vector<16xf32>
        %swap3A_316 = vector.shape_cast %get3A_311 : vector<16xf32> to vector<1x16xf32>
        tpu.vector_store %arg14[%swap3A_312, %swap3A_313], %swap3A_316 {add = true, strides = array<i32>} : memref<128x64xf32, #tpu.memory_space<vmem>>, vector<1x16xf32>,
        %get3A_317 = arith.index_cast %add3A_298 : i32 to index
        %get3A_318 = arith.constant 32 : index
        %get3A_319 = tpu.vector_load %arg10[%get3A_317, %get3A_318] {strides = array<i32>} : memref<128x64xf32, #tpu.memory_space<vmem>>, vector<1x16xf32>,
        %get3A_320 = vector.shape_cast %get3A_319 : vector<1x16xf32> to vector<16xf32>
        %swap3A_321 = arith.index_cast %add3A_298 : i32 to index
        %swap3A_322 = arith.constant 32 : index
        %swap3A_323 = tpu.vector_load %arg14[%swap3A_321, %swap3A_322] {strides = array<i32>} : memref<128x64xf32, #tpu.memory_space<vmem>>, vector<1x16xf32>,
        %swap3A_324 = vector.shape_cast %swap3A_323 : vector<1x16xf32> to vector<16xf32>
        %swap3A_325 = vector.shape_cast %get3A_320 : vector<16xf32> to vector<1x16xf32>
        tpu.vector_store %arg14[%swap3A_321, %swap3A_322], %swap3A_325 {add = true, strides = array<i32>} : memref<128x64xf32, #tpu.memory_space<vmem>>, vector<1x16xf32>,
        %get3A_326 = arith.index_cast %add3A_298 : i32 to index
        %get3A_327 = arith.constant 48 : index
        %get3A_328 = tpu.vector_load %arg10[%get3A_326, %get3A_327] {strides = array<i32>} : memref<128x64xf32, #tpu.memory_space<vmem>>, vector<1x16xf32>,
        %get3A_329 = vector.shape_cast %get3A_328 : vector<1x16xf32> to vector<16xf32>
        %swap3A_330 = arith.index_cast %add3A_298 : i32 to index
        %swap3A_331 = arith.constant 48 : index
        %swap3A_332 = tpu.vector_load %arg14[%swap3A_330, %swap3A_331] {strides = array<i32>} : memref<128x64xf32, #tpu.memory_space<vmem>>, vector<1x16xf32>,
        %swap3A_333 = vector.shape_cast %swap3A_332 : vector<1x16xf32> to vector<16xf32>
        %swap3A_334 = vector.shape_cast %get3A_329 : vector<16xf32> to vector<1x16xf32>
        tpu.vector_store %arg14[%swap3A_330, %swap3A_331], %swap3A_334 {add = true, strides = array<i32>} : memref<128x64xf32, #tpu.memory_space<vmem>>, vector<1x16xf32>,
        %mul3A_335 = arith.constant 8 : i32
        %mul3A_336 = arith.muli %scan3A_255, %mul3A_335 : i32
        %add3A_337 = arith.constant 2 : i32
        %add3A_338 = arith.addi %mul3A_336, %add3A_337 : i32
        %get3A_339 = arith.index_cast %add3A_338 : i32 to index
        %get3A_340 = arith.constant 0 : index
        %get3A_341 = tpu.vector_load %arg10[%get3A_339, %get3A_340] {strides = array<i32>} : memref<128x64xf32, #tpu.memory_space<vmem>>, vector<1x16xf32>,
        %get3A_342 = vector.shape_cast %get3A_341 : vector<1x16xf32> to vector<16xf32>
        %swap3A_343 = arith.index_cast %add3A_338 : i32 to index
        %swap3A_344 = arith.constant 0 : index
        %swap3A_345 = tpu.vector_load %arg14[%swap3A_343, %swap3A_344] {strides = array<i32>} : memref<128x64xf32, #tpu.memory_space<vmem>>, vector<1x16xf32>,
        %swap3A_346 = vector.shape_cast %swap3A_345 : vector<1x16xf32> to vector<16xf32>
        %swap3A_347 = vector.shape_cast %get3A_342 : vector<16xf32> to vector<1x16xf32>
        tpu.vector_store %arg14[%swap3A_343, %swap3A_344], %swap3A_347 {add = true, strides = array<i32>} : memref<128x64xf32, #tpu.memory_space<vmem>>, vector<1x16xf32>,
        %get3A_348 = arith.index_cast %add3A_338 : i32 to index
        %get3A_349 = arith.constant 16 : index
        %get3A_350 = tpu.vector_load %arg10[%get3A_348, %get3A_349] {strides = array<i32>} : memref<128x64xf32, #tpu.memory_space<vmem>>, vector<1x16xf32>,
        %get3A_351 = vector.shape_cast %get3A_350 : vector<1x16xf32> to vector<16xf32>
        %swap3A_352 = arith.index_cast %add3A_338 : i32 to index
        %swap3A_353 = arith.constant 16 : index
        %swap3A_354 = tpu.vector_load %arg14[%swap3A_352, %swap3A_353] {strides = array<i32>} : memref<128x64xf32, #tpu.memory_space<vmem>>, vector<1x16xf32>,
        %swap3A_355 = vector.shape_cast %swap3A_354 : vector<1x16xf32> to vector<16xf32>
        %swap3A_356 = vector.shape_cast %get3A_351 : vector<16xf32> to vector<1x16xf32>
        tpu.vector_store %arg14[%swap3A_352, %swap3A_353], %swap3A_356 {add = true, strides = array<i32>} : memref<128x64xf32, #tpu.memory_space<vmem>>, vector<1x16xf32>,
        %get3A_357 = arith.index_cast %add3A_338 : i32 to index
        %get3A_358 = arith.constant 32 : index
        %get3A_359 = tpu.vector_load %arg10[%get3A_357, %get3A_358] {strides = array<i32>} : memref<128x64xf32, #tpu.memory_space<vmem>>, vector<1x16xf32>,
        %get3A_360 = vector.shape_cast %get3A_359 : vector<1x16xf32> to vector<16xf32>
        %swap3A_361 = arith.index_cast %add3A_338 : i32 to index
        %swap3A_362 = arith.constant 32 : index
        %swap3A_363 = tpu.vector_load %arg14[%swap3A_361, %swap3A_362] {strides = array<i32>} : memref<128x64xf32, #tpu.memory_space<vmem>>, vector<1x16xf32>,
        %swap3A_364 = vector.shape_cast %swap3A_363 : vector<1x16xf32> to vector<16xf32>
        %swap3A_365 = vector.shape_cast %get3A_360 : vector<16xf32> to vector<1x16xf32>
        tpu.vector_store %arg14[%swap3A_361, %swap3A_362], %swap3A_365 {add = true, strides = array<i32>} : memref<128x64xf32, #tpu.memory_space<vmem>>, vector<1x16xf32>,
        %get3A_366 = arith.index_cast %add3A_338 : i32 to index
        %get3A_367 = arith.constant 48 : index
        %get3A_368 = tpu.vector_load %arg10[%get3A_366, %get3A_367] {strides = array<i32>} : memref<128x64xf32, #tpu.memory_space<vmem>>, vector<1x16xf32>,
        %get3A_369 = vector.shape_cast %get3A_368 : vector<1x16xf32> to vector<16xf32>
        %swap3A_370 = arith.index_cast %add3A_338 : i32 to index
        %swap3A_371 = arith.constant 48 : index
        %swap3A_372 = tpu.vector_load %arg14[%swap3A_370, %swap3A_371] {strides = array<i32>} : memref<128x64xf32, #tpu.memory_space<vmem>>, vector<1x16xf32>,
        %swap3A_373 = vector.shape_cast %swap3A_372 : vector<1x16xf32> to vector<16xf32>
        %swap3A_374 = vector.shape_cast %get3A_369 : vector<16xf32> to vector<1x16xf32>
        tpu.vector_store %arg14[%swap3A_370, %swap3A_371], %swap3A_374 {add = true, strides = array<i32>} : memref<128x64xf32, #tpu.memory_space<vmem>>, vector<1x16xf32>,
        %mul3A_375 = arith.constant 8 : i32
        %mul3A_376 = arith.muli %scan3A_255, %mul3A_375 : i32
        %add3A_377 = arith.constant 3 : i32
        %add3A_378 = arith.addi %mul3A_376, %add3A_377 : i32
        %get3A_379 = arith.index_cast %add3A_378 : i32 to index
        %get3A_380 = arith.constant 0 : index
        %get3A_381 = tpu.vector_load %arg10[%get3A_379, %get3A_380] {strides = array<i32>} : memref<128x64xf32, #tpu.memory_space<vmem>>, vector<1x16xf32>,
        %get3A_382 = vector.shape_cast %get3A_381 : vector<1x16xf32> to vector<16xf32>
        %swap3A_383 = arith.index_cast %add3A_378 : i32 to index
        %swap3A_384 = arith.constant 0 : index
        %swap3A_385 = tpu.vector_load %arg14[%swap3A_383, %swap3A_384] {strides = array<i32>} : memref<128x64xf32, #tpu.memory_space<vmem>>, vector<1x16xf32>,
        %swap3A_386 = vector.shape_cast %swap3A_385 : vector<1x16xf32> to vector<16xf32>
        %swap3A_387 = vector.shape_cast %get3A_382 : vector<16xf32> to vector<1x16xf32>
        tpu.vector_store %arg14[%swap3A_383, %swap3A_384], %swap3A_387 {add = true, strides = array<i32>} : memref<128x64xf32, #tpu.memory_space<vmem>>, vector<1x16xf32>,
        %get3A_388 = arith.index_cast %add3A_378 : i32 to index
        %get3A_389 = arith.constant 16 : index
        %get3A_390 = tpu.vector_load %arg10[%get3A_388, %get3A_389] {strides = array<i32>} : memref<128x64xf32, #tpu.memory_space<vmem>>, vector<1x16xf32>,
        %get3A_391 = vector.shape_cast %get3A_390 : vector<1x16xf32> to vector<16xf32>
        %swap3A_392 = arith.index_cast %add3A_378 : i32 to index
        %swap3A_393 = arith.constant 16 : index
        %swap3A_394 = tpu.vector_load %arg14[%swap3A_392, %swap3A_393] {strides = array<i32>} : memref<128x64xf32, #tpu.memory_space<vmem>>, vector<1x16xf32>,
        %swap3A_395 = vector.shape_cast %swap3A_394 : vector<1x16xf32> to vector<16xf32>
        %swap3A_396 = vector.shape_cast %get3A_391 : vector<16xf32> to vector<1x16xf32>
        tpu.vector_store %arg14[%swap3A_392, %swap3A_393], %swap3A_396 {add = true, strides = array<i32>} : memref<128x64xf32, #tpu.memory_space<vmem>>, vector<1x16xf32>,
        %get3A_397 = arith.index_cast %add3A_378 : i32 to index
        %get3A_398 = arith.constant 32 : index
        %get3A_399 = tpu.vector_load %arg10[%get3A_397, %get3A_398] {strides = array<i32>} : memref<128x64xf32, #tpu.memory_space<vmem>>, vector<1x16xf32>,
        %get3A_400 = vector.shape_cast %get3A_399 : vector<1x16xf32> to vector<16xf32>
        %swap3A_401 = arith.index_cast %add3A_378 : i32 to index
        %swap3A_402 = arith.constant 32 : index
        %swap3A_403 = tpu.vector_load %arg14[%swap3A_401, %swap3A_402] {strides = array<i32>} : memref<128x64xf32, #tpu.memory_space<vmem>>, vector<1x16xf32>,
        %swap3A_404 = vector.shape_cast %swap3A_403 : vector<1x16xf32> to vector<16xf32>
        %swap3A_405 = vector.shape_cast %get3A_400 : vector<16xf32> to vector<1x16xf32>
        tpu.vector_store %arg14[%swap3A_401, %swap3A_402], %swap3A_405 {add = true, strides = array<i32>} : memref<128x64xf32, #tpu.memory_space<vmem>>, vector<1x16xf32>,
        %get3A_406 = arith.index_cast %add3A_378 : i32 to index
        %get3A_407 = arith.constant 48 : index
        %get3A_408 = tpu.vector_load %arg10[%get3A_406, %get3A_407] {strides = array<i32>} : memref<128x64xf32, #tpu.memory_space<vmem>>, vector<1x16xf32>,
        %get3A_409 = vector.shape_cast %get3A_408 : vector<1x16xf32> to vector<16xf32>
        %swap3A_410 = arith.index_cast %add3A_378 : i32 to index
        %swap3A_411 = arith.constant 48 : index
        %swap3A_412 = tpu.vector_load %arg14[%swap3A_410, %swap3A_411] {strides = array<i32>} : memref<128x64xf32, #tpu.memory_space<vmem>>, vector<1x16xf32>,
        %swap3A_413 = vector.shape_cast %swap3A_412 : vector<1x16xf32> to vector<16xf32>
        %swap3A_414 = vector.shape_cast %get3A_409 : vector<16xf32> to vector<1x16xf32>
        tpu.vector_store %arg14[%swap3A_410, %swap3A_411], %swap3A_414 {add = true, strides = array<i32>} : memref<128x64xf32, #tpu.memory_space<vmem>>, vector<1x16xf32>,
        %mul3A_415 = arith.constant 8 : i32
        %mul3A_416 = arith.muli %scan3A_255, %mul3A_415 : i32
        %add3A_417 = arith.constant 4 : i32
        %add3A_418 = arith.addi %mul3A_416, %add3A_417 : i32
        %get3A_419 = arith.index_cast %add3A_418 : i32 to index
        %get3A_420 = arith.constant 0 : index
        %get3A_421 = tpu.vector_load %arg10[%get3A_419, %get3A_420] {strides = array<i32>} : memref<128x64xf32, #tpu.memory_space<vmem>>, vector<1x16xf32>,
        %get3A_422 = vector.shape_cast %get3A_421 : vector<1x16xf32> to vector<16xf32>
        %swap3A_423 = arith.index_cast %add3A_418 : i32 to index
        %swap3A_424 = arith.constant 0 : index
        %swap3A_425 = tpu.vector_load %arg14[%swap3A_423, %swap3A_424] {strides = array<i32>} : memref<128x64xf32, #tpu.memory_space<vmem>>, vector<1x16xf32>,
        %swap3A_426 = vector.shape_cast %swap3A_425 : vector<1x16xf32> to vector<16xf32>
        %swap3A_427 = vector.shape_cast %get3A_422 : vector<16xf32> to vector<1x16xf32>
        tpu.vector_store %arg14[%swap3A_423, %swap3A_424], %swap3A_427 {add = true, strides = array<i32>} : memref<128x64xf32, #tpu.memory_space<vmem>>, vector<1x16xf32>,
        %get3A_428 = arith.index_cast %add3A_418 : i32 to index
        %get3A_429 = arith.constant 16 : index
        %get3A_430 = tpu.vector_load %arg10[%get3A_428, %get3A_429] {strides = array<i32>} : memref<128x64xf32, #tpu.memory_space<vmem>>, vector<1x16xf32>,
        %get3A_431 = vector.shape_cast %get3A_430 : vector<1x16xf32> to vector<16xf32>
        %swap3A_432 = arith.index_cast %add3A_418 : i32 to index
        %swap3A_433 = arith.constant 16 : index
        %swap3A_434 = tpu.vector_load %arg14[%swap3A_432, %swap3A_433] {strides = array<i32>} : memref<128x64xf32, #tpu.memory_space<vmem>>, vector<1x16xf32>,
        %swap3A_435 = vector.shape_cast %swap3A_434 : vector<1x16xf32> to vector<16xf32>
        %swap3A_436 = vector.shape_cast %get3A_431 : vector<16xf32> to vector<1x16xf32>
        tpu.vector_store %arg14[%swap3A_432, %swap3A_433], %swap3A_436 {add = true, strides = array<i32>} : memref<128x64xf32, #tpu.memory_space<vmem>>, vector<1x16xf32>,
        %get3A_437 = arith.index_cast %add3A_418 : i32 to index
        %get3A_438 = arith.constant 32 : index
        %get3A_439 = tpu.vector_load %arg10[%get3A_437, %get3A_438] {strides = array<i32>} : memref<128x64xf32, #tpu.memory_space<vmem>>, vector<1x16xf32>,
        %get3A_440 = vector.shape_cast %get3A_439 : vector<1x16xf32> to vector<16xf32>
        %swap3A_441 = arith.index_cast %add3A_418 : i32 to index
        %swap3A_442 = arith.constant 32 : index
        %swap3A_443 = tpu.vector_load %arg14[%swap3A_441, %swap3A_442] {strides = array<i32>} : memref<128x64xf32, #tpu.memory_space<vmem>>, vector<1x16xf32>,
        %swap3A_444 = vector.shape_cast %swap3A_443 : vector<1x16xf32> to vector<16xf32>
        %swap3A_445 = vector.shape_cast %get3A_440 : vector<16xf32> to vector<1x16xf32>
        tpu.vector_store %arg14[%swap3A_441, %swap3A_442], %swap3A_445 {add = true, strides = array<i32>} : memref<128x64xf32, #tpu.memory_space<vmem>>, vector<1x16xf32>,
        %get3A_446 = arith.index_cast %add3A_418 : i32 to index
        %get3A_447 = arith.constant 48 : index
        %get3A_448 = tpu.vector_load %arg10[%get3A_446, %get3A_447] {strides = array<i32>} : memref<128x64xf32, #tpu.memory_space<vmem>>, vector<1x16xf32>,
        %get3A_449 = vector.shape_cast %get3A_448 : vector<1x16xf32> to vector<16xf32>
        %swap3A_450 = arith.index_cast %add3A_418 : i32 to index
        %swap3A_451 = arith.constant 48 : index
        %swap3A_452 = tpu.vector_load %arg14[%swap3A_450, %swap3A_451] {strides = array<i32>} : memref<128x64xf32, #tpu.memory_space<vmem>>, vector<1x16xf32>,
        %swap3A_453 = vector.shape_cast %swap3A_452 : vector<1x16xf32> to vector<16xf32>
        %swap3A_454 = vector.shape_cast %get3A_449 : vector<16xf32> to vector<1x16xf32>
        tpu.vector_store %arg14[%swap3A_450, %swap3A_451], %swap3A_454 {add = true, strides = array<i32>} : memref<128x64xf32, #tpu.memory_space<vmem>>, vector<1x16xf32>,
        %mul3A_455 = arith.constant 8 : i32
        %mul3A_456 = arith.muli %scan3A_255, %mul3A_455 : i32
        %add3A_457 = arith.constant 5 : i32
        %add3A_458 = arith.addi %mul3A_456, %add3A_457 : i32
        %get3A_459 = arith.index_cast %add3A_458 : i32 to index
        %get3A_460 = arith.constant 0 : index
        %get3A_461 = tpu.vector_load %arg10[%get3A_459, %get3A_460] {strides = array<i32>} : memref<128x64xf32, #tpu.memory_space<vmem>>, vector<1x16xf32>,
        %get3A_462 = vector.shape_cast %get3A_461 : vector<1x16xf32> to vector<16xf32>
        %swap3A_463 = arith.index_cast %add3A_458 : i32 to index
        %swap3A_464 = arith.constant 0 : index
        %swap3A_465 = tpu.vector_load %arg14[%swap3A_463, %swap3A_464] {strides = array<i32>} : memref<128x64xf32, #tpu.memory_space<vmem>>, vector<1x16xf32>,
        %swap3A_466 = vector.shape_cast %swap3A_465 : vector<1x16xf32> to vector<16xf32>
        %swap3A_467 = vector.shape_cast %get3A_462 : vector<16xf32> to vector<1x16xf32>
        tpu.vector_store %arg14[%swap3A_463, %swap3A_464], %swap3A_467 {add = true, strides = array<i32>} : memref<128x64xf32, #tpu.memory_space<vmem>>, vector<1x16xf32>,
        %get3A_468 = arith.index_cast %add3A_458 : i32 to index
        %get3A_469 = arith.constant 16 : index
        %get3A_470 = tpu.vector_load %arg10[%get3A_468, %get3A_469] {strides = array<i32>} : memref<128x64xf32, #tpu.memory_space<vmem>>, vector<1x16xf32>,
        %get3A_471 = vector.shape_cast %get3A_470 : vector<1x16xf32> to vector<16xf32>
        %swap3A_472 = arith.index_cast %add3A_458 : i32 to index
        %swap3A_473 = arith.constant 16 : index
        %swap3A_474 = tpu.vector_load %arg14[%swap3A_472, %swap3A_473] {strides = array<i32>} : memref<128x64xf32, #tpu.memory_space<vmem>>, vector<1x16xf32>,
        %swap3A_475 = vector.shape_cast %swap3A_474 : vector<1x16xf32> to vector<16xf32>
        %swap3A_476 = vector.shape_cast %get3A_471 : vector<16xf32> to vector<1x16xf32>
        tpu.vector_store %arg14[%swap3A_472, %swap3A_473], %swap3A_476 {add = true, strides = array<i32>} : memref<128x64xf32, #tpu.memory_space<vmem>>, vector<1x16xf32>,
        %get3A_477 = arith.index_cast %add3A_458 : i32 to index
        %get3A_478 = arith.constant 32 : index
        %get3A_479 = tpu.vector_load %arg10[%get3A_477, %get3A_478] {strides = array<i32>} : memref<128x64xf32, #tpu.memory_space<vmem>>, vector<1x16xf32>,
        %get3A_480 = vector.shape_cast %get3A_479 : vector<1x16xf32> to vector<16xf32>
        %swap3A_481 = arith.index_cast %add3A_458 : i32 to index
        %swap3A_482 = arith.constant 32 : index
        %swap3A_483 = tpu.vector_load %arg14[%swap3A_481, %swap3A_482] {strides = array<i32>} : memref<128x64xf32, #tpu.memory_space<vmem>>, vector<1x16xf32>,
        %swap3A_484 = vector.shape_cast %swap3A_483 : vector<1x16xf32> to vector<16xf32>
        %swap3A_485 = vector.shape_cast %get3A_480 : vector<16xf32> to vector<1x16xf32>
        tpu.vector_store %arg14[%swap3A_481, %swap3A_482], %swap3A_485 {add = true, strides = array<i32>} : memref<128x64xf32, #tpu.memory_space<vmem>>, vector<1x16xf32>,
        %get3A_486 = arith.index_cast %add3A_458 : i32 to index
        %get3A_487 = arith.constant 48 : index
        %get3A_488 = tpu.vector_load %arg10[%get3A_486, %get3A_487] {strides = array<i32>} : memref<128x64xf32, #tpu.memory_space<vmem>>, vector<1x16xf32>,
        %get3A_489 = vector.shape_cast %get3A_488 : vector<1x16xf32> to vector<16xf32>
        %swap3A_490 = arith.index_cast %add3A_458 : i32 to index
        %swap3A_491 = arith.constant 48 : index
        %swap3A_492 = tpu.vector_load %arg14[%swap3A_490, %swap3A_491] {strides = array<i32>} : memref<128x64xf32, #tpu.memory_space<vmem>>, vector<1x16xf32>,
        %swap3A_493 = vector.shape_cast %swap3A_492 : vector<1x16xf32> to vector<16xf32>
        %swap3A_494 = vector.shape_cast %get3A_489 : vector<16xf32> to vector<1x16xf32>
        tpu.vector_store %arg14[%swap3A_490, %swap3A_491], %swap3A_494 {add = true, strides = array<i32>} : memref<128x64xf32, #tpu.memory_space<vmem>>, vector<1x16xf32>,
        %mul3A_495 = arith.constant 8 : i32
        %mul3A_496 = arith.muli %scan3A_255, %mul3A_495 : i32
        %add3A_497 = arith.constant 6 : i32
        %add3A_498 = arith.addi %mul3A_496, %add3A_497 : i32
        %get3A_499 = arith.index_cast %add3A_498 : i32 to index
        %get3A_500 = arith.constant 0 : index
        %get3A_501 = tpu.vector_load %arg10[%get3A_499, %get3A_500] {strides = array<i32>} : memref<128x64xf32, #tpu.memory_space<vmem>>, vector<1x16xf32>,
        %get3A_502 = vector.shape_cast %get3A_501 : vector<1x16xf32> to vector<16xf32>
        %swap3A_503 = arith.index_cast %add3A_498 : i32 to index
        %swap3A_504 = arith.constant 0 : index
        %swap3A_505 = tpu.vector_load %arg14[%swap3A_503, %swap3A_504] {strides = array<i32>} : memref<128x64xf32, #tpu.memory_space<vmem>>, vector<1x16xf32>,
        %swap3A_506 = vector.shape_cast %swap3A_505 : vector<1x16xf32> to vector<16xf32>
        %swap3A_507 = vector.shape_cast %get3A_502 : vector<16xf32> to vector<1x16xf32>
        tpu.vector_store %arg14[%swap3A_503, %swap3A_504], %swap3A_507 {add = true, strides = array<i32>} : memref<128x64xf32, #tpu.memory_space<vmem>>, vector<1x16xf32>,
        %get3A_508 = arith.index_cast %add3A_498 : i32 to index
        %get3A_509 = arith.constant 16 : index
        %get3A_510 = tpu.vector_load %arg10[%get3A_508, %get3A_509] {strides = array<i32>} : memref<128x64xf32, #tpu.memory_space<vmem>>, vector<1x16xf32>,
        %get3A_511 = vector.shape_cast %get3A_510 : vector<1x16xf32> to vector<16xf32>
        %swap3A_512 = arith.index_cast %add3A_498 : i32 to index
        %swap3A_513 = arith.constant 16 : index
        %swap3A_514 = tpu.vector_load %arg14[%swap3A_512, %swap3A_513] {strides = array<i32>} : memref<128x64xf32, #tpu.memory_space<vmem>>, vector<1x16xf32>,
        %swap3A_515 = vector.shape_cast %swap3A_514 : vector<1x16xf32> to vector<16xf32>
        %swap3A_516 = vector.shape_cast %get3A_511 : vector<16xf32> to vector<1x16xf32>
        tpu.vector_store %arg14[%swap3A_512, %swap3A_513], %swap3A_516 {add = true, strides = array<i32>} : memref<128x64xf32, #tpu.memory_space<vmem>>, vector<1x16xf32>,
        %get3A_517 = arith.index_cast %add3A_498 : i32 to index
        %get3A_518 = arith.constant 32 : index
        %get3A_519 = tpu.vector_load %arg10[%get3A_517, %get3A_518] {strides = array<i32>} : memref<128x64xf32, #tpu.memory_space<vmem>>, vector<1x16xf32>,
        %get3A_520 = vector.shape_cast %get3A_519 : vector<1x16xf32> to vector<16xf32>
        %swap3A_521 = arith.index_cast %add3A_498 : i32 to index
        %swap3A_522 = arith.constant 32 : index
        %swap3A_523 = tpu.vector_load %arg14[%swap3A_521, %swap3A_522] {strides = array<i32>} : memref<128x64xf32, #tpu.memory_space<vmem>>, vector<1x16xf32>,
        %swap3A_524 = vector.shape_cast %swap3A_523 : vector<1x16xf32> to vector<16xf32>
        %swap3A_525 = vector.shape_cast %get3A_520 : vector<16xf32> to vector<1x16xf32>
        tpu.vector_store %arg14[%swap3A_521, %swap3A_522], %swap3A_525 {add = true, strides = array<i32>} : memref<128x64xf32, #tpu.memory_space<vmem>>, vector<1x16xf32>,
        %get3A_526 = arith.index_cast %add3A_498 : i32 to index
        %get3A_527 = arith.constant 48 : index
        %get3A_528 = tpu.vector_load %arg10[%get3A_526, %get3A_527] {strides = array<i32>} : memref<128x64xf32, #tpu.memory_space<vmem>>, vector<1x16xf32>,
        %get3A_529 = vector.shape_cast %get3A_528 : vector<1x16xf32> to vector<16xf32>
        %swap3A_530 = arith.index_cast %add3A_498 : i32 to index
        %swap3A_531 = arith.constant 48 : index
        %swap3A_532 = tpu.vector_load %arg14[%swap3A_530, %swap3A_531] {strides = array<i32>} : memref<128x64xf32, #tpu.memory_space<vmem>>, vector<1x16xf32>,
        %swap3A_533 = vector.shape_cast %swap3A_532 : vector<1x16xf32> to vector<16xf32>
        %swap3A_534 = vector.shape_cast %get3A_529 : vector<16xf32> to vector<1x16xf32>
        tpu.vector_store %arg14[%swap3A_530, %swap3A_531], %swap3A_534 {add = true, strides = array<i32>} : memref<128x64xf32, #tpu.memory_space<vmem>>, vector<1x16xf32>,
        %mul3A_535 = arith.constant 8 : i32
        %mul3A_536 = arith.muli %scan3A_255, %mul3A_535 : i32
        %add3A_537 = arith.constant 7 : i32
        %add3A_538 = arith.addi %mul3A_536, %add3A_537 : i32
        %get3A_539 = arith.index_cast %add3A_538 : i32 to index
        %get3A_540 = arith.constant 0 : index
        %get3A_541 = tpu.vector_load %arg10[%get3A_539, %get3A_540] {strides = array<i32>} : memref<128x64xf32, #tpu.memory_space<vmem>>, vector<1x16xf32>,
        %get3A_542 = vector.shape_cast %get3A_541 : vector<1x16xf32> to vector<16xf32>
        %swap3A_543 = arith.index_cast %add3A_538 : i32 to index
        %swap3A_544 = arith.constant 0 : index
        %swap3A_545 = tpu.vector_load %arg14[%swap3A_543, %swap3A_544] {strides = array<i32>} : memref<128x64xf32, #tpu.memory_space<vmem>>, vector<1x16xf32>,
        %swap3A_546 = vector.shape_cast %swap3A_545 : vector<1x16xf32> to vector<16xf32>
        %swap3A_547 = vector.shape_cast %get3A_542 : vector<16xf32> to vector<1x16xf32>
        tpu.vector_store %arg14[%swap3A_543, %swap3A_544], %swap3A_547 {add = true, strides = array<i32>} : memref<128x64xf32, #tpu.memory_space<vmem>>, vector<1x16xf32>,
        %get3A_548 = arith.index_cast %add3A_538 : i32 to index
        %get3A_549 = arith.constant 16 : index
        %get3A_550 = tpu.vector_load %arg10[%get3A_548, %get3A_549] {strides = array<i32>} : memref<128x64xf32, #tpu.memory_space<vmem>>, vector<1x16xf32>,
        %get3A_551 = vector.shape_cast %get3A_550 : vector<1x16xf32> to vector<16xf32>
        %swap3A_552 = arith.index_cast %add3A_538 : i32 to index
        %swap3A_553 = arith.constant 16 : index
        %swap3A_554 = tpu.vector_load %arg14[%swap3A_552, %swap3A_553] {strides = array<i32>} : memref<128x64xf32, #tpu.memory_space<vmem>>, vector<1x16xf32>,
        %swap3A_555 = vector.shape_cast %swap3A_554 : vector<1x16xf32> to vector<16xf32>
        %swap3A_556 = vector.shape_cast %get3A_551 : vector<16xf32> to vector<1x16xf32>
        tpu.vector_store %arg14[%swap3A_552, %swap3A_553], %swap3A_556 {add = true, strides = array<i32>} : memref<128x64xf32, #tpu.memory_space<vmem>>, vector<1x16xf32>,
        %get3A_557 = arith.index_cast %add3A_538 : i32 to index
        %get3A_558 = arith.constant 32 : index
        %get3A_559 = tpu.vector_load %arg10[%get3A_557, %get3A_558] {strides = array<i32>} : memref<128x64xf32, #tpu.memory_space<vmem>>, vector<1x16xf32>,
        %get3A_560 = vector.shape_cast %get3A_559 : vector<1x16xf32> to vector<16xf32>
        %swap3A_561 = arith.index_cast %add3A_538 : i32 to index
        %swap3A_562 = arith.constant 32 : index
        %swap3A_563 = tpu.vector_load %arg14[%swap3A_561, %swap3A_562] {strides = array<i32>} : memref<128x64xf32, #tpu.memory_space<vmem>>, vector<1x16xf32>,
        %swap3A_564 = vector.shape_cast %swap3A_563 : vector<1x16xf32> to vector<16xf32>
        %swap3A_565 = vector.shape_cast %get3A_560 : vector<16xf32> to vector<1x16xf32>
        tpu.vector_store %arg14[%swap3A_561, %swap3A_562], %swap3A_565 {add = true, strides = array<i32>} : memref<128x64xf32, #tpu.memory_space<vmem>>, vector<1x16xf32>,
        %get3A_566 = arith.index_cast %add3A_538 : i32 to index
        %get3A_567 = arith.constant 48 : index
        %get3A_568 = tpu.vector_load %arg10[%get3A_566, %get3A_567] {strides = array<i32>} : memref<128x64xf32, #tpu.memory_space<vmem>>, vector<1x16xf32>,
        %get3A_569 = vector.shape_cast %get3A_568 : vector<1x16xf32> to vector<16xf32>
        %swap3A_570 = arith.index_cast %add3A_538 : i32 to index
        %swap3A_571 = arith.constant 48 : index
        %swap3A_572 = tpu.vector_load %arg14[%swap3A_570, %swap3A_571] {strides = array<i32>} : memref<128x64xf32, #tpu.memory_space<vmem>>, vector<1x16xf32>,
        %swap3A_573 = vector.shape_cast %swap3A_572 : vector<1x16xf32> to vector<16xf32>
        %swap3A_574 = vector.shape_cast %get3A_569 : vector<16xf32> to vector<1x16xf32>
        tpu.vector_store %arg14[%swap3A_570, %swap3A_571], %swap3A_574 {add = true, strides = array<i32>} : memref<128x64xf32, #tpu.memory_space<vmem>>, vector<1x16xf32>,
        %scan3A_575 = arith.constant 0 : i32
        scf.yield %scan3A_575 : i32
      }
      %scan3A_180 = arith.constant 16 : i32
      %add3A_181 = arith.constant 8 : i32
      %add3A_182 = arith.addi %add3A_167, %add3A_181 : i32
      %lt3A_183 = arith.constant 200 : i32
      %lt3A_184 = arith.cmpi slt, %add3A_182, %lt3A_183 : i32
      %convert_element_type3A_185 = arith.extui %lt3A_184 : i1 to i32
      %cond3A_186 = arith.constant 0 : i32
      %cond3A_187 = arith.cmpi ne, %convert_element_type3A_185, %cond3A_186 : i32
      scf.if %cond3A_187 {
        %add3A_255 = arith.constant 8 : i32
        %add3A_256 = arith.addi %add3A_167, %add3A_255 : i32
        %dma_start3A_257 = arith.constant 0 : i32
        %dma_start3A_258 = tpu.memref_slice %arg5[%add3A_256, %dma_start3A_257] : memref<200x128xi32, #tpu.memory_space<vmem>> -> memref<1x128xi32, #tpu.memory_space<vmem>>
        %dma_start3A_259 = tpu.memref_squeeze %dma_start3A_258 : memref<1x128xi32, #tpu.memory_space<vmem>> -> memref<128xi32, #tpu.memory_space<vmem>>
        %dma_start3A_260 = arith.constant 0 : i32
        %dma_start3A_261 = arith.constant 0 : i32
        %dma_start3A_262 = tpu.memref_slice %arg3[%dma_start3A_260, %dma_start3A_261] : memref<1015808x64xf32, #tpu.memory_space<hbm>> -> memref<1015808x64xf32, #tpu.memory_space<hbm>>
        tpu.enqueue_indirect_dma source(%dma_start3A_262 : memref<1015808x64xf32, #tpu.memory_space<hbm>>) target(%arg10 : memref<128x64xf32, #tpu.memory_space<vmem>>) offsets(%dma_start3A_259 : memref<128xi32, #tpu.memory_space<vmem>>) semaphore(%arg19 : memref<!tpu.dma_semaphore, #tpu.memory_space<semaphore_mem>>)
      } else {
      }
      %add3A_188 = arith.constant 5 : i32
      %add3A_189 = arith.addi %mul3A_81, %add3A_188 : i32
      %dma_wait3A_190 = arith.constant 0 : i32
      %dma_wait3A_191 = tpu.memref_slice %arg5[%add3A_189, %dma_wait3A_190] : memref<200x128xi32, #tpu.memory_space<vmem>> -> memref<1x128xi32, #tpu.memory_space<vmem>>
      %dma_wait3A_192 = tpu.memref_squeeze %dma_wait3A_191 : memref<1x128xi32, #tpu.memory_space<vmem>> -> memref<128xi32, #tpu.memory_space<vmem>>
      %dma_wait3A_193 = arith.constant 0 : i32
      %dma_wait3A_194 = arith.constant 0 : i32
      %dma_wait3A_195 = tpu.memref_slice %arg3[%dma_wait3A_193, %dma_wait3A_194] : memref<1015808x64xf32, #tpu.memory_space<hbm>> -> memref<1015808x64xf32, #tpu.memory_space<hbm>>
      tpu.wait_indirect_dma semaphore(%arg20 : memref<!tpu.dma_semaphore, #tpu.memory_space<semaphore_mem>>) src(%dma_wait3A_195 : memref<1015808x64xf32, #tpu.memory_space<hbm>>) dst(%arg11 : memref<128x64xf32, #tpu.memory_space<vmem>>)
      %scan3A_196 = arith.constant 0 : i32
      %scan3A_197 = arith.constant 0 : i32
      %scan3A_198 = arith.constant 16 : i32
      %scan3A_199 = arith.addi %scan3A_197, %scan3A_198 : i32
      %scan3A_200 = arith.constant 1 : i32
      %scan3A_201 = scf.for %scan3A_255 = %scan3A_197 to %scan3A_199 step %scan3A_200 iter_args(%scan3A_256 = %scan3A_196) -> (i32)  : i32 {
        %mul3A_257 = arith.constant 8 : i32
        %mul3A_258 = arith.muli %scan3A_255, %mul3A_257 : i32
        %add3A_259 = arith.constant 0 : i32
        %add3A_260 = arith.addi %mul3A_258, %add3A_259 : i32
        %get3A = arith.index_cast %add3A_260 : i32 to index
        %get3A_261 = arith.constant 0 : index
        %get3A_262 = tpu.vector_load %arg11[%get3A, %get3A_261] {strides = array<i32>} : memref<128x64xf32, #tpu.memory_space<vmem>>, vector<1x16xf32>,
        %get3A_263 = vector.shape_cast %get3A_262 : vector<1x16xf32> to vector<16xf32>
        %swap3A = arith.index_cast %add3A_260 : i32 to index
        %swap3A_264 = arith.constant 0 : index
        %swap3A_265 = tpu.vector_load %arg14[%swap3A, %swap3A_264] {strides = array<i32>} : memref<128x64xf32, #tpu.memory_space<vmem>>, vector<1x16xf32>,
        %swap3A_266 = vector.shape_cast %swap3A_265 : vector<1x16xf32> to vector<16xf32>
        %swap3A_267 = vector.shape_cast %get3A_263 : vector<16xf32> to vector<1x16xf32>
        tpu.vector_store %arg14[%swap3A, %swap3A_264], %swap3A_267 {add = true, strides = array<i32>} : memref<128x64xf32, #tpu.memory_space<vmem>>, vector<1x16xf32>,
        %get3A_268 = arith.index_cast %add3A_260 : i32 to index
        %get3A_269 = arith.constant 16 : index
        %get3A_270 = tpu.vector_load %arg11[%get3A_268, %get3A_269] {strides = array<i32>} : memref<128x64xf32, #tpu.memory_space<vmem>>, vector<1x16xf32>,
        %get3A_271 = vector.shape_cast %get3A_270 : vector<1x16xf32> to vector<16xf32>
        %swap3A_272 = arith.index_cast %add3A_260 : i32 to index
        %swap3A_273 = arith.constant 16 : index
        %swap3A_274 = tpu.vector_load %arg14[%swap3A_272, %swap3A_273] {strides = array<i32>} : memref<128x64xf32, #tpu.memory_space<vmem>>, vector<1x16xf32>,
        %swap3A_275 = vector.shape_cast %swap3A_274 : vector<1x16xf32> to vector<16xf32>
        %swap3A_276 = vector.shape_cast %get3A_271 : vector<16xf32> to vector<1x16xf32>
        tpu.vector_store %arg14[%swap3A_272, %swap3A_273], %swap3A_276 {add = true, strides = array<i32>} : memref<128x64xf32, #tpu.memory_space<vmem>>, vector<1x16xf32>,
        %get3A_277 = arith.index_cast %add3A_260 : i32 to index
        %get3A_278 = arith.constant 32 : index
        %get3A_279 = tpu.vector_load %arg11[%get3A_277, %get3A_278] {strides = array<i32>} : memref<128x64xf32, #tpu.memory_space<vmem>>, vector<1x16xf32>,
        %get3A_280 = vector.shape_cast %get3A_279 : vector<1x16xf32> to vector<16xf32>
        %swap3A_281 = arith.index_cast %add3A_260 : i32 to index
        %swap3A_282 = arith.constant 32 : index
        %swap3A_283 = tpu.vector_load %arg14[%swap3A_281, %swap3A_282] {strides = array<i32>} : memref<128x64xf32, #tpu.memory_space<vmem>>, vector<1x16xf32>,
        %swap3A_284 = vector.shape_cast %swap3A_283 : vector<1x16xf32> to vector<16xf32>
        %swap3A_285 = vector.shape_cast %get3A_280 : vector<16xf32> to vector<1x16xf32>
        tpu.vector_store %arg14[%swap3A_281, %swap3A_282], %swap3A_285 {add = true, strides = array<i32>} : memref<128x64xf32, #tpu.memory_space<vmem>>, vector<1x16xf32>,
        %get3A_286 = arith.index_cast %add3A_260 : i32 to index
        %get3A_287 = arith.constant 48 : index
        %get3A_288 = tpu.vector_load %arg11[%get3A_286, %get3A_287] {strides = array<i32>} : memref<128x64xf32, #tpu.memory_space<vmem>>, vector<1x16xf32>,
        %get3A_289 = vector.shape_cast %get3A_288 : vector<1x16xf32> to vector<16xf32>
        %swap3A_290 = arith.index_cast %add3A_260 : i32 to index
        %swap3A_291 = arith.constant 48 : index
        %swap3A_292 = tpu.vector_load %arg14[%swap3A_290, %swap3A_291] {strides = array<i32>} : memref<128x64xf32, #tpu.memory_space<vmem>>, vector<1x16xf32>,
        %swap3A_293 = vector.shape_cast %swap3A_292 : vector<1x16xf32> to vector<16xf32>
        %swap3A_294 = vector.shape_cast %get3A_289 : vector<16xf32> to vector<1x16xf32>
        tpu.vector_store %arg14[%swap3A_290, %swap3A_291], %swap3A_294 {add = true, strides = array<i32>} : memref<128x64xf32, #tpu.memory_space<vmem>>, vector<1x16xf32>,
        %mul3A_295 = arith.constant 8 : i32
        %mul3A_296 = arith.muli %scan3A_255, %mul3A_295 : i32
        %add3A_297 = arith.constant 1 : i32
        %add3A_298 = arith.addi %mul3A_296, %add3A_297 : i32
        %get3A_299 = arith.index_cast %add3A_298 : i32 to index
        %get3A_300 = arith.constant 0 : index
        %get3A_301 = tpu.vector_load %arg11[%get3A_299, %get3A_300] {strides = array<i32>} : memref<128x64xf32, #tpu.memory_space<vmem>>, vector<1x16xf32>,
        %get3A_302 = vector.shape_cast %get3A_301 : vector<1x16xf32> to vector<16xf32>
        %swap3A_303 = arith.index_cast %add3A_298 : i32 to index
        %swap3A_304 = arith.constant 0 : index
        %swap3A_305 = tpu.vector_load %arg14[%swap3A_303, %swap3A_304] {strides = array<i32>} : memref<128x64xf32, #tpu.memory_space<vmem>>, vector<1x16xf32>,
        %swap3A_306 = vector.shape_cast %swap3A_305 : vector<1x16xf32> to vector<16xf32>
        %swap3A_307 = vector.shape_cast %get3A_302 : vector<16xf32> to vector<1x16xf32>
        tpu.vector_store %arg14[%swap3A_303, %swap3A_304], %swap3A_307 {add = true, strides = array<i32>} : memref<128x64xf32, #tpu.memory_space<vmem>>, vector<1x16xf32>,
        %get3A_308 = arith.index_cast %add3A_298 : i32 to index
        %get3A_309 = arith.constant 16 : index
        %get3A_310 = tpu.vector_load %arg11[%get3A_308, %get3A_309] {strides = array<i32>} : memref<128x64xf32, #tpu.memory_space<vmem>>, vector<1x16xf32>,
        %get3A_311 = vector.shape_cast %get3A_310 : vector<1x16xf32> to vector<16xf32>
        %swap3A_312 = arith.index_cast %add3A_298 : i32 to index
        %swap3A_313 = arith.constant 16 : index
        %swap3A_314 = tpu.vector_load %arg14[%swap3A_312, %swap3A_313] {strides = array<i32>} : memref<128x64xf32, #tpu.memory_space<vmem>>, vector<1x16xf32>,
        %swap3A_315 = vector.shape_cast %swap3A_314 : vector<1x16xf32> to vector<16xf32>
        %swap3A_316 = vector.shape_cast %get3A_311 : vector<16xf32> to vector<1x16xf32>
        tpu.vector_store %arg14[%swap3A_312, %swap3A_313], %swap3A_316 {add = true, strides = array<i32>} : memref<128x64xf32, #tpu.memory_space<vmem>>, vector<1x16xf32>,
        %get3A_317 = arith.index_cast %add3A_298 : i32 to index
        %get3A_318 = arith.constant 32 : index
        %get3A_319 = tpu.vector_load %arg11[%get3A_317, %get3A_318] {strides = array<i32>} : memref<128x64xf32, #tpu.memory_space<vmem>>, vector<1x16xf32>,
        %get3A_320 = vector.shape_cast %get3A_319 : vector<1x16xf32> to vector<16xf32>
        %swap3A_321 = arith.index_cast %add3A_298 : i32 to index
        %swap3A_322 = arith.constant 32 : index
        %swap3A_323 = tpu.vector_load %arg14[%swap3A_321, %swap3A_322] {strides = array<i32>} : memref<128x64xf32, #tpu.memory_space<vmem>>, vector<1x16xf32>,
        %swap3A_324 = vector.shape_cast %swap3A_323 : vector<1x16xf32> to vector<16xf32>
        %swap3A_325 = vector.shape_cast %get3A_320 : vector<16xf32> to vector<1x16xf32>
        tpu.vector_store %arg14[%swap3A_321, %swap3A_322], %swap3A_325 {add = true, strides = array<i32>} : memref<128x64xf32, #tpu.memory_space<vmem>>, vector<1x16xf32>,
        %get3A_326 = arith.index_cast %add3A_298 : i32 to index
        %get3A_327 = arith.constant 48 : index
        %get3A_328 = tpu.vector_load %arg11[%get3A_326, %get3A_327] {strides = array<i32>} : memref<128x64xf32, #tpu.memory_space<vmem>>, vector<1x16xf32>,
        %get3A_329 = vector.shape_cast %get3A_328 : vector<1x16xf32> to vector<16xf32>
        %swap3A_330 = arith.index_cast %add3A_298 : i32 to index
        %swap3A_331 = arith.constant 48 : index
        %swap3A_332 = tpu.vector_load %arg14[%swap3A_330, %swap3A_331] {strides = array<i32>} : memref<128x64xf32, #tpu.memory_space<vmem>>, vector<1x16xf32>,
        %swap3A_333 = vector.shape_cast %swap3A_332 : vector<1x16xf32> to vector<16xf32>
        %swap3A_334 = vector.shape_cast %get3A_329 : vector<16xf32> to vector<1x16xf32>
        tpu.vector_store %arg14[%swap3A_330, %swap3A_331], %swap3A_334 {add = true, strides = array<i32>} : memref<128x64xf32, #tpu.memory_space<vmem>>, vector<1x16xf32>,
        %mul3A_335 = arith.constant 8 : i32
        %mul3A_336 = arith.muli %scan3A_255, %mul3A_335 : i32
        %add3A_337 = arith.constant 2 : i32
        %add3A_338 = arith.addi %mul3A_336, %add3A_337 : i32
        %get3A_339 = arith.index_cast %add3A_338 : i32 to index
        %get3A_340 = arith.constant 0 : index
        %get3A_341 = tpu.vector_load %arg11[%get3A_339, %get3A_340] {strides = array<i32>} : memref<128x64xf32, #tpu.memory_space<vmem>>, vector<1x16xf32>,
        %get3A_342 = vector.shape_cast %get3A_341 : vector<1x16xf32> to vector<16xf32>
        %swap3A_343 = arith.index_cast %add3A_338 : i32 to index
        %swap3A_344 = arith.constant 0 : index
        %swap3A_345 = tpu.vector_load %arg14[%swap3A_343, %swap3A_344] {strides = array<i32>} : memref<128x64xf32, #tpu.memory_space<vmem>>, vector<1x16xf32>,
        %swap3A_346 = vector.shape_cast %swap3A_345 : vector<1x16xf32> to vector<16xf32>
        %swap3A_347 = vector.shape_cast %get3A_342 : vector<16xf32> to vector<1x16xf32>
        tpu.vector_store %arg14[%swap3A_343, %swap3A_344], %swap3A_347 {add = true, strides = array<i32>} : memref<128x64xf32, #tpu.memory_space<vmem>>, vector<1x16xf32>,
        %get3A_348 = arith.index_cast %add3A_338 : i32 to index
        %get3A_349 = arith.constant 16 : index
        %get3A_350 = tpu.vector_load %arg11[%get3A_348, %get3A_349] {strides = array<i32>} : memref<128x64xf32, #tpu.memory_space<vmem>>, vector<1x16xf32>,
        %get3A_351 = vector.shape_cast %get3A_350 : vector<1x16xf32> to vector<16xf32>
        %swap3A_352 = arith.index_cast %add3A_338 : i32 to index
        %swap3A_353 = arith.constant 16 : index
        %swap3A_354 = tpu.vector_load %arg14[%swap3A_352, %swap3A_353] {strides = array<i32>} : memref<128x64xf32, #tpu.memory_space<vmem>>, vector<1x16xf32>,
        %swap3A_355 = vector.shape_cast %swap3A_354 : vector<1x16xf32> to vector<16xf32>
        %swap3A_356 = vector.shape_cast %get3A_351 : vector<16xf32> to vector<1x16xf32>
        tpu.vector_store %arg14[%swap3A_352, %swap3A_353], %swap3A_356 {add = true, strides = array<i32>} : memref<128x64xf32, #tpu.memory_space<vmem>>, vector<1x16xf32>,
        %get3A_357 = arith.index_cast %add3A_338 : i32 to index
        %get3A_358 = arith.constant 32 : index
        %get3A_359 = tpu.vector_load %arg11[%get3A_357, %get3A_358] {strides = array<i32>} : memref<128x64xf32, #tpu.memory_space<vmem>>, vector<1x16xf32>,
        %get3A_360 = vector.shape_cast %get3A_359 : vector<1x16xf32> to vector<16xf32>
        %swap3A_361 = arith.index_cast %add3A_338 : i32 to index
        %swap3A_362 = arith.constant 32 : index
        %swap3A_363 = tpu.vector_load %arg14[%swap3A_361, %swap3A_362] {strides = array<i32>} : memref<128x64xf32, #tpu.memory_space<vmem>>, vector<1x16xf32>,
        %swap3A_364 = vector.shape_cast %swap3A_363 : vector<1x16xf32> to vector<16xf32>
        %swap3A_365 = vector.shape_cast %get3A_360 : vector<16xf32> to vector<1x16xf32>
        tpu.vector_store %arg14[%swap3A_361, %swap3A_362], %swap3A_365 {add = true, strides = array<i32>} : memref<128x64xf32, #tpu.memory_space<vmem>>, vector<1x16xf32>,
        %get3A_366 = arith.index_cast %add3A_338 : i32 to index
        %get3A_367 = arith.constant 48 : index
        %get3A_368 = tpu.vector_load %arg11[%get3A_366, %get3A_367] {strides = array<i32>} : memref<128x64xf32, #tpu.memory_space<vmem>>, vector<1x16xf32>,
        %get3A_369 = vector.shape_cast %get3A_368 : vector<1x16xf32> to vector<16xf32>
        %swap3A_370 = arith.index_cast %add3A_338 : i32 to index
        %swap3A_371 = arith.constant 48 : index
        %swap3A_372 = tpu.vector_load %arg14[%swap3A_370, %swap3A_371] {strides = array<i32>} : memref<128x64xf32, #tpu.memory_space<vmem>>, vector<1x16xf32>,
        %swap3A_373 = vector.shape_cast %swap3A_372 : vector<1x16xf32> to vector<16xf32>
        %swap3A_374 = vector.shape_cast %get3A_369 : vector<16xf32> to vector<1x16xf32>
        tpu.vector_store %arg14[%swap3A_370, %swap3A_371], %swap3A_374 {add = true, strides = array<i32>} : memref<128x64xf32, #tpu.memory_space<vmem>>, vector<1x16xf32>,
        %mul3A_375 = arith.constant 8 : i32
        %mul3A_376 = arith.muli %scan3A_255, %mul3A_375 : i32
        %add3A_377 = arith.constant 3 : i32
        %add3A_378 = arith.addi %mul3A_376, %add3A_377 : i32
        %get3A_379 = arith.index_cast %add3A_378 : i32 to index
        %get3A_380 = arith.constant 0 : index
        %get3A_381 = tpu.vector_load %arg11[%get3A_379, %get3A_380] {strides = array<i32>} : memref<128x64xf32, #tpu.memory_space<vmem>>, vector<1x16xf32>,
        %get3A_382 = vector.shape_cast %get3A_381 : vector<1x16xf32> to vector<16xf32>
        %swap3A_383 = arith.index_cast %add3A_378 : i32 to index
        %swap3A_384 = arith.constant 0 : index
        %swap3A_385 = tpu.vector_load %arg14[%swap3A_383, %swap3A_384] {strides = array<i32>} : memref<128x64xf32, #tpu.memory_space<vmem>>, vector<1x16xf32>,
        %swap3A_386 = vector.shape_cast %swap3A_385 : vector<1x16xf32> to vector<16xf32>
        %swap3A_387 = vector.shape_cast %get3A_382 : vector<16xf32> to vector<1x16xf32>
        tpu.vector_store %arg14[%swap3A_383, %swap3A_384], %swap3A_387 {add = true, strides = array<i32>} : memref<128x64xf32, #tpu.memory_space<vmem>>, vector<1x16xf32>,
        %get3A_388 = arith.index_cast %add3A_378 : i32 to index
        %get3A_389 = arith.constant 16 : index
        %get3A_390 = tpu.vector_load %arg11[%get3A_388, %get3A_389] {strides = array<i32>} : memref<128x64xf32, #tpu.memory_space<vmem>>, vector<1x16xf32>,
        %get3A_391 = vector.shape_cast %get3A_390 : vector<1x16xf32> to vector<16xf32>
        %swap3A_392 = arith.index_cast %add3A_378 : i32 to index
        %swap3A_393 = arith.constant 16 : index
        %swap3A_394 = tpu.vector_load %arg14[%swap3A_392, %swap3A_393] {strides = array<i32>} : memref<128x64xf32, #tpu.memory_space<vmem>>, vector<1x16xf32>,
        %swap3A_395 = vector.shape_cast %swap3A_394 : vector<1x16xf32> to vector<16xf32>
        %swap3A_396 = vector.shape_cast %get3A_391 : vector<16xf32> to vector<1x16xf32>
        tpu.vector_store %arg14[%swap3A_392, %swap3A_393], %swap3A_396 {add = true, strides = array<i32>} : memref<128x64xf32, #tpu.memory_space<vmem>>, vector<1x16xf32>,
        %get3A_397 = arith.index_cast %add3A_378 : i32 to index
        %get3A_398 = arith.constant 32 : index
        %get3A_399 = tpu.vector_load %arg11[%get3A_397, %get3A_398] {strides = array<i32>} : memref<128x64xf32, #tpu.memory_space<vmem>>, vector<1x16xf32>,
        %get3A_400 = vector.shape_cast %get3A_399 : vector<1x16xf32> to vector<16xf32>
        %swap3A_401 = arith.index_cast %add3A_378 : i32 to index
        %swap3A_402 = arith.constant 32 : index
        %swap3A_403 = tpu.vector_load %arg14[%swap3A_401, %swap3A_402] {strides = array<i32>} : memref<128x64xf32, #tpu.memory_space<vmem>>, vector<1x16xf32>,
        %swap3A_404 = vector.shape_cast %swap3A_403 : vector<1x16xf32> to vector<16xf32>
        %swap3A_405 = vector.shape_cast %get3A_400 : vector<16xf32> to vector<1x16xf32>
        tpu.vector_store %arg14[%swap3A_401, %swap3A_402], %swap3A_405 {add = true, strides = array<i32>} : memref<128x64xf32, #tpu.memory_space<vmem>>, vector<1x16xf32>,
        %get3A_406 = arith.index_cast %add3A_378 : i32 to index
        %get3A_407 = arith.constant 48 : index
        %get3A_408 = tpu.vector_load %arg11[%get3A_406, %get3A_407] {strides = array<i32>} : memref<128x64xf32, #tpu.memory_space<vmem>>, vector<1x16xf32>,
        %get3A_409 = vector.shape_cast %get3A_408 : vector<1x16xf32> to vector<16xf32>
        %swap3A_410 = arith.index_cast %add3A_378 : i32 to index
        %swap3A_411 = arith.constant 48 : index
        %swap3A_412 = tpu.vector_load %arg14[%swap3A_410, %swap3A_411] {strides = array<i32>} : memref<128x64xf32, #tpu.memory_space<vmem>>, vector<1x16xf32>,
        %swap3A_413 = vector.shape_cast %swap3A_412 : vector<1x16xf32> to vector<16xf32>
        %swap3A_414 = vector.shape_cast %get3A_409 : vector<16xf32> to vector<1x16xf32>
        tpu.vector_store %arg14[%swap3A_410, %swap3A_411], %swap3A_414 {add = true, strides = array<i32>} : memref<128x64xf32, #tpu.memory_space<vmem>>, vector<1x16xf32>,
        %mul3A_415 = arith.constant 8 : i32
        %mul3A_416 = arith.muli %scan3A_255, %mul3A_415 : i32
        %add3A_417 = arith.constant 4 : i32
        %add3A_418 = arith.addi %mul3A_416, %add3A_417 : i32
        %get3A_419 = arith.index_cast %add3A_418 : i32 to index
        %get3A_420 = arith.constant 0 : index
        %get3A_421 = tpu.vector_load %arg11[%get3A_419, %get3A_420] {strides = array<i32>} : memref<128x64xf32, #tpu.memory_space<vmem>>, vector<1x16xf32>,
        %get3A_422 = vector.shape_cast %get3A_421 : vector<1x16xf32> to vector<16xf32>
        %swap3A_423 = arith.index_cast %add3A_418 : i32 to index
        %swap3A_424 = arith.constant 0 : index
        %swap3A_425 = tpu.vector_load %arg14[%swap3A_423, %swap3A_424] {strides = array<i32>} : memref<128x64xf32, #tpu.memory_space<vmem>>, vector<1x16xf32>,
        %swap3A_426 = vector.shape_cast %swap3A_425 : vector<1x16xf32> to vector<16xf32>
        %swap3A_427 = vector.shape_cast %get3A_422 : vector<16xf32> to vector<1x16xf32>
        tpu.vector_store %arg14[%swap3A_423, %swap3A_424], %swap3A_427 {add = true, strides = array<i32>} : memref<128x64xf32, #tpu.memory_space<vmem>>, vector<1x16xf32>,
        %get3A_428 = arith.index_cast %add3A_418 : i32 to index
        %get3A_429 = arith.constant 16 : index
        %get3A_430 = tpu.vector_load %arg11[%get3A_428, %get3A_429] {strides = array<i32>} : memref<128x64xf32, #tpu.memory_space<vmem>>, vector<1x16xf32>,
        %get3A_431 = vector.shape_cast %get3A_430 : vector<1x16xf32> to vector<16xf32>
        %swap3A_432 = arith.index_cast %add3A_418 : i32 to index
        %swap3A_433 = arith.constant 16 : index
        %swap3A_434 = tpu.vector_load %arg14[%swap3A_432, %swap3A_433] {strides = array<i32>} : memref<128x64xf32, #tpu.memory_space<vmem>>, vector<1x16xf32>,
        %swap3A_435 = vector.shape_cast %swap3A_434 : vector<1x16xf32> to vector<16xf32>
        %swap3A_436 = vector.shape_cast %get3A_431 : vector<16xf32> to vector<1x16xf32>
        tpu.vector_store %arg14[%swap3A_432, %swap3A_433], %swap3A_436 {add = true, strides = array<i32>} : memref<128x64xf32, #tpu.memory_space<vmem>>, vector<1x16xf32>,
        %get3A_437 = arith.index_cast %add3A_418 : i32 to index
        %get3A_438 = arith.constant 32 : index
        %get3A_439 = tpu.vector_load %arg11[%get3A_437, %get3A_438] {strides = array<i32>} : memref<128x64xf32, #tpu.memory_space<vmem>>, vector<1x16xf32>,
        %get3A_440 = vector.shape_cast %get3A_439 : vector<1x16xf32> to vector<16xf32>
        %swap3A_441 = arith.index_cast %add3A_418 : i32 to index
        %swap3A_442 = arith.constant 32 : index
        %swap3A_443 = tpu.vector_load %arg14[%swap3A_441, %swap3A_442] {strides = array<i32>} : memref<128x64xf32, #tpu.memory_space<vmem>>, vector<1x16xf32>,
        %swap3A_444 = vector.shape_cast %swap3A_443 : vector<1x16xf32> to vector<16xf32>
        %swap3A_445 = vector.shape_cast %get3A_440 : vector<16xf32> to vector<1x16xf32>
        tpu.vector_store %arg14[%swap3A_441, %swap3A_442], %swap3A_445 {add = true, strides = array<i32>} : memref<128x64xf32, #tpu.memory_space<vmem>>, vector<1x16xf32>,
        %get3A_446 = arith.index_cast %add3A_418 : i32 to index
        %get3A_447 = arith.constant 48 : index
        %get3A_448 = tpu.vector_load %arg11[%get3A_446, %get3A_447] {strides = array<i32>} : memref<128x64xf32, #tpu.memory_space<vmem>>, vector<1x16xf32>,
        %get3A_449 = vector.shape_cast %get3A_448 : vector<1x16xf32> to vector<16xf32>
        %swap3A_450 = arith.index_cast %add3A_418 : i32 to index
        %swap3A_451 = arith.constant 48 : index
        %swap3A_452 = tpu.vector_load %arg14[%swap3A_450, %swap3A_451] {strides = array<i32>} : memref<128x64xf32, #tpu.memory_space<vmem>>, vector<1x16xf32>,
        %swap3A_453 = vector.shape_cast %swap3A_452 : vector<1x16xf32> to vector<16xf32>
        %swap3A_454 = vector.shape_cast %get3A_449 : vector<16xf32> to vector<1x16xf32>
        tpu.vector_store %arg14[%swap3A_450, %swap3A_451], %swap3A_454 {add = true, strides = array<i32>} : memref<128x64xf32, #tpu.memory_space<vmem>>, vector<1x16xf32>,
        %mul3A_455 = arith.constant 8 : i32
        %mul3A_456 = arith.muli %scan3A_255, %mul3A_455 : i32
        %add3A_457 = arith.constant 5 : i32
        %add3A_458 = arith.addi %mul3A_456, %add3A_457 : i32
        %get3A_459 = arith.index_cast %add3A_458 : i32 to index
        %get3A_460 = arith.constant 0 : index
        %get3A_461 = tpu.vector_load %arg11[%get3A_459, %get3A_460] {strides = array<i32>} : memref<128x64xf32, #tpu.memory_space<vmem>>, vector<1x16xf32>,
        %get3A_462 = vector.shape_cast %get3A_461 : vector<1x16xf32> to vector<16xf32>
        %swap3A_463 = arith.index_cast %add3A_458 : i32 to index
        %swap3A_464 = arith.constant 0 : index
        %swap3A_465 = tpu.vector_load %arg14[%swap3A_463, %swap3A_464] {strides = array<i32>} : memref<128x64xf32, #tpu.memory_space<vmem>>, vector<1x16xf32>,
        %swap3A_466 = vector.shape_cast %swap3A_465 : vector<1x16xf32> to vector<16xf32>
        %swap3A_467 = vector.shape_cast %get3A_462 : vector<16xf32> to vector<1x16xf32>
        tpu.vector_store %arg14[%swap3A_463, %swap3A_464], %swap3A_467 {add = true, strides = array<i32>} : memref<128x64xf32, #tpu.memory_space<vmem>>, vector<1x16xf32>,
        %get3A_468 = arith.index_cast %add3A_458 : i32 to index
        %get3A_469 = arith.constant 16 : index
        %get3A_470 = tpu.vector_load %arg11[%get3A_468, %get3A_469] {strides = array<i32>} : memref<128x64xf32, #tpu.memory_space<vmem>>, vector<1x16xf32>,
        %get3A_471 = vector.shape_cast %get3A_470 : vector<1x16xf32> to vector<16xf32>
        %swap3A_472 = arith.index_cast %add3A_458 : i32 to index
        %swap3A_473 = arith.constant 16 : index
        %swap3A_474 = tpu.vector_load %arg14[%swap3A_472, %swap3A_473] {strides = array<i32>} : memref<128x64xf32, #tpu.memory_space<vmem>>, vector<1x16xf32>,
        %swap3A_475 = vector.shape_cast %swap3A_474 : vector<1x16xf32> to vector<16xf32>
        %swap3A_476 = vector.shape_cast %get3A_471 : vector<16xf32> to vector<1x16xf32>
        tpu.vector_store %arg14[%swap3A_472, %swap3A_473], %swap3A_476 {add = true, strides = array<i32>} : memref<128x64xf32, #tpu.memory_space<vmem>>, vector<1x16xf32>,
        %get3A_477 = arith.index_cast %add3A_458 : i32 to index
        %get3A_478 = arith.constant 32 : index
        %get3A_479 = tpu.vector_load %arg11[%get3A_477, %get3A_478] {strides = array<i32>} : memref<128x64xf32, #tpu.memory_space<vmem>>, vector<1x16xf32>,
        %get3A_480 = vector.shape_cast %get3A_479 : vector<1x16xf32> to vector<16xf32>
        %swap3A_481 = arith.index_cast %add3A_458 : i32 to index
        %swap3A_482 = arith.constant 32 : index
        %swap3A_483 = tpu.vector_load %arg14[%swap3A_481, %swap3A_482] {strides = array<i32>} : memref<128x64xf32, #tpu.memory_space<vmem>>, vector<1x16xf32>,
        %swap3A_484 = vector.shape_cast %swap3A_483 : vector<1x16xf32> to vector<16xf32>
        %swap3A_485 = vector.shape_cast %get3A_480 : vector<16xf32> to vector<1x16xf32>
        tpu.vector_store %arg14[%swap3A_481, %swap3A_482], %swap3A_485 {add = true, strides = array<i32>} : memref<128x64xf32, #tpu.memory_space<vmem>>, vector<1x16xf32>,
        %get3A_486 = arith.index_cast %add3A_458 : i32 to index
        %get3A_487 = arith.constant 48 : index
        %get3A_488 = tpu.vector_load %arg11[%get3A_486, %get3A_487] {strides = array<i32>} : memref<128x64xf32, #tpu.memory_space<vmem>>, vector<1x16xf32>,
        %get3A_489 = vector.shape_cast %get3A_488 : vector<1x16xf32> to vector<16xf32>
        %swap3A_490 = arith.index_cast %add3A_458 : i32 to index
        %swap3A_491 = arith.constant 48 : index
        %swap3A_492 = tpu.vector_load %arg14[%swap3A_490, %swap3A_491] {strides = array<i32>} : memref<128x64xf32, #tpu.memory_space<vmem>>, vector<1x16xf32>,
        %swap3A_493 = vector.shape_cast %swap3A_492 : vector<1x16xf32> to vector<16xf32>
        %swap3A_494 = vector.shape_cast %get3A_489 : vector<16xf32> to vector<1x16xf32>
        tpu.vector_store %arg14[%swap3A_490, %swap3A_491], %swap3A_494 {add = true, strides = array<i32>} : memref<128x64xf32, #tpu.memory_space<vmem>>, vector<1x16xf32>,
        %mul3A_495 = arith.constant 8 : i32
        %mul3A_496 = arith.muli %scan3A_255, %mul3A_495 : i32
        %add3A_497 = arith.constant 6 : i32
        %add3A_498 = arith.addi %mul3A_496, %add3A_497 : i32
        %get3A_499 = arith.index_cast %add3A_498 : i32 to index
        %get3A_500 = arith.constant 0 : index
        %get3A_501 = tpu.vector_load %arg11[%get3A_499, %get3A_500] {strides = array<i32>} : memref<128x64xf32, #tpu.memory_space<vmem>>, vector<1x16xf32>,
        %get3A_502 = vector.shape_cast %get3A_501 : vector<1x16xf32> to vector<16xf32>
        %swap3A_503 = arith.index_cast %add3A_498 : i32 to index
        %swap3A_504 = arith.constant 0 : index
        %swap3A_505 = tpu.vector_load %arg14[%swap3A_503, %swap3A_504] {strides = array<i32>} : memref<128x64xf32, #tpu.memory_space<vmem>>, vector<1x16xf32>,
        %swap3A_506 = vector.shape_cast %swap3A_505 : vector<1x16xf32> to vector<16xf32>
        %swap3A_507 = vector.shape_cast %get3A_502 : vector<16xf32> to vector<1x16xf32>
        tpu.vector_store %arg14[%swap3A_503, %swap3A_504], %swap3A_507 {add = true, strides = array<i32>} : memref<128x64xf32, #tpu.memory_space<vmem>>, vector<1x16xf32>,
        %get3A_508 = arith.index_cast %add3A_498 : i32 to index
        %get3A_509 = arith.constant 16 : index
        %get3A_510 = tpu.vector_load %arg11[%get3A_508, %get3A_509] {strides = array<i32>} : memref<128x64xf32, #tpu.memory_space<vmem>>, vector<1x16xf32>,
        %get3A_511 = vector.shape_cast %get3A_510 : vector<1x16xf32> to vector<16xf32>
        %swap3A_512 = arith.index_cast %add3A_498 : i32 to index
        %swap3A_513 = arith.constant 16 : index
        %swap3A_514 = tpu.vector_load %arg14[%swap3A_512, %swap3A_513] {strides = array<i32>} : memref<128x64xf32, #tpu.memory_space<vmem>>, vector<1x16xf32>,
        %swap3A_515 = vector.shape_cast %swap3A_514 : vector<1x16xf32> to vector<16xf32>
        %swap3A_516 = vector.shape_cast %get3A_511 : vector<16xf32> to vector<1x16xf32>
        tpu.vector_store %arg14[%swap3A_512, %swap3A_513], %swap3A_516 {add = true, strides = array<i32>} : memref<128x64xf32, #tpu.memory_space<vmem>>, vector<1x16xf32>,
        %get3A_517 = arith.index_cast %add3A_498 : i32 to index
        %get3A_518 = arith.constant 32 : index
        %get3A_519 = tpu.vector_load %arg11[%get3A_517, %get3A_518] {strides = array<i32>} : memref<128x64xf32, #tpu.memory_space<vmem>>, vector<1x16xf32>,
        %get3A_520 = vector.shape_cast %get3A_519 : vector<1x16xf32> to vector<16xf32>
        %swap3A_521 = arith.index_cast %add3A_498 : i32 to index
        %swap3A_522 = arith.constant 32 : index
        %swap3A_523 = tpu.vector_load %arg14[%swap3A_521, %swap3A_522] {strides = array<i32>} : memref<128x64xf32, #tpu.memory_space<vmem>>, vector<1x16xf32>,
        %swap3A_524 = vector.shape_cast %swap3A_523 : vector<1x16xf32> to vector<16xf32>
        %swap3A_525 = vector.shape_cast %get3A_520 : vector<16xf32> to vector<1x16xf32>
        tpu.vector_store %arg14[%swap3A_521, %swap3A_522], %swap3A_525 {add = true, strides = array<i32>} : memref<128x64xf32, #tpu.memory_space<vmem>>, vector<1x16xf32>,
        %get3A_526 = arith.index_cast %add3A_498 : i32 to index
        %get3A_527 = arith.constant 48 : index
        %get3A_528 = tpu.vector_load %arg11[%get3A_526, %get3A_527] {strides = array<i32>} : memref<128x64xf32, #tpu.memory_space<vmem>>, vector<1x16xf32>,
        %get3A_529 = vector.shape_cast %get3A_528 : vector<1x16xf32> to vector<16xf32>
        %swap3A_530 = arith.index_cast %add3A_498 : i32 to index
        %swap3A_531 = arith.constant 48 : index
        %swap3A_532 = tpu.vector_load %arg14[%swap3A_530, %swap3A_531] {strides = array<i32>} : memref<128x64xf32, #tpu.memory_space<vmem>>, vector<1x16xf32>,
        %swap3A_533 = vector.shape_cast %swap3A_532 : vector<1x16xf32> to vector<16xf32>
        %swap3A_534 = vector.shape_cast %get3A_529 : vector<16xf32> to vector<1x16xf32>
        tpu.vector_store %arg14[%swap3A_530, %swap3A_531], %swap3A_534 {add = true, strides = array<i32>} : memref<128x64xf32, #tpu.memory_space<vmem>>, vector<1x16xf32>,
        %mul3A_535 = arith.constant 8 : i32
        %mul3A_536 = arith.muli %scan3A_255, %mul3A_535 : i32
        %add3A_537 = arith.constant 7 : i32
        %add3A_538 = arith.addi %mul3A_536, %add3A_537 : i32
        %get3A_539 = arith.index_cast %add3A_538 : i32 to index
        %get3A_540 = arith.constant 0 : index
        %get3A_541 = tpu.vector_load %arg11[%get3A_539, %get3A_540] {strides = array<i32>} : memref<128x64xf32, #tpu.memory_space<vmem>>, vector<1x16xf32>,
        %get3A_542 = vector.shape_cast %get3A_541 : vector<1x16xf32> to vector<16xf32>
        %swap3A_543 = arith.index_cast %add3A_538 : i32 to index
        %swap3A_544 = arith.constant 0 : index
        %swap3A_545 = tpu.vector_load %arg14[%swap3A_543, %swap3A_544] {strides = array<i32>} : memref<128x64xf32, #tpu.memory_space<vmem>>, vector<1x16xf32>,
        %swap3A_546 = vector.shape_cast %swap3A_545 : vector<1x16xf32> to vector<16xf32>
        %swap3A_547 = vector.shape_cast %get3A_542 : vector<16xf32> to vector<1x16xf32>
        tpu.vector_store %arg14[%swap3A_543, %swap3A_544], %swap3A_547 {add = true, strides = array<i32>} : memref<128x64xf32, #tpu.memory_space<vmem>>, vector<1x16xf32>,
        %get3A_548 = arith.index_cast %add3A_538 : i32 to index
        %get3A_549 = arith.constant 16 : index
        %get3A_550 = tpu.vector_load %arg11[%get3A_548, %get3A_549] {strides = array<i32>} : memref<128x64xf32, #tpu.memory_space<vmem>>, vector<1x16xf32>,
        %get3A_551 = vector.shape_cast %get3A_550 : vector<1x16xf32> to vector<16xf32>
        %swap3A_552 = arith.index_cast %add3A_538 : i32 to index
        %swap3A_553 = arith.constant 16 : index
        %swap3A_554 = tpu.vector_load %arg14[%swap3A_552, %swap3A_553] {strides = array<i32>} : memref<128x64xf32, #tpu.memory_space<vmem>>, vector<1x16xf32>,
        %swap3A_555 = vector.shape_cast %swap3A_554 : vector<1x16xf32> to vector<16xf32>
        %swap3A_556 = vector.shape_cast %get3A_551 : vector<16xf32> to vector<1x16xf32>
        tpu.vector_store %arg14[%swap3A_552, %swap3A_553], %swap3A_556 {add = true, strides = array<i32>} : memref<128x64xf32, #tpu.memory_space<vmem>>, vector<1x16xf32>,
        %get3A_557 = arith.index_cast %add3A_538 : i32 to index
        %get3A_558 = arith.constant 32 : index
        %get3A_559 = tpu.vector_load %arg11[%get3A_557, %get3A_558] {strides = array<i32>} : memref<128x64xf32, #tpu.memory_space<vmem>>, vector<1x16xf32>,
        %get3A_560 = vector.shape_cast %get3A_559 : vector<1x16xf32> to vector<16xf32>
        %swap3A_561 = arith.index_cast %add3A_538 : i32 to index
        %swap3A_562 = arith.constant 32 : index
        %swap3A_563 = tpu.vector_load %arg14[%swap3A_561, %swap3A_562] {strides = array<i32>} : memref<128x64xf32, #tpu.memory_space<vmem>>, vector<1x16xf32>,
        %swap3A_564 = vector.shape_cast %swap3A_563 : vector<1x16xf32> to vector<16xf32>
        %swap3A_565 = vector.shape_cast %get3A_560 : vector<16xf32> to vector<1x16xf32>
        tpu.vector_store %arg14[%swap3A_561, %swap3A_562], %swap3A_565 {add = true, strides = array<i32>} : memref<128x64xf32, #tpu.memory_space<vmem>>, vector<1x16xf32>,
        %get3A_566 = arith.index_cast %add3A_538 : i32 to index
        %get3A_567 = arith.constant 48 : index
        %get3A_568 = tpu.vector_load %arg11[%get3A_566, %get3A_567] {strides = array<i32>} : memref<128x64xf32, #tpu.memory_space<vmem>>, vector<1x16xf32>,
        %get3A_569 = vector.shape_cast %get3A_568 : vector<1x16xf32> to vector<16xf32>
        %swap3A_570 = arith.index_cast %add3A_538 : i32 to index
        %swap3A_571 = arith.constant 48 : index
        %swap3A_572 = tpu.vector_load %arg14[%swap3A_570, %swap3A_571] {strides = array<i32>} : memref<128x64xf32, #tpu.memory_space<vmem>>, vector<1x16xf32>,
        %swap3A_573 = vector.shape_cast %swap3A_572 : vector<1x16xf32> to vector<16xf32>
        %swap3A_574 = vector.shape_cast %get3A_569 : vector<16xf32> to vector<1x16xf32>
        tpu.vector_store %arg14[%swap3A_570, %swap3A_571], %swap3A_574 {add = true, strides = array<i32>} : memref<128x64xf32, #tpu.memory_space<vmem>>, vector<1x16xf32>,
        %scan3A_575 = arith.constant 0 : i32
        scf.yield %scan3A_575 : i32
      }
      %scan3A_202 = arith.constant 16 : i32
      %add3A_203 = arith.constant 8 : i32
      %add3A_204 = arith.addi %add3A_189, %add3A_203 : i32
      %lt3A_205 = arith.constant 200 : i32
      %lt3A_206 = arith.cmpi slt, %add3A_204, %lt3A_205 : i32
      %convert_element_type3A_207 = arith.extui %lt3A_206 : i1 to i32
      %cond3A_208 = arith.constant 0 : i32
      %cond3A_209 = arith.cmpi ne, %convert_element_type3A_207, %cond3A_208 : i32
      scf.if %cond3A_209 {
        %add3A_255 = arith.constant 8 : i32
        %add3A_256 = arith.addi %add3A_189, %add3A_255 : i32
        %dma_start3A_257 = arith.constant 0 : i32
        %dma_start3A_258 = tpu.memref_slice %arg5[%add3A_256, %dma_start3A_257] : memref<200x128xi32, #tpu.memory_space<vmem>> -> memref<1x128xi32, #tpu.memory_space<vmem>>
        %dma_start3A_259 = tpu.memref_squeeze %dma_start3A_258 : memref<1x128xi32, #tpu.memory_space<vmem>> -> memref<128xi32, #tpu.memory_space<vmem>>
        %dma_start3A_260 = arith.constant 0 : i32
        %dma_start3A_261 = arith.constant 0 : i32
        %dma_start3A_262 = tpu.memref_slice %arg3[%dma_start3A_260, %dma_start3A_261] : memref<1015808x64xf32, #tpu.memory_space<hbm>> -> memref<1015808x64xf32, #tpu.memory_space<hbm>>
        tpu.enqueue_indirect_dma source(%dma_start3A_262 : memref<1015808x64xf32, #tpu.memory_space<hbm>>) target(%arg11 : memref<128x64xf32, #tpu.memory_space<vmem>>) offsets(%dma_start3A_259 : memref<128xi32, #tpu.memory_space<vmem>>) semaphore(%arg20 : memref<!tpu.dma_semaphore, #tpu.memory_space<semaphore_mem>>)
      } else {
      }
      %add3A_210 = arith.constant 6 : i32
      %add3A_211 = arith.addi %mul3A_81, %add3A_210 : i32
      %dma_wait3A_212 = arith.constant 0 : i32
      %dma_wait3A_213 = tpu.memref_slice %arg5[%add3A_211, %dma_wait3A_212] : memref<200x128xi32, #tpu.memory_space<vmem>> -> memref<1x128xi32, #tpu.memory_space<vmem>>
      %dma_wait3A_214 = tpu.memref_squeeze %dma_wait3A_213 : memref<1x128xi32, #tpu.memory_space<vmem>> -> memref<128xi32, #tpu.memory_space<vmem>>
      %dma_wait3A_215 = arith.constant 0 : i32
      %dma_wait3A_216 = arith.constant 0 : i32
      %dma_wait3A_217 = tpu.memref_slice %arg3[%dma_wait3A_215, %dma_wait3A_216] : memref<1015808x64xf32, #tpu.memory_space<hbm>> -> memref<1015808x64xf32, #tpu.memory_space<hbm>>
      tpu.wait_indirect_dma semaphore(%arg21 : memref<!tpu.dma_semaphore, #tpu.memory_space<semaphore_mem>>) src(%dma_wait3A_217 : memref<1015808x64xf32, #tpu.memory_space<hbm>>) dst(%arg12 : memref<128x64xf32, #tpu.memory_space<vmem>>)
      %scan3A_218 = arith.constant 0 : i32
      %scan3A_219 = arith.constant 0 : i32
      %scan3A_220 = arith.constant 16 : i32
      %scan3A_221 = arith.addi %scan3A_219, %scan3A_220 : i32
      %scan3A_222 = arith.constant 1 : i32
      %scan3A_223 = scf.for %scan3A_255 = %scan3A_219 to %scan3A_221 step %scan3A_222 iter_args(%scan3A_256 = %scan3A_218) -> (i32)  : i32 {
        %mul3A_257 = arith.constant 8 : i32
        %mul3A_258 = arith.muli %scan3A_255, %mul3A_257 : i32
        %add3A_259 = arith.constant 0 : i32
        %add3A_260 = arith.addi %mul3A_258, %add3A_259 : i32
        %get3A = arith.index_cast %add3A_260 : i32 to index
        %get3A_261 = arith.constant 0 : index
        %get3A_262 = tpu.vector_load %arg12[%get3A, %get3A_261] {strides = array<i32>} : memref<128x64xf32, #tpu.memory_space<vmem>>, vector<1x16xf32>,
        %get3A_263 = vector.shape_cast %get3A_262 : vector<1x16xf32> to vector<16xf32>
        %swap3A = arith.index_cast %add3A_260 : i32 to index
        %swap3A_264 = arith.constant 0 : index
        %swap3A_265 = tpu.vector_load %arg14[%swap3A, %swap3A_264] {strides = array<i32>} : memref<128x64xf32, #tpu.memory_space<vmem>>, vector<1x16xf32>,
        %swap3A_266 = vector.shape_cast %swap3A_265 : vector<1x16xf32> to vector<16xf32>
        %swap3A_267 = vector.shape_cast %get3A_263 : vector<16xf32> to vector<1x16xf32>
        tpu.vector_store %arg14[%swap3A, %swap3A_264], %swap3A_267 {add = true, strides = array<i32>} : memref<128x64xf32, #tpu.memory_space<vmem>>, vector<1x16xf32>,
        %get3A_268 = arith.index_cast %add3A_260 : i32 to index
        %get3A_269 = arith.constant 16 : index
        %get3A_270 = tpu.vector_load %arg12[%get3A_268, %get3A_269] {strides = array<i32>} : memref<128x64xf32, #tpu.memory_space<vmem>>, vector<1x16xf32>,
        %get3A_271 = vector.shape_cast %get3A_270 : vector<1x16xf32> to vector<16xf32>
        %swap3A_272 = arith.index_cast %add3A_260 : i32 to index
        %swap3A_273 = arith.constant 16 : index
        %swap3A_274 = tpu.vector_load %arg14[%swap3A_272, %swap3A_273] {strides = array<i32>} : memref<128x64xf32, #tpu.memory_space<vmem>>, vector<1x16xf32>,
        %swap3A_275 = vector.shape_cast %swap3A_274 : vector<1x16xf32> to vector<16xf32>
        %swap3A_276 = vector.shape_cast %get3A_271 : vector<16xf32> to vector<1x16xf32>
        tpu.vector_store %arg14[%swap3A_272, %swap3A_273], %swap3A_276 {add = true, strides = array<i32>} : memref<128x64xf32, #tpu.memory_space<vmem>>, vector<1x16xf32>,
        %get3A_277 = arith.index_cast %add3A_260 : i32 to index
        %get3A_278 = arith.constant 32 : index
        %get3A_279 = tpu.vector_load %arg12[%get3A_277, %get3A_278] {strides = array<i32>} : memref<128x64xf32, #tpu.memory_space<vmem>>, vector<1x16xf32>,
        %get3A_280 = vector.shape_cast %get3A_279 : vector<1x16xf32> to vector<16xf32>
        %swap3A_281 = arith.index_cast %add3A_260 : i32 to index
        %swap3A_282 = arith.constant 32 : index
        %swap3A_283 = tpu.vector_load %arg14[%swap3A_281, %swap3A_282] {strides = array<i32>} : memref<128x64xf32, #tpu.memory_space<vmem>>, vector<1x16xf32>,
        %swap3A_284 = vector.shape_cast %swap3A_283 : vector<1x16xf32> to vector<16xf32>
        %swap3A_285 = vector.shape_cast %get3A_280 : vector<16xf32> to vector<1x16xf32>
        tpu.vector_store %arg14[%swap3A_281, %swap3A_282], %swap3A_285 {add = true, strides = array<i32>} : memref<128x64xf32, #tpu.memory_space<vmem>>, vector<1x16xf32>,
        %get3A_286 = arith.index_cast %add3A_260 : i32 to index
        %get3A_287 = arith.constant 48 : index
        %get3A_288 = tpu.vector_load %arg12[%get3A_286, %get3A_287] {strides = array<i32>} : memref<128x64xf32, #tpu.memory_space<vmem>>, vector<1x16xf32>,
        %get3A_289 = vector.shape_cast %get3A_288 : vector<1x16xf32> to vector<16xf32>
        %swap3A_290 = arith.index_cast %add3A_260 : i32 to index
        %swap3A_291 = arith.constant 48 : index
        %swap3A_292 = tpu.vector_load %arg14[%swap3A_290, %swap3A_291] {strides = array<i32>} : memref<128x64xf32, #tpu.memory_space<vmem>>, vector<1x16xf32>,
        %swap3A_293 = vector.shape_cast %swap3A_292 : vector<1x16xf32> to vector<16xf32>
        %swap3A_294 = vector.shape_cast %get3A_289 : vector<16xf32> to vector<1x16xf32>
        tpu.vector_store %arg14[%swap3A_290, %swap3A_291], %swap3A_294 {add = true, strides = array<i32>} : memref<128x64xf32, #tpu.memory_space<vmem>>, vector<1x16xf32>,
        %mul3A_295 = arith.constant 8 : i32
        %mul3A_296 = arith.muli %scan3A_255, %mul3A_295 : i32
        %add3A_297 = arith.constant 1 : i32
        %add3A_298 = arith.addi %mul3A_296, %add3A_297 : i32
        %get3A_299 = arith.index_cast %add3A_298 : i32 to index
        %get3A_300 = arith.constant 0 : index
        %get3A_301 = tpu.vector_load %arg12[%get3A_299, %get3A_300] {strides = array<i32>} : memref<128x64xf32, #tpu.memory_space<vmem>>, vector<1x16xf32>,
        %get3A_302 = vector.shape_cast %get3A_301 : vector<1x16xf32> to vector<16xf32>
        %swap3A_303 = arith.index_cast %add3A_298 : i32 to index
        %swap3A_304 = arith.constant 0 : index
        %swap3A_305 = tpu.vector_load %arg14[%swap3A_303, %swap3A_304] {strides = array<i32>} : memref<128x64xf32, #tpu.memory_space<vmem>>, vector<1x16xf32>,
        %swap3A_306 = vector.shape_cast %swap3A_305 : vector<1x16xf32> to vector<16xf32>
        %swap3A_307 = vector.shape_cast %get3A_302 : vector<16xf32> to vector<1x16xf32>
        tpu.vector_store %arg14[%swap3A_303, %swap3A_304], %swap3A_307 {add = true, strides = array<i32>} : memref<128x64xf32, #tpu.memory_space<vmem>>, vector<1x16xf32>,
        %get3A_308 = arith.index_cast %add3A_298 : i32 to index
        %get3A_309 = arith.constant 16 : index
        %get3A_310 = tpu.vector_load %arg12[%get3A_308, %get3A_309] {strides = array<i32>} : memref<128x64xf32, #tpu.memory_space<vmem>>, vector<1x16xf32>,
        %get3A_311 = vector.shape_cast %get3A_310 : vector<1x16xf32> to vector<16xf32>
        %swap3A_312 = arith.index_cast %add3A_298 : i32 to index
        %swap3A_313 = arith.constant 16 : index
        %swap3A_314 = tpu.vector_load %arg14[%swap3A_312, %swap3A_313] {strides = array<i32>} : memref<128x64xf32, #tpu.memory_space<vmem>>, vector<1x16xf32>,
        %swap3A_315 = vector.shape_cast %swap3A_314 : vector<1x16xf32> to vector<16xf32>
        %swap3A_316 = vector.shape_cast %get3A_311 : vector<16xf32> to vector<1x16xf32>
        tpu.vector_store %arg14[%swap3A_312, %swap3A_313], %swap3A_316 {add = true, strides = array<i32>} : memref<128x64xf32, #tpu.memory_space<vmem>>, vector<1x16xf32>,
        %get3A_317 = arith.index_cast %add3A_298 : i32 to index
        %get3A_318 = arith.constant 32 : index
        %get3A_319 = tpu.vector_load %arg12[%get3A_317, %get3A_318] {strides = array<i32>} : memref<128x64xf32, #tpu.memory_space<vmem>>, vector<1x16xf32>,
        %get3A_320 = vector.shape_cast %get3A_319 : vector<1x16xf32> to vector<16xf32>
        %swap3A_321 = arith.index_cast %add3A_298 : i32 to index
        %swap3A_322 = arith.constant 32 : index
        %swap3A_323 = tpu.vector_load %arg14[%swap3A_321, %swap3A_322] {strides = array<i32>} : memref<128x64xf32, #tpu.memory_space<vmem>>, vector<1x16xf32>,
        %swap3A_324 = vector.shape_cast %swap3A_323 : vector<1x16xf32> to vector<16xf32>
        %swap3A_325 = vector.shape_cast %get3A_320 : vector<16xf32> to vector<1x16xf32>
        tpu.vector_store %arg14[%swap3A_321, %swap3A_322], %swap3A_325 {add = true, strides = array<i32>} : memref<128x64xf32, #tpu.memory_space<vmem>>, vector<1x16xf32>,
        %get3A_326 = arith.index_cast %add3A_298 : i32 to index
        %get3A_327 = arith.constant 48 : index
        %get3A_328 = tpu.vector_load %arg12[%get3A_326, %get3A_327] {strides = array<i32>} : memref<128x64xf32, #tpu.memory_space<vmem>>, vector<1x16xf32>,
        %get3A_329 = vector.shape_cast %get3A_328 : vector<1x16xf32> to vector<16xf32>
        %swap3A_330 = arith.index_cast %add3A_298 : i32 to index
        %swap3A_331 = arith.constant 48 : index
        %swap3A_332 = tpu.vector_load %arg14[%swap3A_330, %swap3A_331] {strides = array<i32>} : memref<128x64xf32, #tpu.memory_space<vmem>>, vector<1x16xf32>,
        %swap3A_333 = vector.shape_cast %swap3A_332 : vector<1x16xf32> to vector<16xf32>
        %swap3A_334 = vector.shape_cast %get3A_329 : vector<16xf32> to vector<1x16xf32>
        tpu.vector_store %arg14[%swap3A_330, %swap3A_331], %swap3A_334 {add = true, strides = array<i32>} : memref<128x64xf32, #tpu.memory_space<vmem>>, vector<1x16xf32>,
        %mul3A_335 = arith.constant 8 : i32
        %mul3A_336 = arith.muli %scan3A_255, %mul3A_335 : i32
        %add3A_337 = arith.constant 2 : i32
        %add3A_338 = arith.addi %mul3A_336, %add3A_337 : i32
        %get3A_339 = arith.index_cast %add3A_338 : i32 to index
        %get3A_340 = arith.constant 0 : index
        %get3A_341 = tpu.vector_load %arg12[%get3A_339, %get3A_340] {strides = array<i32>} : memref<128x64xf32, #tpu.memory_space<vmem>>, vector<1x16xf32>,
        %get3A_342 = vector.shape_cast %get3A_341 : vector<1x16xf32> to vector<16xf32>
        %swap3A_343 = arith.index_cast %add3A_338 : i32 to index
        %swap3A_344 = arith.constant 0 : index
        %swap3A_345 = tpu.vector_load %arg14[%swap3A_343, %swap3A_344] {strides = array<i32>} : memref<128x64xf32, #tpu.memory_space<vmem>>, vector<1x16xf32>,
        %swap3A_346 = vector.shape_cast %swap3A_345 : vector<1x16xf32> to vector<16xf32>
        %swap3A_347 = vector.shape_cast %get3A_342 : vector<16xf32> to vector<1x16xf32>
        tpu.vector_store %arg14[%swap3A_343, %swap3A_344], %swap3A_347 {add = true, strides = array<i32>} : memref<128x64xf32, #tpu.memory_space<vmem>>, vector<1x16xf32>,
        %get3A_348 = arith.index_cast %add3A_338 : i32 to index
        %get3A_349 = arith.constant 16 : index
        %get3A_350 = tpu.vector_load %arg12[%get3A_348, %get3A_349] {strides = array<i32>} : memref<128x64xf32, #tpu.memory_space<vmem>>, vector<1x16xf32>,
        %get3A_351 = vector.shape_cast %get3A_350 : vector<1x16xf32> to vector<16xf32>
        %swap3A_352 = arith.index_cast %add3A_338 : i32 to index
        %swap3A_353 = arith.constant 16 : index
        %swap3A_354 = tpu.vector_load %arg14[%swap3A_352, %swap3A_353] {strides = array<i32>} : memref<128x64xf32, #tpu.memory_space<vmem>>, vector<1x16xf32>,
        %swap3A_355 = vector.shape_cast %swap3A_354 : vector<1x16xf32> to vector<16xf32>
        %swap3A_356 = vector.shape_cast %get3A_351 : vector<16xf32> to vector<1x16xf32>
        tpu.vector_store %arg14[%swap3A_352, %swap3A_353], %swap3A_356 {add = true, strides = array<i32>} : memref<128x64xf32, #tpu.memory_space<vmem>>, vector<1x16xf32>,
        %get3A_357 = arith.index_cast %add3A_338 : i32 to index
        %get3A_358 = arith.constant 32 : index
        %get3A_359 = tpu.vector_load %arg12[%get3A_357, %get3A_358] {strides = array<i32>} : memref<128x64xf32, #tpu.memory_space<vmem>>, vector<1x16xf32>,
        %get3A_360 = vector.shape_cast %get3A_359 : vector<1x16xf32> to vector<16xf32>
        %swap3A_361 = arith.index_cast %add3A_338 : i32 to index
        %swap3A_362 = arith.constant 32 : index
        %swap3A_363 = tpu.vector_load %arg14[%swap3A_361, %swap3A_362] {strides = array<i32>} : memref<128x64xf32, #tpu.memory_space<vmem>>, vector<1x16xf32>,
        %swap3A_364 = vector.shape_cast %swap3A_363 : vector<1x16xf32> to vector<16xf32>
        %swap3A_365 = vector.shape_cast %get3A_360 : vector<16xf32> to vector<1x16xf32>
        tpu.vector_store %arg14[%swap3A_361, %swap3A_362], %swap3A_365 {add = true, strides = array<i32>} : memref<128x64xf32, #tpu.memory_space<vmem>>, vector<1x16xf32>,
        %get3A_366 = arith.index_cast %add3A_338 : i32 to index
        %get3A_367 = arith.constant 48 : index
        %get3A_368 = tpu.vector_load %arg12[%get3A_366, %get3A_367] {strides = array<i32>} : memref<128x64xf32, #tpu.memory_space<vmem>>, vector<1x16xf32>,
        %get3A_369 = vector.shape_cast %get3A_368 : vector<1x16xf32> to vector<16xf32>
        %swap3A_370 = arith.index_cast %add3A_338 : i32 to index
        %swap3A_371 = arith.constant 48 : index
        %swap3A_372 = tpu.vector_load %arg14[%swap3A_370, %swap3A_371] {strides = array<i32>} : memref<128x64xf32, #tpu.memory_space<vmem>>, vector<1x16xf32>,
        %swap3A_373 = vector.shape_cast %swap3A_372 : vector<1x16xf32> to vector<16xf32>
        %swap3A_374 = vector.shape_cast %get3A_369 : vector<16xf32> to vector<1x16xf32>
        tpu.vector_store %arg14[%swap3A_370, %swap3A_371], %swap3A_374 {add = true, strides = array<i32>} : memref<128x64xf32, #tpu.memory_space<vmem>>, vector<1x16xf32>,
        %mul3A_375 = arith.constant 8 : i32
        %mul3A_376 = arith.muli %scan3A_255, %mul3A_375 : i32
        %add3A_377 = arith.constant 3 : i32
        %add3A_378 = arith.addi %mul3A_376, %add3A_377 : i32
        %get3A_379 = arith.index_cast %add3A_378 : i32 to index
        %get3A_380 = arith.constant 0 : index
        %get3A_381 = tpu.vector_load %arg12[%get3A_379, %get3A_380] {strides = array<i32>} : memref<128x64xf32, #tpu.memory_space<vmem>>, vector<1x16xf32>,
        %get3A_382 = vector.shape_cast %get3A_381 : vector<1x16xf32> to vector<16xf32>
        %swap3A_383 = arith.index_cast %add3A_378 : i32 to index
        %swap3A_384 = arith.constant 0 : index
        %swap3A_385 = tpu.vector_load %arg14[%swap3A_383, %swap3A_384] {strides = array<i32>} : memref<128x64xf32, #tpu.memory_space<vmem>>, vector<1x16xf32>,
        %swap3A_386 = vector.shape_cast %swap3A_385 : vector<1x16xf32> to vector<16xf32>
        %swap3A_387 = vector.shape_cast %get3A_382 : vector<16xf32> to vector<1x16xf32>
        tpu.vector_store %arg14[%swap3A_383, %swap3A_384], %swap3A_387 {add = true, strides = array<i32>} : memref<128x64xf32, #tpu.memory_space<vmem>>, vector<1x16xf32>,
        %get3A_388 = arith.index_cast %add3A_378 : i32 to index
        %get3A_389 = arith.constant 16 : index
        %get3A_390 = tpu.vector_load %arg12[%get3A_388, %get3A_389] {strides = array<i32>} : memref<128x64xf32, #tpu.memory_space<vmem>>, vector<1x16xf32>,
        %get3A_391 = vector.shape_cast %get3A_390 : vector<1x16xf32> to vector<16xf32>
        %swap3A_392 = arith.index_cast %add3A_378 : i32 to index
        %swap3A_393 = arith.constant 16 : index
        %swap3A_394 = tpu.vector_load %arg14[%swap3A_392, %swap3A_393] {strides = array<i32>} : memref<128x64xf32, #tpu.memory_space<vmem>>, vector<1x16xf32>,
        %swap3A_395 = vector.shape_cast %swap3A_394 : vector<1x16xf32> to vector<16xf32>
        %swap3A_396 = vector.shape_cast %get3A_391 : vector<16xf32> to vector<1x16xf32>
        tpu.vector_store %arg14[%swap3A_392, %swap3A_393], %swap3A_396 {add = true, strides = array<i32>} : memref<128x64xf32, #tpu.memory_space<vmem>>, vector<1x16xf32>,
        %get3A_397 = arith.index_cast %add3A_378 : i32 to index
        %get3A_398 = arith.constant 32 : index
        %get3A_399 = tpu.vector_load %arg12[%get3A_397, %get3A_398] {strides = array<i32>} : memref<128x64xf32, #tpu.memory_space<vmem>>, vector<1x16xf32>,
        %get3A_400 = vector.shape_cast %get3A_399 : vector<1x16xf32> to vector<16xf32>
        %swap3A_401 = arith.index_cast %add3A_378 : i32 to index
        %swap3A_402 = arith.constant 32 : index
        %swap3A_403 = tpu.vector_load %arg14[%swap3A_401, %swap3A_402] {strides = array<i32>} : memref<128x64xf32, #tpu.memory_space<vmem>>, vector<1x16xf32>,
        %swap3A_404 = vector.shape_cast %swap3A_403 : vector<1x16xf32> to vector<16xf32>
        %swap3A_405 = vector.shape_cast %get3A_400 : vector<16xf32> to vector<1x16xf32>
        tpu.vector_store %arg14[%swap3A_401, %swap3A_402], %swap3A_405 {add = true, strides = array<i32>} : memref<128x64xf32, #tpu.memory_space<vmem>>, vector<1x16xf32>,
        %get3A_406 = arith.index_cast %add3A_378 : i32 to index
        %get3A_407 = arith.constant 48 : index
        %get3A_408 = tpu.vector_load %arg12[%get3A_406, %get3A_407] {strides = array<i32>} : memref<128x64xf32, #tpu.memory_space<vmem>>, vector<1x16xf32>,
        %get3A_409 = vector.shape_cast %get3A_408 : vector<1x16xf32> to vector<16xf32>
        %swap3A_410 = arith.index_cast %add3A_378 : i32 to index
        %swap3A_411 = arith.constant 48 : index
        %swap3A_412 = tpu.vector_load %arg14[%swap3A_410, %swap3A_411] {strides = array<i32>} : memref<128x64xf32, #tpu.memory_space<vmem>>, vector<1x16xf32>,
        %swap3A_413 = vector.shape_cast %swap3A_412 : vector<1x16xf32> to vector<16xf32>
        %swap3A_414 = vector.shape_cast %get3A_409 : vector<16xf32> to vector<1x16xf32>
        tpu.vector_store %arg14[%swap3A_410, %swap3A_411], %swap3A_414 {add = true, strides = array<i32>} : memref<128x64xf32, #tpu.memory_space<vmem>>, vector<1x16xf32>,
        %mul3A_415 = arith.constant 8 : i32
        %mul3A_416 = arith.muli %scan3A_255, %mul3A_415 : i32
        %add3A_417 = arith.constant 4 : i32
        %add3A_418 = arith.addi %mul3A_416, %add3A_417 : i32
        %get3A_419 = arith.index_cast %add3A_418 : i32 to index
        %get3A_420 = arith.constant 0 : index
        %get3A_421 = tpu.vector_load %arg12[%get3A_419, %get3A_420] {strides = array<i32>} : memref<128x64xf32, #tpu.memory_space<vmem>>, vector<1x16xf32>,
        %get3A_422 = vector.shape_cast %get3A_421 : vector<1x16xf32> to vector<16xf32>
        %swap3A_423 = arith.index_cast %add3A_418 : i32 to index
        %swap3A_424 = arith.constant 0 : index
        %swap3A_425 = tpu.vector_load %arg14[%swap3A_423, %swap3A_424] {strides = array<i32>} : memref<128x64xf32, #tpu.memory_space<vmem>>, vector<1x16xf32>,
        %swap3A_426 = vector.shape_cast %swap3A_425 : vector<1x16xf32> to vector<16xf32>
        %swap3A_427 = vector.shape_cast %get3A_422 : vector<16xf32> to vector<1x16xf32>
        tpu.vector_store %arg14[%swap3A_423, %swap3A_424], %swap3A_427 {add = true, strides = array<i32>} : memref<128x64xf32, #tpu.memory_space<vmem>>, vector<1x16xf32>,
        %get3A_428 = arith.index_cast %add3A_418 : i32 to index
        %get3A_429 = arith.constant 16 : index
        %get3A_430 = tpu.vector_load %arg12[%get3A_428, %get3A_429] {strides = array<i32>} : memref<128x64xf32, #tpu.memory_space<vmem>>, vector<1x16xf32>,
        %get3A_431 = vector.shape_cast %get3A_430 : vector<1x16xf32> to vector<16xf32>
        %swap3A_432 = arith.index_cast %add3A_418 : i32 to index
        %swap3A_433 = arith.constant 16 : index
        %swap3A_434 = tpu.vector_load %arg14[%swap3A_432, %swap3A_433] {strides = array<i32>} : memref<128x64xf32, #tpu.memory_space<vmem>>, vector<1x16xf32>,
        %swap3A_435 = vector.shape_cast %swap3A_434 : vector<1x16xf32> to vector<16xf32>
        %swap3A_436 = vector.shape_cast %get3A_431 : vector<16xf32> to vector<1x16xf32>
        tpu.vector_store %arg14[%swap3A_432, %swap3A_433], %swap3A_436 {add = true, strides = array<i32>} : memref<128x64xf32, #tpu.memory_space<vmem>>, vector<1x16xf32>,
        %get3A_437 = arith.index_cast %add3A_418 : i32 to index
        %get3A_438 = arith.constant 32 : index
        %get3A_439 = tpu.vector_load %arg12[%get3A_437, %get3A_438] {strides = array<i32>} : memref<128x64xf32, #tpu.memory_space<vmem>>, vector<1x16xf32>,
        %get3A_440 = vector.shape_cast %get3A_439 : vector<1x16xf32> to vector<16xf32>
        %swap3A_441 = arith.index_cast %add3A_418 : i32 to index
        %swap3A_442 = arith.constant 32 : index
        %swap3A_443 = tpu.vector_load %arg14[%swap3A_441, %swap3A_442] {strides = array<i32>} : memref<128x64xf32, #tpu.memory_space<vmem>>, vector<1x16xf32>,
        %swap3A_444 = vector.shape_cast %swap3A_443 : vector<1x16xf32> to vector<16xf32>
        %swap3A_445 = vector.shape_cast %get3A_440 : vector<16xf32> to vector<1x16xf32>
        tpu.vector_store %arg14[%swap3A_441, %swap3A_442], %swap3A_445 {add = true, strides = array<i32>} : memref<128x64xf32, #tpu.memory_space<vmem>>, vector<1x16xf32>,
        %get3A_446 = arith.index_cast %add3A_418 : i32 to index
        %get3A_447 = arith.constant 48 : index
        %get3A_448 = tpu.vector_load %arg12[%get3A_446, %get3A_447] {strides = array<i32>} : memref<128x64xf32, #tpu.memory_space<vmem>>, vector<1x16xf32>,
        %get3A_449 = vector.shape_cast %get3A_448 : vector<1x16xf32> to vector<16xf32>
        %swap3A_450 = arith.index_cast %add3A_418 : i32 to index
        %swap3A_451 = arith.constant 48 : index
        %swap3A_452 = tpu.vector_load %arg14[%swap3A_450, %swap3A_451] {strides = array<i32>} : memref<128x64xf32, #tpu.memory_space<vmem>>, vector<1x16xf32>,
        %swap3A_453 = vector.shape_cast %swap3A_452 : vector<1x16xf32> to vector<16xf32>
        %swap3A_454 = vector.shape_cast %get3A_449 : vector<16xf32> to vector<1x16xf32>
        tpu.vector_store %arg14[%swap3A_450, %swap3A_451], %swap3A_454 {add = true, strides = array<i32>} : memref<128x64xf32, #tpu.memory_space<vmem>>, vector<1x16xf32>,
        %mul3A_455 = arith.constant 8 : i32
        %mul3A_456 = arith.muli %scan3A_255, %mul3A_455 : i32
        %add3A_457 = arith.constant 5 : i32
        %add3A_458 = arith.addi %mul3A_456, %add3A_457 : i32
        %get3A_459 = arith.index_cast %add3A_458 : i32 to index
        %get3A_460 = arith.constant 0 : index
        %get3A_461 = tpu.vector_load %arg12[%get3A_459, %get3A_460] {strides = array<i32>} : memref<128x64xf32, #tpu.memory_space<vmem>>, vector<1x16xf32>,
        %get3A_462 = vector.shape_cast %get3A_461 : vector<1x16xf32> to vector<16xf32>
        %swap3A_463 = arith.index_cast %add3A_458 : i32 to index
        %swap3A_464 = arith.constant 0 : index
        %swap3A_465 = tpu.vector_load %arg14[%swap3A_463, %swap3A_464] {strides = array<i32>} : memref<128x64xf32, #tpu.memory_space<vmem>>, vector<1x16xf32>,
        %swap3A_466 = vector.shape_cast %swap3A_465 : vector<1x16xf32> to vector<16xf32>
        %swap3A_467 = vector.shape_cast %get3A_462 : vector<16xf32> to vector<1x16xf32>
        tpu.vector_store %arg14[%swap3A_463, %swap3A_464], %swap3A_467 {add = true, strides = array<i32>} : memref<128x64xf32, #tpu.memory_space<vmem>>, vector<1x16xf32>,
        %get3A_468 = arith.index_cast %add3A_458 : i32 to index
        %get3A_469 = arith.constant 16 : index
        %get3A_470 = tpu.vector_load %arg12[%get3A_468, %get3A_469] {strides = array<i32>} : memref<128x64xf32, #tpu.memory_space<vmem>>, vector<1x16xf32>,
        %get3A_471 = vector.shape_cast %get3A_470 : vector<1x16xf32> to vector<16xf32>
        %swap3A_472 = arith.index_cast %add3A_458 : i32 to index
        %swap3A_473 = arith.constant 16 : index
        %swap3A_474 = tpu.vector_load %arg14[%swap3A_472, %swap3A_473] {strides = array<i32>} : memref<128x64xf32, #tpu.memory_space<vmem>>, vector<1x16xf32>,
        %swap3A_475 = vector.shape_cast %swap3A_474 : vector<1x16xf32> to vector<16xf32>
        %swap3A_476 = vector.shape_cast %get3A_471 : vector<16xf32> to vector<1x16xf32>
        tpu.vector_store %arg14[%swap3A_472, %swap3A_473], %swap3A_476 {add = true, strides = array<i32>} : memref<128x64xf32, #tpu.memory_space<vmem>>, vector<1x16xf32>,
        %get3A_477 = arith.index_cast %add3A_458 : i32 to index
        %get3A_478 = arith.constant 32 : index
        %get3A_479 = tpu.vector_load %arg12[%get3A_477, %get3A_478] {strides = array<i32>} : memref<128x64xf32, #tpu.memory_space<vmem>>, vector<1x16xf32>,
        %get3A_480 = vector.shape_cast %get3A_479 : vector<1x16xf32> to vector<16xf32>
        %swap3A_481 = arith.index_cast %add3A_458 : i32 to index
        %swap3A_482 = arith.constant 32 : index
        %swap3A_483 = tpu.vector_load %arg14[%swap3A_481, %swap3A_482] {strides = array<i32>} : memref<128x64xf32, #tpu.memory_space<vmem>>, vector<1x16xf32>,
        %swap3A_484 = vector.shape_cast %swap3A_483 : vector<1x16xf32> to vector<16xf32>
        %swap3A_485 = vector.shape_cast %get3A_480 : vector<16xf32> to vector<1x16xf32>
        tpu.vector_store %arg14[%swap3A_481, %swap3A_482], %swap3A_485 {add = true, strides = array<i32>} : memref<128x64xf32, #tpu.memory_space<vmem>>, vector<1x16xf32>,
        %get3A_486 = arith.index_cast %add3A_458 : i32 to index
        %get3A_487 = arith.constant 48 : index
        %get3A_488 = tpu.vector_load %arg12[%get3A_486, %get3A_487] {strides = array<i32>} : memref<128x64xf32, #tpu.memory_space<vmem>>, vector<1x16xf32>,
        %get3A_489 = vector.shape_cast %get3A_488 : vector<1x16xf32> to vector<16xf32>
        %swap3A_490 = arith.index_cast %add3A_458 : i32 to index
        %swap3A_491 = arith.constant 48 : index
        %swap3A_492 = tpu.vector_load %arg14[%swap3A_490, %swap3A_491] {strides = array<i32>} : memref<128x64xf32, #tpu.memory_space<vmem>>, vector<1x16xf32>,
        %swap3A_493 = vector.shape_cast %swap3A_492 : vector<1x16xf32> to vector<16xf32>
        %swap3A_494 = vector.shape_cast %get3A_489 : vector<16xf32> to vector<1x16xf32>
        tpu.vector_store %arg14[%swap3A_490, %swap3A_491], %swap3A_494 {add = true, strides = array<i32>} : memref<128x64xf32, #tpu.memory_space<vmem>>, vector<1x16xf32>,
        %mul3A_495 = arith.constant 8 : i32
        %mul3A_496 = arith.muli %scan3A_255, %mul3A_495 : i32
        %add3A_497 = arith.constant 6 : i32
        %add3A_498 = arith.addi %mul3A_496, %add3A_497 : i32
        %get3A_499 = arith.index_cast %add3A_498 : i32 to index
        %get3A_500 = arith.constant 0 : index
        %get3A_501 = tpu.vector_load %arg12[%get3A_499, %get3A_500] {strides = array<i32>} : memref<128x64xf32, #tpu.memory_space<vmem>>, vector<1x16xf32>,
        %get3A_502 = vector.shape_cast %get3A_501 : vector<1x16xf32> to vector<16xf32>
        %swap3A_503 = arith.index_cast %add3A_498 : i32 to index
        %swap3A_504 = arith.constant 0 : index
        %swap3A_505 = tpu.vector_load %arg14[%swap3A_503, %swap3A_504] {strides = array<i32>} : memref<128x64xf32, #tpu.memory_space<vmem>>, vector<1x16xf32>,
        %swap3A_506 = vector.shape_cast %swap3A_505 : vector<1x16xf32> to vector<16xf32>
        %swap3A_507 = vector.shape_cast %get3A_502 : vector<16xf32> to vector<1x16xf32>
        tpu.vector_store %arg14[%swap3A_503, %swap3A_504], %swap3A_507 {add = true, strides = array<i32>} : memref<128x64xf32, #tpu.memory_space<vmem>>, vector<1x16xf32>,
        %get3A_508 = arith.index_cast %add3A_498 : i32 to index
        %get3A_509 = arith.constant 16 : index
        %get3A_510 = tpu.vector_load %arg12[%get3A_508, %get3A_509] {strides = array<i32>} : memref<128x64xf32, #tpu.memory_space<vmem>>, vector<1x16xf32>,
        %get3A_511 = vector.shape_cast %get3A_510 : vector<1x16xf32> to vector<16xf32>
        %swap3A_512 = arith.index_cast %add3A_498 : i32 to index
        %swap3A_513 = arith.constant 16 : index
        %swap3A_514 = tpu.vector_load %arg14[%swap3A_512, %swap3A_513] {strides = array<i32>} : memref<128x64xf32, #tpu.memory_space<vmem>>, vector<1x16xf32>,
        %swap3A_515 = vector.shape_cast %swap3A_514 : vector<1x16xf32> to vector<16xf32>
        %swap3A_516 = vector.shape_cast %get3A_511 : vector<16xf32> to vector<1x16xf32>
        tpu.vector_store %arg14[%swap3A_512, %swap3A_513], %swap3A_516 {add = true, strides = array<i32>} : memref<128x64xf32, #tpu.memory_space<vmem>>, vector<1x16xf32>,
        %get3A_517 = arith.index_cast %add3A_498 : i32 to index
        %get3A_518 = arith.constant 32 : index
        %get3A_519 = tpu.vector_load %arg12[%get3A_517, %get3A_518] {strides = array<i32>} : memref<128x64xf32, #tpu.memory_space<vmem>>, vector<1x16xf32>,
        %get3A_520 = vector.shape_cast %get3A_519 : vector<1x16xf32> to vector<16xf32>
        %swap3A_521 = arith.index_cast %add3A_498 : i32 to index
        %swap3A_522 = arith.constant 32 : index
        %swap3A_523 = tpu.vector_load %arg14[%swap3A_521, %swap3A_522] {strides = array<i32>} : memref<128x64xf32, #tpu.memory_space<vmem>>, vector<1x16xf32>,
        %swap3A_524 = vector.shape_cast %swap3A_523 : vector<1x16xf32> to vector<16xf32>
        %swap3A_525 = vector.shape_cast %get3A_520 : vector<16xf32> to vector<1x16xf32>
        tpu.vector_store %arg14[%swap3A_521, %swap3A_522], %swap3A_525 {add = true, strides = array<i32>} : memref<128x64xf32, #tpu.memory_space<vmem>>, vector<1x16xf32>,
        %get3A_526 = arith.index_cast %add3A_498 : i32 to index
        %get3A_527 = arith.constant 48 : index
        %get3A_528 = tpu.vector_load %arg12[%get3A_526, %get3A_527] {strides = array<i32>} : memref<128x64xf32, #tpu.memory_space<vmem>>, vector<1x16xf32>,
        %get3A_529 = vector.shape_cast %get3A_528 : vector<1x16xf32> to vector<16xf32>
        %swap3A_530 = arith.index_cast %add3A_498 : i32 to index
        %swap3A_531 = arith.constant 48 : index
        %swap3A_532 = tpu.vector_load %arg14[%swap3A_530, %swap3A_531] {strides = array<i32>} : memref<128x64xf32, #tpu.memory_space<vmem>>, vector<1x16xf32>,
        %swap3A_533 = vector.shape_cast %swap3A_532 : vector<1x16xf32> to vector<16xf32>
        %swap3A_534 = vector.shape_cast %get3A_529 : vector<16xf32> to vector<1x16xf32>
        tpu.vector_store %arg14[%swap3A_530, %swap3A_531], %swap3A_534 {add = true, strides = array<i32>} : memref<128x64xf32, #tpu.memory_space<vmem>>, vector<1x16xf32>,
        %mul3A_535 = arith.constant 8 : i32
        %mul3A_536 = arith.muli %scan3A_255, %mul3A_535 : i32
        %add3A_537 = arith.constant 7 : i32
        %add3A_538 = arith.addi %mul3A_536, %add3A_537 : i32
        %get3A_539 = arith.index_cast %add3A_538 : i32 to index
        %get3A_540 = arith.constant 0 : index
        %get3A_541 = tpu.vector_load %arg12[%get3A_539, %get3A_540] {strides = array<i32>} : memref<128x64xf32, #tpu.memory_space<vmem>>, vector<1x16xf32>,
        %get3A_542 = vector.shape_cast %get3A_541 : vector<1x16xf32> to vector<16xf32>
        %swap3A_543 = arith.index_cast %add3A_538 : i32 to index
        %swap3A_544 = arith.constant 0 : index
        %swap3A_545 = tpu.vector_load %arg14[%swap3A_543, %swap3A_544] {strides = array<i32>} : memref<128x64xf32, #tpu.memory_space<vmem>>, vector<1x16xf32>,
        %swap3A_546 = vector.shape_cast %swap3A_545 : vector<1x16xf32> to vector<16xf32>
        %swap3A_547 = vector.shape_cast %get3A_542 : vector<16xf32> to vector<1x16xf32>
        tpu.vector_store %arg14[%swap3A_543, %swap3A_544], %swap3A_547 {add = true, strides = array<i32>} : memref<128x64xf32, #tpu.memory_space<vmem>>, vector<1x16xf32>,
        %get3A_548 = arith.index_cast %add3A_538 : i32 to index
        %get3A_549 = arith.constant 16 : index
        %get3A_550 = tpu.vector_load %arg12[%get3A_548, %get3A_549] {strides = array<i32>} : memref<128x64xf32, #tpu.memory_space<vmem>>, vector<1x16xf32>,
        %get3A_551 = vector.shape_cast %get3A_550 : vector<1x16xf32> to vector<16xf32>
        %swap3A_552 = arith.index_cast %add3A_538 : i32 to index
        %swap3A_553 = arith.constant 16 : index
        %swap3A_554 = tpu.vector_load %arg14[%swap3A_552, %swap3A_553] {strides = array<i32>} : memref<128x64xf32, #tpu.memory_space<vmem>>, vector<1x16xf32>,
        %swap3A_555 = vector.shape_cast %swap3A_554 : vector<1x16xf32> to vector<16xf32>
        %swap3A_556 = vector.shape_cast %get3A_551 : vector<16xf32> to vector<1x16xf32>
        tpu.vector_store %arg14[%swap3A_552, %swap3A_553], %swap3A_556 {add = true, strides = array<i32>} : memref<128x64xf32, #tpu.memory_space<vmem>>, vector<1x16xf32>,
        %get3A_557 = arith.index_cast %add3A_538 : i32 to index
        %get3A_558 = arith.constant 32 : index
        %get3A_559 = tpu.vector_load %arg12[%get3A_557, %get3A_558] {strides = array<i32>} : memref<128x64xf32, #tpu.memory_space<vmem>>, vector<1x16xf32>,
        %get3A_560 = vector.shape_cast %get3A_559 : vector<1x16xf32> to vector<16xf32>
        %swap3A_561 = arith.index_cast %add3A_538 : i32 to index
        %swap3A_562 = arith.constant 32 : index
        %swap3A_563 = tpu.vector_load %arg14[%swap3A_561, %swap3A_562] {strides = array<i32>} : memref<128x64xf32, #tpu.memory_space<vmem>>, vector<1x16xf32>,
        %swap3A_564 = vector.shape_cast %swap3A_563 : vector<1x16xf32> to vector<16xf32>
        %swap3A_565 = vector.shape_cast %get3A_560 : vector<16xf32> to vector<1x16xf32>
        tpu.vector_store %arg14[%swap3A_561, %swap3A_562], %swap3A_565 {add = true, strides = array<i32>} : memref<128x64xf32, #tpu.memory_space<vmem>>, vector<1x16xf32>,
        %get3A_566 = arith.index_cast %add3A_538 : i32 to index
        %get3A_567 = arith.constant 48 : index
        %get3A_568 = tpu.vector_load %arg12[%get3A_566, %get3A_567] {strides = array<i32>} : memref<128x64xf32, #tpu.memory_space<vmem>>, vector<1x16xf32>,
        %get3A_569 = vector.shape_cast %get3A_568 : vector<1x16xf32> to vector<16xf32>
        %swap3A_570 = arith.index_cast %add3A_538 : i32 to index
        %swap3A_571 = arith.constant 48 : index
        %swap3A_572 = tpu.vector_load %arg14[%swap3A_570, %swap3A_571] {strides = array<i32>} : memref<128x64xf32, #tpu.memory_space<vmem>>, vector<1x16xf32>,
        %swap3A_573 = vector.shape_cast %swap3A_572 : vector<1x16xf32> to vector<16xf32>
        %swap3A_574 = vector.shape_cast %get3A_569 : vector<16xf32> to vector<1x16xf32>
        tpu.vector_store %arg14[%swap3A_570, %swap3A_571], %swap3A_574 {add = true, strides = array<i32>} : memref<128x64xf32, #tpu.memory_space<vmem>>, vector<1x16xf32>,
        %scan3A_575 = arith.constant 0 : i32
        scf.yield %scan3A_575 : i32
      }
      %scan3A_224 = arith.constant 16 : i32
      %add3A_225 = arith.constant 8 : i32
      %add3A_226 = arith.addi %add3A_211, %add3A_225 : i32
      %lt3A_227 = arith.constant 200 : i32
      %lt3A_228 = arith.cmpi slt, %add3A_226, %lt3A_227 : i32
      %convert_element_type3A_229 = arith.extui %lt3A_228 : i1 to i32
      %cond3A_230 = arith.constant 0 : i32
      %cond3A_231 = arith.cmpi ne, %convert_element_type3A_229, %cond3A_230 : i32
      scf.if %cond3A_231 {
        %add3A_255 = arith.constant 8 : i32
        %add3A_256 = arith.addi %add3A_211, %add3A_255 : i32
        %dma_start3A_257 = arith.constant 0 : i32
        %dma_start3A_258 = tpu.memref_slice %arg5[%add3A_256, %dma_start3A_257] : memref<200x128xi32, #tpu.memory_space<vmem>> -> memref<1x128xi32, #tpu.memory_space<vmem>>
        %dma_start3A_259 = tpu.memref_squeeze %dma_start3A_258 : memref<1x128xi32, #tpu.memory_space<vmem>> -> memref<128xi32, #tpu.memory_space<vmem>>
        %dma_start3A_260 = arith.constant 0 : i32
        %dma_start3A_261 = arith.constant 0 : i32
        %dma_start3A_262 = tpu.memref_slice %arg3[%dma_start3A_260, %dma_start3A_261] : memref<1015808x64xf32, #tpu.memory_space<hbm>> -> memref<1015808x64xf32, #tpu.memory_space<hbm>>
        tpu.enqueue_indirect_dma source(%dma_start3A_262 : memref<1015808x64xf32, #tpu.memory_space<hbm>>) target(%arg12 : memref<128x64xf32, #tpu.memory_space<vmem>>) offsets(%dma_start3A_259 : memref<128xi32, #tpu.memory_space<vmem>>) semaphore(%arg21 : memref<!tpu.dma_semaphore, #tpu.memory_space<semaphore_mem>>)
      } else {
      }
      %add3A_232 = arith.constant 7 : i32
      %add3A_233 = arith.addi %mul3A_81, %add3A_232 : i32
      %dma_wait3A_234 = arith.constant 0 : i32
      %dma_wait3A_235 = tpu.memref_slice %arg5[%add3A_233, %dma_wait3A_234] : memref<200x128xi32, #tpu.memory_space<vmem>> -> memref<1x128xi32, #tpu.memory_space<vmem>>
      %dma_wait3A_236 = tpu.memref_squeeze %dma_wait3A_235 : memref<1x128xi32, #tpu.memory_space<vmem>> -> memref<128xi32, #tpu.memory_space<vmem>>
      %dma_wait3A_237 = arith.constant 0 : i32
      %dma_wait3A_238 = arith.constant 0 : i32
      %dma_wait3A_239 = tpu.memref_slice %arg3[%dma_wait3A_237, %dma_wait3A_238] : memref<1015808x64xf32, #tpu.memory_space<hbm>> -> memref<1015808x64xf32, #tpu.memory_space<hbm>>
      tpu.wait_indirect_dma semaphore(%arg22 : memref<!tpu.dma_semaphore, #tpu.memory_space<semaphore_mem>>) src(%dma_wait3A_239 : memref<1015808x64xf32, #tpu.memory_space<hbm>>) dst(%arg13 : memref<128x64xf32, #tpu.memory_space<vmem>>)
      %scan3A_240 = arith.constant 0 : i32
      %scan3A_241 = arith.constant 0 : i32
      %scan3A_242 = arith.constant 16 : i32
      %scan3A_243 = arith.addi %scan3A_241, %scan3A_242 : i32
      %scan3A_244 = arith.constant 1 : i32
      %scan3A_245 = scf.for %scan3A_255 = %scan3A_241 to %scan3A_243 step %scan3A_244 iter_args(%scan3A_256 = %scan3A_240) -> (i32)  : i32 {
        %mul3A_257 = arith.constant 8 : i32
        %mul3A_258 = arith.muli %scan3A_255, %mul3A_257 : i32
        %add3A_259 = arith.constant 0 : i32
        %add3A_260 = arith.addi %mul3A_258, %add3A_259 : i32
        %get3A = arith.index_cast %add3A_260 : i32 to index
        %get3A_261 = arith.constant 0 : index
        %get3A_262 = tpu.vector_load %arg13[%get3A, %get3A_261] {strides = array<i32>} : memref<128x64xf32, #tpu.memory_space<vmem>>, vector<1x16xf32>,
        %get3A_263 = vector.shape_cast %get3A_262 : vector<1x16xf32> to vector<16xf32>
        %swap3A = arith.index_cast %add3A_260 : i32 to index
        %swap3A_264 = arith.constant 0 : index
        %swap3A_265 = tpu.vector_load %arg14[%swap3A, %swap3A_264] {strides = array<i32>} : memref<128x64xf32, #tpu.memory_space<vmem>>, vector<1x16xf32>,
        %swap3A_266 = vector.shape_cast %swap3A_265 : vector<1x16xf32> to vector<16xf32>
        %swap3A_267 = vector.shape_cast %get3A_263 : vector<16xf32> to vector<1x16xf32>
        tpu.vector_store %arg14[%swap3A, %swap3A_264], %swap3A_267 {add = true, strides = array<i32>} : memref<128x64xf32, #tpu.memory_space<vmem>>, vector<1x16xf32>,
        %get3A_268 = arith.index_cast %add3A_260 : i32 to index
        %get3A_269 = arith.constant 16 : index
        %get3A_270 = tpu.vector_load %arg13[%get3A_268, %get3A_269] {strides = array<i32>} : memref<128x64xf32, #tpu.memory_space<vmem>>, vector<1x16xf32>,
        %get3A_271 = vector.shape_cast %get3A_270 : vector<1x16xf32> to vector<16xf32>
        %swap3A_272 = arith.index_cast %add3A_260 : i32 to index
        %swap3A_273 = arith.constant 16 : index
        %swap3A_274 = tpu.vector_load %arg14[%swap3A_272, %swap3A_273] {strides = array<i32>} : memref<128x64xf32, #tpu.memory_space<vmem>>, vector<1x16xf32>,
        %swap3A_275 = vector.shape_cast %swap3A_274 : vector<1x16xf32> to vector<16xf32>
        %swap3A_276 = vector.shape_cast %get3A_271 : vector<16xf32> to vector<1x16xf32>
        tpu.vector_store %arg14[%swap3A_272, %swap3A_273], %swap3A_276 {add = true, strides = array<i32>} : memref<128x64xf32, #tpu.memory_space<vmem>>, vector<1x16xf32>,
        %get3A_277 = arith.index_cast %add3A_260 : i32 to index
        %get3A_278 = arith.constant 32 : index
        %get3A_279 = tpu.vector_load %arg13[%get3A_277, %get3A_278] {strides = array<i32>} : memref<128x64xf32, #tpu.memory_space<vmem>>, vector<1x16xf32>,
        %get3A_280 = vector.shape_cast %get3A_279 : vector<1x16xf32> to vector<16xf32>
        %swap3A_281 = arith.index_cast %add3A_260 : i32 to index
        %swap3A_282 = arith.constant 32 : index
        %swap3A_283 = tpu.vector_load %arg14[%swap3A_281, %swap3A_282] {strides = array<i32>} : memref<128x64xf32, #tpu.memory_space<vmem>>, vector<1x16xf32>,
        %swap3A_284 = vector.shape_cast %swap3A_283 : vector<1x16xf32> to vector<16xf32>
        %swap3A_285 = vector.shape_cast %get3A_280 : vector<16xf32> to vector<1x16xf32>
        tpu.vector_store %arg14[%swap3A_281, %swap3A_282], %swap3A_285 {add = true, strides = array<i32>} : memref<128x64xf32, #tpu.memory_space<vmem>>, vector<1x16xf32>,
        %get3A_286 = arith.index_cast %add3A_260 : i32 to index
        %get3A_287 = arith.constant 48 : index
        %get3A_288 = tpu.vector_load %arg13[%get3A_286, %get3A_287] {strides = array<i32>} : memref<128x64xf32, #tpu.memory_space<vmem>>, vector<1x16xf32>,
        %get3A_289 = vector.shape_cast %get3A_288 : vector<1x16xf32> to vector<16xf32>
        %swap3A_290 = arith.index_cast %add3A_260 : i32 to index
        %swap3A_291 = arith.constant 48 : index
        %swap3A_292 = tpu.vector_load %arg14[%swap3A_290, %swap3A_291] {strides = array<i32>} : memref<128x64xf32, #tpu.memory_space<vmem>>, vector<1x16xf32>,
        %swap3A_293 = vector.shape_cast %swap3A_292 : vector<1x16xf32> to vector<16xf32>
        %swap3A_294 = vector.shape_cast %get3A_289 : vector<16xf32> to vector<1x16xf32>
        tpu.vector_store %arg14[%swap3A_290, %swap3A_291], %swap3A_294 {add = true, strides = array<i32>} : memref<128x64xf32, #tpu.memory_space<vmem>>, vector<1x16xf32>,
        %mul3A_295 = arith.constant 8 : i32
        %mul3A_296 = arith.muli %scan3A_255, %mul3A_295 : i32
        %add3A_297 = arith.constant 1 : i32
        %add3A_298 = arith.addi %mul3A_296, %add3A_297 : i32
        %get3A_299 = arith.index_cast %add3A_298 : i32 to index
        %get3A_300 = arith.constant 0 : index
        %get3A_301 = tpu.vector_load %arg13[%get3A_299, %get3A_300] {strides = array<i32>} : memref<128x64xf32, #tpu.memory_space<vmem>>, vector<1x16xf32>,
        %get3A_302 = vector.shape_cast %get3A_301 : vector<1x16xf32> to vector<16xf32>
        %swap3A_303 = arith.index_cast %add3A_298 : i32 to index
        %swap3A_304 = arith.constant 0 : index
        %swap3A_305 = tpu.vector_load %arg14[%swap3A_303, %swap3A_304] {strides = array<i32>} : memref<128x64xf32, #tpu.memory_space<vmem>>, vector<1x16xf32>,
        %swap3A_306 = vector.shape_cast %swap3A_305 : vector<1x16xf32> to vector<16xf32>
        %swap3A_307 = vector.shape_cast %get3A_302 : vector<16xf32> to vector<1x16xf32>
        tpu.vector_store %arg14[%swap3A_303, %swap3A_304], %swap3A_307 {add = true, strides = array<i32>} : memref<128x64xf32, #tpu.memory_space<vmem>>, vector<1x16xf32>,
        %get3A_308 = arith.index_cast %add3A_298 : i32 to index
        %get3A_309 = arith.constant 16 : index
        %get3A_310 = tpu.vector_load %arg13[%get3A_308, %get3A_309] {strides = array<i32>} : memref<128x64xf32, #tpu.memory_space<vmem>>, vector<1x16xf32>,
        %get3A_311 = vector.shape_cast %get3A_310 : vector<1x16xf32> to vector<16xf32>
        %swap3A_312 = arith.index_cast %add3A_298 : i32 to index
        %swap3A_313 = arith.constant 16 : index
        %swap3A_314 = tpu.vector_load %arg14[%swap3A_312, %swap3A_313] {strides = array<i32>} : memref<128x64xf32, #tpu.memory_space<vmem>>, vector<1x16xf32>,
        %swap3A_315 = vector.shape_cast %swap3A_314 : vector<1x16xf32> to vector<16xf32>
        %swap3A_316 = vector.shape_cast %get3A_311 : vector<16xf32> to vector<1x16xf32>
        tpu.vector_store %arg14[%swap3A_312, %swap3A_313], %swap3A_316 {add = true, strides = array<i32>} : memref<128x64xf32, #tpu.memory_space<vmem>>, vector<1x16xf32>,
        %get3A_317 = arith.index_cast %add3A_298 : i32 to index
        %get3A_318 = arith.constant 32 : index
        %get3A_319 = tpu.vector_load %arg13[%get3A_317, %get3A_318] {strides = array<i32>} : memref<128x64xf32, #tpu.memory_space<vmem>>, vector<1x16xf32>,
        %get3A_320 = vector.shape_cast %get3A_319 : vector<1x16xf32> to vector<16xf32>
        %swap3A_321 = arith.index_cast %add3A_298 : i32 to index
        %swap3A_322 = arith.constant 32 : index
        %swap3A_323 = tpu.vector_load %arg14[%swap3A_321, %swap3A_322] {strides = array<i32>} : memref<128x64xf32, #tpu.memory_space<vmem>>, vector<1x16xf32>,
        %swap3A_324 = vector.shape_cast %swap3A_323 : vector<1x16xf32> to vector<16xf32>
        %swap3A_325 = vector.shape_cast %get3A_320 : vector<16xf32> to vector<1x16xf32>
        tpu.vector_store %arg14[%swap3A_321, %swap3A_322], %swap3A_325 {add = true, strides = array<i32>} : memref<128x64xf32, #tpu.memory_space<vmem>>, vector<1x16xf32>,
        %get3A_326 = arith.index_cast %add3A_298 : i32 to index
        %get3A_327 = arith.constant 48 : index
        %get3A_328 = tpu.vector_load %arg13[%get3A_326, %get3A_327] {strides = array<i32>} : memref<128x64xf32, #tpu.memory_space<vmem>>, vector<1x16xf32>,
        %get3A_329 = vector.shape_cast %get3A_328 : vector<1x16xf32> to vector<16xf32>
        %swap3A_330 = arith.index_cast %add3A_298 : i32 to index
        %swap3A_331 = arith.constant 48 : index
        %swap3A_332 = tpu.vector_load %arg14[%swap3A_330, %swap3A_331] {strides = array<i32>} : memref<128x64xf32, #tpu.memory_space<vmem>>, vector<1x16xf32>,
        %swap3A_333 = vector.shape_cast %swap3A_332 : vector<1x16xf32> to vector<16xf32>
        %swap3A_334 = vector.shape_cast %get3A_329 : vector<16xf32> to vector<1x16xf32>
        tpu.vector_store %arg14[%swap3A_330, %swap3A_331], %swap3A_334 {add = true, strides = array<i32>} : memref<128x64xf32, #tpu.memory_space<vmem>>, vector<1x16xf32>,
        %mul3A_335 = arith.constant 8 : i32
        %mul3A_336 = arith.muli %scan3A_255, %mul3A_335 : i32
        %add3A_337 = arith.constant 2 : i32
        %add3A_338 = arith.addi %mul3A_336, %add3A_337 : i32
        %get3A_339 = arith.index_cast %add3A_338 : i32 to index
        %get3A_340 = arith.constant 0 : index
        %get3A_341 = tpu.vector_load %arg13[%get3A_339, %get3A_340] {strides = array<i32>} : memref<128x64xf32, #tpu.memory_space<vmem>>, vector<1x16xf32>,
        %get3A_342 = vector.shape_cast %get3A_341 : vector<1x16xf32> to vector<16xf32>
        %swap3A_343 = arith.index_cast %add3A_338 : i32 to index
        %swap3A_344 = arith.constant 0 : index
        %swap3A_345 = tpu.vector_load %arg14[%swap3A_343, %swap3A_344] {strides = array<i32>} : memref<128x64xf32, #tpu.memory_space<vmem>>, vector<1x16xf32>,
        %swap3A_346 = vector.shape_cast %swap3A_345 : vector<1x16xf32> to vector<16xf32>
        %swap3A_347 = vector.shape_cast %get3A_342 : vector<16xf32> to vector<1x16xf32>
        tpu.vector_store %arg14[%swap3A_343, %swap3A_344], %swap3A_347 {add = true, strides = array<i32>} : memref<128x64xf32, #tpu.memory_space<vmem>>, vector<1x16xf32>,
        %get3A_348 = arith.index_cast %add3A_338 : i32 to index
        %get3A_349 = arith.constant 16 : index
        %get3A_350 = tpu.vector_load %arg13[%get3A_348, %get3A_349] {strides = array<i32>} : memref<128x64xf32, #tpu.memory_space<vmem>>, vector<1x16xf32>,
        %get3A_351 = vector.shape_cast %get3A_350 : vector<1x16xf32> to vector<16xf32>
        %swap3A_352 = arith.index_cast %add3A_338 : i32 to index
        %swap3A_353 = arith.constant 16 : index
        %swap3A_354 = tpu.vector_load %arg14[%swap3A_352, %swap3A_353] {strides = array<i32>} : memref<128x64xf32, #tpu.memory_space<vmem>>, vector<1x16xf32>,
        %swap3A_355 = vector.shape_cast %swap3A_354 : vector<1x16xf32> to vector<16xf32>
        %swap3A_356 = vector.shape_cast %get3A_351 : vector<16xf32> to vector<1x16xf32>
        tpu.vector_store %arg14[%swap3A_352, %swap3A_353], %swap3A_356 {add = true, strides = array<i32>} : memref<128x64xf32, #tpu.memory_space<vmem>>, vector<1x16xf32>,
        %get3A_357 = arith.index_cast %add3A_338 : i32 to index
        %get3A_358 = arith.constant 32 : index
        %get3A_359 = tpu.vector_load %arg13[%get3A_357, %get3A_358] {strides = array<i32>} : memref<128x64xf32, #tpu.memory_space<vmem>>, vector<1x16xf32>,
        %get3A_360 = vector.shape_cast %get3A_359 : vector<1x16xf32> to vector<16xf32>
        %swap3A_361 = arith.index_cast %add3A_338 : i32 to index
        %swap3A_362 = arith.constant 32 : index
        %swap3A_363 = tpu.vector_load %arg14[%swap3A_361, %swap3A_362] {strides = array<i32>} : memref<128x64xf32, #tpu.memory_space<vmem>>, vector<1x16xf32>,
        %swap3A_364 = vector.shape_cast %swap3A_363 : vector<1x16xf32> to vector<16xf32>
        %swap3A_365 = vector.shape_cast %get3A_360 : vector<16xf32> to vector<1x16xf32>
        tpu.vector_store %arg14[%swap3A_361, %swap3A_362], %swap3A_365 {add = true, strides = array<i32>} : memref<128x64xf32, #tpu.memory_space<vmem>>, vector<1x16xf32>,
        %get3A_366 = arith.index_cast %add3A_338 : i32 to index
        %get3A_367 = arith.constant 48 : index
        %get3A_368 = tpu.vector_load %arg13[%get3A_366, %get3A_367] {strides = array<i32>} : memref<128x64xf32, #tpu.memory_space<vmem>>, vector<1x16xf32>,
        %get3A_369 = vector.shape_cast %get3A_368 : vector<1x16xf32> to vector<16xf32>
        %swap3A_370 = arith.index_cast %add3A_338 : i32 to index
        %swap3A_371 = arith.constant 48 : index
        %swap3A_372 = tpu.vector_load %arg14[%swap3A_370, %swap3A_371] {strides = array<i32>} : memref<128x64xf32, #tpu.memory_space<vmem>>, vector<1x16xf32>,
        %swap3A_373 = vector.shape_cast %swap3A_372 : vector<1x16xf32> to vector<16xf32>
        %swap3A_374 = vector.shape_cast %get3A_369 : vector<16xf32> to vector<1x16xf32>
        tpu.vector_store %arg14[%swap3A_370, %swap3A_371], %swap3A_374 {add = true, strides = array<i32>} : memref<128x64xf32, #tpu.memory_space<vmem>>, vector<1x16xf32>,
        %mul3A_375 = arith.constant 8 : i32
        %mul3A_376 = arith.muli %scan3A_255, %mul3A_375 : i32
        %add3A_377 = arith.constant 3 : i32
        %add3A_378 = arith.addi %mul3A_376, %add3A_377 : i32
        %get3A_379 = arith.index_cast %add3A_378 : i32 to index
        %get3A_380 = arith.constant 0 : index
        %get3A_381 = tpu.vector_load %arg13[%get3A_379, %get3A_380] {strides = array<i32>} : memref<128x64xf32, #tpu.memory_space<vmem>>, vector<1x16xf32>,
        %get3A_382 = vector.shape_cast %get3A_381 : vector<1x16xf32> to vector<16xf32>
        %swap3A_383 = arith.index_cast %add3A_378 : i32 to index
        %swap3A_384 = arith.constant 0 : index
        %swap3A_385 = tpu.vector_load %arg14[%swap3A_383, %swap3A_384] {strides = array<i32>} : memref<128x64xf32, #tpu.memory_space<vmem>>, vector<1x16xf32>,
        %swap3A_386 = vector.shape_cast %swap3A_385 : vector<1x16xf32> to vector<16xf32>
        %swap3A_387 = vector.shape_cast %get3A_382 : vector<16xf32> to vector<1x16xf32>
        tpu.vector_store %arg14[%swap3A_383, %swap3A_384], %swap3A_387 {add = true, strides = array<i32>} : memref<128x64xf32, #tpu.memory_space<vmem>>, vector<1x16xf32>,
        %get3A_388 = arith.index_cast %add3A_378 : i32 to index
        %get3A_389 = arith.constant 16 : index
        %get3A_390 = tpu.vector_load %arg13[%get3A_388, %get3A_389] {strides = array<i32>} : memref<128x64xf32, #tpu.memory_space<vmem>>, vector<1x16xf32>,
        %get3A_391 = vector.shape_cast %get3A_390 : vector<1x16xf32> to vector<16xf32>
        %swap3A_392 = arith.index_cast %add3A_378 : i32 to index
        %swap3A_393 = arith.constant 16 : index
        %swap3A_394 = tpu.vector_load %arg14[%swap3A_392, %swap3A_393] {strides = array<i32>} : memref<128x64xf32, #tpu.memory_space<vmem>>, vector<1x16xf32>,
        %swap3A_395 = vector.shape_cast %swap3A_394 : vector<1x16xf32> to vector<16xf32>
        %swap3A_396 = vector.shape_cast %get3A_391 : vector<16xf32> to vector<1x16xf32>
        tpu.vector_store %arg14[%swap3A_392, %swap3A_393], %swap3A_396 {add = true, strides = array<i32>} : memref<128x64xf32, #tpu.memory_space<vmem>>, vector<1x16xf32>,
        %get3A_397 = arith.index_cast %add3A_378 : i32 to index
        %get3A_398 = arith.constant 32 : index
        %get3A_399 = tpu.vector_load %arg13[%get3A_397, %get3A_398] {strides = array<i32>} : memref<128x64xf32, #tpu.memory_space<vmem>>, vector<1x16xf32>,
        %get3A_400 = vector.shape_cast %get3A_399 : vector<1x16xf32> to vector<16xf32>
        %swap3A_401 = arith.index_cast %add3A_378 : i32 to index
        %swap3A_402 = arith.constant 32 : index
        %swap3A_403 = tpu.vector_load %arg14[%swap3A_401, %swap3A_402] {strides = array<i32>} : memref<128x64xf32, #tpu.memory_space<vmem>>, vector<1x16xf32>,
        %swap3A_404 = vector.shape_cast %swap3A_403 : vector<1x16xf32> to vector<16xf32>
        %swap3A_405 = vector.shape_cast %get3A_400 : vector<16xf32> to vector<1x16xf32>
        tpu.vector_store %arg14[%swap3A_401, %swap3A_402], %swap3A_405 {add = true, strides = array<i32>} : memref<128x64xf32, #tpu.memory_space<vmem>>, vector<1x16xf32>,
        %get3A_406 = arith.index_cast %add3A_378 : i32 to index
        %get3A_407 = arith.constant 48 : index
        %get3A_408 = tpu.vector_load %arg13[%get3A_406, %get3A_407] {strides = array<i32>} : memref<128x64xf32, #tpu.memory_space<vmem>>, vector<1x16xf32>,
        %get3A_409 = vector.shape_cast %get3A_408 : vector<1x16xf32> to vector<16xf32>
        %swap3A_410 = arith.index_cast %add3A_378 : i32 to index
        %swap3A_411 = arith.constant 48 : index
        %swap3A_412 = tpu.vector_load %arg14[%swap3A_410, %swap3A_411] {strides = array<i32>} : memref<128x64xf32, #tpu.memory_space<vmem>>, vector<1x16xf32>,
        %swap3A_413 = vector.shape_cast %swap3A_412 : vector<1x16xf32> to vector<16xf32>
        %swap3A_414 = vector.shape_cast %get3A_409 : vector<16xf32> to vector<1x16xf32>
        tpu.vector_store %arg14[%swap3A_410, %swap3A_411], %swap3A_414 {add = true, strides = array<i32>} : memref<128x64xf32, #tpu.memory_space<vmem>>, vector<1x16xf32>,
        %mul3A_415 = arith.constant 8 : i32
        %mul3A_416 = arith.muli %scan3A_255, %mul3A_415 : i32
        %add3A_417 = arith.constant 4 : i32
        %add3A_418 = arith.addi %mul3A_416, %add3A_417 : i32
        %get3A_419 = arith.index_cast %add3A_418 : i32 to index
        %get3A_420 = arith.constant 0 : index
        %get3A_421 = tpu.vector_load %arg13[%get3A_419, %get3A_420] {strides = array<i32>} : memref<128x64xf32, #tpu.memory_space<vmem>>, vector<1x16xf32>,
        %get3A_422 = vector.shape_cast %get3A_421 : vector<1x16xf32> to vector<16xf32>
        %swap3A_423 = arith.index_cast %add3A_418 : i32 to index
        %swap3A_424 = arith.constant 0 : index
        %swap3A_425 = tpu.vector_load %arg14[%swap3A_423, %swap3A_424] {strides = array<i32>} : memref<128x64xf32, #tpu.memory_space<vmem>>, vector<1x16xf32>,
        %swap3A_426 = vector.shape_cast %swap3A_425 : vector<1x16xf32> to vector<16xf32>
        %swap3A_427 = vector.shape_cast %get3A_422 : vector<16xf32> to vector<1x16xf32>
        tpu.vector_store %arg14[%swap3A_423, %swap3A_424], %swap3A_427 {add = true, strides = array<i32>} : memref<128x64xf32, #tpu.memory_space<vmem>>, vector<1x16xf32>,
        %get3A_428 = arith.index_cast %add3A_418 : i32 to index
        %get3A_429 = arith.constant 16 : index
        %get3A_430 = tpu.vector_load %arg13[%get3A_428, %get3A_429] {strides = array<i32>} : memref<128x64xf32, #tpu.memory_space<vmem>>, vector<1x16xf32>,
        %get3A_431 = vector.shape_cast %get3A_430 : vector<1x16xf32> to vector<16xf32>
        %swap3A_432 = arith.index_cast %add3A_418 : i32 to index
        %swap3A_433 = arith.constant 16 : index
        %swap3A_434 = tpu.vector_load %arg14[%swap3A_432, %swap3A_433] {strides = array<i32>} : memref<128x64xf32, #tpu.memory_space<vmem>>, vector<1x16xf32>,
        %swap3A_435 = vector.shape_cast %swap3A_434 : vector<1x16xf32> to vector<16xf32>
        %swap3A_436 = vector.shape_cast %get3A_431 : vector<16xf32> to vector<1x16xf32>
        tpu.vector_store %arg14[%swap3A_432, %swap3A_433], %swap3A_436 {add = true, strides = array<i32>} : memref<128x64xf32, #tpu.memory_space<vmem>>, vector<1x16xf32>,
        %get3A_437 = arith.index_cast %add3A_418 : i32 to index
        %get3A_438 = arith.constant 32 : index
        %get3A_439 = tpu.vector_load %arg13[%get3A_437, %get3A_438] {strides = array<i32>} : memref<128x64xf32, #tpu.memory_space<vmem>>, vector<1x16xf32>,
        %get3A_440 = vector.shape_cast %get3A_439 : vector<1x16xf32> to vector<16xf32>
        %swap3A_441 = arith.index_cast %add3A_418 : i32 to index
        %swap3A_442 = arith.constant 32 : index
        %swap3A_443 = tpu.vector_load %arg14[%swap3A_441, %swap3A_442] {strides = array<i32>} : memref<128x64xf32, #tpu.memory_space<vmem>>, vector<1x16xf32>,
        %swap3A_444 = vector.shape_cast %swap3A_443 : vector<1x16xf32> to vector<16xf32>
        %swap3A_445 = vector.shape_cast %get3A_440 : vector<16xf32> to vector<1x16xf32>
        tpu.vector_store %arg14[%swap3A_441, %swap3A_442], %swap3A_445 {add = true, strides = array<i32>} : memref<128x64xf32, #tpu.memory_space<vmem>>, vector<1x16xf32>,
        %get3A_446 = arith.index_cast %add3A_418 : i32 to index
        %get3A_447 = arith.constant 48 : index
        %get3A_448 = tpu.vector_load %arg13[%get3A_446, %get3A_447] {strides = array<i32>} : memref<128x64xf32, #tpu.memory_space<vmem>>, vector<1x16xf32>,
        %get3A_449 = vector.shape_cast %get3A_448 : vector<1x16xf32> to vector<16xf32>
        %swap3A_450 = arith.index_cast %add3A_418 : i32 to index
        %swap3A_451 = arith.constant 48 : index
        %swap3A_452 = tpu.vector_load %arg14[%swap3A_450, %swap3A_451] {strides = array<i32>} : memref<128x64xf32, #tpu.memory_space<vmem>>, vector<1x16xf32>,
        %swap3A_453 = vector.shape_cast %swap3A_452 : vector<1x16xf32> to vector<16xf32>
        %swap3A_454 = vector.shape_cast %get3A_449 : vector<16xf32> to vector<1x16xf32>
        tpu.vector_store %arg14[%swap3A_450, %swap3A_451], %swap3A_454 {add = true, strides = array<i32>} : memref<128x64xf32, #tpu.memory_space<vmem>>, vector<1x16xf32>,
        %mul3A_455 = arith.constant 8 : i32
        %mul3A_456 = arith.muli %scan3A_255, %mul3A_455 : i32
        %add3A_457 = arith.constant 5 : i32
        %add3A_458 = arith.addi %mul3A_456, %add3A_457 : i32
        %get3A_459 = arith.index_cast %add3A_458 : i32 to index
        %get3A_460 = arith.constant 0 : index
        %get3A_461 = tpu.vector_load %arg13[%get3A_459, %get3A_460] {strides = array<i32>} : memref<128x64xf32, #tpu.memory_space<vmem>>, vector<1x16xf32>,
        %get3A_462 = vector.shape_cast %get3A_461 : vector<1x16xf32> to vector<16xf32>
        %swap3A_463 = arith.index_cast %add3A_458 : i32 to index
        %swap3A_464 = arith.constant 0 : index
        %swap3A_465 = tpu.vector_load %arg14[%swap3A_463, %swap3A_464] {strides = array<i32>} : memref<128x64xf32, #tpu.memory_space<vmem>>, vector<1x16xf32>,
        %swap3A_466 = vector.shape_cast %swap3A_465 : vector<1x16xf32> to vector<16xf32>
        %swap3A_467 = vector.shape_cast %get3A_462 : vector<16xf32> to vector<1x16xf32>
        tpu.vector_store %arg14[%swap3A_463, %swap3A_464], %swap3A_467 {add = true, strides = array<i32>} : memref<128x64xf32, #tpu.memory_space<vmem>>, vector<1x16xf32>,
        %get3A_468 = arith.index_cast %add3A_458 : i32 to index
        %get3A_469 = arith.constant 16 : index
        %get3A_470 = tpu.vector_load %arg13[%get3A_468, %get3A_469] {strides = array<i32>} : memref<128x64xf32, #tpu.memory_space<vmem>>, vector<1x16xf32>,
        %get3A_471 = vector.shape_cast %get3A_470 : vector<1x16xf32> to vector<16xf32>
        %swap3A_472 = arith.index_cast %add3A_458 : i32 to index
        %swap3A_473 = arith.constant 16 : index
        %swap3A_474 = tpu.vector_load %arg14[%swap3A_472, %swap3A_473] {strides = array<i32>} : memref<128x64xf32, #tpu.memory_space<vmem>>, vector<1x16xf32>,
        %swap3A_475 = vector.shape_cast %swap3A_474 : vector<1x16xf32> to vector<16xf32>
        %swap3A_476 = vector.shape_cast %get3A_471 : vector<16xf32> to vector<1x16xf32>
        tpu.vector_store %arg14[%swap3A_472, %swap3A_473], %swap3A_476 {add = true, strides = array<i32>} : memref<128x64xf32, #tpu.memory_space<vmem>>, vector<1x16xf32>,
        %get3A_477 = arith.index_cast %add3A_458 : i32 to index
        %get3A_478 = arith.constant 32 : index
        %get3A_479 = tpu.vector_load %arg13[%get3A_477, %get3A_478] {strides = array<i32>} : memref<128x64xf32, #tpu.memory_space<vmem>>, vector<1x16xf32>,
        %get3A_480 = vector.shape_cast %get3A_479 : vector<1x16xf32> to vector<16xf32>
        %swap3A_481 = arith.index_cast %add3A_458 : i32 to index
        %swap3A_482 = arith.constant 32 : index
        %swap3A_483 = tpu.vector_load %arg14[%swap3A_481, %swap3A_482] {strides = array<i32>} : memref<128x64xf32, #tpu.memory_space<vmem>>, vector<1x16xf32>,
        %swap3A_484 = vector.shape_cast %swap3A_483 : vector<1x16xf32> to vector<16xf32>
        %swap3A_485 = vector.shape_cast %get3A_480 : vector<16xf32> to vector<1x16xf32>
        tpu.vector_store %arg14[%swap3A_481, %swap3A_482], %swap3A_485 {add = true, strides = array<i32>} : memref<128x64xf32, #tpu.memory_space<vmem>>, vector<1x16xf32>,
        %get3A_486 = arith.index_cast %add3A_458 : i32 to index
        %get3A_487 = arith.constant 48 : index
        %get3A_488 = tpu.vector_load %arg13[%get3A_486, %get3A_487] {strides = array<i32>} : memref<128x64xf32, #tpu.memory_space<vmem>>, vector<1x16xf32>,
        %get3A_489 = vector.shape_cast %get3A_488 : vector<1x16xf32> to vector<16xf32>
        %swap3A_490 = arith.index_cast %add3A_458 : i32 to index
        %swap3A_491 = arith.constant 48 : index
        %swap3A_492 = tpu.vector_load %arg14[%swap3A_490, %swap3A_491] {strides = array<i32>} : memref<128x64xf32, #tpu.memory_space<vmem>>, vector<1x16xf32>,
        %swap3A_493 = vector.shape_cast %swap3A_492 : vector<1x16xf32> to vector<16xf32>
        %swap3A_494 = vector.shape_cast %get3A_489 : vector<16xf32> to vector<1x16xf32>
        tpu.vector_store %arg14[%swap3A_490, %swap3A_491], %swap3A_494 {add = true, strides = array<i32>} : memref<128x64xf32, #tpu.memory_space<vmem>>, vector<1x16xf32>,
        %mul3A_495 = arith.constant 8 : i32
        %mul3A_496 = arith.muli %scan3A_255, %mul3A_495 : i32
        %add3A_497 = arith.constant 6 : i32
        %add3A_498 = arith.addi %mul3A_496, %add3A_497 : i32
        %get3A_499 = arith.index_cast %add3A_498 : i32 to index
        %get3A_500 = arith.constant 0 : index
        %get3A_501 = tpu.vector_load %arg13[%get3A_499, %get3A_500] {strides = array<i32>} : memref<128x64xf32, #tpu.memory_space<vmem>>, vector<1x16xf32>,
        %get3A_502 = vector.shape_cast %get3A_501 : vector<1x16xf32> to vector<16xf32>
        %swap3A_503 = arith.index_cast %add3A_498 : i32 to index
        %swap3A_504 = arith.constant 0 : index
        %swap3A_505 = tpu.vector_load %arg14[%swap3A_503, %swap3A_504] {strides = array<i32>} : memref<128x64xf32, #tpu.memory_space<vmem>>, vector<1x16xf32>,
        %swap3A_506 = vector.shape_cast %swap3A_505 : vector<1x16xf32> to vector<16xf32>
        %swap3A_507 = vector.shape_cast %get3A_502 : vector<16xf32> to vector<1x16xf32>
        tpu.vector_store %arg14[%swap3A_503, %swap3A_504], %swap3A_507 {add = true, strides = array<i32>} : memref<128x64xf32, #tpu.memory_space<vmem>>, vector<1x16xf32>,
        %get3A_508 = arith.index_cast %add3A_498 : i32 to index
        %get3A_509 = arith.constant 16 : index
        %get3A_510 = tpu.vector_load %arg13[%get3A_508, %get3A_509] {strides = array<i32>} : memref<128x64xf32, #tpu.memory_space<vmem>>, vector<1x16xf32>,
        %get3A_511 = vector.shape_cast %get3A_510 : vector<1x16xf32> to vector<16xf32>
        %swap3A_512 = arith.index_cast %add3A_498 : i32 to index
        %swap3A_513 = arith.constant 16 : index
        %swap3A_514 = tpu.vector_load %arg14[%swap3A_512, %swap3A_513] {strides = array<i32>} : memref<128x64xf32, #tpu.memory_space<vmem>>, vector<1x16xf32>,
        %swap3A_515 = vector.shape_cast %swap3A_514 : vector<1x16xf32> to vector<16xf32>
        %swap3A_516 = vector.shape_cast %get3A_511 : vector<16xf32> to vector<1x16xf32>
        tpu.vector_store %arg14[%swap3A_512, %swap3A_513], %swap3A_516 {add = true, strides = array<i32>} : memref<128x64xf32, #tpu.memory_space<vmem>>, vector<1x16xf32>,
        %get3A_517 = arith.index_cast %add3A_498 : i32 to index
        %get3A_518 = arith.constant 32 : index
        %get3A_519 = tpu.vector_load %arg13[%get3A_517, %get3A_518] {strides = array<i32>} : memref<128x64xf32, #tpu.memory_space<vmem>>, vector<1x16xf32>,
        %get3A_520 = vector.shape_cast %get3A_519 : vector<1x16xf32> to vector<16xf32>
        %swap3A_521 = arith.index_cast %add3A_498 : i32 to index
        %swap3A_522 = arith.constant 32 : index
        %swap3A_523 = tpu.vector_load %arg14[%swap3A_521, %swap3A_522] {strides = array<i32>} : memref<128x64xf32, #tpu.memory_space<vmem>>, vector<1x16xf32>,
        %swap3A_524 = vector.shape_cast %swap3A_523 : vector<1x16xf32> to vector<16xf32>
        %swap3A_525 = vector.shape_cast %get3A_520 : vector<16xf32> to vector<1x16xf32>
        tpu.vector_store %arg14[%swap3A_521, %swap3A_522], %swap3A_525 {add = true, strides = array<i32>} : memref<128x64xf32, #tpu.memory_space<vmem>>, vector<1x16xf32>,
        %get3A_526 = arith.index_cast %add3A_498 : i32 to index
        %get3A_527 = arith.constant 48 : index
        %get3A_528 = tpu.vector_load %arg13[%get3A_526, %get3A_527] {strides = array<i32>} : memref<128x64xf32, #tpu.memory_space<vmem>>, vector<1x16xf32>,
        %get3A_529 = vector.shape_cast %get3A_528 : vector<1x16xf32> to vector<16xf32>
        %swap3A_530 = arith.index_cast %add3A_498 : i32 to index
        %swap3A_531 = arith.constant 48 : index
        %swap3A_532 = tpu.vector_load %arg14[%swap3A_530, %swap3A_531] {strides = array<i32>} : memref<128x64xf32, #tpu.memory_space<vmem>>, vector<1x16xf32>,
        %swap3A_533 = vector.shape_cast %swap3A_532 : vector<1x16xf32> to vector<16xf32>
        %swap3A_534 = vector.shape_cast %get3A_529 : vector<16xf32> to vector<1x16xf32>
        tpu.vector_store %arg14[%swap3A_530, %swap3A_531], %swap3A_534 {add = true, strides = array<i32>} : memref<128x64xf32, #tpu.memory_space<vmem>>, vector<1x16xf32>,
        %mul3A_535 = arith.constant 8 : i32
        %mul3A_536 = arith.muli %scan3A_255, %mul3A_535 : i32
        %add3A_537 = arith.constant 7 : i32
        %add3A_538 = arith.addi %mul3A_536, %add3A_537 : i32
        %get3A_539 = arith.index_cast %add3A_538 : i32 to index
        %get3A_540 = arith.constant 0 : index
        %get3A_541 = tpu.vector_load %arg13[%get3A_539, %get3A_540] {strides = array<i32>} : memref<128x64xf32, #tpu.memory_space<vmem>>, vector<1x16xf32>,
        %get3A_542 = vector.shape_cast %get3A_541 : vector<1x16xf32> to vector<16xf32>
        %swap3A_543 = arith.index_cast %add3A_538 : i32 to index
        %swap3A_544 = arith.constant 0 : index
        %swap3A_545 = tpu.vector_load %arg14[%swap3A_543, %swap3A_544] {strides = array<i32>} : memref<128x64xf32, #tpu.memory_space<vmem>>, vector<1x16xf32>,
        %swap3A_546 = vector.shape_cast %swap3A_545 : vector<1x16xf32> to vector<16xf32>
        %swap3A_547 = vector.shape_cast %get3A_542 : vector<16xf32> to vector<1x16xf32>
        tpu.vector_store %arg14[%swap3A_543, %swap3A_544], %swap3A_547 {add = true, strides = array<i32>} : memref<128x64xf32, #tpu.memory_space<vmem>>, vector<1x16xf32>,
        %get3A_548 = arith.index_cast %add3A_538 : i32 to index
        %get3A_549 = arith.constant 16 : index
        %get3A_550 = tpu.vector_load %arg13[%get3A_548, %get3A_549] {strides = array<i32>} : memref<128x64xf32, #tpu.memory_space<vmem>>, vector<1x16xf32>,
        %get3A_551 = vector.shape_cast %get3A_550 : vector<1x16xf32> to vector<16xf32>
        %swap3A_552 = arith.index_cast %add3A_538 : i32 to index
        %swap3A_553 = arith.constant 16 : index
        %swap3A_554 = tpu.vector_load %arg14[%swap3A_552, %swap3A_553] {strides = array<i32>} : memref<128x64xf32, #tpu.memory_space<vmem>>, vector<1x16xf32>,
        %swap3A_555 = vector.shape_cast %swap3A_554 : vector<1x16xf32> to vector<16xf32>
        %swap3A_556 = vector.shape_cast %get3A_551 : vector<16xf32> to vector<1x16xf32>
        tpu.vector_store %arg14[%swap3A_552, %swap3A_553], %swap3A_556 {add = true, strides = array<i32>} : memref<128x64xf32, #tpu.memory_space<vmem>>, vector<1x16xf32>,
        %get3A_557 = arith.index_cast %add3A_538 : i32 to index
        %get3A_558 = arith.constant 32 : index
        %get3A_559 = tpu.vector_load %arg13[%get3A_557, %get3A_558] {strides = array<i32>} : memref<128x64xf32, #tpu.memory_space<vmem>>, vector<1x16xf32>,
        %get3A_560 = vector.shape_cast %get3A_559 : vector<1x16xf32> to vector<16xf32>
        %swap3A_561 = arith.index_cast %add3A_538 : i32 to index
        %swap3A_562 = arith.constant 32 : index
        %swap3A_563 = tpu.vector_load %arg14[%swap3A_561, %swap3A_562] {strides = array<i32>} : memref<128x64xf32, #tpu.memory_space<vmem>>, vector<1x16xf32>,
        %swap3A_564 = vector.shape_cast %swap3A_563 : vector<1x16xf32> to vector<16xf32>
        %swap3A_565 = vector.shape_cast %get3A_560 : vector<16xf32> to vector<1x16xf32>
        tpu.vector_store %arg14[%swap3A_561, %swap3A_562], %swap3A_565 {add = true, strides = array<i32>} : memref<128x64xf32, #tpu.memory_space<vmem>>, vector<1x16xf32>,
        %get3A_566 = arith.index_cast %add3A_538 : i32 to index
        %get3A_567 = arith.constant 48 : index
        %get3A_568 = tpu.vector_load %arg13[%get3A_566, %get3A_567] {strides = array<i32>} : memref<128x64xf32, #tpu.memory_space<vmem>>, vector<1x16xf32>,
        %get3A_569 = vector.shape_cast %get3A_568 : vector<1x16xf32> to vector<16xf32>
        %swap3A_570 = arith.index_cast %add3A_538 : i32 to index
        %swap3A_571 = arith.constant 48 : index
        %swap3A_572 = tpu.vector_load %arg14[%swap3A_570, %swap3A_571] {strides = array<i32>} : memref<128x64xf32, #tpu.memory_space<vmem>>, vector<1x16xf32>,
        %swap3A_573 = vector.shape_cast %swap3A_572 : vector<1x16xf32> to vector<16xf32>
        %swap3A_574 = vector.shape_cast %get3A_569 : vector<16xf32> to vector<1x16xf32>
        tpu.vector_store %arg14[%swap3A_570, %swap3A_571], %swap3A_574 {add = true, strides = array<i32>} : memref<128x64xf32, #tpu.memory_space<vmem>>, vector<1x16xf32>,
        %scan3A_575 = arith.constant 0 : i32
        scf.yield %scan3A_575 : i32
      }
      %scan3A_246 = arith.constant 16 : i32
      %add3A_247 = arith.constant 8 : i32
      %add3A_248 = arith.addi %add3A_233, %add3A_247 : i32
      %lt3A_249 = arith.constant 200 : i32
      %lt3A_250 = arith.cmpi slt, %add3A_248, %lt3A_249 : i32
      %convert_element_type3A_251 = arith.extui %lt3A_250 : i1 to i32
      %cond3A_252 = arith.constant 0 : i32
      %cond3A_253 = arith.cmpi ne, %convert_element_type3A_251, %cond3A_252 : i32
      scf.if %cond3A_253 {
        %add3A_255 = arith.constant 8 : i32
        %add3A_256 = arith.addi %add3A_233, %add3A_255 : i32
        %dma_start3A_257 = arith.constant 0 : i32
        %dma_start3A_258 = tpu.memref_slice %arg5[%add3A_256, %dma_start3A_257] : memref<200x128xi32, #tpu.memory_space<vmem>> -> memref<1x128xi32, #tpu.memory_space<vmem>>
        %dma_start3A_259 = tpu.memref_squeeze %dma_start3A_258 : memref<1x128xi32, #tpu.memory_space<vmem>> -> memref<128xi32, #tpu.memory_space<vmem>>
        %dma_start3A_260 = arith.constant 0 : i32
        %dma_start3A_261 = arith.constant 0 : i32
        %dma_start3A_262 = tpu.memref_slice %arg3[%dma_start3A_260, %dma_start3A_261] : memref<1015808x64xf32, #tpu.memory_space<hbm>> -> memref<1015808x64xf32, #tpu.memory_space<hbm>>
        tpu.enqueue_indirect_dma source(%dma_start3A_262 : memref<1015808x64xf32, #tpu.memory_space<hbm>>) target(%arg13 : memref<128x64xf32, #tpu.memory_space<vmem>>) offsets(%dma_start3A_259 : memref<128xi32, #tpu.memory_space<vmem>>) semaphore(%arg22 : memref<!tpu.dma_semaphore, #tpu.memory_space<semaphore_mem>>)
      } else {
      }
      %scan3A_254 = arith.constant 0 : i32
      scf.yield %scan3A_254 : i32
    }
    %scan3A_77 = arith.constant 25 : i32
    "tpu.region"() ({
      %run_scoped3A = tpu.sem_alloc : memref<!tpu.dma_semaphore, #tpu.memory_space<semaphore_mem>>
      %dma_start3A_78 = arith.constant 0 : i32
      %dma_start3A_79 = tpu.memref_slice %arg4[%mul3A_2, %dma_start3A_78] : memref<4096x64xf32, #tpu.memory_space<hbm>> -> memref<128x64xf32, #tpu.memory_space<hbm>>
      %dma_start3A_80 = arith.constant 0 : i32
      %dma_start3A_81 = tpu.memref_slice %arg4[%mul3A_2, %dma_start3A_80] : memref<4096x64xf32, #tpu.memory_space<hbm>> -> memref<128x64xf32, #tpu.memory_space<hbm>>
      tpu.enqueue_dma source(%arg14 : memref<128x64xf32, #tpu.memory_space<vmem>>) target(%dma_start3A_81 : memref<128x64xf32, #tpu.memory_space<hbm>>) target_semaphore(%run_scoped3A : memref<!tpu.dma_semaphore, #tpu.memory_space<semaphore_mem>>)
      %dma_wait3A = arith.constant 0 : i32
      %dma_wait3A_82 = tpu.memref_slice %arg4[%mul3A_2, %dma_wait3A] : memref<4096x64xf32, #tpu.memory_space<hbm>> -> memref<128x64xf32, #tpu.memory_space<hbm>>
      %dma_wait3A_83 = arith.constant 0 : i32
      %dma_wait3A_84 = tpu.memref_slice %arg4[%mul3A_2, %dma_wait3A_83] : memref<4096x64xf32, #tpu.memory_space<hbm>> -> memref<128x64xf32, #tpu.memory_space<hbm>>
      tpu.wait_dma2 semaphore(%run_scoped3A : memref<!tpu.dma_semaphore, #tpu.memory_space<semaphore_mem>>) src(%arg14 : memref<128x64xf32, #tpu.memory_space<vmem>>) dst(%dma_wait3A_84 : memref<128x64xf32, #tpu.memory_space<hbm>>)
      tpu.yield
    }) : () -> ()
    return
  }
}

module attributes {stable_mosaic.version = 14 : i64} {
  func.func @body(%arg0: i32, %arg1: memref<64x32768xf32, #tpu.memory_space<vmem>>, %arg2: memref<16384x128xf32, #tpu.memory_space<vmem>>) attributes {dimension_semantics = [#tpu.dimension_semantics<arbitrary>], iteration_bounds = array<i64: 31>, scalar_prefetch = 0 : i64, scratch_operands = 0 : i64, tpu.core_type = #tpu.core_type<tc>, window_params = [{transform_indices = @transform_0, window_bounds = array<i64: 64, 32768>}, {transform_indices = @transform_1, window_bounds = array<i64: 16384, 128>}]} {
    %get3A = arith.constant 0 : index
    %get3A_0 = arith.constant 0 : index
    %get3A_1 = vector.load %arg1[%get3A, %get3A_0] : memref<64x32768xf32, #tpu.memory_space<vmem>>, vector<64x32768xf32>
    %slice3A = vector.extract_strided_slice %get3A_1 {offsets = [0, 0], sizes = [64, 16384], strides = [1, 1]} : vector<64x32768xf32> to vector<64x16384xf32>
    %slice3A_2 = vector.extract_strided_slice %get3A_1 {offsets = [0, 16384], sizes = [64, 16384], strides = [1, 1]} : vector<64x32768xf32> to vector<64x16384xf32>
    %concatenate3A = tpu.concatenate %slice3A, %slice3A_2 in 0 : vector<64x16384xf32>, vector<64x16384xf32> -> vector<128x16384xf32>
    %transpose3A = tpu.transpose %concatenate3A, [1, 0] : vector<128x16384xf32> -> vector<16384x128xf32>
    %swap3A = arith.constant 0 : index
    %swap3A_3 = arith.constant 0 : index
    %swap3A_4 = vector.load %arg2[%swap3A, %swap3A_3] : memref<16384x128xf32, #tpu.memory_space<vmem>>, vector<16384x128xf32>
    tpu.vector_store %arg2[%swap3A, %swap3A_3], %transpose3A {strides = array<i32>} : memref<16384x128xf32, #tpu.memory_space<vmem>>, vector<16384x128xf32>,
    return
  }
  func.func @transform_0(%arg0: i32) -> (i32, i32) {
    %c0_i32 = arith.constant 0 : i32
    %c0_i32_0 = arith.constant 0 : i32
    return %c0_i32, %arg0 : i32, i32
  }
  func.func @transform_1(%arg0: i32) -> (i32, i32) {
    %c0_i32 = arith.constant 0 : i32
    %c0_i32_0 = arith.constant 0 : i32
    return %arg0, %c0_i32 : i32, i32
  }
}

module attributes {stable_mosaic.version = 14 : i64} {
  func.func @tc_kernel(%arg0: memref<4096x64xf32, #tpu.memory_space<vmem>>, %arg1: memref<128x64xf32, #tpu.memory_space<vmem>>, %arg2: memref<1x128xf32, #tpu.memory_space<vmem>>, %arg3: memref<4096x128xf32, #tpu.memory_space<vmem>>) attributes {dimension_semantics = [], scalar_prefetch = 0 : i64, scratch_operands = 0 : i64, tpu.core_type = #tpu.core_type<tc>} {
    %get3A = arith.constant 0 : index
    %get3A_0 = arith.constant 0 : index
    %get3A_1 = vector.load %arg0[%get3A, %get3A_0] : memref<4096x64xf32, #tpu.memory_space<vmem>>, vector<4096x64xf32>
    %get3A_2 = arith.constant 0 : index
    %get3A_3 = arith.constant 0 : index
    %get3A_4 = vector.load %arg1[%get3A_2, %get3A_3] : memref<128x64xf32, #tpu.memory_space<vmem>>, vector<128x64xf32>
    %dot_general3A = arith.constant dense<0.000000e+00> : vector<4096x128xf32>
    %dot_general3A_5 = tpu.matmul %get3A_1, %get3A_4, %dot_general3A {dimension_numbers = #tpu.dot_dimension_numbers<[1], [1], [0], [0], [0, 0, 1, 0], [], []>, transpose_lhs_hint = false} : vector<4096x64xf32>, vector<128x64xf32>, vector<4096x128xf32> -> vector<4096x128xf32>
    %mul3A = arith.constant 5.000000e-03 : f32
    %mul3A_6 = vector.broadcast %mul3A : f32 to vector<4096x128xf32>
    %mul3A_7 = arith.mulf %dot_general3A_5, %mul3A_6 : vector<4096x128xf32>
    %get3A_8 = arith.constant 0 : index
    %get3A_9 = arith.constant 0 : index
    %get3A_10 = vector.load %arg2[%get3A_8, %get3A_9] : memref<1x128xf32, #tpu.memory_space<vmem>>, vector<1x128xf32>
    %add3A = vector.broadcast %get3A_10 : vector<1x128xf32> to vector<4096x128xf32>
    %add3A_11 = arith.addf %mul3A_7, %add3A : vector<4096x128xf32>
    %swap3A = arith.constant 0 : index
    %swap3A_12 = arith.constant 0 : index
    %swap3A_13 = vector.load %arg3[%swap3A, %swap3A_12] : memref<4096x128xf32, #tpu.memory_space<vmem>>, vector<4096x128xf32>
    tpu.vector_store %arg3[%swap3A, %swap3A_12], %add3A_11 {strides = array<i32>} : memref<4096x128xf32, #tpu.memory_space<vmem>>, vector<4096x128xf32>,
    return
  }
}

</mosaic_0001>

<sc_bundles>
// kernel: kernel.5.cloned.1.call-start
scs
__scs_entry_jumppad:
0x0: {  	(pc) =	sbr.rel $0x88, $3  }
0x1: {  	(tag) =	ssettag $0x0;
	lr =	simm.s32 $0x1  }
0x2: {  	[smem:$0x3F9D] =	sst lr;
	_ =	strace $0xD0000000  }
0x3: {  	_ = 	snop  }
0x4: {  	_ = 	snop  }
0x5: {  	_ = 	snop  }
0x6: {  	_ = 	snop  }
0x7: {  	_ = 	snop  }
__scs_overlays_trampoline_lowered:
0x8: {  	[smem:$0x3FAC] =	sst s0  }
0x9: {  	[smem:$0x3FAD] =	sst s1  }
0xa: {  	[smem:$0x3FAE] =	sst s2  }
0xb: {  	[smem:$0x3FAF] =	sst s3  }
0xc: {  	[smem:$0x3FB0] =	sst s4  }
0xd: {  	[smem:$0x3FB1] =	sst s5  }
0xe: {  	[smem:$0x3FB2] =	sst s6  }
0xf: {  	[smem:$0x3FB3] =	sst s7  }
0x10: {  	[smem:$0x3FB4] =	sst s8  }
0x11: {  	[smem:$0x3FB5] =	sst s9;
	s0 =	simm.s32 @!p0 $0x0  }
0x12: {  	s1 =	sld [smem:$0x3F9B];
	s0 =	simm.s32 @p0 $0x1  }
0x13: {  	[smem:$0x3FB6] =	sst s0;
	s0 =	simm.s32 @!p1 $0x0  }
0x14: {  	s2 =	sld [smem:$0x3F9A];
	s0 =	simm.s32 @p1 $0x1  }
0x15: {  	[smem:$0x3FB7] =	sst s0;
	s0 =	simm.s32 @!p2 $0x0  }
0x16: {  	s3 =	sld [smem:$0x3FDB];
	s0 =	simm.s32 @p2 $0x1  }
0x17: {  	s4 =	simm.s32 $0x1BF5;
	[smem:$0x3FB9] =	sst s0  }
0x18: {  	s0 =	sld [smem:$0x3F9C];
	_ =	swait.ge [sflag:s4], $0x0  }
0x19: {  	s7 =	sld [smem:$0x3F9D]  }
0x1a: {  	s8 =	sadd.s32 $0xFFFFE003, lr  }
0x1b: {  	s9 =	sadd.s32 $0xFFFFFEF7, lr;
	s5 =	simm.s32 $0xFFFFFFFF;
	p2 =	slt.u32 s8, $0xFFFFF086  }
0x1c: {  	p1 =	slt.u32 s9, $0xF7A;
	s5 =	simm.s32 @!p2 $0x0  }
0x1d: {  	s5 =	simm.s32 @p1 $0x1;
	p0 =	seq.s32 s7, s2  }
0x1e: {  	s7 =	smul.u32 @!p0 $0xF7A, s2;
	p2 =	seq.s32 @!p0 s5, $0x0  }
0x1f: {  	s9 =	smul.u32 $0xF7A, s1;
	s8 =	simm.s32 @!p0 $0x1BF5;
	p2 =	por !p2, p0  }
0x20: {  	[sflag:s8] =	ssyncset.s32 @!p0 $0xFFFFF086;
	s6 =	sadd.s32 @!p0 s3, s7;
	s7 =	simm.s32 @!p0 $0x108  }
0x21: {  	s3 =	sadd.s32 s3, s9;
	s6 =	sadd.s32 @!p0 $0x88, s6;
	s7 =	simm.s32 @p2 $0x1082  }
0x22: {  	[simem:s7], [sflag:s8] =	dma.local @!p0 [hbm:s6], $0xF7A  }
0x23: {  	s9 =	sor.u32 $0xD0000000, s2;
	s6 =	simm.s32 $0x108;
	_ =	swait.ge @!p0 [sflag:s8], $0x0  }
0x24: {  	s3 =	sadd.s32 $0x88, s3;
	s6 =	simm.s32 @!p1 $0x1082;
	[sflag:s4] =	ssyncset.s32 $0xFFFFF086  }
0x25: {  	[simem:s6], [sflag:s4] =	dma.local [hbm:s3], $0xF7A  }
0x26: {  	[smem:$0x3F9D] =	sst s1;
	(tag) =	ssettag s2;
	_ =	strace s9  }
0x27: {  	s1 =	sld [smem:$0x3FAD]  }
0x28: {  	s2 =	sld [smem:$0x3FAE]  }
0x29: {  	s4 =	sld [smem:$0x3FB0]  }
0x2a: {  	p0 =	seq.s32 s5, $0x0;
	s5 =	sld [smem:$0x3FB1]  }
0x2b: {  	s6 =	sld [smem:$0x3FB2]  }
0x2c: {  	s7 =	sld [smem:$0x3FB3]  }
0x2d: {  	s3 =	simm.s32 $0x108;
	s8 =	sld [smem:$0x3FB4]  }
0x2e: {  	s3 =	simm.s32 @!p0 $0x1082;
	s9 =	sld [smem:$0x3FB5]  }
0x2f: {  	lr =	sadd.s32 s0, s3;
	s0 =	sld [smem:$0x3FAC]  }
0x30: {  	s3 =	sld [smem:$0x3FAF]  }
0x31: {  	[smem:$0x3FB8] =	sst s10  }
0x32: {  	s10 =	sld [smem:$0x3FB6];
	_ =	sdelay $0x3  }
0x33: {  	p0 =	seq.s32 s10, $0x1;
	s10 =	sld [smem:$0x3FB8];
	_ =	sdelay $0x3  }
0x34: {  	[smem:$0x3FB8] =	sst s10  }
0x35: {  	s10 =	sld [smem:$0x3FB7];
	_ =	sdelay $0x3  }
0x36: {  	p1 =	seq.s32 s10, $0x1;
	s10 =	sld [smem:$0x3FB8];
	_ =	sdelay $0x3  }
0x37: {  	[smem:$0x3FB8] =	sst s10  }
0x38: {  	s10 =	sld [smem:$0x3FB9]  }
0x39: {  	_ = 	snop;
	(pc) =	sbr.ind lr, $3  }
0x3a: {  	_ = 	snop  }
0x3b: {  	_ = 	snop  }
0x3c: {  	p2 =	seq.s32 s10, $0x1;
	s10 =	sld [smem:$0x3FB8]  }
0x3d: {  	_ =	shalt  }
0x3e: {  	_ =	shalt  }
0x3f: {  	_ =	shalt  }
0x40: {  	_ =	shalt  }
0x41: {  	_ =	shalt  }
0x42: {  	_ =	shalt  }
0x43: {  	_ =	shalt  }
0x44: {  	_ =	shalt  }
0x45: {  	_ =	shalt  }
0x46: {  	_ =	shalt  }
0x47: {  	_ =	shalt  }
0x48: {  	_ =	shalt  }
0x49: {  	_ =	shalt  }
0x4a: {  	_ =	shalt  }
0x4b: {  	_ =	shalt  }
0x4c: {  	_ =	shalt  }
0x4d: {  	_ =	shalt  }
0x4e: {  	_ =	shalt  }
0x4f: {  	_ =	shalt  }
0x50: {  	_ =	shalt  }
0x51: {  	_ =	shalt  }
0x52: {  	_ =	shalt  }
0x53: {  	_ =	shalt  }
0x54: {  	_ =	shalt  }
0x55: {  	_ =	shalt  }
0x56: {  	_ =	shalt  }
0x57: {  	_ =	shalt  }
0x58: {  	_ =	shalt  }
0x59: {  	_ =	shalt  }
0x5a: {  	_ =	shalt  }
0x5b: {  	_ =	shalt  }
0x5c: {  	_ =	shalt  }
0x5d: {  	_ =	shalt  }
0x5e: {  	_ =	shalt  }
0x5f: {  	_ =	shalt  }
0x60: {  	_ =	shalt  }
0x61: {  	_ =	shalt  }
0x62: {  	_ =	shalt  }
0x63: {  	_ =	shalt  }
0x64: {  	_ =	shalt  }
0x65: {  	_ =	shalt  }
0x66: {  	_ =	shalt  }
0x67: {  	_ =	shalt  }
0x68: {  	_ =	shalt  }
0x69: {  	_ =	shalt  }
0x6a: {  	_ =	shalt  }
0x6b: {  	_ =	shalt  }
0x6c: {  	_ =	shalt  }
0x6d: {  	_ =	shalt  }
0x6e: {  	_ =	shalt  }
0x6f: {  	_ =	shalt  }
0x70: {  	_ =	shalt  }
0x71: {  	_ =	shalt  }
0x72: {  	_ =	shalt  }
0x73: {  	_ =	shalt  }
0x74: {  	_ =	shalt  }
0x75: {  	_ =	shalt  }
0x76: {  	_ =	shalt  }
0x77: {  	_ =	shalt  }
0x78: {  	_ =	shalt  }
0x79: {  	_ =	shalt  }
0x7a: {  	_ =	shalt  }
0x7b: {  	_ =	shalt  }
0x7c: {  	_ =	shalt  }
0x7d: {  	_ =	shalt  }
0x7e: {  	_ =	shalt  }
0x7f: {  	_ =	shalt  }
0x80: {  	_ =	shalt  }
0x81: {  	_ =	shalt  }
0x82: {  	_ =	shalt  }
0x83: {  	_ =	shalt  }
0x84: {  	_ =	shalt  }
0x85: {  	_ =	shalt  }
0x86: {  	_ =	shalt  }
0x87: {  	_ =	shalt  }
.Lfunc_end0:
.L_simem_size_0:
called_computation_lowered:
.L_overlay_start_0:
0x88: {  	s2 =	sld [smem:$0x3FD9]  }
0x89: {  	s3 =	sld [smem:$0x3FFE];
	_ =	sdelay $0x1  }
0x8a: {  	s1 =	srdreg.scid  }
0x8b: {  	s0 =	sand.u32 $0x1, s1  }
0x8c: {  	s17 =	sshll.u32 s0, $0xA;
	s2 =	sadd.s32 s3, s2  }
0x8d: {  	s2 =	sadd.s32 s2, s17  }
0x8e: {  	[smem:$0x3FC4] =	sst s2  }
0x8f: {  	_ = 	snop  }
0x90: {  	s2 =	sld [smem:$0x3FD0];
	(tm) =	ssettm $0x1  }
0x91: {  	s18 =	sld [smem:$0x3FFB];
	_ =	sdelay $0x3  }
0x92: {  	_ =	strace s18  }
0x93: {  	s3 =	sld [smem:$0x3FFC];
	_ =	sdelay $0x3  }
0x94: {  	_ =	strace s3  }
0x95: {  	s3 =	sld [smem:$0x3FFD];
	_ =	sdelay $0x3  }
0x96: {  	_ =	strace s3  }
0x97: {  	_ =	strace $0x8FFFFFFF  }
0x98: {  	s19 =	sld [smem:$0x3FDB];
	_ =	sdelay $0x1  }
0x99: {  	s4 =	simm.s32 $_scs_section_size  }
0x9a: {  	s5 =	simm.s32 $_size__tile_overlayer_lowered;
	s6 =	simm.s32 $_tile_overlayer_lowered  }
0x9b: {  	s22 =	simm.s32 $0x1BFF;
	s21 =	sshll.u32 s6, $0x1;
	s3 =	sadd.s32 s4, s19  }
0x9c: {  	s7 =	simm.s32 $0x0;
	s20 =	sshll.u32 s5, $0x1;
	s5 =	sadd.s32 s21, s3  }
0x9d: {  	[timem:s7], [sflag:s22] =	dma.local [hbm:s5], s20  }
0x9e: {  	_ =	swait.ge [sflag:s22], s20  }
0x9f: {  	s4 =	ssub.s32 $0x0, s20;
	[sflag:s22] =	ssyncset.done $0x0  }
0xa0: {  	[sflag:s22] =	ssyncadd.s32 s4;
	_ =	sdelay $0x1  }
0xa1: {  	s23 =	simm.s32 $0x1B8B  }
0xa2: {  	_ =	swait.ge [sflag:s23], $0x1  }
0xa3: {  	[sflag:s23] =	ssyncset.done $0x0  }
0xa4: {  	s25 =	simm.s32 $0x1B8E;
	s24 =	sld [smem:$0x3FFE];
	[sflag:s23] =	ssyncadd.s32 $0xFFFFFFFF  }
0xa5: {  	s26 =	simm.s32 $execute0_lowered;
	[smem:$0x3FD2] =	sst s25  }
0xa6: {  	s5 =	sshll.u32 s26, $0x1;
	_ =	strace $0x80000046;
	[dreg:$0x1] =	wrdreg $0xFFFFFFFF  }
0xa7: {  	s28 =	simm.s32 $_size_execute0_lowered;
	s3 =	sadd.s32 s3, s5;
	[dreg:$0x0] =	wrdreg $0x0  }
0xa8: {  	s5 =	sshll.u32 s28, $0x1;
	[dreg:$0x2] =	wrdreg s3  }
0xa9: {  	[dreg:$0x3] =	wrdreg s5  }
0xaa: {  	[dreg:$0x4] =	wrdreg $0xC0  }
0xab: {  	_ =	task [dreg:s7], $0x5FFFF  }
0xac: {  	[dreg:$0x1] =	wrdreg $0xFFFFFFFF  }
0xad: {  	[dreg:$0x0] =	wrdreg $0x60  }
0xae: {  	[dreg:$0x2] =	wrdreg s24  }
0xaf: {  	[dreg:$0x3] =	wrdreg s2  }
0xb0: {  	[dreg:$0x4] =	wrdreg $0x9  }
0xb1: {  	_ =	task.clear_ibuf [dreg:s7], $0x5FFFF;
	_ =	strace $0x90000046  }
0xb2: {  	s29 =	simm.s32 $0x9;
	_ =	strace $0x80000048  }
0xb3: {  	_ =	swait.ge [sflag:s29], $0x1  }
0xb4: {  	[sflag:s29] =	ssyncadd.s32 $0xFFFFFFFF  }
0xb5: {  	_ =	strace $0x90000048  }
0xb6: {  	_ =	sfence  }
0xb7: {  	s30 =	sld [smem:$0x0];
	_ =	sdelay $0x2  }
0xb8: {  	s31 =	sshll.u32 s1, $0xD;
	s1 =	sshrl.u32 s1, $0x2  }
0xb9: {  	s3 =	sand.u32 $0x4000, s31;
	s1 =	sadd.s32 s1, s30  }
0xba: {  	s0 =	sor.u32 s3, s0;
	s1 =	sshll.u32 s1, $0x11  }
0xbb: {  	s0 =	sor.u32 s1, s0  }
0xbc: {  	s0 =	sadd.s32 $0x8F2B, s0  }
0xbd: {  	[sflag:s0] =	ssyncadd.remote.s32 $0x1  }
0xbe: {  	_ =	sfence.sel $0xFFFF  }
0xbf: {  	[dreg:$0x0] =	wrdreg $0xFFFFFFFF;
	(pc) =	sbr.abs _section_cstart, $3  }
0xc0: {  	[dreg:$0x1] =	wrdreg $0xFFFFFFFF  }
0xc1: {  	_ =	task.clear_ibuf [dreg:s7], $0x2FFFF;
	_ =	strace $0x9FFFFFFF  }
0xc2: {  	(tm) =	ssettm $0x7FFFFFFF  }
0xc3: {  	_ =	shalt  }
tec
execute0_lowered:
.L_overlay_start_1:
0x0: {  	(tag) =	ssettag $0x1  }
0x1: {  	s0 =	srdreg.scid  }
0x2: {  	s1 =	rddreg [dreg:$0x0];
	s2 =	stileid.u32  }
0x3: {  	s5 =	rddreg [dreg:$0x1];
	s9 =	simm.s32 $0x9;
	s16 =	simm.s32 $0x200  }
0x4: {  	s17 =	simm.s32 $0xE400;
	s18 =	simm.s32 $0x280;
	s19 =	simm.s32 $0x10400  }
0x5: {  	s20 =	simm.s32 $0x300;
	s21 =	simm.s32 $0x12400;
	s22 =	simm.s32 $0x380  }
0x6: {  	s23 =	simm.s32 $0x14400;
	s24 =	simm.s32 $0x1;
	s25 =	simm.s32 $0x2  }
0x7: {  	s28 =	simm.s32 $0x4;
	s29 =	simm.s32 $0x5;
	s30 =	simm.s32 $0x6  }
0x8: {  	s31 =	simm.s32 $0x7;
	s8 =	simm.s32 $0x0;
	s0 =	sand.u32 $0x1, s0  }
0x9: {  	s3 =	sshll.u32 s2, $0x8;
	s2 =	simm.s32 $0x0;
	s4 =	sshll.u32 s0, $0x7  }
0xa: {  	[smem:$0x7FF] =	sst s2;
	s0 =	ssub.s32 $0x2, s0;
	s4 =	sor.u32 s4, s3  }
.Ltmp0:
0xb: {  	_ =	strace $0x80000047;
	s7 =	sshrl.u32 s0, $0x1;
	(pc) =	sbr.rel .LBB2_1-.Ltmp0, $4  }
0xc: {  	s3 =	sshrl.u32 s4, $0x3;
	s0 =	ssub.s32 s0, s7;
	s26 =	sshll.u32 s4, $0x3  }
0xd: {  	s7 =	simm.s32 $0x80;
	s6 =	sadd.s32 s3, s1;
	s3 =	sadd.s32 $0xA00, s1  }
0xe: {  	s5 =	sadd.s32 s5, s26;
	s26 =	simm.s32 $0x3;
	s1 =	simm.s32 $0x8  }
0xf: {  	v0 =	vimm.f32 $0.0e+00;
	s4 =	sadd.s32 $0x7C0A00, s6;
	s6 =	smax.u32 s0, $0x1;
	s0 =	simm.s32 $0x16400  }
.LBB2_24:
0x10: {  	s8 =	sadd.s32 $0x1, s8  }
0x11: {  	p0 =	sne.s32 s8, s6  }
.Ltmp1:
0x12: {  	_ = 	snop;
	(pc) =	sbr.rel @!p0 .LBB2_25-.Ltmp1, $4  }
0x13: {  	[hbm4b:s5+s2] =	stream.linear.scatter [tilespmem:s0], [sflag:$0x9], $0x2000, $0x38;
	[tilespmem:$0x18400] =	vst v63  }
0x14: {  	_ =	swait.ge [sflag:s9], $0x2000  }
0x15: {  	[sflag:s9] =	ssyncset.done $0x0  }
0x16: {  	[sflag:s9] =	ssyncadd.s32 $0xFFFFE000  }
.LBB2_1:
0x17: {  	s10 =	simm.s32 $0x1000  }
0x18: {  	[tilespmem:s2], [sflag:$0x9] =	stream.strided.gather [hbm4b:s4+s7], $0x6400, s10, s7, $0x38;
	[tilespmem:$0x18400] =	vst v63  }
0x19: {  	_ =	swait.ge [sflag:s9], $0x6400  }
0x1a: {  	[sflag:s9] =	ssyncset.done $0x0  }
0x1b: {  	s10 =	simm.s32 $0x0;
	[sflag:s9] =	ssyncadd.s32 $0xFFFF9C00  }
0x1c: {  	v1 =	vld [tilespmem:s10+$0x0]  }
0x1d: {  	v2 =	vld [tilespmem:s10+$0x10]  }
0x1e: {  	v6 =	vld [tilespmem:s10+$0x30];
	_ =	sdelay $0x2  }
0x1f: {  	v3 =	vshll.u32 v1, $0x1  }
0x20: {  	v4 =	vld [tilespmem:s10+$0x20];
	v5 =	vand.u32 $0xFFFF8000, v1;
	v1 =	vshrl.u32 v1, $0xE;
	v7 =	vand.u32 $0xFFFF8000, v2  }
0x21: {  	v8 =	vshll.u32 v6, $0x1;
	v10 =	vand.u32 $0xFFFF8000, v6;
	v6 =	vshrl.u32 v6, $0xE  }
0x22: {  	v3 =	vand.u32 $0x7FFE, v3;
	v1 =	vand.u32 $0x1, v1;
	v8 =	vand.u32 $0x7FFE, v8  }
0x23: {  	v9 =	vld [tilespmem:s10+$0x40];
	v3 =	vor.u32 v5, v3;
	v5 =	vshll.u32 v2, $0x1;
	v2 =	vshrl.u32 v2, $0xE  }
0x24: {  	v8 =	vor.u32 v10, v8;
	v10 =	vand.u32 $0x1, v6;
	v5 =	vand.u32 $0x7FFE, v5  }
0x25: {  	v6 =	vld [tilespmem:s10+$0x50];
	v1 =	vor.u32 v1, v3;
	v3 =	vor.u32 v7, v5;
	v7 =	vshll.u32 v4, $0x1  }
0x26: {  	v5 =	vand.u32 $0xFFFF8000, v4;
	v4 =	vshrl.u32 v4, $0xE;
	v7 =	vand.u32 $0x7FFE, v7  }
0x27: {  	v2 =	vand.u32 $0x1, v2;
	v4 =	vand.u32 $0x1, v4;
	v7 =	vor.u32 v5, v7  }
0x28: {  	v5 =	vor.u32 v2, v3;
	v2 =	vor.u32 v10, v8;
	v3 =	vld [tilespmem:s10+$0x60];
	v8 =	vshll.u32 v9, $0x1  }
0x29: {  	s11 =	simm.s32 $0x200;
	v4 =	vor.u32 v4, v7;
	v7 =	vand.u32 $0xFFFF8000, v9;
	v9 =	vshrl.u32 v9, $0xE  }
.LBB2_2:
0x2a: {  	p0 =	sne.s32 s11, $0x18E00;
	v8 =	vand.u32 $0x7FFE, v8;
	v9 =	vand.u32 $0x1, v9;
	v10 =	vshll.u32 v6, $0x1;
	v11 =	vld [tilespmem:s10+$0x70]  }
0x2b: {  	v12 =	vand.u32 $0xFFFF8000, v6;
	v6 =	vshrl.u32 v6, $0xE;
	v10 =	vand.u32 $0x7FFE, v10  }
0x2c: {  	s12 =	sshra.s32 s11, $0x2;
	v6 =	vand.u32 $0x1, v6;
	[tilespmem:s10+$0x0] =	vst v1;
	v1 =	vor.u32 v7, v8;
	v7 =	vor.u32 v12, v10  }
0x2d: {  	v8 =	vld [tilespmem:s12+$0x0];
	[tilespmem:s10+$0x10] =	vst v5;
	v1 =	vor.u32 v9, v1;
	v5 =	vor.u32 v6, v7;
	v6 =	vshll.u32 v3, $0x1  }
0x2e: {  	[tilespmem:s10+$0x20] =	vst v4;
	v4 =	vand.u32 $0xFFFF8000, v3;
	v6 =	vand.u32 $0x7FFE, v6;
	v3 =	vshrl.u32 v3, $0xE  }
0x2f: {  	v7 =	vld [tilespmem:s12+$0x10];
	[tilespmem:s10+$0x30] =	vst v2;
	v2 =	vor.u32 v4, v6;
	v3 =	vand.u32 $0x1, v3;
	v4 =	vshll.u32 v11, $0x1  }
0x30: {  	v6 =	vshrl.u32 v11, $0xE;
	[tilespmem:s10+$0x40] =	vst v1;
	v1 =	vand.u32 $0xFFFF8000, v11;
	v4 =	vand.u32 $0x7FFE, v4  }
0x31: {  	v2 =	vor.u32 v3, v2;
	v3 =	vand.u32 $0x1, v6;
	[tilespmem:s10+$0x50] =	vst v5;
	v1 =	vor.u32 v1, v4  }
0x32: {  	v4 =	vshll.u32 v8, $0x1;
	v5 =	vld [tilespmem:s12+$0x20];
	[tilespmem:s10+$0x60] =	vst v2;
	v1 =	vor.u32 v3, v1  }
0x33: {  	v2 =	vand.u32 $0xFFFF8000, v8;
	v3 =	vand.u32 $0x7FFE, v4;
	v4 =	vshrl.u32 v8, $0xE;
	v8 =	vld [tilespmem:s12+$0x30];
	[tilespmem:s10+$0x70] =	vst v1;
	s10 =	smov.u32 s12  }
0x34: {  	v1 =	vor.u32 v2, v3;
	v2 =	vand.u32 $0x1, v4;
	v3 =	vshll.u32 v7, $0x1  }
0x35: {  	v4 =	vand.u32 $0xFFFF8000, v7;
	v6 =	vshrl.u32 v7, $0xE;
	v3 =	vand.u32 $0x7FFE, v3  }
0x36: {  	v1 =	vor.u32 v2, v1;
	v2 =	vor.u32 v4, v3;
	v3 =	vand.u32 $0x1, v6  }
0x37: {  	v4 =	vand.u32 $0xFFFF8000, v5;
	v6 =	vshll.u32 v5, $0x1;
	v5 =	vshrl.u32 v5, $0xE;
	v9 =	vld [tilespmem:s10+$0x40]  }
.Ltmp2:
0x38: {  	v7 =	vand.u32 $0x7FFE, v6;
	v10 =	vand.u32 $0x1, v5;
	v5 =	vshll.u32 v8, $0x1;
	v6 =	vld [tilespmem:s10+$0x50];
	(pc) =	sbr.rel @p0 .LBB2_2-.Ltmp2, $4  }
0x39: {  	v11 =	vand.u32 $0xFFFF8000, v8;
	v8 =	vshrl.u32 v8, $0xE;
	v5 =	vand.u32 $0x7FFE, v5  }
0x3a: {  	v4 =	vor.u32 v4, v7;
	v8 =	vand.u32 $0x1, v8;
	v7 =	vor.u32 v11, v5  }
0x3b: {  	v5 =	vor.u32 v3, v2;
	v4 =	vor.u32 v10, v4;
	v2 =	vor.u32 v8, v7;
	v3 =	vld [tilespmem:s10+$0x60]  }
0x3c: {  	s11 =	sadd.s32 $0x200, s11;
	v7 =	vand.u32 $0xFFFF8000, v9;
	v8 =	vshll.u32 v9, $0x1;
	v9 =	vshrl.u32 v9, $0xE  }
0x3d: {  	v8 =	vand.u32 $0x7FFE, v8;
	v9 =	vand.u32 $0x1, v9;
	v10 =	vshll.u32 v6, $0x1;
	v11 =	vld [tilespmem:s10+$0x70]  }
0x3e: {  	v12 =	vand.u32 $0xFFFF8000, v6;
	v57 =	vshrl.u32 v6, $0xE;
	v10 =	vand.u32 $0x7FFE, v10  }
0x3f: {  	[tilespmem:s10+$0x0] =	vst v1;
	v1 =	vor.u32 v7, v8;
	v6 =	vand.u32 $0x1, v57;
	v58 =	vor.u32 v12, v10  }
0x40: {  	[tilespmem:s10+$0x10] =	vst v5;
	v1 =	vor.u32 v9, v1;
	v59 =	vor.u32 v6, v58;
	v60 =	vshll.u32 v3, $0x1  }
0x41: {  	[tilespmem:s10+$0x20] =	vst v4;
	v61 =	vand.u32 $0xFFFF8000, v3;
	v3 =	vshrl.u32 v3, $0xE;
	v6 =	vand.u32 $0x7FFE, v60  }
0x42: {  	[tilespmem:s10+$0x30] =	vst v2;
	v3 =	vand.u32 $0x1, v3;
	v2 =	vor.u32 v61, v6;
	v62 =	vshll.u32 v11, $0x1  }
0x43: {  	[tilespmem:s10+$0x40] =	vst v1;
	v1 =	vand.u32 $0xFFFF8000, v11;
	v63 =	vshrl.u32 v11, $0xE;
	v4 =	vand.u32 $0x7FFE, v62  }
0x44: {  	[tilespmem:s10+$0x50] =	vst v59;
	v2 =	vor.u32 v3, v2;
	v3 =	vand.u32 $0x1, v63;
	v1 =	vor.u32 v1, v4  }
0x45: {  	[tilespmem:s10+$0x60] =	vst v2;
	v1 =	vor.u32 v3, v1  }
0x46: {  	s11 =	simm.s32 $0x6400;
	[tilespmem:s10+$0x70] =	vst v1;
	s10 =	simm.s32 $0x0  }
0x47: {  	[tilespmem:s11], [sflag:$0x1] =	stream.indirect.gather [hbm4b:s3+s7], $0x40, s10, s7, $0xb8;
	[tilespmem:$0x18400] =	vst v63  }
0x48: {  	s12 =	simm.s32 $0x8400  }
0x49: {  	[tilespmem:s12], [sflag:$0x2] =	stream.indirect.gather [hbm4b:s3+s7], $0x40, s7, s7, $0xb8;
	[tilespmem:$0x18400] =	vst v63  }
0x4a: {  	s13 =	simm.s32 $0x100;
	s12 =	simm.s32 $0xA400  }
0x4b: {  	[tilespmem:s12], [sflag:$0x3] =	stream.indirect.gather [hbm4b:s3+s7], $0x40, s13, s7, $0xb8;
	[tilespmem:$0x18400] =	vst v63  }
0x4c: {  	s14 =	simm.s32 $0x180;
	s15 =	simm.s32 $0xC400  }
0x4d: {  	[tilespmem:s15], [sflag:$0x4] =	stream.indirect.gather [hbm4b:s3+s7], $0x40, s14, s7, $0xb8;
	[tilespmem:$0x18400] =	vst v63  }
0x4e: {  	_ = 	snop  }
0x4f: {  	[tilespmem:s17], [sflag:$0x5] =	stream.indirect.gather [hbm4b:s3+s7], $0x40, s16, s7, $0xb8;
	[tilespmem:$0x18400] =	vst v63  }
0x50: {  	_ = 	snop  }
0x51: {  	[tilespmem:s19], [sflag:$0x6] =	stream.indirect.gather [hbm4b:s3+s7], $0x40, s18, s7, $0xb8;
	[tilespmem:$0x18400] =	vst v63  }
0x52: {  	_ = 	snop  }
0x53: {  	[tilespmem:s21], [sflag:$0x7] =	stream.indirect.gather [hbm4b:s3+s7], $0x40, s20, s7, $0xb8;
	[tilespmem:$0x18400] =	vst v63  }
0x54: {  	s11 =	simm.s32 $0x0;
	s12 =	simm.s32 $0x100  }
0x55: {  	[tilespmem:s23], [sflag:$0x8] =	stream.indirect.gather [hbm4b:s3+s7], $0x40, s22, s7, $0xb8;
	[tilespmem:$0x18400] =	vst v63  }
.LBB2_4:
0x56: {  	p0 =	sne.s32 s12, $0x7F00;
	[tilespmem:s11+$0x16430] =	vst v0;
	s13 =	smov.u32 s12;
	s12 =	sadd.s32 $0x100, s12  }
.Ltmp3:
0x57: {  	[tilespmem:s11+$0x16420] =	vst v0;
	(pc) =	sbr.rel @p0 .LBB2_4-.Ltmp3, $3  }
0x58: {  	[tilespmem:s11+$0x16400] =	vst v0  }
0x59: {  	[tilespmem:s11+$0x16410] =	vst v0;
	_ =	sdelay $0x1  }
0x5a: {  	s11 =	sshra.s32 s13, $0x2  }
0x5b: {  	[tilespmem:s11+$0x16430] =	vst v0  }
0x5c: {  	[tilespmem:s11+$0x16420] =	vst v0  }
0x5d: {  	[tilespmem:s11+$0x16400] =	vst v0  }
0x5e: {  	[tilespmem:s11+$0x16410] =	vst v0  }
.LBB2_6:
0x5f: {  	_ =	swait.ge [sflag:s24], $0x2000  }
0x60: {  	[sflag:s24] =	ssyncset.done $0x0  }
0x61: {  	s13 =	simm.s32 $0x0;
	s11 =	simm.s32 $0x800;
	[sflag:s24] =	ssyncadd.s32 $0xFFFFE000  }
.LBB2_7:
0x62: {  	p0 =	sne.s32 s11, $0x7800;
	v1 =	vld [tilespmem:s13+$0x65F0]  }
0x63: {  	v2 =	vld [tilespmem:s13+$0x6400]  }
0x64: {  	v3 =	vld [tilespmem:s13+$0x6410]  }
0x65: {  	v4 =	vld [tilespmem:s13+$0x6420]  }
0x66: {  	v5 =	vld [tilespmem:s13+$0x6430]  }
0x67: {  	[tilespmem:s13+$0x165F0] =	vst.add.f32.msk $0xffff, v1  }
0x68: {  	v1 =	vld [tilespmem:s13+$0x6440]  }
0x69: {  	v6 =	vld [tilespmem:s13+$0x6450]  }
0x6a: {  	v7 =	vld [tilespmem:s13+$0x6460]  }
0x6b: {  	v8 =	vld [tilespmem:s13+$0x6470]  }
0x6c: {  	v9 =	vld [tilespmem:s13+$0x6480]  }
0x6d: {  	v10 =	vld [tilespmem:s13+$0x6490]  }
0x6e: {  	v11 =	vld [tilespmem:s13+$0x64A0]  }
0x6f: {  	v12 =	vld [tilespmem:s13+$0x64B0]  }
0x70: {  	v13 =	vld [tilespmem:s13+$0x64C0]  }
0x71: {  	v14 =	vld [tilespmem:s13+$0x64D0]  }
0x72: {  	v15 =	vld [tilespmem:s13+$0x64E0]  }
0x73: {  	v16 =	vld [tilespmem:s13+$0x64F0]  }
0x74: {  	v17 =	vld [tilespmem:s13+$0x6500]  }
0x75: {  	v18 =	vld [tilespmem:s13+$0x6510]  }
0x76: {  	v19 =	vld [tilespmem:s13+$0x6520]  }
0x77: {  	v20 =	vld [tilespmem:s13+$0x6530]  }
0x78: {  	v21 =	vld [tilespmem:s13+$0x6540]  }
0x79: {  	v22 =	vld [tilespmem:s13+$0x6550]  }
0x7a: {  	v23 =	vld [tilespmem:s13+$0x6560]  }
0x7b: {  	v24 =	vld [tilespmem:s13+$0x6570]  }
0x7c: {  	v25 =	vld [tilespmem:s13+$0x6580]  }
0x7d: {  	v26 =	vld [tilespmem:s13+$0x6590]  }
0x7e: {  	v27 =	vld [tilespmem:s13+$0x65A0]  }
0x7f: {  	v28 =	vld [tilespmem:s13+$0x65B0]  }
0x80: {  	v29 =	vld [tilespmem:s13+$0x65C0]  }
0x81: {  	v30 =	vld [tilespmem:s13+$0x65D0]  }
0x82: {  	v31 =	vld [tilespmem:s13+$0x65E0]  }
0x83: {  	[tilespmem:s13+$0x16400] =	vst.add.f32.msk $0xffff, v2  }
0x84: {  	[tilespmem:s13+$0x16410] =	vst.add.f32.msk $0xffff, v3  }
0x85: {  	[tilespmem:s13+$0x16420] =	vst.add.f32.msk $0xffff, v4  }
0x86: {  	[tilespmem:s13+$0x16430] =	vst.add.f32.msk $0xffff, v5  }
0x87: {  	[tilespmem:s13+$0x16440] =	vst.add.f32.msk $0xffff, v1  }
0x88: {  	[tilespmem:s13+$0x16450] =	vst.add.f32.msk $0xffff, v6  }
0x89: {  	[tilespmem:s13+$0x16460] =	vst.add.f32.msk $0xffff, v7  }
0x8a: {  	[tilespmem:s13+$0x16470] =	vst.add.f32.msk $0xffff, v8  }
0x8b: {  	[tilespmem:s13+$0x16480] =	vst.add.f32.msk $0xffff, v9  }
0x8c: {  	[tilespmem:s13+$0x16490] =	vst.add.f32.msk $0xffff, v10  }
0x8d: {  	[tilespmem:s13+$0x164A0] =	vst.add.f32.msk $0xffff, v11  }
0x8e: {  	[tilespmem:s13+$0x164B0] =	vst.add.f32.msk $0xffff, v12  }
0x8f: {  	[tilespmem:s13+$0x164C0] =	vst.add.f32.msk $0xffff, v13  }
0x90: {  	[tilespmem:s13+$0x164D0] =	vst.add.f32.msk $0xffff, v14  }
0x91: {  	[tilespmem:s13+$0x164E0] =	vst.add.f32.msk $0xffff, v15  }
0x92: {  	[tilespmem:s13+$0x164F0] =	vst.add.f32.msk $0xffff, v16  }
0x93: {  	[tilespmem:s13+$0x16500] =	vst.add.f32.msk $0xffff, v17  }
0x94: {  	[tilespmem:s13+$0x16510] =	vst.add.f32.msk $0xffff, v18  }
0x95: {  	[tilespmem:s13+$0x16520] =	vst.add.f32.msk $0xffff, v19  }
0x96: {  	[tilespmem:s13+$0x16530] =	vst.add.f32.msk $0xffff, v20  }
0x97: {  	[tilespmem:s13+$0x16540] =	vst.add.f32.msk $0xffff, v21  }
0x98: {  	[tilespmem:s13+$0x16550] =	vst.add.f32.msk $0xffff, v22  }
0x99: {  	[tilespmem:s13+$0x16560] =	vst.add.f32.msk $0xffff, v23  }
0x9a: {  	[tilespmem:s13+$0x16570] =	vst.add.f32.msk $0xffff, v24  }
0x9b: {  	[tilespmem:s13+$0x16580] =	vst.add.f32.msk $0xffff, v25  }
0x9c: {  	[tilespmem:s13+$0x16590] =	vst.add.f32.msk $0xffff, v26  }
.Ltmp4:
0x9d: {  	[tilespmem:s13+$0x165A0] =	vst.add.f32.msk $0xffff, v27;
	(pc) =	sbr.rel @p0 .LBB2_7-.Ltmp4, $4  }
0x9e: {  	[tilespmem:s13+$0x165B0] =	vst.add.f32.msk $0xffff, v28  }
0x9f: {  	[tilespmem:s13+$0x165C0] =	vst.add.f32.msk $0xffff, v29  }
0xa0: {  	[tilespmem:s13+$0x165D0] =	vst.add.f32.msk $0xffff, v30  }
0xa1: {  	[tilespmem:s13+$0x165E0] =	vst.add.f32.msk $0xffff, v31;
	s13 =	sshra.s32 s11, $0x2;
	s11 =	sadd.s32 $0x800, s11  }
0xa2: {  	v1 =	vld [tilespmem:s13+$0x65F0]  }
0xa3: {  	v2 =	vld [tilespmem:s13+$0x6400]  }
0xa4: {  	v3 =	vld [tilespmem:s13+$0x6410]  }
0xa5: {  	v4 =	vld [tilespmem:s13+$0x6420]  }
0xa6: {  	v5 =	vld [tilespmem:s13+$0x6430]  }
0xa7: {  	v6 =	vld [tilespmem:s13+$0x6450]  }
0xa8: {  	v7 =	vld [tilespmem:s13+$0x6460]  }
0xa9: {  	v8 =	vld [tilespmem:s13+$0x6470]  }
0xaa: {  	v9 =	vld [tilespmem:s13+$0x6480]  }
0xab: {  	v10 =	vld [tilespmem:s13+$0x6490]  }
0xac: {  	v11 =	vld [tilespmem:s13+$0x64A0]  }
0xad: {  	v12 =	vld [tilespmem:s13+$0x64B0]  }
0xae: {  	v13 =	vld [tilespmem:s13+$0x64C0]  }
0xaf: {  	v14 =	vld [tilespmem:s13+$0x64D0]  }
0xb0: {  	v15 =	vld [tilespmem:s13+$0x64E0]  }
0xb1: {  	v16 =	vld [tilespmem:s13+$0x64F0]  }
0xb2: {  	v17 =	vld [tilespmem:s13+$0x6500]  }
0xb3: {  	v18 =	vld [tilespmem:s13+$0x6510]  }
0xb4: {  	v19 =	vld [tilespmem:s13+$0x6520]  }
0xb5: {  	v20 =	vld [tilespmem:s13+$0x6530]  }
0xb6: {  	v21 =	vld [tilespmem:s13+$0x6540]  }
0xb7: {  	v22 =	vld [tilespmem:s13+$0x6550]  }
0xb8: {  	v23 =	vld [tilespmem:s13+$0x6560]  }
0xb9: {  	v24 =	vld [tilespmem:s13+$0x6570]  }
0xba: {  	v25 =	vld [tilespmem:s13+$0x6580]  }
0xbb: {  	v26 =	vld [tilespmem:s13+$0x6590]  }
0xbc: {  	v27 =	vld [tilespmem:s13+$0x65A0]  }
0xbd: {  	v28 =	vld [tilespmem:s13+$0x65B0]  }
0xbe: {  	v29 =	vld [tilespmem:s13+$0x65C0]  }
0xbf: {  	v30 =	vld [tilespmem:s13+$0x65D0]  }
0xc0: {  	v31 =	vld [tilespmem:s13+$0x65E0]  }
0xc1: {  	[tilespmem:s13+$0x165F0] =	vst.add.f32.msk $0xffff, v1  }
0xc2: {  	v1 =	vld [tilespmem:s13+$0x6440]  }
0xc3: {  	[tilespmem:s13+$0x16400] =	vst.add.f32.msk $0xffff, v2  }
0xc4: {  	[tilespmem:s13+$0x16410] =	vst.add.f32.msk $0xffff, v3  }
0xc5: {  	[tilespmem:s13+$0x16420] =	vst.add.f32.msk $0xffff, v4  }
0xc6: {  	[tilespmem:s13+$0x16430] =	vst.add.f32.msk $0xffff, v5  }
0xc7: {  	[tilespmem:s13+$0x16450] =	vst.add.f32.msk $0xffff, v6  }
0xc8: {  	[tilespmem:s13+$0x16460] =	vst.add.f32.msk $0xffff, v7  }
0xc9: {  	[tilespmem:s13+$0x16470] =	vst.add.f32.msk $0xffff, v8  }
0xca: {  	[tilespmem:s13+$0x16480] =	vst.add.f32.msk $0xffff, v9  }
0xcb: {  	[tilespmem:s13+$0x16490] =	vst.add.f32.msk $0xffff, v10  }
0xcc: {  	[tilespmem:s13+$0x164A0] =	vst.add.f32.msk $0xffff, v11  }
0xcd: {  	[tilespmem:s13+$0x164B0] =	vst.add.f32.msk $0xffff, v12  }
0xce: {  	[tilespmem:s13+$0x164C0] =	vst.add.f32.msk $0xffff, v13  }
0xcf: {  	[tilespmem:s13+$0x164D0] =	vst.add.f32.msk $0xffff, v14  }
0xd0: {  	[tilespmem:s13+$0x164E0] =	vst.add.f32.msk $0xffff, v15  }
0xd1: {  	[tilespmem:s13+$0x164F0] =	vst.add.f32.msk $0xffff, v16  }
0xd2: {  	[tilespmem:s13+$0x16500] =	vst.add.f32.msk $0xffff, v17  }
0xd3: {  	[tilespmem:s13+$0x16510] =	vst.add.f32.msk $0xffff, v18  }
0xd4: {  	[tilespmem:s13+$0x16520] =	vst.add.f32.msk $0xffff, v19  }
0xd5: {  	[tilespmem:s13+$0x16530] =	vst.add.f32.msk $0xffff, v20  }
0xd6: {  	[tilespmem:s13+$0x16540] =	vst.add.f32.msk $0xffff, v21  }
0xd7: {  	[tilespmem:s13+$0x16550] =	vst.add.f32.msk $0xffff, v22  }
0xd8: {  	[tilespmem:s13+$0x16560] =	vst.add.f32.msk $0xffff, v23  }
0xd9: {  	[tilespmem:s13+$0x16570] =	vst.add.f32.msk $0xffff, v24  }
0xda: {  	[tilespmem:s13+$0x16580] =	vst.add.f32.msk $0xffff, v25  }
0xdb: {  	[tilespmem:s13+$0x16590] =	vst.add.f32.msk $0xffff, v26  }
0xdc: {  	[tilespmem:s13+$0x165A0] =	vst.add.f32.msk $0xffff, v27  }
0xdd: {  	[tilespmem:s13+$0x165B0] =	vst.add.f32.msk $0xffff, v28  }
0xde: {  	[tilespmem:s13+$0x165C0] =	vst.add.f32.msk $0xffff, v29  }
0xdf: {  	s11 =	sshll.u32 s10, $0xC;
	p0 =	seq.s32 s10, $0x18;
	[tilespmem:s13+$0x165D0] =	vst.add.f32.msk $0xffff, v30  }
0xe0: {  	s12 =	sshrl.u32 @!p0 s11, $0x2;
	[tilespmem:s13+$0x165E0] =	vst.add.f32.msk $0xffff, v31  }
0xe1: {  	s14 =	simm.s32 @!p0 $0x80;
	s15 =	simm.s32 @!p0 $0x6400;
	[tilespmem:s13+$0x16440] =	vst.add.f32.msk $0xffff, v1;
	s13 =	sadd.s32 @!p0 $0x400, s12  }
0xe2: {  	[tilespmem:s15], [sflag:$0x1] =	stream.indirect.gather @!p0 [hbm4b:s3+s14], $0x40, s13, s14, $0xb8;
	[tilespmem:$0x18400] =	vst v63  }
0xe3: {  	_ =	swait.ge [sflag:s25], $0x2000  }
0xe4: {  	[sflag:s25] =	ssyncset.done $0x0  }
0xe5: {  	s13 =	simm.s32 $0x0;
	s14 =	simm.s32 $0x800;
	[sflag:s25] =	ssyncadd.s32 $0xFFFFE000  }
.LBB2_9:
0xe6: {  	p1 =	sne.s32 s14, $0x7800;
	v1 =	vld [tilespmem:s13+$0x85F0]  }
0xe7: {  	v2 =	vld [tilespmem:s13+$0x8400]  }
0xe8: {  	v3 =	vld [tilespmem:s13+$0x8410]  }
0xe9: {  	v4 =	vld [tilespmem:s13+$0x8420]  }
0xea: {  	v5 =	vld [tilespmem:s13+$0x8430]  }
0xeb: {  	[tilespmem:s13+$0x165F0] =	vst.add.f32.msk $0xffff, v1  }
0xec: {  	v1 =	vld [tilespmem:s13+$0x8440]  }
0xed: {  	v6 =	vld [tilespmem:s13+$0x8450]  }
0xee: {  	v7 =	vld [tilespmem:s13+$0x8460]  }
0xef: {  	v8 =	vld [tilespmem:s13+$0x8470]  }
0xf0: {  	v9 =	vld [tilespmem:s13+$0x8480]  }
0xf1: {  	v10 =	vld [tilespmem:s13+$0x8490]  }
0xf2: {  	v11 =	vld [tilespmem:s13+$0x84A0]  }
0xf3: {  	v12 =	vld [tilespmem:s13+$0x84B0]  }
0xf4: {  	v13 =	vld [tilespmem:s13+$0x84C0]  }
0xf5: {  	v14 =	vld [tilespmem:s13+$0x84D0]  }
0xf6: {  	v15 =	vld [tilespmem:s13+$0x84E0]  }
0xf7: {  	v16 =	vld [tilespmem:s13+$0x84F0]  }
0xf8: {  	v17 =	vld [tilespmem:s13+$0x8500]  }
0xf9: {  	v18 =	vld [tilespmem:s13+$0x8510]  }
0xfa: {  	v19 =	vld [tilespmem:s13+$0x8520]  }
0xfb: {  	v20 =	vld [tilespmem:s13+$0x8530]  }
0xfc: {  	v21 =	vld [tilespmem:s13+$0x8540]  }
0xfd: {  	v22 =	vld [tilespmem:s13+$0x8550]  }
0xfe: {  	v23 =	vld [tilespmem:s13+$0x8560]  }
0xff: {  	v24 =	vld [tilespmem:s13+$0x8570]  }
0x100: {  	v25 =	vld [tilespmem:s13+$0x8580]  }
0x101: {  	v26 =	vld [tilespmem:s13+$0x8590]  }
0x102: {  	v27 =	vld [tilespmem:s13+$0x85A0]  }
0x103: {  	v28 =	vld [tilespmem:s13+$0x85B0]  }
0x104: {  	v29 =	vld [tilespmem:s13+$0x85C0]  }
0x105: {  	v30 =	vld [tilespmem:s13+$0x85D0]  }
0x106: {  	v31 =	vld [tilespmem:s13+$0x85E0]  }
0x107: {  	[tilespmem:s13+$0x16400] =	vst.add.f32.msk $0xffff, v2  }
0x108: {  	[tilespmem:s13+$0x16410] =	vst.add.f32.msk $0xffff, v3  }
0x109: {  	[tilespmem:s13+$0x16420] =	vst.add.f32.msk $0xffff, v4  }
0x10a: {  	[tilespmem:s13+$0x16430] =	vst.add.f32.msk $0xffff, v5  }
0x10b: {  	[tilespmem:s13+$0x16440] =	vst.add.f32.msk $0xffff, v1  }
0x10c: {  	[tilespmem:s13+$0x16450] =	vst.add.f32.msk $0xffff, v6  }
0x10d: {  	[tilespmem:s13+$0x16460] =	vst.add.f32.msk $0xffff, v7  }
0x10e: {  	[tilespmem:s13+$0x16470] =	vst.add.f32.msk $0xffff, v8  }
0x10f: {  	[tilespmem:s13+$0x16480] =	vst.add.f32.msk $0xffff, v9  }
0x110: {  	[tilespmem:s13+$0x16490] =	vst.add.f32.msk $0xffff, v10  }
0x111: {  	[tilespmem:s13+$0x164A0] =	vst.add.f32.msk $0xffff, v11  }
0x112: {  	[tilespmem:s13+$0x164B0] =	vst.add.f32.msk $0xffff, v12  }
0x113: {  	[tilespmem:s13+$0x164C0] =	vst.add.f32.msk $0xffff, v13  }
0x114: {  	[tilespmem:s13+$0x164D0] =	vst.add.f32.msk $0xffff, v14  }
0x115: {  	[tilespmem:s13+$0x164E0] =	vst.add.f32.msk $0xffff, v15  }
0x116: {  	[tilespmem:s13+$0x164F0] =	vst.add.f32.msk $0xffff, v16  }
0x117: {  	[tilespmem:s13+$0x16500] =	vst.add.f32.msk $0xffff, v17  }
0x118: {  	[tilespmem:s13+$0x16510] =	vst.add.f32.msk $0xffff, v18  }
0x119: {  	[tilespmem:s13+$0x16520] =	vst.add.f32.msk $0xffff, v19  }
0x11a: {  	[tilespmem:s13+$0x16530] =	vst.add.f32.msk $0xffff, v20  }
0x11b: {  	[tilespmem:s13+$0x16540] =	vst.add.f32.msk $0xffff, v21  }
0x11c: {  	[tilespmem:s13+$0x16550] =	vst.add.f32.msk $0xffff, v22  }
0x11d: {  	[tilespmem:s13+$0x16560] =	vst.add.f32.msk $0xffff, v23  }
0x11e: {  	[tilespmem:s13+$0x16570] =	vst.add.f32.msk $0xffff, v24  }
0x11f: {  	[tilespmem:s13+$0x16580] =	vst.add.f32.msk $0xffff, v25  }
0x120: {  	[tilespmem:s13+$0x16590] =	vst.add.f32.msk $0xffff, v26  }
.Ltmp5:
0x121: {  	[tilespmem:s13+$0x165A0] =	vst.add.f32.msk $0xffff, v27;
	(pc) =	sbr.rel @p1 .LBB2_9-.Ltmp5, $4  }
0x122: {  	[tilespmem:s13+$0x165B0] =	vst.add.f32.msk $0xffff, v28  }
0x123: {  	[tilespmem:s13+$0x165C0] =	vst.add.f32.msk $0xffff, v29  }
0x124: {  	[tilespmem:s13+$0x165D0] =	vst.add.f32.msk $0xffff, v30  }
0x125: {  	[tilespmem:s13+$0x165E0] =	vst.add.f32.msk $0xffff, v31;
	s13 =	sshra.s32 s14, $0x2;
	s14 =	sadd.s32 $0x800, s14  }
0x126: {  	v1 =	vld [tilespmem:s13+$0x85F0]  }
0x127: {  	v2 =	vld [tilespmem:s13+$0x8400]  }
0x128: {  	v3 =	vld [tilespmem:s13+$0x8410]  }
0x129: {  	v4 =	vld [tilespmem:s13+$0x8420]  }
0x12a: {  	v5 =	vld [tilespmem:s13+$0x8430]  }
0x12b: {  	v6 =	vld [tilespmem:s13+$0x8450]  }
0x12c: {  	v7 =	vld [tilespmem:s13+$0x8460]  }
0x12d: {  	v8 =	vld [tilespmem:s13+$0x8470]  }
0x12e: {  	v9 =	vld [tilespmem:s13+$0x8480]  }
0x12f: {  	v10 =	vld [tilespmem:s13+$0x8490]  }
0x130: {  	v11 =	vld [tilespmem:s13+$0x84A0]  }
0x131: {  	v12 =	vld [tilespmem:s13+$0x84B0]  }
0x132: {  	v13 =	vld [tilespmem:s13+$0x84C0]  }
0x133: {  	v14 =	vld [tilespmem:s13+$0x84D0]  }
0x134: {  	v15 =	vld [tilespmem:s13+$0x84E0]  }
0x135: {  	v16 =	vld [tilespmem:s13+$0x84F0]  }
0x136: {  	v17 =	vld [tilespmem:s13+$0x8500]  }
0x137: {  	v18 =	vld [tilespmem:s13+$0x8510]  }
0x138: {  	v19 =	vld [tilespmem:s13+$0x8520]  }
0x139: {  	v20 =	vld [tilespmem:s13+$0x8530]  }
0x13a: {  	v21 =	vld [tilespmem:s13+$0x8540]  }
0x13b: {  	v22 =	vld [tilespmem:s13+$0x8550]  }
0x13c: {  	v23 =	vld [tilespmem:s13+$0x8560]  }
0x13d: {  	v24 =	vld [tilespmem:s13+$0x8570]  }
0x13e: {  	v25 =	vld [tilespmem:s13+$0x8580]  }
0x13f: {  	v26 =	vld [tilespmem:s13+$0x8590]  }
0x140: {  	v27 =	vld [tilespmem:s13+$0x85A0]  }
0x141: {  	v28 =	vld [tilespmem:s13+$0x85B0]  }
0x142: {  	v29 =	vld [tilespmem:s13+$0x85C0]  }
0x143: {  	v30 =	vld [tilespmem:s13+$0x85D0]  }
0x144: {  	v31 =	vld [tilespmem:s13+$0x85E0]  }
0x145: {  	[tilespmem:s13+$0x165F0] =	vst.add.f32.msk $0xffff, v1  }
0x146: {  	v1 =	vld [tilespmem:s13+$0x8440]  }
0x147: {  	[tilespmem:s13+$0x16400] =	vst.add.f32.msk $0xffff, v2  }
0x148: {  	[tilespmem:s13+$0x16410] =	vst.add.f32.msk $0xffff, v3  }
0x149: {  	[tilespmem:s13+$0x16420] =	vst.add.f32.msk $0xffff, v4  }
0x14a: {  	[tilespmem:s13+$0x16430] =	vst.add.f32.msk $0xffff, v5  }
0x14b: {  	[tilespmem:s13+$0x16450] =	vst.add.f32.msk $0xffff, v6  }
0x14c: {  	[tilespmem:s13+$0x16460] =	vst.add.f32.msk $0xffff, v7  }
0x14d: {  	[tilespmem:s13+$0x16470] =	vst.add.f32.msk $0xffff, v8  }
0x14e: {  	[tilespmem:s13+$0x16480] =	vst.add.f32.msk $0xffff, v9  }
0x14f: {  	[tilespmem:s13+$0x16490] =	vst.add.f32.msk $0xffff, v10  }
0x150: {  	[tilespmem:s13+$0x164A0] =	vst.add.f32.msk $0xffff, v11  }
0x151: {  	[tilespmem:s13+$0x164B0] =	vst.add.f32.msk $0xffff, v12  }
0x152: {  	[tilespmem:s13+$0x164C0] =	vst.add.f32.msk $0xffff, v13  }
0x153: {  	[tilespmem:s13+$0x164D0] =	vst.add.f32.msk $0xffff, v14  }
0x154: {  	[tilespmem:s13+$0x164E0] =	vst.add.f32.msk $0xffff, v15  }
0x155: {  	[tilespmem:s13+$0x164F0] =	vst.add.f32.msk $0xffff, v16  }
0x156: {  	[tilespmem:s13+$0x16500] =	vst.add.f32.msk $0xffff, v17  }
0x157: {  	[tilespmem:s13+$0x16510] =	vst.add.f32.msk $0xffff, v18  }
0x158: {  	[tilespmem:s13+$0x16520] =	vst.add.f32.msk $0xffff, v19  }
0x159: {  	[tilespmem:s13+$0x16530] =	vst.add.f32.msk $0xffff, v20  }
0x15a: {  	[tilespmem:s13+$0x16540] =	vst.add.f32.msk $0xffff, v21  }
0x15b: {  	[tilespmem:s13+$0x16550] =	vst.add.f32.msk $0xffff, v22  }
0x15c: {  	[tilespmem:s13+$0x16560] =	vst.add.f32.msk $0xffff, v23  }
0x15d: {  	[tilespmem:s13+$0x16570] =	vst.add.f32.msk $0xffff, v24  }
0x15e: {  	[tilespmem:s13+$0x16580] =	vst.add.f32.msk $0xffff, v25  }
0x15f: {  	[tilespmem:s13+$0x16590] =	vst.add.f32.msk $0xffff, v26  }
0x160: {  	[tilespmem:s13+$0x165A0] =	vst.add.f32.msk $0xffff, v27  }
0x161: {  	[tilespmem:s13+$0x165B0] =	vst.add.f32.msk $0xffff, v28  }
0x162: {  	[tilespmem:s13+$0x165C0] =	vst.add.f32.msk $0xffff, v29  }
0x163: {  	[tilespmem:s13+$0x165D0] =	vst.add.f32.msk $0xffff, v30  }
0x164: {  	[tilespmem:s13+$0x165E0] =	vst.add.f32.msk $0xffff, v31  }
0x165: {  	s14 =	simm.s32 @!p0 $0x80;
	s15 =	simm.s32 @!p0 $0x8400;
	[tilespmem:s13+$0x16440] =	vst.add.f32.msk $0xffff, v1;
	s13 =	sadd.s32 @!p0 $0x480, s12  }
0x166: {  	[tilespmem:s15], [sflag:$0x2] =	stream.indirect.gather @!p0 [hbm4b:s3+s14], $0x40, s13, s14, $0xb8;
	[tilespmem:$0x18400] =	vst v63  }
0x167: {  	_ =	swait.ge [sflag:s26], $0x2000  }
0x168: {  	[sflag:s26] =	ssyncset.done $0x0  }
0x169: {  	s13 =	simm.s32 $0x0;
	s14 =	simm.s32 $0x800;
	[sflag:s26] =	ssyncadd.s32 $0xFFFFE000  }
.LBB2_11:
0x16a: {  	p1 =	sne.s32 s14, $0x7800;
	v1 =	vld [tilespmem:s13+$0xA5F0]  }
0x16b: {  	v2 =	vld [tilespmem:s13+$0xA400]  }
0x16c: {  	v3 =	vld [tilespmem:s13+$0xA410]  }
0x16d: {  	v4 =	vld [tilespmem:s13+$0xA420]  }
0x16e: {  	v5 =	vld [tilespmem:s13+$0xA430]  }
0x16f: {  	[tilespmem:s13+$0x165F0] =	vst.add.f32.msk $0xffff, v1  }
0x170: {  	v1 =	vld [tilespmem:s13+$0xA440]  }
0x171: {  	v6 =	vld [tilespmem:s13+$0xA450]  }
0x172: {  	v7 =	vld [tilespmem:s13+$0xA460]  }
0x173: {  	v8 =	vld [tilespmem:s13+$0xA470]  }
0x174: {  	v9 =	vld [tilespmem:s13+$0xA480]  }
0x175: {  	v10 =	vld [tilespmem:s13+$0xA490]  }
0x176: {  	v11 =	vld [tilespmem:s13+$0xA4A0]  }
0x177: {  	v12 =	vld [tilespmem:s13+$0xA4B0]  }
0x178: {  	v13 =	vld [tilespmem:s13+$0xA4C0]  }
0x179: {  	v14 =	vld [tilespmem:s13+$0xA4D0]  }
0x17a: {  	v15 =	vld [tilespmem:s13+$0xA4E0]  }
0x17b: {  	v16 =	vld [tilespmem:s13+$0xA4F0]  }
0x17c: {  	v17 =	vld [tilespmem:s13+$0xA500]  }
0x17d: {  	v18 =	vld [tilespmem:s13+$0xA510]  }
0x17e: {  	v19 =	vld [tilespmem:s13+$0xA520]  }
0x17f: {  	v20 =	vld [tilespmem:s13+$0xA530]  }
0x180: {  	v21 =	vld [tilespmem:s13+$0xA540]  }
0x181: {  	v22 =	vld [tilespmem:s13+$0xA550]  }
0x182: {  	v23 =	vld [tilespmem:s13+$0xA560]  }
0x183: {  	v24 =	vld [tilespmem:s13+$0xA570]  }
0x184: {  	v25 =	vld [tilespmem:s13+$0xA580]  }
0x185: {  	v26 =	vld [tilespmem:s13+$0xA590]  }
0x186: {  	v27 =	vld [tilespmem:s13+$0xA5A0]  }
0x187: {  	v28 =	vld [tilespmem:s13+$0xA5B0]  }
0x188: {  	v29 =	vld [tilespmem:s13+$0xA5C0]  }
0x189: {  	v30 =	vld [tilespmem:s13+$0xA5D0]  }
0x18a: {  	v31 =	vld [tilespmem:s13+$0xA5E0]  }
0x18b: {  	[tilespmem:s13+$0x16400] =	vst.add.f32.msk $0xffff, v2  }
0x18c: {  	[tilespmem:s13+$0x16410] =	vst.add.f32.msk $0xffff, v3  }
0x18d: {  	[tilespmem:s13+$0x16420] =	vst.add.f32.msk $0xffff, v4  }
0x18e: {  	[tilespmem:s13+$0x16430] =	vst.add.f32.msk $0xffff, v5  }
0x18f: {  	[tilespmem:s13+$0x16440] =	vst.add.f32.msk $0xffff, v1  }
0x190: {  	[tilespmem:s13+$0x16450] =	vst.add.f32.msk $0xffff, v6  }
0x191: {  	[tilespmem:s13+$0x16460] =	vst.add.f32.msk $0xffff, v7  }
0x192: {  	[tilespmem:s13+$0x16470] =	vst.add.f32.msk $0xffff, v8  }
0x193: {  	[tilespmem:s13+$0x16480] =	vst.add.f32.msk $0xffff, v9  }
0x194: {  	[tilespmem:s13+$0x16490] =	vst.add.f32.msk $0xffff, v10  }
0x195: {  	[tilespmem:s13+$0x164A0] =	vst.add.f32.msk $0xffff, v11  }
0x196: {  	[tilespmem:s13+$0x164B0] =	vst.add.f32.msk $0xffff, v12  }
0x197: {  	[tilespmem:s13+$0x164C0] =	vst.add.f32.msk $0xffff, v13  }
0x198: {  	[tilespmem:s13+$0x164D0] =	vst.add.f32.msk $0xffff, v14  }
0x199: {  	[tilespmem:s13+$0x164E0] =	vst.add.f32.msk $0xffff, v15  }
0x19a: {  	[tilespmem:s13+$0x164F0] =	vst.add.f32.msk $0xffff, v16  }
0x19b: {  	[tilespmem:s13+$0x16500] =	vst.add.f32.msk $0xffff, v17  }
0x19c: {  	[tilespmem:s13+$0x16510] =	vst.add.f32.msk $0xffff, v18  }
0x19d: {  	[tilespmem:s13+$0x16520] =	vst.add.f32.msk $0xffff, v19  }
0x19e: {  	[tilespmem:s13+$0x16530] =	vst.add.f32.msk $0xffff, v20  }
0x19f: {  	[tilespmem:s13+$0x16540] =	vst.add.f32.msk $0xffff, v21  }
0x1a0: {  	[tilespmem:s13+$0x16550] =	vst.add.f32.msk $0xffff, v22  }
0x1a1: {  	[tilespmem:s13+$0x16560] =	vst.add.f32.msk $0xffff, v23  }
0x1a2: {  	[tilespmem:s13+$0x16570] =	vst.add.f32.msk $0xffff, v24  }
0x1a3: {  	[tilespmem:s13+$0x16580] =	vst.add.f32.msk $0xffff, v25  }
0x1a4: {  	[tilespmem:s13+$0x16590] =	vst.add.f32.msk $0xffff, v26  }
.Ltmp6:
0x1a5: {  	[tilespmem:s13+$0x165A0] =	vst.add.f32.msk $0xffff, v27;
	(pc) =	sbr.rel @p1 .LBB2_11-.Ltmp6, $4  }
0x1a6: {  	[tilespmem:s13+$0x165B0] =	vst.add.f32.msk $0xffff, v28  }
0x1a7: {  	[tilespmem:s13+$0x165C0] =	vst.add.f32.msk $0xffff, v29  }
0x1a8: {  	[tilespmem:s13+$0x165D0] =	vst.add.f32.msk $0xffff, v30  }
0x1a9: {  	[tilespmem:s13+$0x165E0] =	vst.add.f32.msk $0xffff, v31;
	s13 =	sshra.s32 s14, $0x2;
	s14 =	sadd.s32 $0x800, s14  }
0x1aa: {  	v1 =	vld [tilespmem:s13+$0xA5F0]  }
0x1ab: {  	v2 =	vld [tilespmem:s13+$0xA400]  }
0x1ac: {  	v3 =	vld [tilespmem:s13+$0xA410]  }
0x1ad: {  	v4 =	vld [tilespmem:s13+$0xA420]  }
0x1ae: {  	v5 =	vld [tilespmem:s13+$0xA430]  }
0x1af: {  	v6 =	vld [tilespmem:s13+$0xA450]  }
0x1b0: {  	v7 =	vld [tilespmem:s13+$0xA460]  }
0x1b1: {  	v8 =	vld [tilespmem:s13+$0xA470]  }
0x1b2: {  	v9 =	vld [tilespmem:s13+$0xA480]  }
0x1b3: {  	v10 =	vld [tilespmem:s13+$0xA490]  }
0x1b4: {  	v11 =	vld [tilespmem:s13+$0xA4A0]  }
0x1b5: {  	v12 =	vld [tilespmem:s13+$0xA4B0]  }
0x1b6: {  	v13 =	vld [tilespmem:s13+$0xA4C0]  }
0x1b7: {  	v14 =	vld [tilespmem:s13+$0xA4D0]  }
0x1b8: {  	v15 =	vld [tilespmem:s13+$0xA4E0]  }
0x1b9: {  	v16 =	vld [tilespmem:s13+$0xA4F0]  }
0x1ba: {  	v17 =	vld [tilespmem:s13+$0xA500]  }
0x1bb: {  	v18 =	vld [tilespmem:s13+$0xA510]  }
0x1bc: {  	v19 =	vld [tilespmem:s13+$0xA520]  }
0x1bd: {  	v20 =	vld [tilespmem:s13+$0xA530]  }
0x1be: {  	v21 =	vld [tilespmem:s13+$0xA540]  }
0x1bf: {  	v22 =	vld [tilespmem:s13+$0xA550]  }
0x1c0: {  	v23 =	vld [tilespmem:s13+$0xA560]  }
0x1c1: {  	v24 =	vld [tilespmem:s13+$0xA570]  }
0x1c2: {  	v25 =	vld [tilespmem:s13+$0xA580]  }
0x1c3: {  	v26 =	vld [tilespmem:s13+$0xA590]  }
0x1c4: {  	v27 =	vld [tilespmem:s13+$0xA5A0]  }
0x1c5: {  	v28 =	vld [tilespmem:s13+$0xA5B0]  }
0x1c6: {  	v29 =	vld [tilespmem:s13+$0xA5C0]  }
0x1c7: {  	v30 =	vld [tilespmem:s13+$0xA5D0]  }
0x1c8: {  	v31 =	vld [tilespmem:s13+$0xA5E0]  }
0x1c9: {  	[tilespmem:s13+$0x165F0] =	vst.add.f32.msk $0xffff, v1  }
0x1ca: {  	v1 =	vld [tilespmem:s13+$0xA440]  }
0x1cb: {  	[tilespmem:s13+$0x16400] =	vst.add.f32.msk $0xffff, v2  }
0x1cc: {  	[tilespmem:s13+$0x16410] =	vst.add.f32.msk $0xffff, v3  }
0x1cd: {  	[tilespmem:s13+$0x16420] =	vst.add.f32.msk $0xffff, v4  }
0x1ce: {  	[tilespmem:s13+$0x16430] =	vst.add.f32.msk $0xffff, v5  }
0x1cf: {  	[tilespmem:s13+$0x16450] =	vst.add.f32.msk $0xffff, v6  }
0x1d0: {  	[tilespmem:s13+$0x16460] =	vst.add.f32.msk $0xffff, v7  }
0x1d1: {  	[tilespmem:s13+$0x16470] =	vst.add.f32.msk $0xffff, v8  }
0x1d2: {  	[tilespmem:s13+$0x16480] =	vst.add.f32.msk $0xffff, v9  }
0x1d3: {  	[tilespmem:s13+$0x16490] =	vst.add.f32.msk $0xffff, v10  }
0x1d4: {  	[tilespmem:s13+$0x164A0] =	vst.add.f32.msk $0xffff, v11  }
0x1d5: {  	[tilespmem:s13+$0x164B0] =	vst.add.f32.msk $0xffff, v12  }
0x1d6: {  	[tilespmem:s13+$0x164C0] =	vst.add.f32.msk $0xffff, v13  }
0x1d7: {  	[tilespmem:s13+$0x164D0] =	vst.add.f32.msk $0xffff, v14  }
0x1d8: {  	[tilespmem:s13+$0x164E0] =	vst.add.f32.msk $0xffff, v15  }
0x1d9: {  	[tilespmem:s13+$0x164F0] =	vst.add.f32.msk $0xffff, v16  }
0x1da: {  	[tilespmem:s13+$0x16500] =	vst.add.f32.msk $0xffff, v17  }
0x1db: {  	[tilespmem:s13+$0x16510] =	vst.add.f32.msk $0xffff, v18  }
0x1dc: {  	[tilespmem:s13+$0x16520] =	vst.add.f32.msk $0xffff, v19  }
0x1dd: {  	[tilespmem:s13+$0x16530] =	vst.add.f32.msk $0xffff, v20  }
0x1de: {  	[tilespmem:s13+$0x16540] =	vst.add.f32.msk $0xffff, v21  }
0x1df: {  	[tilespmem:s13+$0x16550] =	vst.add.f32.msk $0xffff, v22  }
0x1e0: {  	[tilespmem:s13+$0x16560] =	vst.add.f32.msk $0xffff, v23  }
0x1e1: {  	[tilespmem:s13+$0x16570] =	vst.add.f32.msk $0xffff, v24  }
0x1e2: {  	[tilespmem:s13+$0x16580] =	vst.add.f32.msk $0xffff, v25  }
0x1e3: {  	[tilespmem:s13+$0x16590] =	vst.add.f32.msk $0xffff, v26  }
0x1e4: {  	[tilespmem:s13+$0x165A0] =	vst.add.f32.msk $0xffff, v27  }
0x1e5: {  	[tilespmem:s13+$0x165B0] =	vst.add.f32.msk $0xffff, v28  }
0x1e6: {  	[tilespmem:s13+$0x165C0] =	vst.add.f32.msk $0xffff, v29  }
0x1e7: {  	[tilespmem:s13+$0x165D0] =	vst.add.f32.msk $0xffff, v30  }
0x1e8: {  	[tilespmem:s13+$0x165E0] =	vst.add.f32.msk $0xffff, v31  }
0x1e9: {  	s14 =	simm.s32 @!p0 $0x80;
	s15 =	simm.s32 @!p0 $0xA400;
	[tilespmem:s13+$0x16440] =	vst.add.f32.msk $0xffff, v1;
	s13 =	sadd.s32 @!p0 $0x500, s12  }
0x1ea: {  	[tilespmem:s15], [sflag:$0x3] =	stream.indirect.gather @!p0 [hbm4b:s3+s14], $0x40, s13, s14, $0xb8;
	[tilespmem:$0x18400] =	vst v63  }
0x1eb: {  	_ =	swait.ge [sflag:s28], $0x2000  }
0x1ec: {  	[sflag:s28] =	ssyncset.done $0x0  }
0x1ed: {  	s13 =	simm.s32 $0x0;
	s14 =	simm.s32 $0x800;
	[sflag:s28] =	ssyncadd.s32 $0xFFFFE000  }
.LBB2_13:
0x1ee: {  	p1 =	sne.s32 s14, $0x7800;
	v1 =	vld [tilespmem:s13+$0xC5F0]  }
0x1ef: {  	v2 =	vld [tilespmem:s13+$0xC400]  }
0x1f0: {  	v3 =	vld [tilespmem:s13+$0xC410]  }
0x1f1: {  	v4 =	vld [tilespmem:s13+$0xC420]  }
0x1f2: {  	v5 =	vld [tilespmem:s13+$0xC430]  }
0x1f3: {  	[tilespmem:s13+$0x165F0] =	vst.add.f32.msk $0xffff, v1  }
0x1f4: {  	v1 =	vld [tilespmem:s13+$0xC440]  }
0x1f5: {  	v6 =	vld [tilespmem:s13+$0xC450]  }
0x1f6: {  	v7 =	vld [tilespmem:s13+$0xC460]  }
0x1f7: {  	v8 =	vld [tilespmem:s13+$0xC470]  }
0x1f8: {  	v9 =	vld [tilespmem:s13+$0xC480]  }
0x1f9: {  	v10 =	vld [tilespmem:s13+$0xC490]  }
0x1fa: {  	v11 =	vld [tilespmem:s13+$0xC4A0]  }
0x1fb: {  	v12 =	vld [tilespmem:s13+$0xC4B0]  }
0x1fc: {  	v13 =	vld [tilespmem:s13+$0xC4C0]  }
0x1fd: {  	v14 =	vld [tilespmem:s13+$0xC4D0]  }
0x1fe: {  	v15 =	vld [tilespmem:s13+$0xC4E0]  }
0x1ff: {  	v16 =	vld [tilespmem:s13+$0xC4F0]  }
0x200: {  	v17 =	vld [tilespmem:s13+$0xC500]  }
0x201: {  	v18 =	vld [tilespmem:s13+$0xC510]  }
0x202: {  	v19 =	vld [tilespmem:s13+$0xC520]  }
0x203: {  	v20 =	vld [tilespmem:s13+$0xC530]  }
0x204: {  	v21 =	vld [tilespmem:s13+$0xC540]  }
0x205: {  	v22 =	vld [tilespmem:s13+$0xC550]  }
0x206: {  	v23 =	vld [tilespmem:s13+$0xC560]  }
0x207: {  	v24 =	vld [tilespmem:s13+$0xC570]  }
0x208: {  	v25 =	vld [tilespmem:s13+$0xC580]  }
0x209: {  	v26 =	vld [tilespmem:s13+$0xC590]  }
0x20a: {  	v27 =	vld [tilespmem:s13+$0xC5A0]  }
0x20b: {  	v28 =	vld [tilespmem:s13+$0xC5B0]  }
0x20c: {  	v29 =	vld [tilespmem:s13+$0xC5C0]  }
0x20d: {  	v30 =	vld [tilespmem:s13+$0xC5D0]  }
0x20e: {  	v31 =	vld [tilespmem:s13+$0xC5E0]  }
0x20f: {  	[tilespmem:s13+$0x16400] =	vst.add.f32.msk $0xffff, v2  }
0x210: {  	[tilespmem:s13+$0x16410] =	vst.add.f32.msk $0xffff, v3  }
0x211: {  	[tilespmem:s13+$0x16420] =	vst.add.f32.msk $0xffff, v4  }
0x212: {  	[tilespmem:s13+$0x16430] =	vst.add.f32.msk $0xffff, v5  }
0x213: {  	[tilespmem:s13+$0x16440] =	vst.add.f32.msk $0xffff, v1  }
0x214: {  	[tilespmem:s13+$0x16450] =	vst.add.f32.msk $0xffff, v6  }
0x215: {  	[tilespmem:s13+$0x16460] =	vst.add.f32.msk $0xffff, v7  }
0x216: {  	[tilespmem:s13+$0x16470] =	vst.add.f32.msk $0xffff, v8  }
0x217: {  	[tilespmem:s13+$0x16480] =	vst.add.f32.msk $0xffff, v9  }
0x218: {  	[tilespmem:s13+$0x16490] =	vst.add.f32.msk $0xffff, v10  }
0x219: {  	[tilespmem:s13+$0x164A0] =	vst.add.f32.msk $0xffff, v11  }
0x21a: {  	[tilespmem:s13+$0x164B0] =	vst.add.f32.msk $0xffff, v12  }
0x21b: {  	[tilespmem:s13+$0x164C0] =	vst.add.f32.msk $0xffff, v13  }
0x21c: {  	[tilespmem:s13+$0x164D0] =	vst.add.f32.msk $0xffff, v14  }
0x21d: {  	[tilespmem:s13+$0x164E0] =	vst.add.f32.msk $0xffff, v15  }
0x21e: {  	[tilespmem:s13+$0x164F0] =	vst.add.f32.msk $0xffff, v16  }
0x21f: {  	[tilespmem:s13+$0x16500] =	vst.add.f32.msk $0xffff, v17  }
0x220: {  	[tilespmem:s13+$0x16510] =	vst.add.f32.msk $0xffff, v18  }
0x221: {  	[tilespmem:s13+$0x16520] =	vst.add.f32.msk $0xffff, v19  }
0x222: {  	[tilespmem:s13+$0x16530] =	vst.add.f32.msk $0xffff, v20  }
0x223: {  	[tilespmem:s13+$0x16540] =	vst.add.f32.msk $0xffff, v21  }
0x224: {  	[tilespmem:s13+$0x16550] =	vst.add.f32.msk $0xffff, v22  }
0x225: {  	[tilespmem:s13+$0x16560] =	vst.add.f32.msk $0xffff, v23  }
0x226: {  	[tilespmem:s13+$0x16570] =	vst.add.f32.msk $0xffff, v24  }
0x227: {  	[tilespmem:s13+$0x16580] =	vst.add.f32.msk $0xffff, v25  }
0x228: {  	[tilespmem:s13+$0x16590] =	vst.add.f32.msk $0xffff, v26  }
.Ltmp7:
0x229: {  	[tilespmem:s13+$0x165A0] =	vst.add.f32.msk $0xffff, v27;
	(pc) =	sbr.rel @p1 .LBB2_13-.Ltmp7, $4  }
0x22a: {  	[tilespmem:s13+$0x165B0] =	vst.add.f32.msk $0xffff, v28  }
0x22b: {  	[tilespmem:s13+$0x165C0] =	vst.add.f32.msk $0xffff, v29  }
0x22c: {  	[tilespmem:s13+$0x165D0] =	vst.add.f32.msk $0xffff, v30  }
0x22d: {  	[tilespmem:s13+$0x165E0] =	vst.add.f32.msk $0xffff, v31;
	s13 =	sshra.s32 s14, $0x2;
	s14 =	sadd.s32 $0x800, s14  }
0x22e: {  	v1 =	vld [tilespmem:s13+$0xC5F0]  }
0x22f: {  	v2 =	vld [tilespmem:s13+$0xC400]  }
0x230: {  	v3 =	vld [tilespmem:s13+$0xC410]  }
0x231: {  	v4 =	vld [tilespmem:s13+$0xC420]  }
0x232: {  	v5 =	vld [tilespmem:s13+$0xC430]  }
0x233: {  	v6 =	vld [tilespmem:s13+$0xC450]  }
0x234: {  	v7 =	vld [tilespmem:s13+$0xC460]  }
0x235: {  	v8 =	vld [tilespmem:s13+$0xC470]  }
0x236: {  	v9 =	vld [tilespmem:s13+$0xC480]  }
0x237: {  	v10 =	vld [tilespmem:s13+$0xC490]  }
0x238: {  	v11 =	vld [tilespmem:s13+$0xC4A0]  }
0x239: {  	v12 =	vld [tilespmem:s13+$0xC4B0]  }
0x23a: {  	v13 =	vld [tilespmem:s13+$0xC4C0]  }
0x23b: {  	v14 =	vld [tilespmem:s13+$0xC4D0]  }
0x23c: {  	v15 =	vld [tilespmem:s13+$0xC4E0]  }
0x23d: {  	v16 =	vld [tilespmem:s13+$0xC4F0]  }
0x23e: {  	v17 =	vld [tilespmem:s13+$0xC500]  }
0x23f: {  	v18 =	vld [tilespmem:s13+$0xC510]  }
0x240: {  	v19 =	vld [tilespmem:s13+$0xC520]  }
0x241: {  	v20 =	vld [tilespmem:s13+$0xC530]  }
0x242: {  	v21 =	vld [tilespmem:s13+$0xC540]  }
0x243: {  	v22 =	vld [tilespmem:s13+$0xC550]  }
0x244: {  	v23 =	vld [tilespmem:s13+$0xC560]  }
0x245: {  	v24 =	vld [tilespmem:s13+$0xC570]  }
0x246: {  	v25 =	vld [tilespmem:s13+$0xC580]  }
0x247: {  	v26 =	vld [tilespmem:s13+$0xC590]  }
0x248: {  	v27 =	vld [tilespmem:s13+$0xC5A0]  }
0x249: {  	v28 =	vld [tilespmem:s13+$0xC5B0]  }
0x24a: {  	v29 =	vld [tilespmem:s13+$0xC5C0]  }
0x24b: {  	v30 =	vld [tilespmem:s13+$0xC5D0]  }
0x24c: {  	v31 =	vld [tilespmem:s13+$0xC5E0]  }
0x24d: {  	[tilespmem:s13+$0x165F0] =	vst.add.f32.msk $0xffff, v1  }
0x24e: {  	v1 =	vld [tilespmem:s13+$0xC440]  }
0x24f: {  	[tilespmem:s13+$0x16400] =	vst.add.f32.msk $0xffff, v2  }
0x250: {  	[tilespmem:s13+$0x16410] =	vst.add.f32.msk $0xffff, v3  }
0x251: {  	[tilespmem:s13+$0x16420] =	vst.add.f32.msk $0xffff, v4  }
0x252: {  	[tilespmem:s13+$0x16430] =	vst.add.f32.msk $0xffff, v5  }
0x253: {  	[tilespmem:s13+$0x16450] =	vst.add.f32.msk $0xffff, v6  }
0x254: {  	[tilespmem:s13+$0x16460] =	vst.add.f32.msk $0xffff, v7  }
0x255: {  	[tilespmem:s13+$0x16470] =	vst.add.f32.msk $0xffff, v8  }
0x256: {  	[tilespmem:s13+$0x16480] =	vst.add.f32.msk $0xffff, v9  }
0x257: {  	[tilespmem:s13+$0x16490] =	vst.add.f32.msk $0xffff, v10  }
0x258: {  	[tilespmem:s13+$0x164A0] =	vst.add.f32.msk $0xffff, v11  }
0x259: {  	[tilespmem:s13+$0x164B0] =	vst.add.f32.msk $0xffff, v12  }
0x25a: {  	[tilespmem:s13+$0x164C0] =	vst.add.f32.msk $0xffff, v13  }
0x25b: {  	[tilespmem:s13+$0x164D0] =	vst.add.f32.msk $0xffff, v14  }
0x25c: {  	[tilespmem:s13+$0x164E0] =	vst.add.f32.msk $0xffff, v15  }
0x25d: {  	[tilespmem:s13+$0x164F0] =	vst.add.f32.msk $0xffff, v16  }
0x25e: {  	[tilespmem:s13+$0x16500] =	vst.add.f32.msk $0xffff, v17  }
0x25f: {  	[tilespmem:s13+$0x16510] =	vst.add.f32.msk $0xffff, v18  }
0x260: {  	[tilespmem:s13+$0x16520] =	vst.add.f32.msk $0xffff, v19  }
0x261: {  	[tilespmem:s13+$0x16530] =	vst.add.f32.msk $0xffff, v20  }
0x262: {  	[tilespmem:s13+$0x16540] =	vst.add.f32.msk $0xffff, v21  }
0x263: {  	[tilespmem:s13+$0x16550] =	vst.add.f32.msk $0xffff, v22  }
0x264: {  	[tilespmem:s13+$0x16560] =	vst.add.f32.msk $0xffff, v23  }
0x265: {  	[tilespmem:s13+$0x16570] =	vst.add.f32.msk $0xffff, v24  }
0x266: {  	[tilespmem:s13+$0x16580] =	vst.add.f32.msk $0xffff, v25  }
0x267: {  	[tilespmem:s13+$0x16590] =	vst.add.f32.msk $0xffff, v26  }
0x268: {  	[tilespmem:s13+$0x165A0] =	vst.add.f32.msk $0xffff, v27  }
0x269: {  	[tilespmem:s13+$0x165B0] =	vst.add.f32.msk $0xffff, v28  }
0x26a: {  	[tilespmem:s13+$0x165C0] =	vst.add.f32.msk $0xffff, v29  }
0x26b: {  	[tilespmem:s13+$0x165D0] =	vst.add.f32.msk $0xffff, v30  }
0x26c: {  	[tilespmem:s13+$0x165E0] =	vst.add.f32.msk $0xffff, v31  }
0x26d: {  	s14 =	simm.s32 @!p0 $0x80;
	s15 =	simm.s32 @!p0 $0xC400;
	[tilespmem:s13+$0x16440] =	vst.add.f32.msk $0xffff, v1;
	s13 =	sadd.s32 @!p0 $0x580, s12  }
0x26e: {  	[tilespmem:s15], [sflag:$0x4] =	stream.indirect.gather @!p0 [hbm4b:s3+s14], $0x40, s13, s14, $0xb8;
	[tilespmem:$0x18400] =	vst v63  }
0x26f: {  	_ =	swait.ge [sflag:s29], $0x2000  }
0x270: {  	[sflag:s29] =	ssyncset.done $0x0  }
0x271: {  	s13 =	simm.s32 $0x0;
	s14 =	simm.s32 $0x800;
	[sflag:s29] =	ssyncadd.s32 $0xFFFFE000  }
.LBB2_15:
0x272: {  	p1 =	sne.s32 s14, $0x7800;
	v1 =	vld [tilespmem:s13+$0xE5F0]  }
0x273: {  	v2 =	vld [tilespmem:s13+$0xE400]  }
0x274: {  	v3 =	vld [tilespmem:s13+$0xE410]  }
0x275: {  	v4 =	vld [tilespmem:s13+$0xE420]  }
0x276: {  	v5 =	vld [tilespmem:s13+$0xE430]  }
0x277: {  	[tilespmem:s13+$0x165F0] =	vst.add.f32.msk $0xffff, v1  }
0x278: {  	v1 =	vld [tilespmem:s13+$0xE440]  }
0x279: {  	v6 =	vld [tilespmem:s13+$0xE450]  }
0x27a: {  	v7 =	vld [tilespmem:s13+$0xE460]  }
0x27b: {  	v8 =	vld [tilespmem:s13+$0xE470]  }
0x27c: {  	v9 =	vld [tilespmem:s13+$0xE480]  }
0x27d: {  	v10 =	vld [tilespmem:s13+$0xE490]  }
0x27e: {  	v11 =	vld [tilespmem:s13+$0xE4A0]  }
0x27f: {  	v12 =	vld [tilespmem:s13+$0xE4B0]  }
0x280: {  	v13 =	vld [tilespmem:s13+$0xE4C0]  }
0x281: {  	v14 =	vld [tilespmem:s13+$0xE4D0]  }
0x282: {  	v15 =	vld [tilespmem:s13+$0xE4E0]  }
0x283: {  	v16 =	vld [tilespmem:s13+$0xE4F0]  }
0x284: {  	v17 =	vld [tilespmem:s13+$0xE500]  }
0x285: {  	v18 =	vld [tilespmem:s13+$0xE510]  }
0x286: {  	v19 =	vld [tilespmem:s13+$0xE520]  }
0x287: {  	v20 =	vld [tilespmem:s13+$0xE530]  }
0x288: {  	v21 =	vld [tilespmem:s13+$0xE540]  }
0x289: {  	v22 =	vld [tilespmem:s13+$0xE550]  }
0x28a: {  	v23 =	vld [tilespmem:s13+$0xE560]  }
0x28b: {  	v24 =	vld [tilespmem:s13+$0xE570]  }
0x28c: {  	v25 =	vld [tilespmem:s13+$0xE580]  }
0x28d: {  	v26 =	vld [tilespmem:s13+$0xE590]  }
0x28e: {  	v27 =	vld [tilespmem:s13+$0xE5A0]  }
0x28f: {  	v28 =	vld [tilespmem:s13+$0xE5B0]  }
0x290: {  	v29 =	vld [tilespmem:s13+$0xE5C0]  }
0x291: {  	v30 =	vld [tilespmem:s13+$0xE5D0]  }
0x292: {  	v31 =	vld [tilespmem:s13+$0xE5E0]  }
0x293: {  	[tilespmem:s13+$0x16400] =	vst.add.f32.msk $0xffff, v2  }
0x294: {  	[tilespmem:s13+$0x16410] =	vst.add.f32.msk $0xffff, v3  }
0x295: {  	[tilespmem:s13+$0x16420] =	vst.add.f32.msk $0xffff, v4  }
0x296: {  	[tilespmem:s13+$0x16430] =	vst.add.f32.msk $0xffff, v5  }
0x297: {  	[tilespmem:s13+$0x16440] =	vst.add.f32.msk $0xffff, v1  }
0x298: {  	[tilespmem:s13+$0x16450] =	vst.add.f32.msk $0xffff, v6  }
0x299: {  	[tilespmem:s13+$0x16460] =	vst.add.f32.msk $0xffff, v7  }
0x29a: {  	[tilespmem:s13+$0x16470] =	vst.add.f32.msk $0xffff, v8  }
0x29b: {  	[tilespmem:s13+$0x16480] =	vst.add.f32.msk $0xffff, v9  }
0x29c: {  	[tilespmem:s13+$0x16490] =	vst.add.f32.msk $0xffff, v10  }
0x29d: {  	[tilespmem:s13+$0x164A0] =	vst.add.f32.msk $0xffff, v11  }
0x29e: {  	[tilespmem:s13+$0x164B0] =	vst.add.f32.msk $0xffff, v12  }
0x29f: {  	[tilespmem:s13+$0x164C0] =	vst.add.f32.msk $0xffff, v13  }
0x2a0: {  	[tilespmem:s13+$0x164D0] =	vst.add.f32.msk $0xffff, v14  }
0x2a1: {  	[tilespmem:s13+$0x164E0] =	vst.add.f32.msk $0xffff, v15  }
0x2a2: {  	[tilespmem:s13+$0x164F0] =	vst.add.f32.msk $0xffff, v16  }
0x2a3: {  	[tilespmem:s13+$0x16500] =	vst.add.f32.msk $0xffff, v17  }
0x2a4: {  	[tilespmem:s13+$0x16510] =	vst.add.f32.msk $0xffff, v18  }
0x2a5: {  	[tilespmem:s13+$0x16520] =	vst.add.f32.msk $0xffff, v19  }
0x2a6: {  	[tilespmem:s13+$0x16530] =	vst.add.f32.msk $0xffff, v20  }
0x2a7: {  	[tilespmem:s13+$0x16540] =	vst.add.f32.msk $0xffff, v21  }
0x2a8: {  	[tilespmem:s13+$0x16550] =	vst.add.f32.msk $0xffff, v22  }
0x2a9: {  	[tilespmem:s13+$0x16560] =	vst.add.f32.msk $0xffff, v23  }
0x2aa: {  	[tilespmem:s13+$0x16570] =	vst.add.f32.msk $0xffff, v24  }
0x2ab: {  	[tilespmem:s13+$0x16580] =	vst.add.f32.msk $0xffff, v25  }
0x2ac: {  	[tilespmem:s13+$0x16590] =	vst.add.f32.msk $0xffff, v26  }
.Ltmp8:
0x2ad: {  	[tilespmem:s13+$0x165A0] =	vst.add.f32.msk $0xffff, v27;
	(pc) =	sbr.rel @p1 .LBB2_15-.Ltmp8, $4  }
0x2ae: {  	[tilespmem:s13+$0x165B0] =	vst.add.f32.msk $0xffff, v28  }
0x2af: {  	[tilespmem:s13+$0x165C0] =	vst.add.f32.msk $0xffff, v29  }
0x2b0: {  	[tilespmem:s13+$0x165D0] =	vst.add.f32.msk $0xffff, v30  }
0x2b1: {  	[tilespmem:s13+$0x165E0] =	vst.add.f32.msk $0xffff, v31;
	s13 =	sshra.s32 s14, $0x2;
	s14 =	sadd.s32 $0x800, s14  }
0x2b2: {  	v1 =	vld [tilespmem:s13+$0xE5F0]  }
0x2b3: {  	v2 =	vld [tilespmem:s13+$0xE400]  }
0x2b4: {  	v3 =	vld [tilespmem:s13+$0xE410]  }
0x2b5: {  	v4 =	vld [tilespmem:s13+$0xE420]  }
0x2b6: {  	v5 =	vld [tilespmem:s13+$0xE430]  }
0x2b7: {  	v6 =	vld [tilespmem:s13+$0xE450]  }
0x2b8: {  	v7 =	vld [tilespmem:s13+$0xE460]  }
0x2b9: {  	v8 =	vld [tilespmem:s13+$0xE470]  }
0x2ba: {  	v9 =	vld [tilespmem:s13+$0xE480]  }
0x2bb: {  	v10 =	vld [tilespmem:s13+$0xE490]  }
0x2bc: {  	v11 =	vld [tilespmem:s13+$0xE4A0]  }
0x2bd: {  	v12 =	vld [tilespmem:s13+$0xE4B0]  }
0x2be: {  	v13 =	vld [tilespmem:s13+$0xE4C0]  }
0x2bf: {  	v14 =	vld [tilespmem:s13+$0xE4D0]  }
0x2c0: {  	v15 =	vld [tilespmem:s13+$0xE4E0]  }
0x2c1: {  	v16 =	vld [tilespmem:s13+$0xE4F0]  }
0x2c2: {  	v17 =	vld [tilespmem:s13+$0xE500]  }
0x2c3: {  	v18 =	vld [tilespmem:s13+$0xE510]  }
0x2c4: {  	v19 =	vld [tilespmem:s13+$0xE520]  }
0x2c5: {  	v20 =	vld [tilespmem:s13+$0xE530]  }
0x2c6: {  	v21 =	vld [tilespmem:s13+$0xE540]  }
0x2c7: {  	v22 =	vld [tilespmem:s13+$0xE550]  }
0x2c8: {  	v23 =	vld [tilespmem:s13+$0xE560]  }
0x2c9: {  	v24 =	vld [tilespmem:s13+$0xE570]  }
0x2ca: {  	v25 =	vld [tilespmem:s13+$0xE580]  }
0x2cb: {  	v26 =	vld [tilespmem:s13+$0xE590]  }
0x2cc: {  	v27 =	vld [tilespmem:s13+$0xE5A0]  }
0x2cd: {  	v28 =	vld [tilespmem:s13+$0xE5B0]  }
0x2ce: {  	v29 =	vld [tilespmem:s13+$0xE5C0]  }
0x2cf: {  	v30 =	vld [tilespmem:s13+$0xE5D0]  }
0x2d0: {  	v31 =	vld [tilespmem:s13+$0xE5E0]  }
0x2d1: {  	[tilespmem:s13+$0x165F0] =	vst.add.f32.msk $0xffff, v1  }
0x2d2: {  	v1 =	vld [tilespmem:s13+$0xE440]  }
0x2d3: {  	[tilespmem:s13+$0x16400] =	vst.add.f32.msk $0xffff, v2  }
0x2d4: {  	[tilespmem:s13+$0x16410] =	vst.add.f32.msk $0xffff, v3  }
0x2d5: {  	[tilespmem:s13+$0x16420] =	vst.add.f32.msk $0xffff, v4  }
0x2d6: {  	[tilespmem:s13+$0x16430] =	vst.add.f32.msk $0xffff, v5  }
0x2d7: {  	[tilespmem:s13+$0x16450] =	vst.add.f32.msk $0xffff, v6  }
0x2d8: {  	[tilespmem:s13+$0x16460] =	vst.add.f32.msk $0xffff, v7  }
0x2d9: {  	[tilespmem:s13+$0x16470] =	vst.add.f32.msk $0xffff, v8  }
0x2da: {  	[tilespmem:s13+$0x16480] =	vst.add.f32.msk $0xffff, v9  }
0x2db: {  	[tilespmem:s13+$0x16490] =	vst.add.f32.msk $0xffff, v10  }
0x2dc: {  	[tilespmem:s13+$0x164A0] =	vst.add.f32.msk $0xffff, v11  }
0x2dd: {  	[tilespmem:s13+$0x164B0] =	vst.add.f32.msk $0xffff, v12  }
0x2de: {  	[tilespmem:s13+$0x164C0] =	vst.add.f32.msk $0xffff, v13  }
0x2df: {  	[tilespmem:s13+$0x164D0] =	vst.add.f32.msk $0xffff, v14  }
0x2e0: {  	[tilespmem:s13+$0x164E0] =	vst.add.f32.msk $0xffff, v15  }
0x2e1: {  	[tilespmem:s13+$0x164F0] =	vst.add.f32.msk $0xffff, v16  }
0x2e2: {  	[tilespmem:s13+$0x16500] =	vst.add.f32.msk $0xffff, v17  }
0x2e3: {  	[tilespmem:s13+$0x16510] =	vst.add.f32.msk $0xffff, v18  }
0x2e4: {  	[tilespmem:s13+$0x16520] =	vst.add.f32.msk $0xffff, v19  }
0x2e5: {  	[tilespmem:s13+$0x16530] =	vst.add.f32.msk $0xffff, v20  }
0x2e6: {  	[tilespmem:s13+$0x16540] =	vst.add.f32.msk $0xffff, v21  }
0x2e7: {  	[tilespmem:s13+$0x16550] =	vst.add.f32.msk $0xffff, v22  }
0x2e8: {  	[tilespmem:s13+$0x16560] =	vst.add.f32.msk $0xffff, v23  }
0x2e9: {  	[tilespmem:s13+$0x16570] =	vst.add.f32.msk $0xffff, v24  }
0x2ea: {  	[tilespmem:s13+$0x16580] =	vst.add.f32.msk $0xffff, v25  }
0x2eb: {  	[tilespmem:s13+$0x16590] =	vst.add.f32.msk $0xffff, v26  }
0x2ec: {  	[tilespmem:s13+$0x165A0] =	vst.add.f32.msk $0xffff, v27  }
0x2ed: {  	[tilespmem:s13+$0x165B0] =	vst.add.f32.msk $0xffff, v28  }
0x2ee: {  	[tilespmem:s13+$0x165C0] =	vst.add.f32.msk $0xffff, v29  }
0x2ef: {  	[tilespmem:s13+$0x165D0] =	vst.add.f32.msk $0xffff, v30  }
0x2f0: {  	[tilespmem:s13+$0x165E0] =	vst.add.f32.msk $0xffff, v31  }
0x2f1: {  	s14 =	simm.s32 @!p0 $0x80;
	s15 =	simm.s32 @!p0 $0xE400;
	[tilespmem:s13+$0x16440] =	vst.add.f32.msk $0xffff, v1;
	s13 =	sadd.s32 @!p0 $0x600, s12  }
0x2f2: {  	[tilespmem:s15], [sflag:$0x5] =	stream.indirect.gather @!p0 [hbm4b:s3+s14], $0x40, s13, s14, $0xb8;
	[tilespmem:$0x18400] =	vst v63  }
0x2f3: {  	_ =	swait.ge [sflag:s30], $0x2000  }
0x2f4: {  	[sflag:s30] =	ssyncset.done $0x0  }
0x2f5: {  	s13 =	simm.s32 $0x0;
	s14 =	simm.s32 $0x800;
	[sflag:s30] =	ssyncadd.s32 $0xFFFFE000  }
.LBB2_17:
0x2f6: {  	p1 =	sne.s32 s14, $0x7800;
	v1 =	vld [tilespmem:s13+$0x105F0]  }
0x2f7: {  	v2 =	vld [tilespmem:s13+$0x10400]  }
0x2f8: {  	v3 =	vld [tilespmem:s13+$0x10410]  }
0x2f9: {  	v4 =	vld [tilespmem:s13+$0x10420]  }
0x2fa: {  	v5 =	vld [tilespmem:s13+$0x10430]  }
0x2fb: {  	[tilespmem:s13+$0x165F0] =	vst.add.f32.msk $0xffff, v1  }
0x2fc: {  	v1 =	vld [tilespmem:s13+$0x10440]  }
0x2fd: {  	v6 =	vld [tilespmem:s13+$0x10450]  }
0x2fe: {  	v7 =	vld [tilespmem:s13+$0x10460]  }
0x2ff: {  	v8 =	vld [tilespmem:s13+$0x10470]  }
0x300: {  	v9 =	vld [tilespmem:s13+$0x10480]  }
0x301: {  	v10 =	vld [tilespmem:s13+$0x10490]  }
0x302: {  	v11 =	vld [tilespmem:s13+$0x104A0]  }
0x303: {  	v12 =	vld [tilespmem:s13+$0x104B0]  }
0x304: {  	v13 =	vld [tilespmem:s13+$0x104C0]  }
0x305: {  	v14 =	vld [tilespmem:s13+$0x104D0]  }
0x306: {  	v15 =	vld [tilespmem:s13+$0x104E0]  }
0x307: {  	v16 =	vld [tilespmem:s13+$0x104F0]  }
0x308: {  	v17 =	vld [tilespmem:s13+$0x10500]  }
0x309: {  	v18 =	vld [tilespmem:s13+$0x10510]  }
0x30a: {  	v19 =	vld [tilespmem:s13+$0x10520]  }
0x30b: {  	v20 =	vld [tilespmem:s13+$0x10530]  }
0x30c: {  	v21 =	vld [tilespmem:s13+$0x10540]  }
0x30d: {  	v22 =	vld [tilespmem:s13+$0x10550]  }
0x30e: {  	v23 =	vld [tilespmem:s13+$0x10560]  }
0x30f: {  	v24 =	vld [tilespmem:s13+$0x10570]  }
0x310: {  	v25 =	vld [tilespmem:s13+$0x10580]  }
0x311: {  	v26 =	vld [tilespmem:s13+$0x10590]  }
0x312: {  	v27 =	vld [tilespmem:s13+$0x105A0]  }
0x313: {  	v28 =	vld [tilespmem:s13+$0x105B0]  }
0x314: {  	v29 =	vld [tilespmem:s13+$0x105C0]  }
0x315: {  	v30 =	vld [tilespmem:s13+$0x105D0]  }
0x316: {  	v31 =	vld [tilespmem:s13+$0x105E0]  }
0x317: {  	[tilespmem:s13+$0x16400] =	vst.add.f32.msk $0xffff, v2  }
0x318: {  	[tilespmem:s13+$0x16410] =	vst.add.f32.msk $0xffff, v3  }
0x319: {  	[tilespmem:s13+$0x16420] =	vst.add.f32.msk $0xffff, v4  }
0x31a: {  	[tilespmem:s13+$0x16430] =	vst.add.f32.msk $0xffff, v5  }
0x31b: {  	[tilespmem:s13+$0x16440] =	vst.add.f32.msk $0xffff, v1  }
0x31c: {  	[tilespmem:s13+$0x16450] =	vst.add.f32.msk $0xffff, v6  }
0x31d: {  	[tilespmem:s13+$0x16460] =	vst.add.f32.msk $0xffff, v7  }
0x31e: {  	[tilespmem:s13+$0x16470] =	vst.add.f32.msk $0xffff, v8  }
0x31f: {  	[tilespmem:s13+$0x16480] =	vst.add.f32.msk $0xffff, v9  }
0x320: {  	[tilespmem:s13+$0x16490] =	vst.add.f32.msk $0xffff, v10  }
0x321: {  	[tilespmem:s13+$0x164A0] =	vst.add.f32.msk $0xffff, v11  }
0x322: {  	[tilespmem:s13+$0x164B0] =	vst.add.f32.msk $0xffff, v12  }
0x323: {  	[tilespmem:s13+$0x164C0] =	vst.add.f32.msk $0xffff, v13  }
0x324: {  	[tilespmem:s13+$0x164D0] =	vst.add.f32.msk $0xffff, v14  }
0x325: {  	[tilespmem:s13+$0x164E0] =	vst.add.f32.msk $0xffff, v15  }
0x326: {  	[tilespmem:s13+$0x164F0] =	vst.add.f32.msk $0xffff, v16  }
0x327: {  	[tilespmem:s13+$0x16500] =	vst.add.f32.msk $0xffff, v17  }
0x328: {  	[tilespmem:s13+$0x16510] =	vst.add.f32.msk $0xffff, v18  }
0x329: {  	[tilespmem:s13+$0x16520] =	vst.add.f32.msk $0xffff, v19  }
0x32a: {  	[tilespmem:s13+$0x16530] =	vst.add.f32.msk $0xffff, v20  }
0x32b: {  	[tilespmem:s13+$0x16540] =	vst.add.f32.msk $0xffff, v21  }
0x32c: {  	[tilespmem:s13+$0x16550] =	vst.add.f32.msk $0xffff, v22  }
0x32d: {  	[tilespmem:s13+$0x16560] =	vst.add.f32.msk $0xffff, v23  }
0x32e: {  	[tilespmem:s13+$0x16570] =	vst.add.f32.msk $0xffff, v24  }
0x32f: {  	[tilespmem:s13+$0x16580] =	vst.add.f32.msk $0xffff, v25  }
0x330: {  	[tilespmem:s13+$0x16590] =	vst.add.f32.msk $0xffff, v26  }
.Ltmp9:
0x331: {  	[tilespmem:s13+$0x165A0] =	vst.add.f32.msk $0xffff, v27;
	(pc) =	sbr.rel @p1 .LBB2_17-.Ltmp9, $4  }
0x332: {  	[tilespmem:s13+$0x165B0] =	vst.add.f32.msk $0xffff, v28  }
0x333: {  	[tilespmem:s13+$0x165C0] =	vst.add.f32.msk $0xffff, v29  }
0x334: {  	[tilespmem:s13+$0x165D0] =	vst.add.f32.msk $0xffff, v30  }
0x335: {  	[tilespmem:s13+$0x165E0] =	vst.add.f32.msk $0xffff, v31;
	s13 =	sshra.s32 s14, $0x2;
	s14 =	sadd.s32 $0x800, s14  }
0x336: {  	v1 =	vld [tilespmem:s13+$0x105F0]  }
0x337: {  	v2 =	vld [tilespmem:s13+$0x10400]  }
0x338: {  	v3 =	vld [tilespmem:s13+$0x10410]  }
0x339: {  	v4 =	vld [tilespmem:s13+$0x10420]  }
0x33a: {  	v5 =	vld [tilespmem:s13+$0x10430]  }
0x33b: {  	v6 =	vld [tilespmem:s13+$0x10450]  }
0x33c: {  	v7 =	vld [tilespmem:s13+$0x10460]  }
0x33d: {  	v8 =	vld [tilespmem:s13+$0x10470]  }
0x33e: {  	v9 =	vld [tilespmem:s13+$0x10480]  }
0x33f: {  	v10 =	vld [tilespmem:s13+$0x10490]  }
0x340: {  	v11 =	vld [tilespmem:s13+$0x104A0]  }
0x341: {  	v12 =	vld [tilespmem:s13+$0x104B0]  }
0x342: {  	v13 =	vld [tilespmem:s13+$0x104C0]  }
0x343: {  	v14 =	vld [tilespmem:s13+$0x104D0]  }
0x344: {  	v15 =	vld [tilespmem:s13+$0x104E0]  }
0x345: {  	v16 =	vld [tilespmem:s13+$0x104F0]  }
0x346: {  	v17 =	vld [tilespmem:s13+$0x10500]  }
0x347: {  	v18 =	vld [tilespmem:s13+$0x10510]  }
0x348: {  	v19 =	vld [tilespmem:s13+$0x10520]  }
0x349: {  	v20 =	vld [tilespmem:s13+$0x10530]  }
0x34a: {  	v21 =	vld [tilespmem:s13+$0x10540]  }
0x34b: {  	v22 =	vld [tilespmem:s13+$0x10550]  }
0x34c: {  	v23 =	vld [tilespmem:s13+$0x10560]  }
0x34d: {  	v24 =	vld [tilespmem:s13+$0x10570]  }
0x34e: {  	v25 =	vld [tilespmem:s13+$0x10580]  }
0x34f: {  	v26 =	vld [tilespmem:s13+$0x10590]  }
0x350: {  	v27 =	vld [tilespmem:s13+$0x105A0]  }
0x351: {  	v28 =	vld [tilespmem:s13+$0x105B0]  }
0x352: {  	v29 =	vld [tilespmem:s13+$0x105C0]  }
0x353: {  	v30 =	vld [tilespmem:s13+$0x105D0]  }
0x354: {  	v31 =	vld [tilespmem:s13+$0x105E0]  }
0x355: {  	[tilespmem:s13+$0x165F0] =	vst.add.f32.msk $0xffff, v1  }
0x356: {  	v1 =	vld [tilespmem:s13+$0x10440]  }
0x357: {  	[tilespmem:s13+$0x16400] =	vst.add.f32.msk $0xffff, v2  }
0x358: {  	[tilespmem:s13+$0x16410] =	vst.add.f32.msk $0xffff, v3  }
0x359: {  	[tilespmem:s13+$0x16420] =	vst.add.f32.msk $0xffff, v4  }
0x35a: {  	[tilespmem:s13+$0x16430] =	vst.add.f32.msk $0xffff, v5  }
0x35b: {  	[tilespmem:s13+$0x16450] =	vst.add.f32.msk $0xffff, v6  }
0x35c: {  	[tilespmem:s13+$0x16460] =	vst.add.f32.msk $0xffff, v7  }
0x35d: {  	[tilespmem:s13+$0x16470] =	vst.add.f32.msk $0xffff, v8  }
0x35e: {  	[tilespmem:s13+$0x16480] =	vst.add.f32.msk $0xffff, v9  }
0x35f: {  	[tilespmem:s13+$0x16490] =	vst.add.f32.msk $0xffff, v10  }
0x360: {  	[tilespmem:s13+$0x164A0] =	vst.add.f32.msk $0xffff, v11  }
0x361: {  	[tilespmem:s13+$0x164B0] =	vst.add.f32.msk $0xffff, v12  }
0x362: {  	[tilespmem:s13+$0x164C0] =	vst.add.f32.msk $0xffff, v13  }
0x363: {  	[tilespmem:s13+$0x164D0] =	vst.add.f32.msk $0xffff, v14  }
0x364: {  	[tilespmem:s13+$0x164E0] =	vst.add.f32.msk $0xffff, v15  }
0x365: {  	[tilespmem:s13+$0x164F0] =	vst.add.f32.msk $0xffff, v16  }
0x366: {  	[tilespmem:s13+$0x16500] =	vst.add.f32.msk $0xffff, v17  }
0x367: {  	[tilespmem:s13+$0x16510] =	vst.add.f32.msk $0xffff, v18  }
0x368: {  	[tilespmem:s13+$0x16520] =	vst.add.f32.msk $0xffff, v19  }
0x369: {  	[tilespmem:s13+$0x16530] =	vst.add.f32.msk $0xffff, v20  }
0x36a: {  	[tilespmem:s13+$0x16540] =	vst.add.f32.msk $0xffff, v21  }
0x36b: {  	[tilespmem:s13+$0x16550] =	vst.add.f32.msk $0xffff, v22  }
0x36c: {  	[tilespmem:s13+$0x16560] =	vst.add.f32.msk $0xffff, v23  }
0x36d: {  	[tilespmem:s13+$0x16570] =	vst.add.f32.msk $0xffff, v24  }
0x36e: {  	[tilespmem:s13+$0x16580] =	vst.add.f32.msk $0xffff, v25  }
0x36f: {  	[tilespmem:s13+$0x16590] =	vst.add.f32.msk $0xffff, v26  }
0x370: {  	[tilespmem:s13+$0x165A0] =	vst.add.f32.msk $0xffff, v27  }
0x371: {  	[tilespmem:s13+$0x165B0] =	vst.add.f32.msk $0xffff, v28  }
0x372: {  	[tilespmem:s13+$0x165C0] =	vst.add.f32.msk $0xffff, v29  }
0x373: {  	[tilespmem:s13+$0x165D0] =	vst.add.f32.msk $0xffff, v30  }
0x374: {  	[tilespmem:s13+$0x165E0] =	vst.add.f32.msk $0xffff, v31  }
0x375: {  	s14 =	simm.s32 @!p0 $0x80;
	s15 =	simm.s32 @!p0 $0x10400;
	[tilespmem:s13+$0x16440] =	vst.add.f32.msk $0xffff, v1;
	s13 =	sadd.s32 @!p0 $0x680, s12  }
0x376: {  	[tilespmem:s15], [sflag:$0x6] =	stream.indirect.gather @!p0 [hbm4b:s3+s14], $0x40, s13, s14, $0xb8;
	[tilespmem:$0x18400] =	vst v63  }
0x377: {  	_ =	swait.ge [sflag:s31], $0x2000  }
0x378: {  	[sflag:s31] =	ssyncset.done $0x0  }
0x379: {  	s13 =	simm.s32 $0x0;
	s14 =	simm.s32 $0x800;
	[sflag:s31] =	ssyncadd.s32 $0xFFFFE000  }
.LBB2_19:
0x37a: {  	p1 =	sne.s32 s14, $0x7800;
	v1 =	vld [tilespmem:s13+$0x125F0]  }
0x37b: {  	v2 =	vld [tilespmem:s13+$0x12400]  }
0x37c: {  	v3 =	vld [tilespmem:s13+$0x12410]  }
0x37d: {  	v4 =	vld [tilespmem:s13+$0x12420]  }
0x37e: {  	v5 =	vld [tilespmem:s13+$0x12430]  }
0x37f: {  	[tilespmem:s13+$0x165F0] =	vst.add.f32.msk $0xffff, v1  }
0x380: {  	v1 =	vld [tilespmem:s13+$0x12440]  }
0x381: {  	v6 =	vld [tilespmem:s13+$0x12450]  }
0x382: {  	v7 =	vld [tilespmem:s13+$0x12460]  }
0x383: {  	v8 =	vld [tilespmem:s13+$0x12470]  }
0x384: {  	v9 =	vld [tilespmem:s13+$0x12480]  }
0x385: {  	v10 =	vld [tilespmem:s13+$0x12490]  }
0x386: {  	v11 =	vld [tilespmem:s13+$0x124A0]  }
0x387: {  	v12 =	vld [tilespmem:s13+$0x124B0]  }
0x388: {  	v13 =	vld [tilespmem:s13+$0x124C0]  }
0x389: {  	v14 =	vld [tilespmem:s13+$0x124D0]  }
0x38a: {  	v15 =	vld [tilespmem:s13+$0x124E0]  }
0x38b: {  	v16 =	vld [tilespmem:s13+$0x124F0]  }
0x38c: {  	v17 =	vld [tilespmem:s13+$0x12500]  }
0x38d: {  	v18 =	vld [tilespmem:s13+$0x12510]  }
0x38e: {  	v19 =	vld [tilespmem:s13+$0x12520]  }
0x38f: {  	v20 =	vld [tilespmem:s13+$0x12530]  }
0x390: {  	v21 =	vld [tilespmem:s13+$0x12540]  }
0x391: {  	v22 =	vld [tilespmem:s13+$0x12550]  }
0x392: {  	v23 =	vld [tilespmem:s13+$0x12560]  }
0x393: {  	v24 =	vld [tilespmem:s13+$0x12570]  }
0x394: {  	v25 =	vld [tilespmem:s13+$0x12580]  }
0x395: {  	v26 =	vld [tilespmem:s13+$0x12590]  }
0x396: {  	v27 =	vld [tilespmem:s13+$0x125A0]  }
0x397: {  	v28 =	vld [tilespmem:s13+$0x125B0]  }
0x398: {  	v29 =	vld [tilespmem:s13+$0x125C0]  }
0x399: {  	v30 =	vld [tilespmem:s13+$0x125D0]  }
0x39a: {  	v31 =	vld [tilespmem:s13+$0x125E0]  }
0x39b: {  	[tilespmem:s13+$0x16400] =	vst.add.f32.msk $0xffff, v2  }
0x39c: {  	[tilespmem:s13+$0x16410] =	vst.add.f32.msk $0xffff, v3  }
0x39d: {  	[tilespmem:s13+$0x16420] =	vst.add.f32.msk $0xffff, v4  }
0x39e: {  	[tilespmem:s13+$0x16430] =	vst.add.f32.msk $0xffff, v5  }
0x39f: {  	[tilespmem:s13+$0x16440] =	vst.add.f32.msk $0xffff, v1  }
0x3a0: {  	[tilespmem:s13+$0x16450] =	vst.add.f32.msk $0xffff, v6  }
0x3a1: {  	[tilespmem:s13+$0x16460] =	vst.add.f32.msk $0xffff, v7  }
0x3a2: {  	[tilespmem:s13+$0x16470] =	vst.add.f32.msk $0xffff, v8  }
0x3a3: {  	[tilespmem:s13+$0x16480] =	vst.add.f32.msk $0xffff, v9  }
0x3a4: {  	[tilespmem:s13+$0x16490] =	vst.add.f32.msk $0xffff, v10  }
0x3a5: {  	[tilespmem:s13+$0x164A0] =	vst.add.f32.msk $0xffff, v11  }
0x3a6: {  	[tilespmem:s13+$0x164B0] =	vst.add.f32.msk $0xffff, v12  }
0x3a7: {  	[tilespmem:s13+$0x164C0] =	vst.add.f32.msk $0xffff, v13  }
0x3a8: {  	[tilespmem:s13+$0x164D0] =	vst.add.f32.msk $0xffff, v14  }
0x3a9: {  	[tilespmem:s13+$0x164E0] =	vst.add.f32.msk $0xffff, v15  }
0x3aa: {  	[tilespmem:s13+$0x164F0] =	vst.add.f32.msk $0xffff, v16  }
0x3ab: {  	[tilespmem:s13+$0x16500] =	vst.add.f32.msk $0xffff, v17  }
0x3ac: {  	[tilespmem:s13+$0x16510] =	vst.add.f32.msk $0xffff, v18  }
0x3ad: {  	[tilespmem:s13+$0x16520] =	vst.add.f32.msk $0xffff, v19  }
0x3ae: {  	[tilespmem:s13+$0x16530] =	vst.add.f32.msk $0xffff, v20  }
0x3af: {  	[tilespmem:s13+$0x16540] =	vst.add.f32.msk $0xffff, v21  }
0x3b0: {  	[tilespmem:s13+$0x16550] =	vst.add.f32.msk $0xffff, v22  }
0x3b1: {  	[tilespmem:s13+$0x16560] =	vst.add.f32.msk $0xffff, v23  }
0x3b2: {  	[tilespmem:s13+$0x16570] =	vst.add.f32.msk $0xffff, v24  }
0x3b3: {  	[tilespmem:s13+$0x16580] =	vst.add.f32.msk $0xffff, v25  }
0x3b4: {  	[tilespmem:s13+$0x16590] =	vst.add.f32.msk $0xffff, v26  }
.Ltmp10:
0x3b5: {  	[tilespmem:s13+$0x165A0] =	vst.add.f32.msk $0xffff, v27;
	(pc) =	sbr.rel @p1 .LBB2_19-.Ltmp10, $4  }
0x3b6: {  	[tilespmem:s13+$0x165B0] =	vst.add.f32.msk $0xffff, v28  }
0x3b7: {  	[tilespmem:s13+$0x165C0] =	vst.add.f32.msk $0xffff, v29  }
0x3b8: {  	[tilespmem:s13+$0x165D0] =	vst.add.f32.msk $0xffff, v30  }
0x3b9: {  	[tilespmem:s13+$0x165E0] =	vst.add.f32.msk $0xffff, v31;
	s13 =	sshra.s32 s14, $0x2;
	s14 =	sadd.s32 $0x800, s14  }
0x3ba: {  	v1 =	vld [tilespmem:s13+$0x125F0]  }
0x3bb: {  	v2 =	vld [tilespmem:s13+$0x12400]  }
0x3bc: {  	v3 =	vld [tilespmem:s13+$0x12410]  }
0x3bd: {  	v4 =	vld [tilespmem:s13+$0x12420]  }
0x3be: {  	v5 =	vld [tilespmem:s13+$0x12430]  }
0x3bf: {  	v6 =	vld [tilespmem:s13+$0x12450]  }
0x3c0: {  	v7 =	vld [tilespmem:s13+$0x12460]  }
0x3c1: {  	v8 =	vld [tilespmem:s13+$0x12470]  }
0x3c2: {  	v9 =	vld [tilespmem:s13+$0x12480]  }
0x3c3: {  	v10 =	vld [tilespmem:s13+$0x12490]  }
0x3c4: {  	v11 =	vld [tilespmem:s13+$0x124A0]  }
0x3c5: {  	v12 =	vld [tilespmem:s13+$0x124B0]  }
0x3c6: {  	v13 =	vld [tilespmem:s13+$0x124C0]  }
0x3c7: {  	v14 =	vld [tilespmem:s13+$0x124D0]  }
0x3c8: {  	v15 =	vld [tilespmem:s13+$0x124E0]  }
0x3c9: {  	v16 =	vld [tilespmem:s13+$0x124F0]  }
0x3ca: {  	v17 =	vld [tilespmem:s13+$0x12500]  }
0x3cb: {  	v18 =	vld [tilespmem:s13+$0x12510]  }
0x3cc: {  	v19 =	vld [tilespmem:s13+$0x12520]  }
0x3cd: {  	v20 =	vld [tilespmem:s13+$0x12530]  }
0x3ce: {  	v21 =	vld [tilespmem:s13+$0x12540]  }
0x3cf: {  	v22 =	vld [tilespmem:s13+$0x12550]  }
0x3d0: {  	v23 =	vld [tilespmem:s13+$0x12560]  }
0x3d1: {  	v24 =	vld [tilespmem:s13+$0x12570]  }
0x3d2: {  	v25 =	vld [tilespmem:s13+$0x12580]  }
0x3d3: {  	v26 =	vld [tilespmem:s13+$0x12590]  }
0x3d4: {  	v27 =	vld [tilespmem:s13+$0x125A0]  }
0x3d5: {  	v28 =	vld [tilespmem:s13+$0x125B0]  }
0x3d6: {  	v29 =	vld [tilespmem:s13+$0x125C0]  }
0x3d7: {  	v30 =	vld [tilespmem:s13+$0x125D0]  }
0x3d8: {  	v31 =	vld [tilespmem:s13+$0x125E0]  }
0x3d9: {  	[tilespmem:s13+$0x165F0] =	vst.add.f32.msk $0xffff, v1  }
0x3da: {  	v1 =	vld [tilespmem:s13+$0x12440]  }
0x3db: {  	[tilespmem:s13+$0x16400] =	vst.add.f32.msk $0xffff, v2  }
0x3dc: {  	[tilespmem:s13+$0x16410] =	vst.add.f32.msk $0xffff, v3  }
0x3dd: {  	[tilespmem:s13+$0x16420] =	vst.add.f32.msk $0xffff, v4  }
0x3de: {  	[tilespmem:s13+$0x16430] =	vst.add.f32.msk $0xffff, v5  }
0x3df: {  	[tilespmem:s13+$0x16450] =	vst.add.f32.msk $0xffff, v6  }
0x3e0: {  	[tilespmem:s13+$0x16460] =	vst.add.f32.msk $0xffff, v7  }
0x3e1: {  	[tilespmem:s13+$0x16470] =	vst.add.f32.msk $0xffff, v8  }
0x3e2: {  	[tilespmem:s13+$0x16480] =	vst.add.f32.msk $0xffff, v9  }
0x3e3: {  	[tilespmem:s13+$0x16490] =	vst.add.f32.msk $0xffff, v10  }
0x3e4: {  	[tilespmem:s13+$0x164A0] =	vst.add.f32.msk $0xffff, v11  }
0x3e5: {  	[tilespmem:s13+$0x164B0] =	vst.add.f32.msk $0xffff, v12  }
0x3e6: {  	[tilespmem:s13+$0x164C0] =	vst.add.f32.msk $0xffff, v13  }
0x3e7: {  	[tilespmem:s13+$0x164D0] =	vst.add.f32.msk $0xffff, v14  }
0x3e8: {  	[tilespmem:s13+$0x164E0] =	vst.add.f32.msk $0xffff, v15  }
0x3e9: {  	[tilespmem:s13+$0x164F0] =	vst.add.f32.msk $0xffff, v16  }
0x3ea: {  	[tilespmem:s13+$0x16500] =	vst.add.f32.msk $0xffff, v17  }
0x3eb: {  	[tilespmem:s13+$0x16510] =	vst.add.f32.msk $0xffff, v18  }
0x3ec: {  	[tilespmem:s13+$0x16520] =	vst.add.f32.msk $0xffff, v19  }
0x3ed: {  	[tilespmem:s13+$0x16530] =	vst.add.f32.msk $0xffff, v20  }
0x3ee: {  	[tilespmem:s13+$0x16540] =	vst.add.f32.msk $0xffff, v21  }
0x3ef: {  	[tilespmem:s13+$0x16550] =	vst.add.f32.msk $0xffff, v22  }
0x3f0: {  	[tilespmem:s13+$0x16560] =	vst.add.f32.msk $0xffff, v23  }
0x3f1: {  	[tilespmem:s13+$0x16570] =	vst.add.f32.msk $0xffff, v24  }
0x3f2: {  	[tilespmem:s13+$0x16580] =	vst.add.f32.msk $0xffff, v25  }
0x3f3: {  	[tilespmem:s13+$0x16590] =	vst.add.f32.msk $0xffff, v26  }
0x3f4: {  	[tilespmem:s13+$0x165A0] =	vst.add.f32.msk $0xffff, v27  }
0x3f5: {  	[tilespmem:s13+$0x165B0] =	vst.add.f32.msk $0xffff, v28  }
0x3f6: {  	[tilespmem:s13+$0x165C0] =	vst.add.f32.msk $0xffff, v29  }
0x3f7: {  	[tilespmem:s13+$0x165D0] =	vst.add.f32.msk $0xffff, v30  }
0x3f8: {  	[tilespmem:s13+$0x165E0] =	vst.add.f32.msk $0xffff, v31  }
0x3f9: {  	s12 =	sadd.s32 @!p0 $0x700, s12;
	s14 =	simm.s32 @!p0 $0x12400;
	[tilespmem:s13+$0x16440] =	vst.add.f32.msk $0xffff, v1;
	s13 =	simm.s32 @!p0 $0x80  }
0x3fa: {  	[tilespmem:s14], [sflag:$0x7] =	stream.indirect.gather @!p0 [hbm4b:s3+s13], $0x40, s12, s13, $0xb8;
	[tilespmem:$0x18400] =	vst v63  }
0x3fb: {  	_ =	swait.ge [sflag:s1], $0x2000  }
0x3fc: {  	[sflag:s1] =	ssyncset.done $0x0  }
0x3fd: {  	s12 =	simm.s32 $0x0;
	s13 =	simm.s32 $0x800;
	[sflag:s1] =	ssyncadd.s32 $0xFFFFE000  }
.LBB2_21:
0x3fe: {  	p1 =	sne.s32 s13, $0x7800;
	v1 =	vld [tilespmem:s12+$0x145F0]  }
0x3ff: {  	v2 =	vld [tilespmem:s12+$0x14400]  }
0x400: {  	v3 =	vld [tilespmem:s12+$0x14410]  }
0x401: {  	v4 =	vld [tilespmem:s12+$0x14420]  }
0x402: {  	v5 =	vld [tilespmem:s12+$0x14430]  }
0x403: {  	[tilespmem:s12+$0x165F0] =	vst.add.f32.msk $0xffff, v1  }
0x404: {  	v1 =	vld [tilespmem:s12+$0x14440]  }
0x405: {  	v6 =	vld [tilespmem:s12+$0x14450]  }
0x406: {  	v7 =	vld [tilespmem:s12+$0x14460]  }
0x407: {  	v8 =	vld [tilespmem:s12+$0x14470]  }
0x408: {  	v9 =	vld [tilespmem:s12+$0x14480]  }
0x409: {  	v10 =	vld [tilespmem:s12+$0x14490]  }
0x40a: {  	v11 =	vld [tilespmem:s12+$0x144A0]  }
0x40b: {  	v12 =	vld [tilespmem:s12+$0x144B0]  }
0x40c: {  	v13 =	vld [tilespmem:s12+$0x144C0]  }
0x40d: {  	v14 =	vld [tilespmem:s12+$0x144D0]  }
0x40e: {  	v15 =	vld [tilespmem:s12+$0x144E0]  }
0x40f: {  	v16 =	vld [tilespmem:s12+$0x144F0]  }
0x410: {  	v17 =	vld [tilespmem:s12+$0x14500]  }
0x411: {  	v18 =	vld [tilespmem:s12+$0x14510]  }
0x412: {  	v19 =	vld [tilespmem:s12+$0x14520]  }
0x413: {  	v20 =	vld [tilespmem:s12+$0x14530]  }
0x414: {  	v21 =	vld [tilespmem:s12+$0x14540]  }
0x415: {  	v22 =	vld [tilespmem:s12+$0x14550]  }
0x416: {  	v23 =	vld [tilespmem:s12+$0x14560]  }
0x417: {  	v24 =	vld [tilespmem:s12+$0x14570]  }
0x418: {  	v25 =	vld [tilespmem:s12+$0x14580]  }
0x419: {  	v26 =	vld [tilespmem:s12+$0x14590]  }
0x41a: {  	v27 =	vld [tilespmem:s12+$0x145A0]  }
0x41b: {  	v28 =	vld [tilespmem:s12+$0x145B0]  }
0x41c: {  	v29 =	vld [tilespmem:s12+$0x145C0]  }
0x41d: {  	v30 =	vld [tilespmem:s12+$0x145D0]  }
0x41e: {  	v31 =	vld [tilespmem:s12+$0x145E0]  }
0x41f: {  	[tilespmem:s12+$0x16400] =	vst.add.f32.msk $0xffff, v2  }
0x420: {  	[tilespmem:s12+$0x16410] =	vst.add.f32.msk $0xffff, v3  }
0x421: {  	[tilespmem:s12+$0x16420] =	vst.add.f32.msk $0xffff, v4  }
0x422: {  	[tilespmem:s12+$0x16430] =	vst.add.f32.msk $0xffff, v5  }
0x423: {  	[tilespmem:s12+$0x16440] =	vst.add.f32.msk $0xffff, v1  }
0x424: {  	[tilespmem:s12+$0x16450] =	vst.add.f32.msk $0xffff, v6  }
0x425: {  	[tilespmem:s12+$0x16460] =	vst.add.f32.msk $0xffff, v7  }
0x426: {  	[tilespmem:s12+$0x16470] =	vst.add.f32.msk $0xffff, v8  }
0x427: {  	[tilespmem:s12+$0x16480] =	vst.add.f32.msk $0xffff, v9  }
0x428: {  	[tilespmem:s12+$0x16490] =	vst.add.f32.msk $0xffff, v10  }
0x429: {  	[tilespmem:s12+$0x164A0] =	vst.add.f32.msk $0xffff, v11  }
0x42a: {  	[tilespmem:s12+$0x164B0] =	vst.add.f32.msk $0xffff, v12  }
0x42b: {  	[tilespmem:s12+$0x164C0] =	vst.add.f32.msk $0xffff, v13  }
0x42c: {  	[tilespmem:s12+$0x164D0] =	vst.add.f32.msk $0xffff, v14  }
0x42d: {  	[tilespmem:s12+$0x164E0] =	vst.add.f32.msk $0xffff, v15  }
0x42e: {  	[tilespmem:s12+$0x164F0] =	vst.add.f32.msk $0xffff, v16  }
0x42f: {  	[tilespmem:s12+$0x16500] =	vst.add.f32.msk $0xffff, v17  }
0x430: {  	[tilespmem:s12+$0x16510] =	vst.add.f32.msk $0xffff, v18  }
0x431: {  	[tilespmem:s12+$0x16520] =	vst.add.f32.msk $0xffff, v19  }
0x432: {  	[tilespmem:s12+$0x16530] =	vst.add.f32.msk $0xffff, v20  }
0x433: {  	[tilespmem:s12+$0x16540] =	vst.add.f32.msk $0xffff, v21  }
0x434: {  	[tilespmem:s12+$0x16550] =	vst.add.f32.msk $0xffff, v22  }
0x435: {  	[tilespmem:s12+$0x16560] =	vst.add.f32.msk $0xffff, v23  }
0x436: {  	[tilespmem:s12+$0x16570] =	vst.add.f32.msk $0xffff, v24  }
0x437: {  	[tilespmem:s12+$0x16580] =	vst.add.f32.msk $0xffff, v25  }
0x438: {  	[tilespmem:s12+$0x16590] =	vst.add.f32.msk $0xffff, v26  }
.Ltmp11:
0x439: {  	[tilespmem:s12+$0x165A0] =	vst.add.f32.msk $0xffff, v27;
	(pc) =	sbr.rel @p1 .LBB2_21-.Ltmp11, $4  }
0x43a: {  	[tilespmem:s12+$0x165B0] =	vst.add.f32.msk $0xffff, v28  }
0x43b: {  	[tilespmem:s12+$0x165C0] =	vst.add.f32.msk $0xffff, v29  }
0x43c: {  	[tilespmem:s12+$0x165D0] =	vst.add.f32.msk $0xffff, v30  }
0x43d: {  	[tilespmem:s12+$0x165E0] =	vst.add.f32.msk $0xffff, v31;
	s12 =	sshra.s32 s13, $0x2;
	s13 =	sadd.s32 $0x800, s13  }
0x43e: {  	v1 =	vld [tilespmem:s12+$0x145F0]  }
0x43f: {  	v2 =	vld [tilespmem:s12+$0x14400]  }
0x440: {  	v3 =	vld [tilespmem:s12+$0x14410]  }
0x441: {  	v4 =	vld [tilespmem:s12+$0x14420]  }
0x442: {  	v5 =	vld [tilespmem:s12+$0x14430]  }
0x443: {  	v6 =	vld [tilespmem:s12+$0x14450]  }
0x444: {  	v7 =	vld [tilespmem:s12+$0x14460]  }
0x445: {  	v8 =	vld [tilespmem:s12+$0x14470]  }
0x446: {  	v9 =	vld [tilespmem:s12+$0x14480]  }
0x447: {  	v10 =	vld [tilespmem:s12+$0x14490]  }
0x448: {  	v11 =	vld [tilespmem:s12+$0x144A0]  }
0x449: {  	v12 =	vld [tilespmem:s12+$0x144B0]  }
0x44a: {  	v13 =	vld [tilespmem:s12+$0x144C0]  }
0x44b: {  	v14 =	vld [tilespmem:s12+$0x144D0]  }
0x44c: {  	v15 =	vld [tilespmem:s12+$0x144E0]  }
0x44d: {  	v16 =	vld [tilespmem:s12+$0x144F0]  }
0x44e: {  	v17 =	vld [tilespmem:s12+$0x14500]  }
0x44f: {  	v18 =	vld [tilespmem:s12+$0x14510]  }
0x450: {  	v19 =	vld [tilespmem:s12+$0x14520]  }
0x451: {  	v20 =	vld [tilespmem:s12+$0x14530]  }
0x452: {  	v21 =	vld [tilespmem:s12+$0x14540]  }
0x453: {  	v22 =	vld [tilespmem:s12+$0x14550]  }
0x454: {  	v23 =	vld [tilespmem:s12+$0x14560]  }
0x455: {  	v24 =	vld [tilespmem:s12+$0x14570]  }
0x456: {  	v25 =	vld [tilespmem:s12+$0x14580]  }
0x457: {  	v26 =	vld [tilespmem:s12+$0x14590]  }
0x458: {  	v27 =	vld [tilespmem:s12+$0x145A0]  }
0x459: {  	v28 =	vld [tilespmem:s12+$0x145B0]  }
0x45a: {  	v29 =	vld [tilespmem:s12+$0x145C0]  }
0x45b: {  	v30 =	vld [tilespmem:s12+$0x145D0]  }
0x45c: {  	v31 =	vld [tilespmem:s12+$0x145E0]  }
0x45d: {  	[tilespmem:s12+$0x165F0] =	vst.add.f32.msk $0xffff, v1  }
0x45e: {  	v1 =	vld [tilespmem:s12+$0x14440]  }
0x45f: {  	[tilespmem:s12+$0x16400] =	vst.add.f32.msk $0xffff, v2  }
0x460: {  	[tilespmem:s12+$0x16410] =	vst.add.f32.msk $0xffff, v3  }
0x461: {  	[tilespmem:s12+$0x16420] =	vst.add.f32.msk $0xffff, v4  }
0x462: {  	[tilespmem:s12+$0x16430] =	vst.add.f32.msk $0xffff, v5  }
0x463: {  	[tilespmem:s12+$0x16450] =	vst.add.f32.msk $0xffff, v6  }
0x464: {  	[tilespmem:s12+$0x16460] =	vst.add.f32.msk $0xffff, v7  }
0x465: {  	[tilespmem:s12+$0x16470] =	vst.add.f32.msk $0xffff, v8  }
0x466: {  	[tilespmem:s12+$0x16480] =	vst.add.f32.msk $0xffff, v9  }
0x467: {  	[tilespmem:s12+$0x16490] =	vst.add.f32.msk $0xffff, v10  }
0x468: {  	[tilespmem:s12+$0x164A0] =	vst.add.f32.msk $0xffff, v11  }
0x469: {  	[tilespmem:s12+$0x164B0] =	vst.add.f32.msk $0xffff, v12  }
0x46a: {  	[tilespmem:s12+$0x164C0] =	vst.add.f32.msk $0xffff, v13  }
0x46b: {  	[tilespmem:s12+$0x164D0] =	vst.add.f32.msk $0xffff, v14  }
0x46c: {  	[tilespmem:s12+$0x164E0] =	vst.add.f32.msk $0xffff, v15  }
0x46d: {  	[tilespmem:s12+$0x164F0] =	vst.add.f32.msk $0xffff, v16  }
0x46e: {  	[tilespmem:s12+$0x16500] =	vst.add.f32.msk $0xffff, v17  }
0x46f: {  	[tilespmem:s12+$0x16510] =	vst.add.f32.msk $0xffff, v18  }
0x470: {  	[tilespmem:s12+$0x16520] =	vst.add.f32.msk $0xffff, v19  }
0x471: {  	[tilespmem:s12+$0x16530] =	vst.add.f32.msk $0xffff, v20  }
0x472: {  	[tilespmem:s12+$0x16540] =	vst.add.f32.msk $0xffff, v21  }
0x473: {  	[tilespmem:s12+$0x16550] =	vst.add.f32.msk $0xffff, v22  }
0x474: {  	[tilespmem:s12+$0x16560] =	vst.add.f32.msk $0xffff, v23  }
0x475: {  	[tilespmem:s12+$0x16570] =	vst.add.f32.msk $0xffff, v24  }
0x476: {  	[tilespmem:s12+$0x16580] =	vst.add.f32.msk $0xffff, v25  }
0x477: {  	[tilespmem:s12+$0x16590] =	vst.add.f32.msk $0xffff, v26  }
0x478: {  	[tilespmem:s12+$0x165A0] =	vst.add.f32.msk $0xffff, v27  }
.Ltmp12:
0x479: {  	[tilespmem:s12+$0x165B0] =	vst.add.f32.msk $0xffff, v28;
	(pc) =	sbr.rel @p0 .LBB2_24-.Ltmp12, $4  }
0x47a: {  	[tilespmem:s12+$0x165C0] =	vst.add.f32.msk $0xffff, v29  }
0x47b: {  	[tilespmem:s12+$0x165D0] =	vst.add.f32.msk $0xffff, v30  }
0x47c: {  	[tilespmem:s12+$0x165E0] =	vst.add.f32.msk $0xffff, v31  }
0x47d: {  	[tilespmem:s12+$0x16440] =	vst.add.f32.msk $0xffff, v1  }
.Ltmp13:
0x47e: {  	(pc) =	sbr.rel .LBB2_6-.Ltmp13, $4  }
0x47f: {  	_ = 	snop  }
0x480: {  	s11 =	sshrl.u32 s11, $0x2  }
0x481: {  	s10 =	sadd.s32 $0x1, s10;
	s11 =	sadd.s32 $0x780, s11  }
0x482: {  	[tilespmem:s23], [sflag:$0x8] =	stream.indirect.gather [hbm4b:s3+s7], $0x40, s11, s7, $0xb8;
	[tilespmem:$0x18400] =	vst v63  }
.LBB2_25:
0x483: {  	_ =	sfence.sel $0x180000  }
0x484: {  	[bflag:$0x0] =	sbarrier.arrive $0xFFFF  }
0x485: {  	_ =	strace $0x90000047  }
0x486: {  	s0 =	stileid.u32;
	[bflag:$0x2] =	sbarrier.arrive $0xFFFF  }
0x487: {  	p0 =	sne.s32 s0, $0x0;
	s0 =	rddreg [dreg:$0x2]  }
0x488: {  	s0 =	sadd.s32 @!p0 $0x100000, s0  }
0x489: {  	[sflag:s0] =	ssyncadd.tile.s32 @!p0 $0x1;
	_ =	shalt  }
.Lfunc_end2:
_tile_overlayer_lowered:
.L_overlay_start_2:
0x48a: {  	(tag) =	ssettag $0x2  }
0x48b: {  	s0 =	rddreg [dreg:$0x0];
	s2 =	stileid.u32  }
0x48c: {  	s1 =	rddreg [dreg:$0x1];
	p0 =	sne.s32 s2, $0x0  }
0x48d: {  	s3 =	rddreg [dreg:$0x2];
	[bflag:$0x3] =	sbarrier.arrive $0xFFFF;
	s2 =	simm.s32 @!p0 $0x1C09  }
0x48e: {  	[timem:s3], [sflag:s2] =	dma.local @!p0 [hbm:s0], s1  }
0x48f: {  	s0 =	simm.s32 @!p0 $0x9  }
0x490: {  	_ =	swait.ge @!p0 [sflag:s0], s1  }
0x491: {  	s1 =	ssub.s32 @!p0 $0x0, s1;
	[sflag:s0] =	ssyncset.done @!p0 $0x0  }
0x492: {  	[sflag:s0] =	ssyncadd.s32 @!p0 s1  }
0x493: {  	[bflag:$0x3] =	sbarrier.arrive $0xFFFF  }
0x494: {  	_ =	shalt  }

</sc_bundles>
